<compile_context>
chip_gen: v7x
topology: tpu7x:2x2x1
jax: 0.10.2.dev20260603
libtpu: 0.0.44.dev20260713+nightly
codegen_flags: <defaults>
</compile_context>

<pallas_src>
import functools

import jax
import jax.numpy as jnp
from jax import lax
from jax.experimental import pallas as pl
from jax.experimental.pallas import tpu as pltpu
from jax.experimental.pallas import tpu_sc as plsc

N = 1_000_000
B = 16_384
BLK = 32
NB = N // BLK
NC, NS = 2, 16
NW = NC * NS
BPW = B // NW
NG = BPW // 16
PART = 1952
TAIL = NB - 16 * PART
CHUNK = 496
CSTARTS = (0, 488, 976, 1456)

STEPS1 = [1 << k for k in range(14, -1, -1)]
STEPS2 = [32, 16, 8, 4, 2, 1]


def _body(xq_hbm, srows_hbm, arows_hbm, out_hbm,
          bm_v, chunk_v, chunk2_v, part_v, xq_v, b_v, bc_v, srow_v, arow_v,
          out_v, bm_sh, sem_q, sem_g, sem_w, sem_s, sem_a):
    s = lax.axis_index("s")
    wid = s * jnp.int32(NC) + lax.axis_index("c")
    base = wid * jnp.int32(BPW)

    cp_q = pltpu.async_copy(xq_hbm.at[pl.ds(base, BPW)], xq_v, sem_q)

    scope = jax.named_scope
    st = s * jnp.int32(PART)
    cmax = jnp.full((16,), BLK - 1, jnp.int32)
    lanes = lax.iota(jnp.int32, 16)

    with scope("bm_build"):
        bufs = [chunk_v, chunk2_v]
        cp = pltpu.async_copy(srows_hbm.at[pl.ds(st + CSTARTS[0], CHUNK)],
                              bufs[0], sem_g)
        wcps = []
        for k in range(len(CSTARTS)):
            cur = bufs[k % 2]
            cp.wait()
            if k + 1 < len(CSTARTS):
                cp = pltpu.async_copy(
                    srows_hbm.at[pl.ds(st + CSTARTS[k + 1], CHUNK)],
                    bufs[(k + 1) % 2], sem_g)
            for gi in range(CHUNK // 16):
                part_v[pl.ds(k * CHUNK + gi * 16, 16)] = plsc.load_gather(
                    cur, [gi * 16 + lanes, cmax])
            wcps.append(pltpu.async_copy(
                part_v.at[pl.ds(k * CHUNK, CHUNK)],
                bm_sh.at[pl.ds(st + CSTARTS[k], CHUNK)], sem_w))
        for w in wcps:
            w.wait()

    @pl.when(s == 0)
    def _tail():
        pltpu.sync_copy(srows_hbm.at[pl.ds(16 * PART, TAIL)],
                        chunk_v.at[pl.ds(0, TAIL)])
        for gi in range(2):
            row = jnp.minimum(gi * 16 + lanes, TAIL - 1)
            part_v[pl.ds(gi * 16, 16)] = plsc.load_gather(chunk_v, [row, cmax])
        pltpu.sync_copy(part_v.at[pl.ds(0, TAIL)],
                        bm_sh.at[pl.ds(16 * PART, TAIL)])

    with scope("bm_barrier"):
        plsc.subcore_barrier()
    with scope("bm_bcast"):
        pltpu.sync_copy(bm_sh, bm_v)
    cp_q.wait()

    U1 = 8
    H = (NG // U1) * 16

    def pass1(_, g):
        g16 = g * jnp.int32(16)
        offs = [g16 + u * H for u in range(U1)]
        xvs = [xq_v[pl.ds(o, 16)] for o in offs]
        ps = [jnp.zeros((16,), jnp.int32) for _ in range(U1)]
        for step in STEPS1:
            ts = [pp + step for pp in ps]
            vs = [plsc.load_gather(bm_v, [jnp.minimum(tt, NB) - 1])
                  for tt in ts]
            ps = [jnp.where((tt <= NB) & (vv < xv), tt, pp)
                  for tt, vv, xv, pp in zip(ts, vs, xvs, ps)]
        for o, pp in zip(offs, ps):
            b_v[pl.ds(o, 16)] = pp
            bc_v[pl.ds(o, 16)] = jnp.minimum(pp, NB - 1)
        return g + jnp.int32(1)

    with scope("pass1"):
        lax.fori_loop(0, NG // U1, pass1, jnp.int32(0))
    cp_s = pltpu.async_copy(srows_hbm.at[bc_v], srow_v, sem_s)
    cp_a = pltpu.async_copy(arows_hbm.at[bc_v], arow_v, sem_a)
    with scope("row_gather"):
        cp_s.wait()
        cp_a.wait()

    def half2(g16):
        xv = xq_v[pl.ds(g16, 16)]
        b = b_v[pl.ds(g16, 16)]
        bc = bc_v[pl.ds(g16, 16)]
        qidx = g16 + lax.iota(jnp.int32, 16)
        pos = jnp.where(b > bc, jnp.int32(BLK), jnp.int32(0))
        for step in STEPS2[1:]:
            t = pos + step
            col = jnp.minimum(t, BLK) - 1
            v = plsc.load_gather(srow_v, [qidx, col])
            pos = jnp.where((t <= BLK) & (v < xv), t, pos)
        idxf = jnp.minimum(b * BLK + pos, N - 1)
        w = idxf - bc * BLK
        out_v[pl.ds(g16, 16)] = plsc.load_gather(arow_v, [qidx, w])

    H2 = (NG // 2) * 16

    def pass2(_, g):
        g16 = g * jnp.int32(16)
        half2(g16)
        half2(g16 + H2)
        return g + jnp.int32(1)

    with scope("pass2"):
        lax.fori_loop(0, NG // 2, pass2, jnp.int32(0))
    pltpu.sync_copy(out_v, out_hbm.at[pl.ds(base, BPW)])


@jax.jit
def _lookup(xq, srows, arows):
    mesh = plsc.VectorSubcoreMesh(core_axis_name="c", subcore_axis_name="s",
                                  num_cores=NC, num_subcores=NS)
    return pl.kernel(
        _body,
        out_type=jax.ShapeDtypeStruct((B,), jnp.float32),
        mesh=mesh,
        scratch_types=[
            pltpu.VMEM((NB,), jnp.int32),
            pltpu.VMEM((CHUNK, BLK), jnp.int32),
            pltpu.VMEM((CHUNK, BLK), jnp.int32),
            pltpu.VMEM((4 * CHUNK,), jnp.int32),
            pltpu.VMEM((BPW,), jnp.int32),
            pltpu.VMEM((BPW,), jnp.int32),
            pltpu.VMEM((BPW,), jnp.int32),
            pltpu.VMEM((BPW, BLK), jnp.int32),
            pltpu.VMEM((BPW, BLK), jnp.float32),
            pltpu.VMEM((BPW,), jnp.float32),
            pltpu.VMEM_SHARED((NB,), jnp.int32),
            pltpu.SemaphoreType.DMA,
            pltpu.SemaphoreType.DMA,
            pltpu.SemaphoreType.DMA,
            pltpu.SemaphoreType.DMA,
            pltpu.SemaphoreType.DMA,
        ],
        compiler_params=pltpu.CompilerParams(needs_layout_passes=False,
                                             use_tc_tiling_on_sc=False),
    )(xq, srows, arows)


def kernel(x, states, log_amplitudes):
    if x.ndim > 1:
        x = x[:, 0]
    xq = x.astype(jnp.int32)
    lo = lax.bitcast_convert_type(states.astype(jnp.uint32), jnp.int32)
    srows = lo.reshape(NB, BLK)
    arows = log_amplitudes.reshape(NB, BLK)
    return _lookup(xq, srows, arows).reshape(B, 1)

# --- scband reference (transcript-rebuilt; emitter-appended) ---
"""Pipeline reference for scband-exact-log-amplitude-20770461843535 (READ-ONLY COPY).

The authoritative reference and input builder live on the scoring server;
editing this copy changes nothing except your own understanding.
"""

import jax
jax.config.update('jax_enable_x64', True)
import jax.numpy as jnp
import numpy as np

NUM_STATES = 1000000
BATCH = 16384


def setup_inputs(seed: int = 0) -> dict:
    key = jax.random.key(seed)
    k1, k2, k3 = jax.random.split(key, 3)
    # Sorted array of representative basis-state bit patterns (stands in for
    # ls.SpinBasis internal state list; batched_index == binary search into it).
    states = jnp.sort(jax.random.randint(k1, (NUM_STATES,), 0, 2147483647, dtype=jnp.int64))
    # Spin configurations to look up.
    x = jax.random.randint(k2, (BATCH,), 0, 2147483647, dtype=jnp.int64)
    # log|ground_state| amplitudes (the registered buffer).
    gs = jax.random.normal(k3, (NUM_STATES,), dtype=jnp.float32)
    log_amplitudes = jnp.log(jnp.abs(gs) + 1e-7)
    return {"x": x, "states": states, "log_amplitudes": log_amplitudes}


def reference(x, states, log_amplitudes):
    # Faithful translation of ExactLogAmplitude.forward:
    #   1. take first spin word if x is 2D
    #   2. basis.batched_index(spins) -> binary search into sorted state list
    #   3. gather log_amplitudes at those indices, reshape to [-1, 1]
    if x.ndim > 1:
        x = x[:, 0]
    idx = jnp.searchsorted(states, x)
    idx = jnp.clip(idx, 0, states.shape[0] - 1)
    return jnp.take(log_amplitudes, idx, axis=0).reshape(-1, 1)

if __name__ == "__main__":
    import jax
    _d = setup_inputs()
    print(jax.jit(kernel)(*tuple(_d.values())))

</pallas_src>

<mosaic_0001>
#map = affine_map<(d0, d1) -> (0)>
#map1 = affine_map<(d0, d1) -> (0, 0)>
module attributes {stable_mosaic.version = 14 : i64} {
  func.func @_body(%arg0: i32, %arg1: i32, %arg2: memref<16384xi32, #tpu.memory_space<hbm>>, %arg3: memref<31250x32xi32, #tpu.memory_space<hbm>>, %arg4: memref<31250x32xf32, #tpu.memory_space<hbm>>, %arg5: memref<16384xf32, #tpu.memory_space<hbm>>, %arg6: memref<31250xi32, #tpu.memory_space<vmem>>, %arg7: memref<496x32xi32, #tpu.memory_space<vmem>>, %arg8: memref<496x32xi32, #tpu.memory_space<vmem>>, %arg9: memref<1984xi32, #tpu.memory_space<vmem>>, %arg10: memref<512xi32, #tpu.memory_space<vmem>>, %arg11: memref<512xi32, #tpu.memory_space<vmem>>, %arg12: memref<512xi32, #tpu.memory_space<vmem>>, %arg13: memref<512x32xi32, #tpu.memory_space<vmem>>, %arg14: memref<512x32xf32, #tpu.memory_space<vmem>>, %arg15: memref<512xf32, #tpu.memory_space<vmem>>, %arg16: memref<31250xi32, #tpu.memory_space<vmem_shared>>, %arg17: memref<!tpu.dma_semaphore, #tpu.memory_space<semaphore_mem>>, %arg18: memref<!tpu.dma_semaphore, #tpu.memory_space<semaphore_mem>>, %arg19: memref<!tpu.dma_semaphore, #tpu.memory_space<semaphore_mem>>, %arg20: memref<!tpu.dma_semaphore, #tpu.memory_space<semaphore_mem>>, %arg21: memref<!tpu.dma_semaphore, #tpu.memory_space<semaphore_mem>>) attributes {dimension_semantics = [#tpu.dimension_semantics<core_parallel>, #tpu.dimension_semantics<subcore_parallel>], iteration_bounds = array<i64: 2, 16>, scalar_prefetch = 0 : i64, scratch_operands = 16 : i64, tpu.core_type = #tpu.core_type<sc_vector_subcore>, window_params = [{transform_indices = #map}, {transform_indices = #map1}, {transform_indices = #map1}, {transform_indices = #map}]} {
    %mul3A = arith.constant 2 : i32
    %mul3A_0 = arith.muli %arg1, %mul3A : i32
    %add3A = arith.addi %mul3A_0, %arg0 : i32
    %mul3A_1 = arith.constant 512 : i32
    %mul3A_2 = arith.muli %add3A, %mul3A_1 : i32
    %dma_start3A = tpu.memref_slice %arg2[%mul3A_2] : memref<16384xi32, #tpu.memory_space<hbm>> -> memref<512xi32, #tpu.memory_space<hbm>>
    %dma_start3A_3 = tpu.memref_slice %arg2[%mul3A_2] : memref<16384xi32, #tpu.memory_space<hbm>> -> memref<512xi32, #tpu.memory_space<hbm>>
    tpu.enqueue_dma source(%dma_start3A_3 : memref<512xi32, #tpu.memory_space<hbm>>) target(%arg10 : memref<512xi32, #tpu.memory_space<vmem>>) target_semaphore(%arg17 : memref<!tpu.dma_semaphore, #tpu.memory_space<semaphore_mem>>)
    %mul3A_4 = arith.constant 1952 : i32
    %mul3A_5 = arith.muli %arg1, %mul3A_4 : i32
    %broadcast_in_dim3A = arith.constant 31 : i32
    %broadcast_in_dim3A_6 = vector.broadcast %broadcast_in_dim3A : i32 to vector<16xi32>
    %iota3A = tpu.iota {dimensions = array<i32: 0>} : vector<16xi32>
    "tpu.trace_start"() <{level = 10 : i32, message = "bm_build"}> : () -> ()
    %add3A_7 = arith.constant 0 : i32
    %add3A_8 = arith.addi %mul3A_5, %add3A_7 : i32
    %dma_start3A_9 = arith.constant 0 : i32
    %dma_start3A_10 = tpu.memref_slice %arg3[%add3A_8, %dma_start3A_9] : memref<31250x32xi32, #tpu.memory_space<hbm>> -> memref<496x32xi32, #tpu.memory_space<hbm>>
    %dma_start3A_11 = arith.constant 0 : i32
    %dma_start3A_12 = tpu.memref_slice %arg3[%add3A_8, %dma_start3A_11] : memref<31250x32xi32, #tpu.memory_space<hbm>> -> memref<496x32xi32, #tpu.memory_space<hbm>>
    tpu.enqueue_dma source(%dma_start3A_12 : memref<496x32xi32, #tpu.memory_space<hbm>>) target(%arg7 : memref<496x32xi32, #tpu.memory_space<vmem>>) target_semaphore(%arg18 : memref<!tpu.dma_semaphore, #tpu.memory_space<semaphore_mem>>)
    %dma_wait3A = arith.constant 0 : i32
    %dma_wait3A_13 = tpu.memref_slice %arg3[%add3A_8, %dma_wait3A] : memref<31250x32xi32, #tpu.memory_space<hbm>> -> memref<496x32xi32, #tpu.memory_space<hbm>>
    %dma_wait3A_14 = arith.constant 0 : i32
    %dma_wait3A_15 = tpu.memref_slice %arg3[%add3A_8, %dma_wait3A_14] : memref<31250x32xi32, #tpu.memory_space<hbm>> -> memref<496x32xi32, #tpu.memory_space<hbm>>
    tpu.wait_dma2 semaphore(%arg18 : memref<!tpu.dma_semaphore, #tpu.memory_space<semaphore_mem>>) src(%dma_wait3A_15 : memref<496x32xi32, #tpu.memory_space<hbm>>) dst(%arg7 : memref<496x32xi32, #tpu.memory_space<vmem>>)
    %add3A_16 = arith.constant 488 : i32
    %add3A_17 = arith.addi %mul3A_5, %add3A_16 : i32
    %dma_start3A_18 = arith.constant 0 : i32
    %dma_start3A_19 = tpu.memref_slice %arg3[%add3A_17, %dma_start3A_18] : memref<31250x32xi32, #tpu.memory_space<hbm>> -> memref<496x32xi32, #tpu.memory_space<hbm>>
    %dma_start3A_20 = arith.constant 0 : i32
    %dma_start3A_21 = tpu.memref_slice %arg3[%add3A_17, %dma_start3A_20] : memref<31250x32xi32, #tpu.memory_space<hbm>> -> memref<496x32xi32, #tpu.memory_space<hbm>>
    tpu.enqueue_dma source(%dma_start3A_21 : memref<496x32xi32, #tpu.memory_space<hbm>>) target(%arg8 : memref<496x32xi32, #tpu.memory_space<vmem>>) target_semaphore(%arg18 : memref<!tpu.dma_semaphore, #tpu.memory_space<semaphore_mem>>)
    %add3A_22 = arith.constant 0 : i32
    %add3A_23 = vector.broadcast %add3A_22 : i32 to vector<16xi32>
    %add3A_24 = arith.addi %add3A_23, %iota3A : vector<16xi32>
    %gather3A = tpu.vector_load_idx %arg7[%add3A_24, %broadcast_in_dim3A_6] : memref<496x32xi32, #tpu.memory_space<vmem>>[vector<16xi32>, vector<16xi32>], vector<16xi32>,
    %swap3A = arith.constant 0 : index
    %swap3A_25 = tpu.vector_load %arg9[%swap3A] {strides = array<i32>} : memref<1984xi32, #tpu.memory_space<vmem>>, vector<16xi32>,
    tpu.vector_store %arg9[%swap3A], %gather3A {strides = array<i32>} : memref<1984xi32, #tpu.memory_space<vmem>>, vector<16xi32>,
    %add3A_26 = arith.constant 16 : i32
    %add3A_27 = vector.broadcast %add3A_26 : i32 to vector<16xi32>
    %add3A_28 = arith.addi %add3A_27, %iota3A : vector<16xi32>
    %gather3A_29 = tpu.vector_load_idx %arg7[%add3A_28, %broadcast_in_dim3A_6] : memref<496x32xi32, #tpu.memory_space<vmem>>[vector<16xi32>, vector<16xi32>], vector<16xi32>,
    %swap3A_30 = arith.constant 16 : index
    %swap3A_31 = tpu.vector_load %arg9[%swap3A_30] {strides = array<i32>} : memref<1984xi32, #tpu.memory_space<vmem>>, vector<16xi32>,
    tpu.vector_store %arg9[%swap3A_30], %gather3A_29 {strides = array<i32>} : memref<1984xi32, #tpu.memory_space<vmem>>, vector<16xi32>,
    %add3A_32 = arith.constant 32 : i32
    %add3A_33 = vector.broadcast %add3A_32 : i32 to vector<16xi32>
    %add3A_34 = arith.addi %add3A_33, %iota3A : vector<16xi32>
    %gather3A_35 = tpu.vector_load_idx %arg7[%add3A_34, %broadcast_in_dim3A_6] : memref<496x32xi32, #tpu.memory_space<vmem>>[vector<16xi32>, vector<16xi32>], vector<16xi32>,
    %swap3A_36 = arith.constant 32 : index
    %swap3A_37 = tpu.vector_load %arg9[%swap3A_36] {strides = array<i32>} : memref<1984xi32, #tpu.memory_space<vmem>>, vector<16xi32>,
    tpu.vector_store %arg9[%swap3A_36], %gather3A_35 {strides = array<i32>} : memref<1984xi32, #tpu.memory_space<vmem>>, vector<16xi32>,
    %add3A_38 = arith.constant 48 : i32
    %add3A_39 = vector.broadcast %add3A_38 : i32 to vector<16xi32>
    %add3A_40 = arith.addi %add3A_39, %iota3A : vector<16xi32>
    %gather3A_41 = tpu.vector_load_idx %arg7[%add3A_40, %broadcast_in_dim3A_6] : memref<496x32xi32, #tpu.memory_space<vmem>>[vector<16xi32>, vector<16xi32>], vector<16xi32>,
    %swap3A_42 = arith.constant 48 : index
    %swap3A_43 = tpu.vector_load %arg9[%swap3A_42] {strides = array<i32>} : memref<1984xi32, #tpu.memory_space<vmem>>, vector<16xi32>,
    tpu.vector_store %arg9[%swap3A_42], %gather3A_41 {strides = array<i32>} : memref<1984xi32, #tpu.memory_space<vmem>>, vector<16xi32>,
    %add3A_44 = arith.constant 64 : i32
    %add3A_45 = vector.broadcast %add3A_44 : i32 to vector<16xi32>
    %add3A_46 = arith.addi %add3A_45, %iota3A : vector<16xi32>
    %gather3A_47 = tpu.vector_load_idx %arg7[%add3A_46, %broadcast_in_dim3A_6] : memref<496x32xi32, #tpu.memory_space<vmem>>[vector<16xi32>, vector<16xi32>], vector<16xi32>,
    %swap3A_48 = arith.constant 64 : index
    %swap3A_49 = tpu.vector_load %arg9[%swap3A_48] {strides = array<i32>} : memref<1984xi32, #tpu.memory_space<vmem>>, vector<16xi32>,
    tpu.vector_store %arg9[%swap3A_48], %gather3A_47 {strides = array<i32>} : memref<1984xi32, #tpu.memory_space<vmem>>, vector<16xi32>,
    %add3A_50 = arith.constant 80 : i32
    %add3A_51 = vector.broadcast %add3A_50 : i32 to vector<16xi32>
    %add3A_52 = arith.addi %add3A_51, %iota3A : vector<16xi32>
    %gather3A_53 = tpu.vector_load_idx %arg7[%add3A_52, %broadcast_in_dim3A_6] : memref<496x32xi32, #tpu.memory_space<vmem>>[vector<16xi32>, vector<16xi32>], vector<16xi32>,
    %swap3A_54 = arith.constant 80 : index
    %swap3A_55 = tpu.vector_load %arg9[%swap3A_54] {strides = array<i32>} : memref<1984xi32, #tpu.memory_space<vmem>>, vector<16xi32>,
    tpu.vector_store %arg9[%swap3A_54], %gather3A_53 {strides = array<i32>} : memref<1984xi32, #tpu.memory_space<vmem>>, vector<16xi32>,
    %add3A_56 = arith.constant 96 : i32
    %add3A_57 = vector.broadcast %add3A_56 : i32 to vector<16xi32>
    %add3A_58 = arith.addi %add3A_57, %iota3A : vector<16xi32>
    %gather3A_59 = tpu.vector_load_idx %arg7[%add3A_58, %broadcast_in_dim3A_6] : memref<496x32xi32, #tpu.memory_space<vmem>>[vector<16xi32>, vector<16xi32>], vector<16xi32>,
    %swap3A_60 = arith.constant 96 : index
    %swap3A_61 = tpu.vector_load %arg9[%swap3A_60] {strides = array<i32>} : memref<1984xi32, #tpu.memory_space<vmem>>, vector<16xi32>,
    tpu.vector_store %arg9[%swap3A_60], %gather3A_59 {strides = array<i32>} : memref<1984xi32, #tpu.memory_space<vmem>>, vector<16xi32>,
    %add3A_62 = arith.constant 112 : i32
    %add3A_63 = vector.broadcast %add3A_62 : i32 to vector<16xi32>
    %add3A_64 = arith.addi %add3A_63, %iota3A : vector<16xi32>
    %gather3A_65 = tpu.vector_load_idx %arg7[%add3A_64, %broadcast_in_dim3A_6] : memref<496x32xi32, #tpu.memory_space<vmem>>[vector<16xi32>, vector<16xi32>], vector<16xi32>,
    %swap3A_66 = arith.constant 112 : index
    %swap3A_67 = tpu.vector_load %arg9[%swap3A_66] {strides = array<i32>} : memref<1984xi32, #tpu.memory_space<vmem>>, vector<16xi32>,
    tpu.vector_store %arg9[%swap3A_66], %gather3A_65 {strides = array<i32>} : memref<1984xi32, #tpu.memory_space<vmem>>, vector<16xi32>,
    %add3A_68 = arith.constant 128 : i32
    %add3A_69 = vector.broadcast %add3A_68 : i32 to vector<16xi32>
    %add3A_70 = arith.addi %add3A_69, %iota3A : vector<16xi32>
    %gather3A_71 = tpu.vector_load_idx %arg7[%add3A_70, %broadcast_in_dim3A_6] : memref<496x32xi32, #tpu.memory_space<vmem>>[vector<16xi32>, vector<16xi32>], vector<16xi32>,
    %swap3A_72 = arith.constant 128 : index
    %swap3A_73 = tpu.vector_load %arg9[%swap3A_72] {strides = array<i32>} : memref<1984xi32, #tpu.memory_space<vmem>>, vector<16xi32>,
    tpu.vector_store %arg9[%swap3A_72], %gather3A_71 {strides = array<i32>} : memref<1984xi32, #tpu.memory_space<vmem>>, vector<16xi32>,
    %add3A_74 = arith.constant 144 : i32
    %add3A_75 = vector.broadcast %add3A_74 : i32 to vector<16xi32>
    %add3A_76 = arith.addi %add3A_75, %iota3A : vector<16xi32>
    %gather3A_77 = tpu.vector_load_idx %arg7[%add3A_76, %broadcast_in_dim3A_6] : memref<496x32xi32, #tpu.memory_space<vmem>>[vector<16xi32>, vector<16xi32>], vector<16xi32>,
    %swap3A_78 = arith.constant 144 : index
    %swap3A_79 = tpu.vector_load %arg9[%swap3A_78] {strides = array<i32>} : memref<1984xi32, #tpu.memory_space<vmem>>, vector<16xi32>,
    tpu.vector_store %arg9[%swap3A_78], %gather3A_77 {strides = array<i32>} : memref<1984xi32, #tpu.memory_space<vmem>>, vector<16xi32>,
    %add3A_80 = arith.constant 160 : i32
    %add3A_81 = vector.broadcast %add3A_80 : i32 to vector<16xi32>
    %add3A_82 = arith.addi %add3A_81, %iota3A : vector<16xi32>
    %gather3A_83 = tpu.vector_load_idx %arg7[%add3A_82, %broadcast_in_dim3A_6] : memref<496x32xi32, #tpu.memory_space<vmem>>[vector<16xi32>, vector<16xi32>], vector<16xi32>,
    %swap3A_84 = arith.constant 160 : index
    %swap3A_85 = tpu.vector_load %arg9[%swap3A_84] {strides = array<i32>} : memref<1984xi32, #tpu.memory_space<vmem>>, vector<16xi32>,
    tpu.vector_store %arg9[%swap3A_84], %gather3A_83 {strides = array<i32>} : memref<1984xi32, #tpu.memory_space<vmem>>, vector<16xi32>,
    %add3A_86 = arith.constant 176 : i32
    %add3A_87 = vector.broadcast %add3A_86 : i32 to vector<16xi32>
    %add3A_88 = arith.addi %add3A_87, %iota3A : vector<16xi32>
    %gather3A_89 = tpu.vector_load_idx %arg7[%add3A_88, %broadcast_in_dim3A_6] : memref<496x32xi32, #tpu.memory_space<vmem>>[vector<16xi32>, vector<16xi32>], vector<16xi32>,
    %swap3A_90 = arith.constant 176 : index
    %swap3A_91 = tpu.vector_load %arg9[%swap3A_90] {strides = array<i32>} : memref<1984xi32, #tpu.memory_space<vmem>>, vector<16xi32>,
    tpu.vector_store %arg9[%swap3A_90], %gather3A_89 {strides = array<i32>} : memref<1984xi32, #tpu.memory_space<vmem>>, vector<16xi32>,
    %add3A_92 = arith.constant 192 : i32
    %add3A_93 = vector.broadcast %add3A_92 : i32 to vector<16xi32>
    %add3A_94 = arith.addi %add3A_93, %iota3A : vector<16xi32>
    %gather3A_95 = tpu.vector_load_idx %arg7[%add3A_94, %broadcast_in_dim3A_6] : memref<496x32xi32, #tpu.memory_space<vmem>>[vector<16xi32>, vector<16xi32>], vector<16xi32>,
    %swap3A_96 = arith.constant 192 : index
    %swap3A_97 = tpu.vector_load %arg9[%swap3A_96] {strides = array<i32>} : memref<1984xi32, #tpu.memory_space<vmem>>, vector<16xi32>,
    tpu.vector_store %arg9[%swap3A_96], %gather3A_95 {strides = array<i32>} : memref<1984xi32, #tpu.memory_space<vmem>>, vector<16xi32>,
    %add3A_98 = arith.constant 208 : i32
    %add3A_99 = vector.broadcast %add3A_98 : i32 to vector<16xi32>
    %add3A_100 = arith.addi %add3A_99, %iota3A : vector<16xi32>
    %gather3A_101 = tpu.vector_load_idx %arg7[%add3A_100, %broadcast_in_dim3A_6] : memref<496x32xi32, #tpu.memory_space<vmem>>[vector<16xi32>, vector<16xi32>], vector<16xi32>,
    %swap3A_102 = arith.constant 208 : index
    %swap3A_103 = tpu.vector_load %arg9[%swap3A_102] {strides = array<i32>} : memref<1984xi32, #tpu.memory_space<vmem>>, vector<16xi32>,
    tpu.vector_store %arg9[%swap3A_102], %gather3A_101 {strides = array<i32>} : memref<1984xi32, #tpu.memory_space<vmem>>, vector<16xi32>,
    %add3A_104 = arith.constant 224 : i32
    %add3A_105 = vector.broadcast %add3A_104 : i32 to vector<16xi32>
    %add3A_106 = arith.addi %add3A_105, %iota3A : vector<16xi32>
    %gather3A_107 = tpu.vector_load_idx %arg7[%add3A_106, %broadcast_in_dim3A_6] : memref<496x32xi32, #tpu.memory_space<vmem>>[vector<16xi32>, vector<16xi32>], vector<16xi32>,
    %swap3A_108 = arith.constant 224 : index
    %swap3A_109 = tpu.vector_load %arg9[%swap3A_108] {strides = array<i32>} : memref<1984xi32, #tpu.memory_space<vmem>>, vector<16xi32>,
    tpu.vector_store %arg9[%swap3A_108], %gather3A_107 {strides = array<i32>} : memref<1984xi32, #tpu.memory_space<vmem>>, vector<16xi32>,
    %add3A_110 = arith.constant 240 : i32
    %add3A_111 = vector.broadcast %add3A_110 : i32 to vector<16xi32>
    %add3A_112 = arith.addi %add3A_111, %iota3A : vector<16xi32>
    %gather3A_113 = tpu.vector_load_idx %arg7[%add3A_112, %broadcast_in_dim3A_6] : memref<496x32xi32, #tpu.memory_space<vmem>>[vector<16xi32>, vector<16xi32>], vector<16xi32>,
    %swap3A_114 = arith.constant 240 : index
    %swap3A_115 = tpu.vector_load %arg9[%swap3A_114] {strides = array<i32>} : memref<1984xi32, #tpu.memory_space<vmem>>, vector<16xi32>,
    tpu.vector_store %arg9[%swap3A_114], %gather3A_113 {strides = array<i32>} : memref<1984xi32, #tpu.memory_space<vmem>>, vector<16xi32>,
    %add3A_116 = arith.constant 256 : i32
    %add3A_117 = vector.broadcast %add3A_116 : i32 to vector<16xi32>
    %add3A_118 = arith.addi %add3A_117, %iota3A : vector<16xi32>
    %gather3A_119 = tpu.vector_load_idx %arg7[%add3A_118, %broadcast_in_dim3A_6] : memref<496x32xi32, #tpu.memory_space<vmem>>[vector<16xi32>, vector<16xi32>], vector<16xi32>,
    %swap3A_120 = arith.constant 256 : index
    %swap3A_121 = tpu.vector_load %arg9[%swap3A_120] {strides = array<i32>} : memref<1984xi32, #tpu.memory_space<vmem>>, vector<16xi32>,
    tpu.vector_store %arg9[%swap3A_120], %gather3A_119 {strides = array<i32>} : memref<1984xi32, #tpu.memory_space<vmem>>, vector<16xi32>,
    %add3A_122 = arith.constant 272 : i32
    %add3A_123 = vector.broadcast %add3A_122 : i32 to vector<16xi32>
    %add3A_124 = arith.addi %add3A_123, %iota3A : vector<16xi32>
    %gather3A_125 = tpu.vector_load_idx %arg7[%add3A_124, %broadcast_in_dim3A_6] : memref<496x32xi32, #tpu.memory_space<vmem>>[vector<16xi32>, vector<16xi32>], vector<16xi32>,
    %swap3A_126 = arith.constant 272 : index
    %swap3A_127 = tpu.vector_load %arg9[%swap3A_126] {strides = array<i32>} : memref<1984xi32, #tpu.memory_space<vmem>>, vector<16xi32>,
    tpu.vector_store %arg9[%swap3A_126], %gather3A_125 {strides = array<i32>} : memref<1984xi32, #tpu.memory_space<vmem>>, vector<16xi32>,
    %add3A_128 = arith.constant 288 : i32
    %add3A_129 = vector.broadcast %add3A_128 : i32 to vector<16xi32>
    %add3A_130 = arith.addi %add3A_129, %iota3A : vector<16xi32>
    %gather3A_131 = tpu.vector_load_idx %arg7[%add3A_130, %broadcast_in_dim3A_6] : memref<496x32xi32, #tpu.memory_space<vmem>>[vector<16xi32>, vector<16xi32>], vector<16xi32>,
    %swap3A_132 = arith.constant 288 : index
    %swap3A_133 = tpu.vector_load %arg9[%swap3A_132] {strides = array<i32>} : memref<1984xi32, #tpu.memory_space<vmem>>, vector<16xi32>,
    tpu.vector_store %arg9[%swap3A_132], %gather3A_131 {strides = array<i32>} : memref<1984xi32, #tpu.memory_space<vmem>>, vector<16xi32>,
    %add3A_134 = arith.constant 304 : i32
    %add3A_135 = vector.broadcast %add3A_134 : i32 to vector<16xi32>
    %add3A_136 = arith.addi %add3A_135, %iota3A : vector<16xi32>
    %gather3A_137 = tpu.vector_load_idx %arg7[%add3A_136, %broadcast_in_dim3A_6] : memref<496x32xi32, #tpu.memory_space<vmem>>[vector<16xi32>, vector<16xi32>], vector<16xi32>,
    %swap3A_138 = arith.constant 304 : index
    %swap3A_139 = tpu.vector_load %arg9[%swap3A_138] {strides = array<i32>} : memref<1984xi32, #tpu.memory_space<vmem>>, vector<16xi32>,
    tpu.vector_store %arg9[%swap3A_138], %gather3A_137 {strides = array<i32>} : memref<1984xi32, #tpu.memory_space<vmem>>, vector<16xi32>,
    %add3A_140 = arith.constant 320 : i32
    %add3A_141 = vector.broadcast %add3A_140 : i32 to vector<16xi32>
    %add3A_142 = arith.addi %add3A_141, %iota3A : vector<16xi32>
    %gather3A_143 = tpu.vector_load_idx %arg7[%add3A_142, %broadcast_in_dim3A_6] : memref<496x32xi32, #tpu.memory_space<vmem>>[vector<16xi32>, vector<16xi32>], vector<16xi32>,
    %swap3A_144 = arith.constant 320 : index
    %swap3A_145 = tpu.vector_load %arg9[%swap3A_144] {strides = array<i32>} : memref<1984xi32, #tpu.memory_space<vmem>>, vector<16xi32>,
    tpu.vector_store %arg9[%swap3A_144], %gather3A_143 {strides = array<i32>} : memref<1984xi32, #tpu.memory_space<vmem>>, vector<16xi32>,
    %add3A_146 = arith.constant 336 : i32
    %add3A_147 = vector.broadcast %add3A_146 : i32 to vector<16xi32>
    %add3A_148 = arith.addi %add3A_147, %iota3A : vector<16xi32>
    %gather3A_149 = tpu.vector_load_idx %arg7[%add3A_148, %broadcast_in_dim3A_6] : memref<496x32xi32, #tpu.memory_space<vmem>>[vector<16xi32>, vector<16xi32>], vector<16xi32>,
    %swap3A_150 = arith.constant 336 : index
    %swap3A_151 = tpu.vector_load %arg9[%swap3A_150] {strides = array<i32>} : memref<1984xi32, #tpu.memory_space<vmem>>, vector<16xi32>,
    tpu.vector_store %arg9[%swap3A_150], %gather3A_149 {strides = array<i32>} : memref<1984xi32, #tpu.memory_space<vmem>>, vector<16xi32>,
    %add3A_152 = arith.constant 352 : i32
    %add3A_153 = vector.broadcast %add3A_152 : i32 to vector<16xi32>
    %add3A_154 = arith.addi %add3A_153, %iota3A : vector<16xi32>
    %gather3A_155 = tpu.vector_load_idx %arg7[%add3A_154, %broadcast_in_dim3A_6] : memref<496x32xi32, #tpu.memory_space<vmem>>[vector<16xi32>, vector<16xi32>], vector<16xi32>,
    %swap3A_156 = arith.constant 352 : index
    %swap3A_157 = tpu.vector_load %arg9[%swap3A_156] {strides = array<i32>} : memref<1984xi32, #tpu.memory_space<vmem>>, vector<16xi32>,
    tpu.vector_store %arg9[%swap3A_156], %gather3A_155 {strides = array<i32>} : memref<1984xi32, #tpu.memory_space<vmem>>, vector<16xi32>,
    %add3A_158 = arith.constant 368 : i32
    %add3A_159 = vector.broadcast %add3A_158 : i32 to vector<16xi32>
    %add3A_160 = arith.addi %add3A_159, %iota3A : vector<16xi32>
    %gather3A_161 = tpu.vector_load_idx %arg7[%add3A_160, %broadcast_in_dim3A_6] : memref<496x32xi32, #tpu.memory_space<vmem>>[vector<16xi32>, vector<16xi32>], vector<16xi32>,
    %swap3A_162 = arith.constant 368 : index
    %swap3A_163 = tpu.vector_load %arg9[%swap3A_162] {strides = array<i32>} : memref<1984xi32, #tpu.memory_space<vmem>>, vector<16xi32>,
    tpu.vector_store %arg9[%swap3A_162], %gather3A_161 {strides = array<i32>} : memref<1984xi32, #tpu.memory_space<vmem>>, vector<16xi32>,
    %add3A_164 = arith.constant 384 : i32
    %add3A_165 = vector.broadcast %add3A_164 : i32 to vector<16xi32>
    %add3A_166 = arith.addi %add3A_165, %iota3A : vector<16xi32>
    %gather3A_167 = tpu.vector_load_idx %arg7[%add3A_166, %broadcast_in_dim3A_6] : memref<496x32xi32, #tpu.memory_space<vmem>>[vector<16xi32>, vector<16xi32>], vector<16xi32>,
    %swap3A_168 = arith.constant 384 : index
    %swap3A_169 = tpu.vector_load %arg9[%swap3A_168] {strides = array<i32>} : memref<1984xi32, #tpu.memory_space<vmem>>, vector<16xi32>,
    tpu.vector_store %arg9[%swap3A_168], %gather3A_167 {strides = array<i32>} : memref<1984xi32, #tpu.memory_space<vmem>>, vector<16xi32>,
    %add3A_170 = arith.constant 400 : i32
    %add3A_171 = vector.broadcast %add3A_170 : i32 to vector<16xi32>
    %add3A_172 = arith.addi %add3A_171, %iota3A : vector<16xi32>
    %gather3A_173 = tpu.vector_load_idx %arg7[%add3A_172, %broadcast_in_dim3A_6] : memref<496x32xi32, #tpu.memory_space<vmem>>[vector<16xi32>, vector<16xi32>], vector<16xi32>,
    %swap3A_174 = arith.constant 400 : index
    %swap3A_175 = tpu.vector_load %arg9[%swap3A_174] {strides = array<i32>} : memref<1984xi32, #tpu.memory_space<vmem>>, vector<16xi32>,
    tpu.vector_store %arg9[%swap3A_174], %gather3A_173 {strides = array<i32>} : memref<1984xi32, #tpu.memory_space<vmem>>, vector<16xi32>,
    %add3A_176 = arith.constant 416 : i32
    %add3A_177 = vector.broadcast %add3A_176 : i32 to vector<16xi32>
    %add3A_178 = arith.addi %add3A_177, %iota3A : vector<16xi32>
    %gather3A_179 = tpu.vector_load_idx %arg7[%add3A_178, %broadcast_in_dim3A_6] : memref<496x32xi32, #tpu.memory_space<vmem>>[vector<16xi32>, vector<16xi32>], vector<16xi32>,
    %swap3A_180 = arith.constant 416 : index
    %swap3A_181 = tpu.vector_load %arg9[%swap3A_180] {strides = array<i32>} : memref<1984xi32, #tpu.memory_space<vmem>>, vector<16xi32>,
    tpu.vector_store %arg9[%swap3A_180], %gather3A_179 {strides = array<i32>} : memref<1984xi32, #tpu.memory_space<vmem>>, vector<16xi32>,
    %add3A_182 = arith.constant 432 : i32
    %add3A_183 = vector.broadcast %add3A_182 : i32 to vector<16xi32>
    %add3A_184 = arith.addi %add3A_183, %iota3A : vector<16xi32>
    %gather3A_185 = tpu.vector_load_idx %arg7[%add3A_184, %broadcast_in_dim3A_6] : memref<496x32xi32, #tpu.memory_space<vmem>>[vector<16xi32>, vector<16xi32>], vector<16xi32>,
    %swap3A_186 = arith.constant 432 : index
    %swap3A_187 = tpu.vector_load %arg9[%swap3A_186] {strides = array<i32>} : memref<1984xi32, #tpu.memory_space<vmem>>, vector<16xi32>,
    tpu.vector_store %arg9[%swap3A_186], %gather3A_185 {strides = array<i32>} : memref<1984xi32, #tpu.memory_space<vmem>>, vector<16xi32>,
    %add3A_188 = arith.constant 448 : i32
    %add3A_189 = vector.broadcast %add3A_188 : i32 to vector<16xi32>
    %add3A_190 = arith.addi %add3A_189, %iota3A : vector<16xi32>
    %gather3A_191 = tpu.vector_load_idx %arg7[%add3A_190, %broadcast_in_dim3A_6] : memref<496x32xi32, #tpu.memory_space<vmem>>[vector<16xi32>, vector<16xi32>], vector<16xi32>,
    %swap3A_192 = arith.constant 448 : index
    %swap3A_193 = tpu.vector_load %arg9[%swap3A_192] {strides = array<i32>} : memref<1984xi32, #tpu.memory_space<vmem>>, vector<16xi32>,
    tpu.vector_store %arg9[%swap3A_192], %gather3A_191 {strides = array<i32>} : memref<1984xi32, #tpu.memory_space<vmem>>, vector<16xi32>,
    %add3A_194 = arith.constant 464 : i32
    %add3A_195 = vector.broadcast %add3A_194 : i32 to vector<16xi32>
    %add3A_196 = arith.addi %add3A_195, %iota3A : vector<16xi32>
    %gather3A_197 = tpu.vector_load_idx %arg7[%add3A_196, %broadcast_in_dim3A_6] : memref<496x32xi32, #tpu.memory_space<vmem>>[vector<16xi32>, vector<16xi32>], vector<16xi32>,
    %swap3A_198 = arith.constant 464 : index
    %swap3A_199 = tpu.vector_load %arg9[%swap3A_198] {strides = array<i32>} : memref<1984xi32, #tpu.memory_space<vmem>>, vector<16xi32>,
    tpu.vector_store %arg9[%swap3A_198], %gather3A_197 {strides = array<i32>} : memref<1984xi32, #tpu.memory_space<vmem>>, vector<16xi32>,
    %add3A_200 = arith.constant 480 : i32
    %add3A_201 = vector.broadcast %add3A_200 : i32 to vector<16xi32>
    %add3A_202 = arith.addi %add3A_201, %iota3A : vector<16xi32>
    %gather3A_203 = tpu.vector_load_idx %arg7[%add3A_202, %broadcast_in_dim3A_6] : memref<496x32xi32, #tpu.memory_space<vmem>>[vector<16xi32>, vector<16xi32>], vector<16xi32>,
    %swap3A_204 = arith.constant 480 : index
    %swap3A_205 = tpu.vector_load %arg9[%swap3A_204] {strides = array<i32>} : memref<1984xi32, #tpu.memory_space<vmem>>, vector<16xi32>,
    tpu.vector_store %arg9[%swap3A_204], %gather3A_203 {strides = array<i32>} : memref<1984xi32, #tpu.memory_space<vmem>>, vector<16xi32>,
    %add3A_206 = arith.constant 0 : i32
    %add3A_207 = arith.addi %mul3A_5, %add3A_206 : i32
    %dma_start3A_208 = arith.constant 0 : i32
    %dma_start3A_209 = tpu.memref_slice %arg9[%dma_start3A_208] : memref<1984xi32, #tpu.memory_space<vmem>> -> memref<496xi32, #tpu.memory_space<vmem>>
    %dma_start3A_210 = tpu.memref_slice %arg16[%add3A_207] : memref<31250xi32, #tpu.memory_space<vmem_shared>> -> memref<496xi32, #tpu.memory_space<vmem_shared>>
    %dma_start3A_211 = tpu.memref_slice %arg16[%add3A_207] : memref<31250xi32, #tpu.memory_space<vmem_shared>> -> memref<496xi32, #tpu.memory_space<vmem_shared>>
    %dma_start3A_212 = arith.constant 0 : i32
    %dma_start3A_213 = tpu.memref_slice %arg9[%dma_start3A_212] : memref<1984xi32, #tpu.memory_space<vmem>> -> memref<496xi32, #tpu.memory_space<vmem>>
    tpu.enqueue_dma source(%dma_start3A_213 : memref<496xi32, #tpu.memory_space<vmem>>) target(%dma_start3A_211 : memref<496xi32, #tpu.memory_space<vmem_shared>>) target_semaphore(%arg19 : memref<!tpu.dma_semaphore, #tpu.memory_space<semaphore_mem>>)
    %dma_wait3A_214 = arith.constant 0 : i32
    %dma_wait3A_215 = tpu.memref_slice %arg3[%add3A_17, %dma_wait3A_214] : memref<31250x32xi32, #tpu.memory_space<hbm>> -> memref<496x32xi32, #tpu.memory_space<hbm>>
    %dma_wait3A_216 = arith.constant 0 : i32
    %dma_wait3A_217 = tpu.memref_slice %arg3[%add3A_17, %dma_wait3A_216] : memref<31250x32xi32, #tpu.memory_space<hbm>> -> memref<496x32xi32, #tpu.memory_space<hbm>>
    tpu.wait_dma2 semaphore(%arg18 : memref<!tpu.dma_semaphore, #tpu.memory_space<semaphore_mem>>) src(%dma_wait3A_217 : memref<496x32xi32, #tpu.memory_space<hbm>>) dst(%arg8 : memref<496x32xi32, #tpu.memory_space<vmem>>)
    %add3A_218 = arith.constant 976 : i32
    %add3A_219 = arith.addi %mul3A_5, %add3A_218 : i32
    %dma_start3A_220 = arith.constant 0 : i32
    %dma_start3A_221 = tpu.memref_slice %arg3[%add3A_219, %dma_start3A_220] : memref<31250x32xi32, #tpu.memory_space<hbm>> -> memref<496x32xi32, #tpu.memory_space<hbm>>
    %dma_start3A_222 = arith.constant 0 : i32
    %dma_start3A_223 = tpu.memref_slice %arg3[%add3A_219, %dma_start3A_222] : memref<31250x32xi32, #tpu.memory_space<hbm>> -> memref<496x32xi32, #tpu.memory_space<hbm>>
    tpu.enqueue_dma source(%dma_start3A_223 : memref<496x32xi32, #tpu.memory_space<hbm>>) target(%arg7 : memref<496x32xi32, #tpu.memory_space<vmem>>) target_semaphore(%arg18 : memref<!tpu.dma_semaphore, #tpu.memory_space<semaphore_mem>>)
    %add3A_224 = arith.constant 0 : i32
    %add3A_225 = vector.broadcast %add3A_224 : i32 to vector<16xi32>
    %add3A_226 = arith.addi %add3A_225, %iota3A : vector<16xi32>
    %gather3A_227 = tpu.vector_load_idx %arg8[%add3A_226, %broadcast_in_dim3A_6] : memref<496x32xi32, #tpu.memory_space<vmem>>[vector<16xi32>, vector<16xi32>], vector<16xi32>,
    %swap3A_228 = arith.constant 496 : index
    %swap3A_229 = tpu.vector_load %arg9[%swap3A_228] {strides = array<i32>} : memref<1984xi32, #tpu.memory_space<vmem>>, vector<16xi32>,
    tpu.vector_store %arg9[%swap3A_228], %gather3A_227 {strides = array<i32>} : memref<1984xi32, #tpu.memory_space<vmem>>, vector<16xi32>,
    %add3A_230 = arith.constant 16 : i32
    %add3A_231 = vector.broadcast %add3A_230 : i32 to vector<16xi32>
    %add3A_232 = arith.addi %add3A_231, %iota3A : vector<16xi32>
    %gather3A_233 = tpu.vector_load_idx %arg8[%add3A_232, %broadcast_in_dim3A_6] : memref<496x32xi32, #tpu.memory_space<vmem>>[vector<16xi32>, vector<16xi32>], vector<16xi32>,
    %swap3A_234 = arith.constant 512 : index
    %swap3A_235 = tpu.vector_load %arg9[%swap3A_234] {strides = array<i32>} : memref<1984xi32, #tpu.memory_space<vmem>>, vector<16xi32>,
    tpu.vector_store %arg9[%swap3A_234], %gather3A_233 {strides = array<i32>} : memref<1984xi32, #tpu.memory_space<vmem>>, vector<16xi32>,
    %add3A_236 = arith.constant 32 : i32
    %add3A_237 = vector.broadcast %add3A_236 : i32 to vector<16xi32>
    %add3A_238 = arith.addi %add3A_237, %iota3A : vector<16xi32>
    %gather3A_239 = tpu.vector_load_idx %arg8[%add3A_238, %broadcast_in_dim3A_6] : memref<496x32xi32, #tpu.memory_space<vmem>>[vector<16xi32>, vector<16xi32>], vector<16xi32>,
    %swap3A_240 = arith.constant 528 : index
    %swap3A_241 = tpu.vector_load %arg9[%swap3A_240] {strides = array<i32>} : memref<1984xi32, #tpu.memory_space<vmem>>, vector<16xi32>,
    tpu.vector_store %arg9[%swap3A_240], %gather3A_239 {strides = array<i32>} : memref<1984xi32, #tpu.memory_space<vmem>>, vector<16xi32>,
    %add3A_242 = arith.constant 48 : i32
    %add3A_243 = vector.broadcast %add3A_242 : i32 to vector<16xi32>
    %add3A_244 = arith.addi %add3A_243, %iota3A : vector<16xi32>
    %gather3A_245 = tpu.vector_load_idx %arg8[%add3A_244, %broadcast_in_dim3A_6] : memref<496x32xi32, #tpu.memory_space<vmem>>[vector<16xi32>, vector<16xi32>], vector<16xi32>,
    %swap3A_246 = arith.constant 544 : index
    %swap3A_247 = tpu.vector_load %arg9[%swap3A_246] {strides = array<i32>} : memref<1984xi32, #tpu.memory_space<vmem>>, vector<16xi32>,
    tpu.vector_store %arg9[%swap3A_246], %gather3A_245 {strides = array<i32>} : memref<1984xi32, #tpu.memory_space<vmem>>, vector<16xi32>,
    %add3A_248 = arith.constant 64 : i32
    %add3A_249 = vector.broadcast %add3A_248 : i32 to vector<16xi32>
    %add3A_250 = arith.addi %add3A_249, %iota3A : vector<16xi32>
    %gather3A_251 = tpu.vector_load_idx %arg8[%add3A_250, %broadcast_in_dim3A_6] : memref<496x32xi32, #tpu.memory_space<vmem>>[vector<16xi32>, vector<16xi32>], vector<16xi32>,
    %swap3A_252 = arith.constant 560 : index
    %swap3A_253 = tpu.vector_load %arg9[%swap3A_252] {strides = array<i32>} : memref<1984xi32, #tpu.memory_space<vmem>>, vector<16xi32>,
    tpu.vector_store %arg9[%swap3A_252], %gather3A_251 {strides = array<i32>} : memref<1984xi32, #tpu.memory_space<vmem>>, vector<16xi32>,
    %add3A_254 = arith.constant 80 : i32
    %add3A_255 = vector.broadcast %add3A_254 : i32 to vector<16xi32>
    %add3A_256 = arith.addi %add3A_255, %iota3A : vector<16xi32>
    %gather3A_257 = tpu.vector_load_idx %arg8[%add3A_256, %broadcast_in_dim3A_6] : memref<496x32xi32, #tpu.memory_space<vmem>>[vector<16xi32>, vector<16xi32>], vector<16xi32>,
    %swap3A_258 = arith.constant 576 : index
    %swap3A_259 = tpu.vector_load %arg9[%swap3A_258] {strides = array<i32>} : memref<1984xi32, #tpu.memory_space<vmem>>, vector<16xi32>,
    tpu.vector_store %arg9[%swap3A_258], %gather3A_257 {strides = array<i32>} : memref<1984xi32, #tpu.memory_space<vmem>>, vector<16xi32>,
    %add3A_260 = arith.constant 96 : i32
    %add3A_261 = vector.broadcast %add3A_260 : i32 to vector<16xi32>
    %add3A_262 = arith.addi %add3A_261, %iota3A : vector<16xi32>
    %gather3A_263 = tpu.vector_load_idx %arg8[%add3A_262, %broadcast_in_dim3A_6] : memref<496x32xi32, #tpu.memory_space<vmem>>[vector<16xi32>, vector<16xi32>], vector<16xi32>,
    %swap3A_264 = arith.constant 592 : index
    %swap3A_265 = tpu.vector_load %arg9[%swap3A_264] {strides = array<i32>} : memref<1984xi32, #tpu.memory_space<vmem>>, vector<16xi32>,
    tpu.vector_store %arg9[%swap3A_264], %gather3A_263 {strides = array<i32>} : memref<1984xi32, #tpu.memory_space<vmem>>, vector<16xi32>,
    %add3A_266 = arith.constant 112 : i32
    %add3A_267 = vector.broadcast %add3A_266 : i32 to vector<16xi32>
    %add3A_268 = arith.addi %add3A_267, %iota3A : vector<16xi32>
    %gather3A_269 = tpu.vector_load_idx %arg8[%add3A_268, %broadcast_in_dim3A_6] : memref<496x32xi32, #tpu.memory_space<vmem>>[vector<16xi32>, vector<16xi32>], vector<16xi32>,
    %swap3A_270 = arith.constant 608 : index
    %swap3A_271 = tpu.vector_load %arg9[%swap3A_270] {strides = array<i32>} : memref<1984xi32, #tpu.memory_space<vmem>>, vector<16xi32>,
    tpu.vector_store %arg9[%swap3A_270], %gather3A_269 {strides = array<i32>} : memref<1984xi32, #tpu.memory_space<vmem>>, vector<16xi32>,
    %add3A_272 = arith.constant 128 : i32
    %add3A_273 = vector.broadcast %add3A_272 : i32 to vector<16xi32>
    %add3A_274 = arith.addi %add3A_273, %iota3A : vector<16xi32>
    %gather3A_275 = tpu.vector_load_idx %arg8[%add3A_274, %broadcast_in_dim3A_6] : memref<496x32xi32, #tpu.memory_space<vmem>>[vector<16xi32>, vector<16xi32>], vector<16xi32>,
    %swap3A_276 = arith.constant 624 : index
    %swap3A_277 = tpu.vector_load %arg9[%swap3A_276] {strides = array<i32>} : memref<1984xi32, #tpu.memory_space<vmem>>, vector<16xi32>,
    tpu.vector_store %arg9[%swap3A_276], %gather3A_275 {strides = array<i32>} : memref<1984xi32, #tpu.memory_space<vmem>>, vector<16xi32>,
    %add3A_278 = arith.constant 144 : i32
    %add3A_279 = vector.broadcast %add3A_278 : i32 to vector<16xi32>
    %add3A_280 = arith.addi %add3A_279, %iota3A : vector<16xi32>
    %gather3A_281 = tpu.vector_load_idx %arg8[%add3A_280, %broadcast_in_dim3A_6] : memref<496x32xi32, #tpu.memory_space<vmem>>[vector<16xi32>, vector<16xi32>], vector<16xi32>,
    %swap3A_282 = arith.constant 640 : index
    %swap3A_283 = tpu.vector_load %arg9[%swap3A_282] {strides = array<i32>} : memref<1984xi32, #tpu.memory_space<vmem>>, vector<16xi32>,
    tpu.vector_store %arg9[%swap3A_282], %gather3A_281 {strides = array<i32>} : memref<1984xi32, #tpu.memory_space<vmem>>, vector<16xi32>,
    %add3A_284 = arith.constant 160 : i32
    %add3A_285 = vector.broadcast %add3A_284 : i32 to vector<16xi32>
    %add3A_286 = arith.addi %add3A_285, %iota3A : vector<16xi32>
    %gather3A_287 = tpu.vector_load_idx %arg8[%add3A_286, %broadcast_in_dim3A_6] : memref<496x32xi32, #tpu.memory_space<vmem>>[vector<16xi32>, vector<16xi32>], vector<16xi32>,
    %swap3A_288 = arith.constant 656 : index
    %swap3A_289 = tpu.vector_load %arg9[%swap3A_288] {strides = array<i32>} : memref<1984xi32, #tpu.memory_space<vmem>>, vector<16xi32>,
    tpu.vector_store %arg9[%swap3A_288], %gather3A_287 {strides = array<i32>} : memref<1984xi32, #tpu.memory_space<vmem>>, vector<16xi32>,
    %add3A_290 = arith.constant 176 : i32
    %add3A_291 = vector.broadcast %add3A_290 : i32 to vector<16xi32>
    %add3A_292 = arith.addi %add3A_291, %iota3A : vector<16xi32>
    %gather3A_293 = tpu.vector_load_idx %arg8[%add3A_292, %broadcast_in_dim3A_6] : memref<496x32xi32, #tpu.memory_space<vmem>>[vector<16xi32>, vector<16xi32>], vector<16xi32>,
    %swap3A_294 = arith.constant 672 : index
    %swap3A_295 = tpu.vector_load %arg9[%swap3A_294] {strides = array<i32>} : memref<1984xi32, #tpu.memory_space<vmem>>, vector<16xi32>,
    tpu.vector_store %arg9[%swap3A_294], %gather3A_293 {strides = array<i32>} : memref<1984xi32, #tpu.memory_space<vmem>>, vector<16xi32>,
    %add3A_296 = arith.constant 192 : i32
    %add3A_297 = vector.broadcast %add3A_296 : i32 to vector<16xi32>
    %add3A_298 = arith.addi %add3A_297, %iota3A : vector<16xi32>
    %gather3A_299 = tpu.vector_load_idx %arg8[%add3A_298, %broadcast_in_dim3A_6] : memref<496x32xi32, #tpu.memory_space<vmem>>[vector<16xi32>, vector<16xi32>], vector<16xi32>,
    %swap3A_300 = arith.constant 688 : index
    %swap3A_301 = tpu.vector_load %arg9[%swap3A_300] {strides = array<i32>} : memref<1984xi32, #tpu.memory_space<vmem>>, vector<16xi32>,
    tpu.vector_store %arg9[%swap3A_300], %gather3A_299 {strides = array<i32>} : memref<1984xi32, #tpu.memory_space<vmem>>, vector<16xi32>,
    %add3A_302 = arith.constant 208 : i32
    %add3A_303 = vector.broadcast %add3A_302 : i32 to vector<16xi32>
    %add3A_304 = arith.addi %add3A_303, %iota3A : vector<16xi32>
    %gather3A_305 = tpu.vector_load_idx %arg8[%add3A_304, %broadcast_in_dim3A_6] : memref<496x32xi32, #tpu.memory_space<vmem>>[vector<16xi32>, vector<16xi32>], vector<16xi32>,
    %swap3A_306 = arith.constant 704 : index
    %swap3A_307 = tpu.vector_load %arg9[%swap3A_306] {strides = array<i32>} : memref<1984xi32, #tpu.memory_space<vmem>>, vector<16xi32>,
    tpu.vector_store %arg9[%swap3A_306], %gather3A_305 {strides = array<i32>} : memref<1984xi32, #tpu.memory_space<vmem>>, vector<16xi32>,
    %add3A_308 = arith.constant 224 : i32
    %add3A_309 = vector.broadcast %add3A_308 : i32 to vector<16xi32>
    %add3A_310 = arith.addi %add3A_309, %iota3A : vector<16xi32>
    %gather3A_311 = tpu.vector_load_idx %arg8[%add3A_310, %broadcast_in_dim3A_6] : memref<496x32xi32, #tpu.memory_space<vmem>>[vector<16xi32>, vector<16xi32>], vector<16xi32>,
    %swap3A_312 = arith.constant 720 : index
    %swap3A_313 = tpu.vector_load %arg9[%swap3A_312] {strides = array<i32>} : memref<1984xi32, #tpu.memory_space<vmem>>, vector<16xi32>,
    tpu.vector_store %arg9[%swap3A_312], %gather3A_311 {strides = array<i32>} : memref<1984xi32, #tpu.memory_space<vmem>>, vector<16xi32>,
    %add3A_314 = arith.constant 240 : i32
    %add3A_315 = vector.broadcast %add3A_314 : i32 to vector<16xi32>
    %add3A_316 = arith.addi %add3A_315, %iota3A : vector<16xi32>
    %gather3A_317 = tpu.vector_load_idx %arg8[%add3A_316, %broadcast_in_dim3A_6] : memref<496x32xi32, #tpu.memory_space<vmem>>[vector<16xi32>, vector<16xi32>], vector<16xi32>,
    %swap3A_318 = arith.constant 736 : index
    %swap3A_319 = tpu.vector_load %arg9[%swap3A_318] {strides = array<i32>} : memref<1984xi32, #tpu.memory_space<vmem>>, vector<16xi32>,
    tpu.vector_store %arg9[%swap3A_318], %gather3A_317 {strides = array<i32>} : memref<1984xi32, #tpu.memory_space<vmem>>, vector<16xi32>,
    %add3A_320 = arith.constant 256 : i32
    %add3A_321 = vector.broadcast %add3A_320 : i32 to vector<16xi32>
    %add3A_322 = arith.addi %add3A_321, %iota3A : vector<16xi32>
    %gather3A_323 = tpu.vector_load_idx %arg8[%add3A_322, %broadcast_in_dim3A_6] : memref<496x32xi32, #tpu.memory_space<vmem>>[vector<16xi32>, vector<16xi32>], vector<16xi32>,
    %swap3A_324 = arith.constant 752 : index
    %swap3A_325 = tpu.vector_load %arg9[%swap3A_324] {strides = array<i32>} : memref<1984xi32, #tpu.memory_space<vmem>>, vector<16xi32>,
    tpu.vector_store %arg9[%swap3A_324], %gather3A_323 {strides = array<i32>} : memref<1984xi32, #tpu.memory_space<vmem>>, vector<16xi32>,
    %add3A_326 = arith.constant 272 : i32
    %add3A_327 = vector.broadcast %add3A_326 : i32 to vector<16xi32>
    %add3A_328 = arith.addi %add3A_327, %iota3A : vector<16xi32>
    %gather3A_329 = tpu.vector_load_idx %arg8[%add3A_328, %broadcast_in_dim3A_6] : memref<496x32xi32, #tpu.memory_space<vmem>>[vector<16xi32>, vector<16xi32>], vector<16xi32>,
    %swap3A_330 = arith.constant 768 : index
    %swap3A_331 = tpu.vector_load %arg9[%swap3A_330] {strides = array<i32>} : memref<1984xi32, #tpu.memory_space<vmem>>, vector<16xi32>,
    tpu.vector_store %arg9[%swap3A_330], %gather3A_329 {strides = array<i32>} : memref<1984xi32, #tpu.memory_space<vmem>>, vector<16xi32>,
    %add3A_332 = arith.constant 288 : i32
    %add3A_333 = vector.broadcast %add3A_332 : i32 to vector<16xi32>
    %add3A_334 = arith.addi %add3A_333, %iota3A : vector<16xi32>
    %gather3A_335 = tpu.vector_load_idx %arg8[%add3A_334, %broadcast_in_dim3A_6] : memref<496x32xi32, #tpu.memory_space<vmem>>[vector<16xi32>, vector<16xi32>], vector<16xi32>,
    %swap3A_336 = arith.constant 784 : index
    %swap3A_337 = tpu.vector_load %arg9[%swap3A_336] {strides = array<i32>} : memref<1984xi32, #tpu.memory_space<vmem>>, vector<16xi32>,
    tpu.vector_store %arg9[%swap3A_336], %gather3A_335 {strides = array<i32>} : memref<1984xi32, #tpu.memory_space<vmem>>, vector<16xi32>,
    %add3A_338 = arith.constant 304 : i32
    %add3A_339 = vector.broadcast %add3A_338 : i32 to vector<16xi32>
    %add3A_340 = arith.addi %add3A_339, %iota3A : vector<16xi32>
    %gather3A_341 = tpu.vector_load_idx %arg8[%add3A_340, %broadcast_in_dim3A_6] : memref<496x32xi32, #tpu.memory_space<vmem>>[vector<16xi32>, vector<16xi32>], vector<16xi32>,
    %swap3A_342 = arith.constant 800 : index
    %swap3A_343 = tpu.vector_load %arg9[%swap3A_342] {strides = array<i32>} : memref<1984xi32, #tpu.memory_space<vmem>>, vector<16xi32>,
    tpu.vector_store %arg9[%swap3A_342], %gather3A_341 {strides = array<i32>} : memref<1984xi32, #tpu.memory_space<vmem>>, vector<16xi32>,
    %add3A_344 = arith.constant 320 : i32
    %add3A_345 = vector.broadcast %add3A_344 : i32 to vector<16xi32>
    %add3A_346 = arith.addi %add3A_345, %iota3A : vector<16xi32>
    %gather3A_347 = tpu.vector_load_idx %arg8[%add3A_346, %broadcast_in_dim3A_6] : memref<496x32xi32, #tpu.memory_space<vmem>>[vector<16xi32>, vector<16xi32>], vector<16xi32>,
    %swap3A_348 = arith.constant 816 : index
    %swap3A_349 = tpu.vector_load %arg9[%swap3A_348] {strides = array<i32>} : memref<1984xi32, #tpu.memory_space<vmem>>, vector<16xi32>,
    tpu.vector_store %arg9[%swap3A_348], %gather3A_347 {strides = array<i32>} : memref<1984xi32, #tpu.memory_space<vmem>>, vector<16xi32>,
    %add3A_350 = arith.constant 336 : i32
    %add3A_351 = vector.broadcast %add3A_350 : i32 to vector<16xi32>
    %add3A_352 = arith.addi %add3A_351, %iota3A : vector<16xi32>
    %gather3A_353 = tpu.vector_load_idx %arg8[%add3A_352, %broadcast_in_dim3A_6] : memref<496x32xi32, #tpu.memory_space<vmem>>[vector<16xi32>, vector<16xi32>], vector<16xi32>,
    %swap3A_354 = arith.constant 832 : index
    %swap3A_355 = tpu.vector_load %arg9[%swap3A_354] {strides = array<i32>} : memref<1984xi32, #tpu.memory_space<vmem>>, vector<16xi32>,
    tpu.vector_store %arg9[%swap3A_354], %gather3A_353 {strides = array<i32>} : memref<1984xi32, #tpu.memory_space<vmem>>, vector<16xi32>,
    %add3A_356 = arith.constant 352 : i32
    %add3A_357 = vector.broadcast %add3A_356 : i32 to vector<16xi32>
    %add3A_358 = arith.addi %add3A_357, %iota3A : vector<16xi32>
    %gather3A_359 = tpu.vector_load_idx %arg8[%add3A_358, %broadcast_in_dim3A_6] : memref<496x32xi32, #tpu.memory_space<vmem>>[vector<16xi32>, vector<16xi32>], vector<16xi32>,
    %swap3A_360 = arith.constant 848 : index
    %swap3A_361 = tpu.vector_load %arg9[%swap3A_360] {strides = array<i32>} : memref<1984xi32, #tpu.memory_space<vmem>>, vector<16xi32>,
    tpu.vector_store %arg9[%swap3A_360], %gather3A_359 {strides = array<i32>} : memref<1984xi32, #tpu.memory_space<vmem>>, vector<16xi32>,
    %add3A_362 = arith.constant 368 : i32
    %add3A_363 = vector.broadcast %add3A_362 : i32 to vector<16xi32>
    %add3A_364 = arith.addi %add3A_363, %iota3A : vector<16xi32>
    %gather3A_365 = tpu.vector_load_idx %arg8[%add3A_364, %broadcast_in_dim3A_6] : memref<496x32xi32, #tpu.memory_space<vmem>>[vector<16xi32>, vector<16xi32>], vector<16xi32>,
    %swap3A_366 = arith.constant 864 : index
    %swap3A_367 = tpu.vector_load %arg9[%swap3A_366] {strides = array<i32>} : memref<1984xi32, #tpu.memory_space<vmem>>, vector<16xi32>,
    tpu.vector_store %arg9[%swap3A_366], %gather3A_365 {strides = array<i32>} : memref<1984xi32, #tpu.memory_space<vmem>>, vector<16xi32>,
    %add3A_368 = arith.constant 384 : i32
    %add3A_369 = vector.broadcast %add3A_368 : i32 to vector<16xi32>
    %add3A_370 = arith.addi %add3A_369, %iota3A : vector<16xi32>
    %gather3A_371 = tpu.vector_load_idx %arg8[%add3A_370, %broadcast_in_dim3A_6] : memref<496x32xi32, #tpu.memory_space<vmem>>[vector<16xi32>, vector<16xi32>], vector<16xi32>,
    %swap3A_372 = arith.constant 880 : index
    %swap3A_373 = tpu.vector_load %arg9[%swap3A_372] {strides = array<i32>} : memref<1984xi32, #tpu.memory_space<vmem>>, vector<16xi32>,
    tpu.vector_store %arg9[%swap3A_372], %gather3A_371 {strides = array<i32>} : memref<1984xi32, #tpu.memory_space<vmem>>, vector<16xi32>,
    %add3A_374 = arith.constant 400 : i32
    %add3A_375 = vector.broadcast %add3A_374 : i32 to vector<16xi32>
    %add3A_376 = arith.addi %add3A_375, %iota3A : vector<16xi32>
    %gather3A_377 = tpu.vector_load_idx %arg8[%add3A_376, %broadcast_in_dim3A_6] : memref<496x32xi32, #tpu.memory_space<vmem>>[vector<16xi32>, vector<16xi32>], vector<16xi32>,
    %swap3A_378 = arith.constant 896 : index
    %swap3A_379 = tpu.vector_load %arg9[%swap3A_378] {strides = array<i32>} : memref<1984xi32, #tpu.memory_space<vmem>>, vector<16xi32>,
    tpu.vector_store %arg9[%swap3A_378], %gather3A_377 {strides = array<i32>} : memref<1984xi32, #tpu.memory_space<vmem>>, vector<16xi32>,
    %add3A_380 = arith.constant 416 : i32
    %add3A_381 = vector.broadcast %add3A_380 : i32 to vector<16xi32>
    %add3A_382 = arith.addi %add3A_381, %iota3A : vector<16xi32>
    %gather3A_383 = tpu.vector_load_idx %arg8[%add3A_382, %broadcast_in_dim3A_6] : memref<496x32xi32, #tpu.memory_space<vmem>>[vector<16xi32>, vector<16xi32>], vector<16xi32>,
    %swap3A_384 = arith.constant 912 : index
    %swap3A_385 = tpu.vector_load %arg9[%swap3A_384] {strides = array<i32>} : memref<1984xi32, #tpu.memory_space<vmem>>, vector<16xi32>,
    tpu.vector_store %arg9[%swap3A_384], %gather3A_383 {strides = array<i32>} : memref<1984xi32, #tpu.memory_space<vmem>>, vector<16xi32>,
    %add3A_386 = arith.constant 432 : i32
    %add3A_387 = vector.broadcast %add3A_386 : i32 to vector<16xi32>
    %add3A_388 = arith.addi %add3A_387, %iota3A : vector<16xi32>
    %gather3A_389 = tpu.vector_load_idx %arg8[%add3A_388, %broadcast_in_dim3A_6] : memref<496x32xi32, #tpu.memory_space<vmem>>[vector<16xi32>, vector<16xi32>], vector<16xi32>,
    %swap3A_390 = arith.constant 928 : index
    %swap3A_391 = tpu.vector_load %arg9[%swap3A_390] {strides = array<i32>} : memref<1984xi32, #tpu.memory_space<vmem>>, vector<16xi32>,
    tpu.vector_store %arg9[%swap3A_390], %gather3A_389 {strides = array<i32>} : memref<1984xi32, #tpu.memory_space<vmem>>, vector<16xi32>,
    %add3A_392 = arith.constant 448 : i32
    %add3A_393 = vector.broadcast %add3A_392 : i32 to vector<16xi32>
    %add3A_394 = arith.addi %add3A_393, %iota3A : vector<16xi32>
    %gather3A_395 = tpu.vector_load_idx %arg8[%add3A_394, %broadcast_in_dim3A_6] : memref<496x32xi32, #tpu.memory_space<vmem>>[vector<16xi32>, vector<16xi32>], vector<16xi32>,
    %swap3A_396 = arith.constant 944 : index
    %swap3A_397 = tpu.vector_load %arg9[%swap3A_396] {strides = array<i32>} : memref<1984xi32, #tpu.memory_space<vmem>>, vector<16xi32>,
    tpu.vector_store %arg9[%swap3A_396], %gather3A_395 {strides = array<i32>} : memref<1984xi32, #tpu.memory_space<vmem>>, vector<16xi32>,
    %add3A_398 = arith.constant 464 : i32
    %add3A_399 = vector.broadcast %add3A_398 : i32 to vector<16xi32>
    %add3A_400 = arith.addi %add3A_399, %iota3A : vector<16xi32>
    %gather3A_401 = tpu.vector_load_idx %arg8[%add3A_400, %broadcast_in_dim3A_6] : memref<496x32xi32, #tpu.memory_space<vmem>>[vector<16xi32>, vector<16xi32>], vector<16xi32>,
    %swap3A_402 = arith.constant 960 : index
    %swap3A_403 = tpu.vector_load %arg9[%swap3A_402] {strides = array<i32>} : memref<1984xi32, #tpu.memory_space<vmem>>, vector<16xi32>,
    tpu.vector_store %arg9[%swap3A_402], %gather3A_401 {strides = array<i32>} : memref<1984xi32, #tpu.memory_space<vmem>>, vector<16xi32>,
    %add3A_404 = arith.constant 480 : i32
    %add3A_405 = vector.broadcast %add3A_404 : i32 to vector<16xi32>
    %add3A_406 = arith.addi %add3A_405, %iota3A : vector<16xi32>
    %gather3A_407 = tpu.vector_load_idx %arg8[%add3A_406, %broadcast_in_dim3A_6] : memref<496x32xi32, #tpu.memory_space<vmem>>[vector<16xi32>, vector<16xi32>], vector<16xi32>,
    %swap3A_408 = arith.constant 976 : index
    %swap3A_409 = tpu.vector_load %arg9[%swap3A_408] {strides = array<i32>} : memref<1984xi32, #tpu.memory_space<vmem>>, vector<16xi32>,
    tpu.vector_store %arg9[%swap3A_408], %gather3A_407 {strides = array<i32>} : memref<1984xi32, #tpu.memory_space<vmem>>, vector<16xi32>,
    %add3A_410 = arith.constant 488 : i32
    %add3A_411 = arith.addi %mul3A_5, %add3A_410 : i32
    %dma_start3A_412 = arith.constant 496 : i32
    %dma_start3A_413 = tpu.memref_slice %arg9[%dma_start3A_412] : memref<1984xi32, #tpu.memory_space<vmem>> -> memref<496xi32, #tpu.memory_space<vmem>>
    %dma_start3A_414 = tpu.memref_slice %arg16[%add3A_411] : memref<31250xi32, #tpu.memory_space<vmem_shared>> -> memref<496xi32, #tpu.memory_space<vmem_shared>>
    %dma_start3A_415 = tpu.memref_slice %arg16[%add3A_411] : memref<31250xi32, #tpu.memory_space<vmem_shared>> -> memref<496xi32, #tpu.memory_space<vmem_shared>>
    %dma_start3A_416 = arith.constant 496 : i32
    %dma_start3A_417 = tpu.memref_slice %arg9[%dma_start3A_416] : memref<1984xi32, #tpu.memory_space<vmem>> -> memref<496xi32, #tpu.memory_space<vmem>>
    tpu.enqueue_dma source(%dma_start3A_417 : memref<496xi32, #tpu.memory_space<vmem>>) target(%dma_start3A_415 : memref<496xi32, #tpu.memory_space<vmem_shared>>) target_semaphore(%arg19 : memref<!tpu.dma_semaphore, #tpu.memory_space<semaphore_mem>>)
    %dma_wait3A_418 = arith.constant 0 : i32
    %dma_wait3A_419 = tpu.memref_slice %arg3[%add3A_219, %dma_wait3A_418] : memref<31250x32xi32, #tpu.memory_space<hbm>> -> memref<496x32xi32, #tpu.memory_space<hbm>>
    %dma_wait3A_420 = arith.constant 0 : i32
    %dma_wait3A_421 = tpu.memref_slice %arg3[%add3A_219, %dma_wait3A_420] : memref<31250x32xi32, #tpu.memory_space<hbm>> -> memref<496x32xi32, #tpu.memory_space<hbm>>
    tpu.wait_dma2 semaphore(%arg18 : memref<!tpu.dma_semaphore, #tpu.memory_space<semaphore_mem>>) src(%dma_wait3A_421 : memref<496x32xi32, #tpu.memory_space<hbm>>) dst(%arg7 : memref<496x32xi32, #tpu.memory_space<vmem>>)
    %add3A_422 = arith.constant 1456 : i32
    %add3A_423 = arith.addi %mul3A_5, %add3A_422 : i32
    %dma_start3A_424 = arith.constant 0 : i32
    %dma_start3A_425 = tpu.memref_slice %arg3[%add3A_423, %dma_start3A_424] : memref<31250x32xi32, #tpu.memory_space<hbm>> -> memref<496x32xi32, #tpu.memory_space<hbm>>
    %dma_start3A_426 = arith.constant 0 : i32
    %dma_start3A_427 = tpu.memref_slice %arg3[%add3A_423, %dma_start3A_426] : memref<31250x32xi32, #tpu.memory_space<hbm>> -> memref<496x32xi32, #tpu.memory_space<hbm>>
    tpu.enqueue_dma source(%dma_start3A_427 : memref<496x32xi32, #tpu.memory_space<hbm>>) target(%arg8 : memref<496x32xi32, #tpu.memory_space<vmem>>) target_semaphore(%arg18 : memref<!tpu.dma_semaphore, #tpu.memory_space<semaphore_mem>>)
    %add3A_428 = arith.constant 0 : i32
    %add3A_429 = vector.broadcast %add3A_428 : i32 to vector<16xi32>
    %add3A_430 = arith.addi %add3A_429, %iota3A : vector<16xi32>
    %gather3A_431 = tpu.vector_load_idx %arg7[%add3A_430, %broadcast_in_dim3A_6] : memref<496x32xi32, #tpu.memory_space<vmem>>[vector<16xi32>, vector<16xi32>], vector<16xi32>,
    %swap3A_432 = arith.constant 992 : index
    %swap3A_433 = tpu.vector_load %arg9[%swap3A_432] {strides = array<i32>} : memref<1984xi32, #tpu.memory_space<vmem>>, vector<16xi32>,
    tpu.vector_store %arg9[%swap3A_432], %gather3A_431 {strides = array<i32>} : memref<1984xi32, #tpu.memory_space<vmem>>, vector<16xi32>,
    %add3A_434 = arith.constant 16 : i32
    %add3A_435 = vector.broadcast %add3A_434 : i32 to vector<16xi32>
    %add3A_436 = arith.addi %add3A_435, %iota3A : vector<16xi32>
    %gather3A_437 = tpu.vector_load_idx %arg7[%add3A_436, %broadcast_in_dim3A_6] : memref<496x32xi32, #tpu.memory_space<vmem>>[vector<16xi32>, vector<16xi32>], vector<16xi32>,
    %swap3A_438 = arith.constant 1008 : index
    %swap3A_439 = tpu.vector_load %arg9[%swap3A_438] {strides = array<i32>} : memref<1984xi32, #tpu.memory_space<vmem>>, vector<16xi32>,
    tpu.vector_store %arg9[%swap3A_438], %gather3A_437 {strides = array<i32>} : memref<1984xi32, #tpu.memory_space<vmem>>, vector<16xi32>,
    %add3A_440 = arith.constant 32 : i32
    %add3A_441 = vector.broadcast %add3A_440 : i32 to vector<16xi32>
    %add3A_442 = arith.addi %add3A_441, %iota3A : vector<16xi32>
    %gather3A_443 = tpu.vector_load_idx %arg7[%add3A_442, %broadcast_in_dim3A_6] : memref<496x32xi32, #tpu.memory_space<vmem>>[vector<16xi32>, vector<16xi32>], vector<16xi32>,
    %swap3A_444 = arith.constant 1024 : index
    %swap3A_445 = tpu.vector_load %arg9[%swap3A_444] {strides = array<i32>} : memref<1984xi32, #tpu.memory_space<vmem>>, vector<16xi32>,
    tpu.vector_store %arg9[%swap3A_444], %gather3A_443 {strides = array<i32>} : memref<1984xi32, #tpu.memory_space<vmem>>, vector<16xi32>,
    %add3A_446 = arith.constant 48 : i32
    %add3A_447 = vector.broadcast %add3A_446 : i32 to vector<16xi32>
    %add3A_448 = arith.addi %add3A_447, %iota3A : vector<16xi32>
    %gather3A_449 = tpu.vector_load_idx %arg7[%add3A_448, %broadcast_in_dim3A_6] : memref<496x32xi32, #tpu.memory_space<vmem>>[vector<16xi32>, vector<16xi32>], vector<16xi32>,
    %swap3A_450 = arith.constant 1040 : index
    %swap3A_451 = tpu.vector_load %arg9[%swap3A_450] {strides = array<i32>} : memref<1984xi32, #tpu.memory_space<vmem>>, vector<16xi32>,
    tpu.vector_store %arg9[%swap3A_450], %gather3A_449 {strides = array<i32>} : memref<1984xi32, #tpu.memory_space<vmem>>, vector<16xi32>,
    %add3A_452 = arith.constant 64 : i32
    %add3A_453 = vector.broadcast %add3A_452 : i32 to vector<16xi32>
    %add3A_454 = arith.addi %add3A_453, %iota3A : vector<16xi32>
    %gather3A_455 = tpu.vector_load_idx %arg7[%add3A_454, %broadcast_in_dim3A_6] : memref<496x32xi32, #tpu.memory_space<vmem>>[vector<16xi32>, vector<16xi32>], vector<16xi32>,
    %swap3A_456 = arith.constant 1056 : index
    %swap3A_457 = tpu.vector_load %arg9[%swap3A_456] {strides = array<i32>} : memref<1984xi32, #tpu.memory_space<vmem>>, vector<16xi32>,
    tpu.vector_store %arg9[%swap3A_456], %gather3A_455 {strides = array<i32>} : memref<1984xi32, #tpu.memory_space<vmem>>, vector<16xi32>,
    %add3A_458 = arith.constant 80 : i32
    %add3A_459 = vector.broadcast %add3A_458 : i32 to vector<16xi32>
    %add3A_460 = arith.addi %add3A_459, %iota3A : vector<16xi32>
    %gather3A_461 = tpu.vector_load_idx %arg7[%add3A_460, %broadcast_in_dim3A_6] : memref<496x32xi32, #tpu.memory_space<vmem>>[vector<16xi32>, vector<16xi32>], vector<16xi32>,
    %swap3A_462 = arith.constant 1072 : index
    %swap3A_463 = tpu.vector_load %arg9[%swap3A_462] {strides = array<i32>} : memref<1984xi32, #tpu.memory_space<vmem>>, vector<16xi32>,
    tpu.vector_store %arg9[%swap3A_462], %gather3A_461 {strides = array<i32>} : memref<1984xi32, #tpu.memory_space<vmem>>, vector<16xi32>,
    %add3A_464 = arith.constant 96 : i32
    %add3A_465 = vector.broadcast %add3A_464 : i32 to vector<16xi32>
    %add3A_466 = arith.addi %add3A_465, %iota3A : vector<16xi32>
    %gather3A_467 = tpu.vector_load_idx %arg7[%add3A_466, %broadcast_in_dim3A_6] : memref<496x32xi32, #tpu.memory_space<vmem>>[vector<16xi32>, vector<16xi32>], vector<16xi32>,
    %swap3A_468 = arith.constant 1088 : index
    %swap3A_469 = tpu.vector_load %arg9[%swap3A_468] {strides = array<i32>} : memref<1984xi32, #tpu.memory_space<vmem>>, vector<16xi32>,
    tpu.vector_store %arg9[%swap3A_468], %gather3A_467 {strides = array<i32>} : memref<1984xi32, #tpu.memory_space<vmem>>, vector<16xi32>,
    %add3A_470 = arith.constant 112 : i32
    %add3A_471 = vector.broadcast %add3A_470 : i32 to vector<16xi32>
    %add3A_472 = arith.addi %add3A_471, %iota3A : vector<16xi32>
    %gather3A_473 = tpu.vector_load_idx %arg7[%add3A_472, %broadcast_in_dim3A_6] : memref<496x32xi32, #tpu.memory_space<vmem>>[vector<16xi32>, vector<16xi32>], vector<16xi32>,
    %swap3A_474 = arith.constant 1104 : index
    %swap3A_475 = tpu.vector_load %arg9[%swap3A_474] {strides = array<i32>} : memref<1984xi32, #tpu.memory_space<vmem>>, vector<16xi32>,
    tpu.vector_store %arg9[%swap3A_474], %gather3A_473 {strides = array<i32>} : memref<1984xi32, #tpu.memory_space<vmem>>, vector<16xi32>,
    %add3A_476 = arith.constant 128 : i32
    %add3A_477 = vector.broadcast %add3A_476 : i32 to vector<16xi32>
    %add3A_478 = arith.addi %add3A_477, %iota3A : vector<16xi32>
    %gather3A_479 = tpu.vector_load_idx %arg7[%add3A_478, %broadcast_in_dim3A_6] : memref<496x32xi32, #tpu.memory_space<vmem>>[vector<16xi32>, vector<16xi32>], vector<16xi32>,
    %swap3A_480 = arith.constant 1120 : index
    %swap3A_481 = tpu.vector_load %arg9[%swap3A_480] {strides = array<i32>} : memref<1984xi32, #tpu.memory_space<vmem>>, vector<16xi32>,
    tpu.vector_store %arg9[%swap3A_480], %gather3A_479 {strides = array<i32>} : memref<1984xi32, #tpu.memory_space<vmem>>, vector<16xi32>,
    %add3A_482 = arith.constant 144 : i32
    %add3A_483 = vector.broadcast %add3A_482 : i32 to vector<16xi32>
    %add3A_484 = arith.addi %add3A_483, %iota3A : vector<16xi32>
    %gather3A_485 = tpu.vector_load_idx %arg7[%add3A_484, %broadcast_in_dim3A_6] : memref<496x32xi32, #tpu.memory_space<vmem>>[vector<16xi32>, vector<16xi32>], vector<16xi32>,
    %swap3A_486 = arith.constant 1136 : index
    %swap3A_487 = tpu.vector_load %arg9[%swap3A_486] {strides = array<i32>} : memref<1984xi32, #tpu.memory_space<vmem>>, vector<16xi32>,
    tpu.vector_store %arg9[%swap3A_486], %gather3A_485 {strides = array<i32>} : memref<1984xi32, #tpu.memory_space<vmem>>, vector<16xi32>,
    %add3A_488 = arith.constant 160 : i32
    %add3A_489 = vector.broadcast %add3A_488 : i32 to vector<16xi32>
    %add3A_490 = arith.addi %add3A_489, %iota3A : vector<16xi32>
    %gather3A_491 = tpu.vector_load_idx %arg7[%add3A_490, %broadcast_in_dim3A_6] : memref<496x32xi32, #tpu.memory_space<vmem>>[vector<16xi32>, vector<16xi32>], vector<16xi32>,
    %swap3A_492 = arith.constant 1152 : index
    %swap3A_493 = tpu.vector_load %arg9[%swap3A_492] {strides = array<i32>} : memref<1984xi32, #tpu.memory_space<vmem>>, vector<16xi32>,
    tpu.vector_store %arg9[%swap3A_492], %gather3A_491 {strides = array<i32>} : memref<1984xi32, #tpu.memory_space<vmem>>, vector<16xi32>,
    %add3A_494 = arith.constant 176 : i32
    %add3A_495 = vector.broadcast %add3A_494 : i32 to vector<16xi32>
    %add3A_496 = arith.addi %add3A_495, %iota3A : vector<16xi32>
    %gather3A_497 = tpu.vector_load_idx %arg7[%add3A_496, %broadcast_in_dim3A_6] : memref<496x32xi32, #tpu.memory_space<vmem>>[vector<16xi32>, vector<16xi32>], vector<16xi32>,
    %swap3A_498 = arith.constant 1168 : index
    %swap3A_499 = tpu.vector_load %arg9[%swap3A_498] {strides = array<i32>} : memref<1984xi32, #tpu.memory_space<vmem>>, vector<16xi32>,
    tpu.vector_store %arg9[%swap3A_498], %gather3A_497 {strides = array<i32>} : memref<1984xi32, #tpu.memory_space<vmem>>, vector<16xi32>,
    %add3A_500 = arith.constant 192 : i32
    %add3A_501 = vector.broadcast %add3A_500 : i32 to vector<16xi32>
    %add3A_502 = arith.addi %add3A_501, %iota3A : vector<16xi32>
    %gather3A_503 = tpu.vector_load_idx %arg7[%add3A_502, %broadcast_in_dim3A_6] : memref<496x32xi32, #tpu.memory_space<vmem>>[vector<16xi32>, vector<16xi32>], vector<16xi32>,
    %swap3A_504 = arith.constant 1184 : index
    %swap3A_505 = tpu.vector_load %arg9[%swap3A_504] {strides = array<i32>} : memref<1984xi32, #tpu.memory_space<vmem>>, vector<16xi32>,
    tpu.vector_store %arg9[%swap3A_504], %gather3A_503 {strides = array<i32>} : memref<1984xi32, #tpu.memory_space<vmem>>, vector<16xi32>,
    %add3A_506 = arith.constant 208 : i32
    %add3A_507 = vector.broadcast %add3A_506 : i32 to vector<16xi32>
    %add3A_508 = arith.addi %add3A_507, %iota3A : vector<16xi32>
    %gather3A_509 = tpu.vector_load_idx %arg7[%add3A_508, %broadcast_in_dim3A_6] : memref<496x32xi32, #tpu.memory_space<vmem>>[vector<16xi32>, vector<16xi32>], vector<16xi32>,
    %swap3A_510 = arith.constant 1200 : index
    %swap3A_511 = tpu.vector_load %arg9[%swap3A_510] {strides = array<i32>} : memref<1984xi32, #tpu.memory_space<vmem>>, vector<16xi32>,
    tpu.vector_store %arg9[%swap3A_510], %gather3A_509 {strides = array<i32>} : memref<1984xi32, #tpu.memory_space<vmem>>, vector<16xi32>,
    %add3A_512 = arith.constant 224 : i32
    %add3A_513 = vector.broadcast %add3A_512 : i32 to vector<16xi32>
    %add3A_514 = arith.addi %add3A_513, %iota3A : vector<16xi32>
    %gather3A_515 = tpu.vector_load_idx %arg7[%add3A_514, %broadcast_in_dim3A_6] : memref<496x32xi32, #tpu.memory_space<vmem>>[vector<16xi32>, vector<16xi32>], vector<16xi32>,
    %swap3A_516 = arith.constant 1216 : index
    %swap3A_517 = tpu.vector_load %arg9[%swap3A_516] {strides = array<i32>} : memref<1984xi32, #tpu.memory_space<vmem>>, vector<16xi32>,
    tpu.vector_store %arg9[%swap3A_516], %gather3A_515 {strides = array<i32>} : memref<1984xi32, #tpu.memory_space<vmem>>, vector<16xi32>,
    %add3A_518 = arith.constant 240 : i32
    %add3A_519 = vector.broadcast %add3A_518 : i32 to vector<16xi32>
    %add3A_520 = arith.addi %add3A_519, %iota3A : vector<16xi32>
    %gather3A_521 = tpu.vector_load_idx %arg7[%add3A_520, %broadcast_in_dim3A_6] : memref<496x32xi32, #tpu.memory_space<vmem>>[vector<16xi32>, vector<16xi32>], vector<16xi32>,
    %swap3A_522 = arith.constant 1232 : index
    %swap3A_523 = tpu.vector_load %arg9[%swap3A_522] {strides = array<i32>} : memref<1984xi32, #tpu.memory_space<vmem>>, vector<16xi32>,
    tpu.vector_store %arg9[%swap3A_522], %gather3A_521 {strides = array<i32>} : memref<1984xi32, #tpu.memory_space<vmem>>, vector<16xi32>,
    %add3A_524 = arith.constant 256 : i32
    %add3A_525 = vector.broadcast %add3A_524 : i32 to vector<16xi32>
    %add3A_526 = arith.addi %add3A_525, %iota3A : vector<16xi32>
    %gather3A_527 = tpu.vector_load_idx %arg7[%add3A_526, %broadcast_in_dim3A_6] : memref<496x32xi32, #tpu.memory_space<vmem>>[vector<16xi32>, vector<16xi32>], vector<16xi32>,
    %swap3A_528 = arith.constant 1248 : index
    %swap3A_529 = tpu.vector_load %arg9[%swap3A_528] {strides = array<i32>} : memref<1984xi32, #tpu.memory_space<vmem>>, vector<16xi32>,
    tpu.vector_store %arg9[%swap3A_528], %gather3A_527 {strides = array<i32>} : memref<1984xi32, #tpu.memory_space<vmem>>, vector<16xi32>,
    %add3A_530 = arith.constant 272 : i32
    %add3A_531 = vector.broadcast %add3A_530 : i32 to vector<16xi32>
    %add3A_532 = arith.addi %add3A_531, %iota3A : vector<16xi32>
    %gather3A_533 = tpu.vector_load_idx %arg7[%add3A_532, %broadcast_in_dim3A_6] : memref<496x32xi32, #tpu.memory_space<vmem>>[vector<16xi32>, vector<16xi32>], vector<16xi32>,
    %swap3A_534 = arith.constant 1264 : index
    %swap3A_535 = tpu.vector_load %arg9[%swap3A_534] {strides = array<i32>} : memref<1984xi32, #tpu.memory_space<vmem>>, vector<16xi32>,
    tpu.vector_store %arg9[%swap3A_534], %gather3A_533 {strides = array<i32>} : memref<1984xi32, #tpu.memory_space<vmem>>, vector<16xi32>,
    %add3A_536 = arith.constant 288 : i32
    %add3A_537 = vector.broadcast %add3A_536 : i32 to vector<16xi32>
    %add3A_538 = arith.addi %add3A_537, %iota3A : vector<16xi32>
    %gather3A_539 = tpu.vector_load_idx %arg7[%add3A_538, %broadcast_in_dim3A_6] : memref<496x32xi32, #tpu.memory_space<vmem>>[vector<16xi32>, vector<16xi32>], vector<16xi32>,
    %swap3A_540 = arith.constant 1280 : index
    %swap3A_541 = tpu.vector_load %arg9[%swap3A_540] {strides = array<i32>} : memref<1984xi32, #tpu.memory_space<vmem>>, vector<16xi32>,
    tpu.vector_store %arg9[%swap3A_540], %gather3A_539 {strides = array<i32>} : memref<1984xi32, #tpu.memory_space<vmem>>, vector<16xi32>,
    %add3A_542 = arith.constant 304 : i32
    %add3A_543 = vector.broadcast %add3A_542 : i32 to vector<16xi32>
    %add3A_544 = arith.addi %add3A_543, %iota3A : vector<16xi32>
    %gather3A_545 = tpu.vector_load_idx %arg7[%add3A_544, %broadcast_in_dim3A_6] : memref<496x32xi32, #tpu.memory_space<vmem>>[vector<16xi32>, vector<16xi32>], vector<16xi32>,
    %swap3A_546 = arith.constant 1296 : index
    %swap3A_547 = tpu.vector_load %arg9[%swap3A_546] {strides = array<i32>} : memref<1984xi32, #tpu.memory_space<vmem>>, vector<16xi32>,
    tpu.vector_store %arg9[%swap3A_546], %gather3A_545 {strides = array<i32>} : memref<1984xi32, #tpu.memory_space<vmem>>, vector<16xi32>,
    %add3A_548 = arith.constant 320 : i32
    %add3A_549 = vector.broadcast %add3A_548 : i32 to vector<16xi32>
    %add3A_550 = arith.addi %add3A_549, %iota3A : vector<16xi32>
    %gather3A_551 = tpu.vector_load_idx %arg7[%add3A_550, %broadcast_in_dim3A_6] : memref<496x32xi32, #tpu.memory_space<vmem>>[vector<16xi32>, vector<16xi32>], vector<16xi32>,
    %swap3A_552 = arith.constant 1312 : index
    %swap3A_553 = tpu.vector_load %arg9[%swap3A_552] {strides = array<i32>} : memref<1984xi32, #tpu.memory_space<vmem>>, vector<16xi32>,
    tpu.vector_store %arg9[%swap3A_552], %gather3A_551 {strides = array<i32>} : memref<1984xi32, #tpu.memory_space<vmem>>, vector<16xi32>,
    %add3A_554 = arith.constant 336 : i32
    %add3A_555 = vector.broadcast %add3A_554 : i32 to vector<16xi32>
    %add3A_556 = arith.addi %add3A_555, %iota3A : vector<16xi32>
    %gather3A_557 = tpu.vector_load_idx %arg7[%add3A_556, %broadcast_in_dim3A_6] : memref<496x32xi32, #tpu.memory_space<vmem>>[vector<16xi32>, vector<16xi32>], vector<16xi32>,
    %swap3A_558 = arith.constant 1328 : index
    %swap3A_559 = tpu.vector_load %arg9[%swap3A_558] {strides = array<i32>} : memref<1984xi32, #tpu.memory_space<vmem>>, vector<16xi32>,
    tpu.vector_store %arg9[%swap3A_558], %gather3A_557 {strides = array<i32>} : memref<1984xi32, #tpu.memory_space<vmem>>, vector<16xi32>,
    %add3A_560 = arith.constant 352 : i32
    %add3A_561 = vector.broadcast %add3A_560 : i32 to vector<16xi32>
    %add3A_562 = arith.addi %add3A_561, %iota3A : vector<16xi32>
    %gather3A_563 = tpu.vector_load_idx %arg7[%add3A_562, %broadcast_in_dim3A_6] : memref<496x32xi32, #tpu.memory_space<vmem>>[vector<16xi32>, vector<16xi32>], vector<16xi32>,
    %swap3A_564 = arith.constant 1344 : index
    %swap3A_565 = tpu.vector_load %arg9[%swap3A_564] {strides = array<i32>} : memref<1984xi32, #tpu.memory_space<vmem>>, vector<16xi32>,
    tpu.vector_store %arg9[%swap3A_564], %gather3A_563 {strides = array<i32>} : memref<1984xi32, #tpu.memory_space<vmem>>, vector<16xi32>,
    %add3A_566 = arith.constant 368 : i32
    %add3A_567 = vector.broadcast %add3A_566 : i32 to vector<16xi32>
    %add3A_568 = arith.addi %add3A_567, %iota3A : vector<16xi32>
    %gather3A_569 = tpu.vector_load_idx %arg7[%add3A_568, %broadcast_in_dim3A_6] : memref<496x32xi32, #tpu.memory_space<vmem>>[vector<16xi32>, vector<16xi32>], vector<16xi32>,
    %swap3A_570 = arith.constant 1360 : index
    %swap3A_571 = tpu.vector_load %arg9[%swap3A_570] {strides = array<i32>} : memref<1984xi32, #tpu.memory_space<vmem>>, vector<16xi32>,
    tpu.vector_store %arg9[%swap3A_570], %gather3A_569 {strides = array<i32>} : memref<1984xi32, #tpu.memory_space<vmem>>, vector<16xi32>,
    %add3A_572 = arith.constant 384 : i32
    %add3A_573 = vector.broadcast %add3A_572 : i32 to vector<16xi32>
    %add3A_574 = arith.addi %add3A_573, %iota3A : vector<16xi32>
    %gather3A_575 = tpu.vector_load_idx %arg7[%add3A_574, %broadcast_in_dim3A_6] : memref<496x32xi32, #tpu.memory_space<vmem>>[vector<16xi32>, vector<16xi32>], vector<16xi32>,
    %swap3A_576 = arith.constant 1376 : index
    %swap3A_577 = tpu.vector_load %arg9[%swap3A_576] {strides = array<i32>} : memref<1984xi32, #tpu.memory_space<vmem>>, vector<16xi32>,
    tpu.vector_store %arg9[%swap3A_576], %gather3A_575 {strides = array<i32>} : memref<1984xi32, #tpu.memory_space<vmem>>, vector<16xi32>,
    %add3A_578 = arith.constant 400 : i32
    %add3A_579 = vector.broadcast %add3A_578 : i32 to vector<16xi32>
    %add3A_580 = arith.addi %add3A_579, %iota3A : vector<16xi32>
    %gather3A_581 = tpu.vector_load_idx %arg7[%add3A_580, %broadcast_in_dim3A_6] : memref<496x32xi32, #tpu.memory_space<vmem>>[vector<16xi32>, vector<16xi32>], vector<16xi32>,
    %swap3A_582 = arith.constant 1392 : index
    %swap3A_583 = tpu.vector_load %arg9[%swap3A_582] {strides = array<i32>} : memref<1984xi32, #tpu.memory_space<vmem>>, vector<16xi32>,
    tpu.vector_store %arg9[%swap3A_582], %gather3A_581 {strides = array<i32>} : memref<1984xi32, #tpu.memory_space<vmem>>, vector<16xi32>,
    %add3A_584 = arith.constant 416 : i32
    %add3A_585 = vector.broadcast %add3A_584 : i32 to vector<16xi32>
    %add3A_586 = arith.addi %add3A_585, %iota3A : vector<16xi32>
    %gather3A_587 = tpu.vector_load_idx %arg7[%add3A_586, %broadcast_in_dim3A_6] : memref<496x32xi32, #tpu.memory_space<vmem>>[vector<16xi32>, vector<16xi32>], vector<16xi32>,
    %swap3A_588 = arith.constant 1408 : index
    %swap3A_589 = tpu.vector_load %arg9[%swap3A_588] {strides = array<i32>} : memref<1984xi32, #tpu.memory_space<vmem>>, vector<16xi32>,
    tpu.vector_store %arg9[%swap3A_588], %gather3A_587 {strides = array<i32>} : memref<1984xi32, #tpu.memory_space<vmem>>, vector<16xi32>,
    %add3A_590 = arith.constant 432 : i32
    %add3A_591 = vector.broadcast %add3A_590 : i32 to vector<16xi32>
    %add3A_592 = arith.addi %add3A_591, %iota3A : vector<16xi32>
    %gather3A_593 = tpu.vector_load_idx %arg7[%add3A_592, %broadcast_in_dim3A_6] : memref<496x32xi32, #tpu.memory_space<vmem>>[vector<16xi32>, vector<16xi32>], vector<16xi32>,
    %swap3A_594 = arith.constant 1424 : index
    %swap3A_595 = tpu.vector_load %arg9[%swap3A_594] {strides = array<i32>} : memref<1984xi32, #tpu.memory_space<vmem>>, vector<16xi32>,
    tpu.vector_store %arg9[%swap3A_594], %gather3A_593 {strides = array<i32>} : memref<1984xi32, #tpu.memory_space<vmem>>, vector<16xi32>,
    %add3A_596 = arith.constant 448 : i32
    %add3A_597 = vector.broadcast %add3A_596 : i32 to vector<16xi32>
    %add3A_598 = arith.addi %add3A_597, %iota3A : vector<16xi32>
    %gather3A_599 = tpu.vector_load_idx %arg7[%add3A_598, %broadcast_in_dim3A_6] : memref<496x32xi32, #tpu.memory_space<vmem>>[vector<16xi32>, vector<16xi32>], vector<16xi32>,
    %swap3A_600 = arith.constant 1440 : index
    %swap3A_601 = tpu.vector_load %arg9[%swap3A_600] {strides = array<i32>} : memref<1984xi32, #tpu.memory_space<vmem>>, vector<16xi32>,
    tpu.vector_store %arg9[%swap3A_600], %gather3A_599 {strides = array<i32>} : memref<1984xi32, #tpu.memory_space<vmem>>, vector<16xi32>,
    %add3A_602 = arith.constant 464 : i32
    %add3A_603 = vector.broadcast %add3A_602 : i32 to vector<16xi32>
    %add3A_604 = arith.addi %add3A_603, %iota3A : vector<16xi32>
    %gather3A_605 = tpu.vector_load_idx %arg7[%add3A_604, %broadcast_in_dim3A_6] : memref<496x32xi32, #tpu.memory_space<vmem>>[vector<16xi32>, vector<16xi32>], vector<16xi32>,
    %swap3A_606 = arith.constant 1456 : index
    %swap3A_607 = tpu.vector_load %arg9[%swap3A_606] {strides = array<i32>} : memref<1984xi32, #tpu.memory_space<vmem>>, vector<16xi32>,
    tpu.vector_store %arg9[%swap3A_606], %gather3A_605 {strides = array<i32>} : memref<1984xi32, #tpu.memory_space<vmem>>, vector<16xi32>,
    %add3A_608 = arith.constant 480 : i32
    %add3A_609 = vector.broadcast %add3A_608 : i32 to vector<16xi32>
    %add3A_610 = arith.addi %add3A_609, %iota3A : vector<16xi32>
    %gather3A_611 = tpu.vector_load_idx %arg7[%add3A_610, %broadcast_in_dim3A_6] : memref<496x32xi32, #tpu.memory_space<vmem>>[vector<16xi32>, vector<16xi32>], vector<16xi32>,
    %swap3A_612 = arith.constant 1472 : index
    %swap3A_613 = tpu.vector_load %arg9[%swap3A_612] {strides = array<i32>} : memref<1984xi32, #tpu.memory_space<vmem>>, vector<16xi32>,
    tpu.vector_store %arg9[%swap3A_612], %gather3A_611 {strides = array<i32>} : memref<1984xi32, #tpu.memory_space<vmem>>, vector<16xi32>,
    %add3A_614 = arith.constant 976 : i32
    %add3A_615 = arith.addi %mul3A_5, %add3A_614 : i32
    %dma_start3A_616 = arith.constant 992 : i32
    %dma_start3A_617 = tpu.memref_slice %arg9[%dma_start3A_616] : memref<1984xi32, #tpu.memory_space<vmem>> -> memref<496xi32, #tpu.memory_space<vmem>>
    %dma_start3A_618 = tpu.memref_slice %arg16[%add3A_615] : memref<31250xi32, #tpu.memory_space<vmem_shared>> -> memref<496xi32, #tpu.memory_space<vmem_shared>>
    %dma_start3A_619 = tpu.memref_slice %arg16[%add3A_615] : memref<31250xi32, #tpu.memory_space<vmem_shared>> -> memref<496xi32, #tpu.memory_space<vmem_shared>>
    %dma_start3A_620 = arith.constant 992 : i32
    %dma_start3A_621 = tpu.memref_slice %arg9[%dma_start3A_620] : memref<1984xi32, #tpu.memory_space<vmem>> -> memref<496xi32, #tpu.memory_space<vmem>>
    tpu.enqueue_dma source(%dma_start3A_621 : memref<496xi32, #tpu.memory_space<vmem>>) target(%dma_start3A_619 : memref<496xi32, #tpu.memory_space<vmem_shared>>) target_semaphore(%arg19 : memref<!tpu.dma_semaphore, #tpu.memory_space<semaphore_mem>>)
    %dma_wait3A_622 = arith.constant 0 : i32
    %dma_wait3A_623 = tpu.memref_slice %arg3[%add3A_423, %dma_wait3A_622] : memref<31250x32xi32, #tpu.memory_space<hbm>> -> memref<496x32xi32, #tpu.memory_space<hbm>>
    %dma_wait3A_624 = arith.constant 0 : i32
    %dma_wait3A_625 = tpu.memref_slice %arg3[%add3A_423, %dma_wait3A_624] : memref<31250x32xi32, #tpu.memory_space<hbm>> -> memref<496x32xi32, #tpu.memory_space<hbm>>
    tpu.wait_dma2 semaphore(%arg18 : memref<!tpu.dma_semaphore, #tpu.memory_space<semaphore_mem>>) src(%dma_wait3A_625 : memref<496x32xi32, #tpu.memory_space<hbm>>) dst(%arg8 : memref<496x32xi32, #tpu.memory_space<vmem>>)
    %add3A_626 = arith.constant 0 : i32
    %add3A_627 = vector.broadcast %add3A_626 : i32 to vector<16xi32>
    %add3A_628 = arith.addi %add3A_627, %iota3A : vector<16xi32>
    %gather3A_629 = tpu.vector_load_idx %arg8[%add3A_628, %broadcast_in_dim3A_6] : memref<496x32xi32, #tpu.memory_space<vmem>>[vector<16xi32>, vector<16xi32>], vector<16xi32>,
    %swap3A_630 = arith.constant 1488 : index
    %swap3A_631 = tpu.vector_load %arg9[%swap3A_630] {strides = array<i32>} : memref<1984xi32, #tpu.memory_space<vmem>>, vector<16xi32>,
    tpu.vector_store %arg9[%swap3A_630], %gather3A_629 {strides = array<i32>} : memref<1984xi32, #tpu.memory_space<vmem>>, vector<16xi32>,
    %add3A_632 = arith.constant 16 : i32
    %add3A_633 = vector.broadcast %add3A_632 : i32 to vector<16xi32>
    %add3A_634 = arith.addi %add3A_633, %iota3A : vector<16xi32>
    %gather3A_635 = tpu.vector_load_idx %arg8[%add3A_634, %broadcast_in_dim3A_6] : memref<496x32xi32, #tpu.memory_space<vmem>>[vector<16xi32>, vector<16xi32>], vector<16xi32>,
    %swap3A_636 = arith.constant 1504 : index
    %swap3A_637 = tpu.vector_load %arg9[%swap3A_636] {strides = array<i32>} : memref<1984xi32, #tpu.memory_space<vmem>>, vector<16xi32>,
    tpu.vector_store %arg9[%swap3A_636], %gather3A_635 {strides = array<i32>} : memref<1984xi32, #tpu.memory_space<vmem>>, vector<16xi32>,
    %add3A_638 = arith.constant 32 : i32
    %add3A_639 = vector.broadcast %add3A_638 : i32 to vector<16xi32>
    %add3A_640 = arith.addi %add3A_639, %iota3A : vector<16xi32>
    %gather3A_641 = tpu.vector_load_idx %arg8[%add3A_640, %broadcast_in_dim3A_6] : memref<496x32xi32, #tpu.memory_space<vmem>>[vector<16xi32>, vector<16xi32>], vector<16xi32>,
    %swap3A_642 = arith.constant 1520 : index
    %swap3A_643 = tpu.vector_load %arg9[%swap3A_642] {strides = array<i32>} : memref<1984xi32, #tpu.memory_space<vmem>>, vector<16xi32>,
    tpu.vector_store %arg9[%swap3A_642], %gather3A_641 {strides = array<i32>} : memref<1984xi32, #tpu.memory_space<vmem>>, vector<16xi32>,
    %add3A_644 = arith.constant 48 : i32
    %add3A_645 = vector.broadcast %add3A_644 : i32 to vector<16xi32>
    %add3A_646 = arith.addi %add3A_645, %iota3A : vector<16xi32>
    %gather3A_647 = tpu.vector_load_idx %arg8[%add3A_646, %broadcast_in_dim3A_6] : memref<496x32xi32, #tpu.memory_space<vmem>>[vector<16xi32>, vector<16xi32>], vector<16xi32>,
    %swap3A_648 = arith.constant 1536 : index
    %swap3A_649 = tpu.vector_load %arg9[%swap3A_648] {strides = array<i32>} : memref<1984xi32, #tpu.memory_space<vmem>>, vector<16xi32>,
    tpu.vector_store %arg9[%swap3A_648], %gather3A_647 {strides = array<i32>} : memref<1984xi32, #tpu.memory_space<vmem>>, vector<16xi32>,
    %add3A_650 = arith.constant 64 : i32
    %add3A_651 = vector.broadcast %add3A_650 : i32 to vector<16xi32>
    %add3A_652 = arith.addi %add3A_651, %iota3A : vector<16xi32>
    %gather3A_653 = tpu.vector_load_idx %arg8[%add3A_652, %broadcast_in_dim3A_6] : memref<496x32xi32, #tpu.memory_space<vmem>>[vector<16xi32>, vector<16xi32>], vector<16xi32>,
    %swap3A_654 = arith.constant 1552 : index
    %swap3A_655 = tpu.vector_load %arg9[%swap3A_654] {strides = array<i32>} : memref<1984xi32, #tpu.memory_space<vmem>>, vector<16xi32>,
    tpu.vector_store %arg9[%swap3A_654], %gather3A_653 {strides = array<i32>} : memref<1984xi32, #tpu.memory_space<vmem>>, vector<16xi32>,
    %add3A_656 = arith.constant 80 : i32
    %add3A_657 = vector.broadcast %add3A_656 : i32 to vector<16xi32>
    %add3A_658 = arith.addi %add3A_657, %iota3A : vector<16xi32>
    %gather3A_659 = tpu.vector_load_idx %arg8[%add3A_658, %broadcast_in_dim3A_6] : memref<496x32xi32, #tpu.memory_space<vmem>>[vector<16xi32>, vector<16xi32>], vector<16xi32>,
    %swap3A_660 = arith.constant 1568 : index
    %swap3A_661 = tpu.vector_load %arg9[%swap3A_660] {strides = array<i32>} : memref<1984xi32, #tpu.memory_space<vmem>>, vector<16xi32>,
    tpu.vector_store %arg9[%swap3A_660], %gather3A_659 {strides = array<i32>} : memref<1984xi32, #tpu.memory_space<vmem>>, vector<16xi32>,
    %add3A_662 = arith.constant 96 : i32
    %add3A_663 = vector.broadcast %add3A_662 : i32 to vector<16xi32>
    %add3A_664 = arith.addi %add3A_663, %iota3A : vector<16xi32>
    %gather3A_665 = tpu.vector_load_idx %arg8[%add3A_664, %broadcast_in_dim3A_6] : memref<496x32xi32, #tpu.memory_space<vmem>>[vector<16xi32>, vector<16xi32>], vector<16xi32>,
    %swap3A_666 = arith.constant 1584 : index
    %swap3A_667 = tpu.vector_load %arg9[%swap3A_666] {strides = array<i32>} : memref<1984xi32, #tpu.memory_space<vmem>>, vector<16xi32>,
    tpu.vector_store %arg9[%swap3A_666], %gather3A_665 {strides = array<i32>} : memref<1984xi32, #tpu.memory_space<vmem>>, vector<16xi32>,
    %add3A_668 = arith.constant 112 : i32
    %add3A_669 = vector.broadcast %add3A_668 : i32 to vector<16xi32>
    %add3A_670 = arith.addi %add3A_669, %iota3A : vector<16xi32>
    %gather3A_671 = tpu.vector_load_idx %arg8[%add3A_670, %broadcast_in_dim3A_6] : memref<496x32xi32, #tpu.memory_space<vmem>>[vector<16xi32>, vector<16xi32>], vector<16xi32>,
    %swap3A_672 = arith.constant 1600 : index
    %swap3A_673 = tpu.vector_load %arg9[%swap3A_672] {strides = array<i32>} : memref<1984xi32, #tpu.memory_space<vmem>>, vector<16xi32>,
    tpu.vector_store %arg9[%swap3A_672], %gather3A_671 {strides = array<i32>} : memref<1984xi32, #tpu.memory_space<vmem>>, vector<16xi32>,
    %add3A_674 = arith.constant 128 : i32
    %add3A_675 = vector.broadcast %add3A_674 : i32 to vector<16xi32>
    %add3A_676 = arith.addi %add3A_675, %iota3A : vector<16xi32>
    %gather3A_677 = tpu.vector_load_idx %arg8[%add3A_676, %broadcast_in_dim3A_6] : memref<496x32xi32, #tpu.memory_space<vmem>>[vector<16xi32>, vector<16xi32>], vector<16xi32>,
    %swap3A_678 = arith.constant 1616 : index
    %swap3A_679 = tpu.vector_load %arg9[%swap3A_678] {strides = array<i32>} : memref<1984xi32, #tpu.memory_space<vmem>>, vector<16xi32>,
    tpu.vector_store %arg9[%swap3A_678], %gather3A_677 {strides = array<i32>} : memref<1984xi32, #tpu.memory_space<vmem>>, vector<16xi32>,
    %add3A_680 = arith.constant 144 : i32
    %add3A_681 = vector.broadcast %add3A_680 : i32 to vector<16xi32>
    %add3A_682 = arith.addi %add3A_681, %iota3A : vector<16xi32>
    %gather3A_683 = tpu.vector_load_idx %arg8[%add3A_682, %broadcast_in_dim3A_6] : memref<496x32xi32, #tpu.memory_space<vmem>>[vector<16xi32>, vector<16xi32>], vector<16xi32>,
    %swap3A_684 = arith.constant 1632 : index
    %swap3A_685 = tpu.vector_load %arg9[%swap3A_684] {strides = array<i32>} : memref<1984xi32, #tpu.memory_space<vmem>>, vector<16xi32>,
    tpu.vector_store %arg9[%swap3A_684], %gather3A_683 {strides = array<i32>} : memref<1984xi32, #tpu.memory_space<vmem>>, vector<16xi32>,
    %add3A_686 = arith.constant 160 : i32
    %add3A_687 = vector.broadcast %add3A_686 : i32 to vector<16xi32>
    %add3A_688 = arith.addi %add3A_687, %iota3A : vector<16xi32>
    %gather3A_689 = tpu.vector_load_idx %arg8[%add3A_688, %broadcast_in_dim3A_6] : memref<496x32xi32, #tpu.memory_space<vmem>>[vector<16xi32>, vector<16xi32>], vector<16xi32>,
    %swap3A_690 = arith.constant 1648 : index
    %swap3A_691 = tpu.vector_load %arg9[%swap3A_690] {strides = array<i32>} : memref<1984xi32, #tpu.memory_space<vmem>>, vector<16xi32>,
    tpu.vector_store %arg9[%swap3A_690], %gather3A_689 {strides = array<i32>} : memref<1984xi32, #tpu.memory_space<vmem>>, vector<16xi32>,
    %add3A_692 = arith.constant 176 : i32
    %add3A_693 = vector.broadcast %add3A_692 : i32 to vector<16xi32>
    %add3A_694 = arith.addi %add3A_693, %iota3A : vector<16xi32>
    %gather3A_695 = tpu.vector_load_idx %arg8[%add3A_694, %broadcast_in_dim3A_6] : memref<496x32xi32, #tpu.memory_space<vmem>>[vector<16xi32>, vector<16xi32>], vector<16xi32>,
    %swap3A_696 = arith.constant 1664 : index
    %swap3A_697 = tpu.vector_load %arg9[%swap3A_696] {strides = array<i32>} : memref<1984xi32, #tpu.memory_space<vmem>>, vector<16xi32>,
    tpu.vector_store %arg9[%swap3A_696], %gather3A_695 {strides = array<i32>} : memref<1984xi32, #tpu.memory_space<vmem>>, vector<16xi32>,
    %add3A_698 = arith.constant 192 : i32
    %add3A_699 = vector.broadcast %add3A_698 : i32 to vector<16xi32>
    %add3A_700 = arith.addi %add3A_699, %iota3A : vector<16xi32>
    %gather3A_701 = tpu.vector_load_idx %arg8[%add3A_700, %broadcast_in_dim3A_6] : memref<496x32xi32, #tpu.memory_space<vmem>>[vector<16xi32>, vector<16xi32>], vector<16xi32>,
    %swap3A_702 = arith.constant 1680 : index
    %swap3A_703 = tpu.vector_load %arg9[%swap3A_702] {strides = array<i32>} : memref<1984xi32, #tpu.memory_space<vmem>>, vector<16xi32>,
    tpu.vector_store %arg9[%swap3A_702], %gather3A_701 {strides = array<i32>} : memref<1984xi32, #tpu.memory_space<vmem>>, vector<16xi32>,
    %add3A_704 = arith.constant 208 : i32
    %add3A_705 = vector.broadcast %add3A_704 : i32 to vector<16xi32>
    %add3A_706 = arith.addi %add3A_705, %iota3A : vector<16xi32>
    %gather3A_707 = tpu.vector_load_idx %arg8[%add3A_706, %broadcast_in_dim3A_6] : memref<496x32xi32, #tpu.memory_space<vmem>>[vector<16xi32>, vector<16xi32>], vector<16xi32>,
    %swap3A_708 = arith.constant 1696 : index
    %swap3A_709 = tpu.vector_load %arg9[%swap3A_708] {strides = array<i32>} : memref<1984xi32, #tpu.memory_space<vmem>>, vector<16xi32>,
    tpu.vector_store %arg9[%swap3A_708], %gather3A_707 {strides = array<i32>} : memref<1984xi32, #tpu.memory_space<vmem>>, vector<16xi32>,
    %add3A_710 = arith.constant 224 : i32
    %add3A_711 = vector.broadcast %add3A_710 : i32 to vector<16xi32>
    %add3A_712 = arith.addi %add3A_711, %iota3A : vector<16xi32>
    %gather3A_713 = tpu.vector_load_idx %arg8[%add3A_712, %broadcast_in_dim3A_6] : memref<496x32xi32, #tpu.memory_space<vmem>>[vector<16xi32>, vector<16xi32>], vector<16xi32>,
    %swap3A_714 = arith.constant 1712 : index
    %swap3A_715 = tpu.vector_load %arg9[%swap3A_714] {strides = array<i32>} : memref<1984xi32, #tpu.memory_space<vmem>>, vector<16xi32>,
    tpu.vector_store %arg9[%swap3A_714], %gather3A_713 {strides = array<i32>} : memref<1984xi32, #tpu.memory_space<vmem>>, vector<16xi32>,
    %add3A_716 = arith.constant 240 : i32
    %add3A_717 = vector.broadcast %add3A_716 : i32 to vector<16xi32>
    %add3A_718 = arith.addi %add3A_717, %iota3A : vector<16xi32>
    %gather3A_719 = tpu.vector_load_idx %arg8[%add3A_718, %broadcast_in_dim3A_6] : memref<496x32xi32, #tpu.memory_space<vmem>>[vector<16xi32>, vector<16xi32>], vector<16xi32>,
    %swap3A_720 = arith.constant 1728 : index
    %swap3A_721 = tpu.vector_load %arg9[%swap3A_720] {strides = array<i32>} : memref<1984xi32, #tpu.memory_space<vmem>>, vector<16xi32>,
    tpu.vector_store %arg9[%swap3A_720], %gather3A_719 {strides = array<i32>} : memref<1984xi32, #tpu.memory_space<vmem>>, vector<16xi32>,
    %add3A_722 = arith.constant 256 : i32
    %add3A_723 = vector.broadcast %add3A_722 : i32 to vector<16xi32>
    %add3A_724 = arith.addi %add3A_723, %iota3A : vector<16xi32>
    %gather3A_725 = tpu.vector_load_idx %arg8[%add3A_724, %broadcast_in_dim3A_6] : memref<496x32xi32, #tpu.memory_space<vmem>>[vector<16xi32>, vector<16xi32>], vector<16xi32>,
    %swap3A_726 = arith.constant 1744 : index
    %swap3A_727 = tpu.vector_load %arg9[%swap3A_726] {strides = array<i32>} : memref<1984xi32, #tpu.memory_space<vmem>>, vector<16xi32>,
    tpu.vector_store %arg9[%swap3A_726], %gather3A_725 {strides = array<i32>} : memref<1984xi32, #tpu.memory_space<vmem>>, vector<16xi32>,
    %add3A_728 = arith.constant 272 : i32
    %add3A_729 = vector.broadcast %add3A_728 : i32 to vector<16xi32>
    %add3A_730 = arith.addi %add3A_729, %iota3A : vector<16xi32>
    %gather3A_731 = tpu.vector_load_idx %arg8[%add3A_730, %broadcast_in_dim3A_6] : memref<496x32xi32, #tpu.memory_space<vmem>>[vector<16xi32>, vector<16xi32>], vector<16xi32>,
    %swap3A_732 = arith.constant 1760 : index
    %swap3A_733 = tpu.vector_load %arg9[%swap3A_732] {strides = array<i32>} : memref<1984xi32, #tpu.memory_space<vmem>>, vector<16xi32>,
    tpu.vector_store %arg9[%swap3A_732], %gather3A_731 {strides = array<i32>} : memref<1984xi32, #tpu.memory_space<vmem>>, vector<16xi32>,
    %add3A_734 = arith.constant 288 : i32
    %add3A_735 = vector.broadcast %add3A_734 : i32 to vector<16xi32>
    %add3A_736 = arith.addi %add3A_735, %iota3A : vector<16xi32>
    %gather3A_737 = tpu.vector_load_idx %arg8[%add3A_736, %broadcast_in_dim3A_6] : memref<496x32xi32, #tpu.memory_space<vmem>>[vector<16xi32>, vector<16xi32>], vector<16xi32>,
    %swap3A_738 = arith.constant 1776 : index
    %swap3A_739 = tpu.vector_load %arg9[%swap3A_738] {strides = array<i32>} : memref<1984xi32, #tpu.memory_space<vmem>>, vector<16xi32>,
    tpu.vector_store %arg9[%swap3A_738], %gather3A_737 {strides = array<i32>} : memref<1984xi32, #tpu.memory_space<vmem>>, vector<16xi32>,
    %add3A_740 = arith.constant 304 : i32
    %add3A_741 = vector.broadcast %add3A_740 : i32 to vector<16xi32>
    %add3A_742 = arith.addi %add3A_741, %iota3A : vector<16xi32>
    %gather3A_743 = tpu.vector_load_idx %arg8[%add3A_742, %broadcast_in_dim3A_6] : memref<496x32xi32, #tpu.memory_space<vmem>>[vector<16xi32>, vector<16xi32>], vector<16xi32>,
    %swap3A_744 = arith.constant 1792 : index
    %swap3A_745 = tpu.vector_load %arg9[%swap3A_744] {strides = array<i32>} : memref<1984xi32, #tpu.memory_space<vmem>>, vector<16xi32>,
    tpu.vector_store %arg9[%swap3A_744], %gather3A_743 {strides = array<i32>} : memref<1984xi32, #tpu.memory_space<vmem>>, vector<16xi32>,
    %add3A_746 = arith.constant 320 : i32
    %add3A_747 = vector.broadcast %add3A_746 : i32 to vector<16xi32>
    %add3A_748 = arith.addi %add3A_747, %iota3A : vector<16xi32>
    %gather3A_749 = tpu.vector_load_idx %arg8[%add3A_748, %broadcast_in_dim3A_6] : memref<496x32xi32, #tpu.memory_space<vmem>>[vector<16xi32>, vector<16xi32>], vector<16xi32>,
    %swap3A_750 = arith.constant 1808 : index
    %swap3A_751 = tpu.vector_load %arg9[%swap3A_750] {strides = array<i32>} : memref<1984xi32, #tpu.memory_space<vmem>>, vector<16xi32>,
    tpu.vector_store %arg9[%swap3A_750], %gather3A_749 {strides = array<i32>} : memref<1984xi32, #tpu.memory_space<vmem>>, vector<16xi32>,
    %add3A_752 = arith.constant 336 : i32
    %add3A_753 = vector.broadcast %add3A_752 : i32 to vector<16xi32>
    %add3A_754 = arith.addi %add3A_753, %iota3A : vector<16xi32>
    %gather3A_755 = tpu.vector_load_idx %arg8[%add3A_754, %broadcast_in_dim3A_6] : memref<496x32xi32, #tpu.memory_space<vmem>>[vector<16xi32>, vector<16xi32>], vector<16xi32>,
    %swap3A_756 = arith.constant 1824 : index
    %swap3A_757 = tpu.vector_load %arg9[%swap3A_756] {strides = array<i32>} : memref<1984xi32, #tpu.memory_space<vmem>>, vector<16xi32>,
    tpu.vector_store %arg9[%swap3A_756], %gather3A_755 {strides = array<i32>} : memref<1984xi32, #tpu.memory_space<vmem>>, vector<16xi32>,
    %add3A_758 = arith.constant 352 : i32
    %add3A_759 = vector.broadcast %add3A_758 : i32 to vector<16xi32>
    %add3A_760 = arith.addi %add3A_759, %iota3A : vector<16xi32>
    %gather3A_761 = tpu.vector_load_idx %arg8[%add3A_760, %broadcast_in_dim3A_6] : memref<496x32xi32, #tpu.memory_space<vmem>>[vector<16xi32>, vector<16xi32>], vector<16xi32>,
    %swap3A_762 = arith.constant 1840 : index
    %swap3A_763 = tpu.vector_load %arg9[%swap3A_762] {strides = array<i32>} : memref<1984xi32, #tpu.memory_space<vmem>>, vector<16xi32>,
    tpu.vector_store %arg9[%swap3A_762], %gather3A_761 {strides = array<i32>} : memref<1984xi32, #tpu.memory_space<vmem>>, vector<16xi32>,
    %add3A_764 = arith.constant 368 : i32
    %add3A_765 = vector.broadcast %add3A_764 : i32 to vector<16xi32>
    %add3A_766 = arith.addi %add3A_765, %iota3A : vector<16xi32>
    %gather3A_767 = tpu.vector_load_idx %arg8[%add3A_766, %broadcast_in_dim3A_6] : memref<496x32xi32, #tpu.memory_space<vmem>>[vector<16xi32>, vector<16xi32>], vector<16xi32>,
    %swap3A_768 = arith.constant 1856 : index
    %swap3A_769 = tpu.vector_load %arg9[%swap3A_768] {strides = array<i32>} : memref<1984xi32, #tpu.memory_space<vmem>>, vector<16xi32>,
    tpu.vector_store %arg9[%swap3A_768], %gather3A_767 {strides = array<i32>} : memref<1984xi32, #tpu.memory_space<vmem>>, vector<16xi32>,
    %add3A_770 = arith.constant 384 : i32
    %add3A_771 = vector.broadcast %add3A_770 : i32 to vector<16xi32>
    %add3A_772 = arith.addi %add3A_771, %iota3A : vector<16xi32>
    %gather3A_773 = tpu.vector_load_idx %arg8[%add3A_772, %broadcast_in_dim3A_6] : memref<496x32xi32, #tpu.memory_space<vmem>>[vector<16xi32>, vector<16xi32>], vector<16xi32>,
    %swap3A_774 = arith.constant 1872 : index
    %swap3A_775 = tpu.vector_load %arg9[%swap3A_774] {strides = array<i32>} : memref<1984xi32, #tpu.memory_space<vmem>>, vector<16xi32>,
    tpu.vector_store %arg9[%swap3A_774], %gather3A_773 {strides = array<i32>} : memref<1984xi32, #tpu.memory_space<vmem>>, vector<16xi32>,
    %add3A_776 = arith.constant 400 : i32
    %add3A_777 = vector.broadcast %add3A_776 : i32 to vector<16xi32>
    %add3A_778 = arith.addi %add3A_777, %iota3A : vector<16xi32>
    %gather3A_779 = tpu.vector_load_idx %arg8[%add3A_778, %broadcast_in_dim3A_6] : memref<496x32xi32, #tpu.memory_space<vmem>>[vector<16xi32>, vector<16xi32>], vector<16xi32>,
    %swap3A_780 = arith.constant 1888 : index
    %swap3A_781 = tpu.vector_load %arg9[%swap3A_780] {strides = array<i32>} : memref<1984xi32, #tpu.memory_space<vmem>>, vector<16xi32>,
    tpu.vector_store %arg9[%swap3A_780], %gather3A_779 {strides = array<i32>} : memref<1984xi32, #tpu.memory_space<vmem>>, vector<16xi32>,
    %add3A_782 = arith.constant 416 : i32
    %add3A_783 = vector.broadcast %add3A_782 : i32 to vector<16xi32>
    %add3A_784 = arith.addi %add3A_783, %iota3A : vector<16xi32>
    %gather3A_785 = tpu.vector_load_idx %arg8[%add3A_784, %broadcast_in_dim3A_6] : memref<496x32xi32, #tpu.memory_space<vmem>>[vector<16xi32>, vector<16xi32>], vector<16xi32>,
    %swap3A_786 = arith.constant 1904 : index
    %swap3A_787 = tpu.vector_load %arg9[%swap3A_786] {strides = array<i32>} : memref<1984xi32, #tpu.memory_space<vmem>>, vector<16xi32>,
    tpu.vector_store %arg9[%swap3A_786], %gather3A_785 {strides = array<i32>} : memref<1984xi32, #tpu.memory_space<vmem>>, vector<16xi32>,
    %add3A_788 = arith.constant 432 : i32
    %add3A_789 = vector.broadcast %add3A_788 : i32 to vector<16xi32>
    %add3A_790 = arith.addi %add3A_789, %iota3A : vector<16xi32>
    %gather3A_791 = tpu.vector_load_idx %arg8[%add3A_790, %broadcast_in_dim3A_6] : memref<496x32xi32, #tpu.memory_space<vmem>>[vector<16xi32>, vector<16xi32>], vector<16xi32>,
    %swap3A_792 = arith.constant 1920 : index
    %swap3A_793 = tpu.vector_load %arg9[%swap3A_792] {strides = array<i32>} : memref<1984xi32, #tpu.memory_space<vmem>>, vector<16xi32>,
    tpu.vector_store %arg9[%swap3A_792], %gather3A_791 {strides = array<i32>} : memref<1984xi32, #tpu.memory_space<vmem>>, vector<16xi32>,
    %add3A_794 = arith.constant 448 : i32
    %add3A_795 = vector.broadcast %add3A_794 : i32 to vector<16xi32>
    %add3A_796 = arith.addi %add3A_795, %iota3A : vector<16xi32>
    %gather3A_797 = tpu.vector_load_idx %arg8[%add3A_796, %broadcast_in_dim3A_6] : memref<496x32xi32, #tpu.memory_space<vmem>>[vector<16xi32>, vector<16xi32>], vector<16xi32>,
    %swap3A_798 = arith.constant 1936 : index
    %swap3A_799 = tpu.vector_load %arg9[%swap3A_798] {strides = array<i32>} : memref<1984xi32, #tpu.memory_space<vmem>>, vector<16xi32>,
    tpu.vector_store %arg9[%swap3A_798], %gather3A_797 {strides = array<i32>} : memref<1984xi32, #tpu.memory_space<vmem>>, vector<16xi32>,
    %add3A_800 = arith.constant 464 : i32
    %add3A_801 = vector.broadcast %add3A_800 : i32 to vector<16xi32>
    %add3A_802 = arith.addi %add3A_801, %iota3A : vector<16xi32>
    %gather3A_803 = tpu.vector_load_idx %arg8[%add3A_802, %broadcast_in_dim3A_6] : memref<496x32xi32, #tpu.memory_space<vmem>>[vector<16xi32>, vector<16xi32>], vector<16xi32>,
    %swap3A_804 = arith.constant 1952 : index
    %swap3A_805 = tpu.vector_load %arg9[%swap3A_804] {strides = array<i32>} : memref<1984xi32, #tpu.memory_space<vmem>>, vector<16xi32>,
    tpu.vector_store %arg9[%swap3A_804], %gather3A_803 {strides = array<i32>} : memref<1984xi32, #tpu.memory_space<vmem>>, vector<16xi32>,
    %add3A_806 = arith.constant 480 : i32
    %add3A_807 = vector.broadcast %add3A_806 : i32 to vector<16xi32>
    %add3A_808 = arith.addi %add3A_807, %iota3A : vector<16xi32>
    %gather3A_809 = tpu.vector_load_idx %arg8[%add3A_808, %broadcast_in_dim3A_6] : memref<496x32xi32, #tpu.memory_space<vmem>>[vector<16xi32>, vector<16xi32>], vector<16xi32>,
    %swap3A_810 = arith.constant 1968 : index
    %swap3A_811 = tpu.vector_load %arg9[%swap3A_810] {strides = array<i32>} : memref<1984xi32, #tpu.memory_space<vmem>>, vector<16xi32>,
    tpu.vector_store %arg9[%swap3A_810], %gather3A_809 {strides = array<i32>} : memref<1984xi32, #tpu.memory_space<vmem>>, vector<16xi32>,
    %add3A_812 = arith.constant 1456 : i32
    %add3A_813 = arith.addi %mul3A_5, %add3A_812 : i32
    %dma_start3A_814 = arith.constant 1488 : i32
    %dma_start3A_815 = tpu.memref_slice %arg9[%dma_start3A_814] : memref<1984xi32, #tpu.memory_space<vmem>> -> memref<496xi32, #tpu.memory_space<vmem>>
    %dma_start3A_816 = tpu.memref_slice %arg16[%add3A_813] : memref<31250xi32, #tpu.memory_space<vmem_shared>> -> memref<496xi32, #tpu.memory_space<vmem_shared>>
    %dma_start3A_817 = tpu.memref_slice %arg16[%add3A_813] : memref<31250xi32, #tpu.memory_space<vmem_shared>> -> memref<496xi32, #tpu.memory_space<vmem_shared>>
    %dma_start3A_818 = arith.constant 1488 : i32
    %dma_start3A_819 = tpu.memref_slice %arg9[%dma_start3A_818] : memref<1984xi32, #tpu.memory_space<vmem>> -> memref<496xi32, #tpu.memory_space<vmem>>
    tpu.enqueue_dma source(%dma_start3A_819 : memref<496xi32, #tpu.memory_space<vmem>>) target(%dma_start3A_817 : memref<496xi32, #tpu.memory_space<vmem_shared>>) target_semaphore(%arg19 : memref<!tpu.dma_semaphore, #tpu.memory_space<semaphore_mem>>)
    %dma_wait3A_820 = arith.constant 0 : i32
    %dma_wait3A_821 = tpu.memref_slice %arg9[%dma_wait3A_820] : memref<1984xi32, #tpu.memory_space<vmem>> -> memref<496xi32, #tpu.memory_space<vmem>>
    %dma_wait3A_822 = tpu.memref_slice %arg16[%add3A_207] : memref<31250xi32, #tpu.memory_space<vmem_shared>> -> memref<496xi32, #tpu.memory_space<vmem_shared>>
    %dma_wait3A_823 = tpu.memref_slice %arg16[%add3A_207] : memref<31250xi32, #tpu.memory_space<vmem_shared>> -> memref<496xi32, #tpu.memory_space<vmem_shared>>
    %dma_wait3A_824 = arith.constant 0 : i32
    %dma_wait3A_825 = tpu.memref_slice %arg9[%dma_wait3A_824] : memref<1984xi32, #tpu.memory_space<vmem>> -> memref<496xi32, #tpu.memory_space<vmem>>
    tpu.wait_dma2 semaphore(%arg19 : memref<!tpu.dma_semaphore, #tpu.memory_space<semaphore_mem>>) src(%dma_wait3A_825 : memref<496xi32, #tpu.memory_space<vmem>>) dst(%dma_wait3A_823 : memref<496xi32, #tpu.memory_space<vmem_shared>>)
    %dma_wait3A_826 = arith.constant 496 : i32
    %dma_wait3A_827 = tpu.memref_slice %arg9[%dma_wait3A_826] : memref<1984xi32, #tpu.memory_space<vmem>> -> memref<496xi32, #tpu.memory_space<vmem>>
    %dma_wait3A_828 = tpu.memref_slice %arg16[%add3A_411] : memref<31250xi32, #tpu.memory_space<vmem_shared>> -> memref<496xi32, #tpu.memory_space<vmem_shared>>
    %dma_wait3A_829 = tpu.memref_slice %arg16[%add3A_411] : memref<31250xi32, #tpu.memory_space<vmem_shared>> -> memref<496xi32, #tpu.memory_space<vmem_shared>>
    %dma_wait3A_830 = arith.constant 496 : i32
    %dma_wait3A_831 = tpu.memref_slice %arg9[%dma_wait3A_830] : memref<1984xi32, #tpu.memory_space<vmem>> -> memref<496xi32, #tpu.memory_space<vmem>>
    tpu.wait_dma2 semaphore(%arg19 : memref<!tpu.dma_semaphore, #tpu.memory_space<semaphore_mem>>) src(%dma_wait3A_831 : memref<496xi32, #tpu.memory_space<vmem>>) dst(%dma_wait3A_829 : memref<496xi32, #tpu.memory_space<vmem_shared>>)
    %dma_wait3A_832 = arith.constant 992 : i32
    %dma_wait3A_833 = tpu.memref_slice %arg9[%dma_wait3A_832] : memref<1984xi32, #tpu.memory_space<vmem>> -> memref<496xi32, #tpu.memory_space<vmem>>
    %dma_wait3A_834 = tpu.memref_slice %arg16[%add3A_615] : memref<31250xi32, #tpu.memory_space<vmem_shared>> -> memref<496xi32, #tpu.memory_space<vmem_shared>>
    %dma_wait3A_835 = tpu.memref_slice %arg16[%add3A_615] : memref<31250xi32, #tpu.memory_space<vmem_shared>> -> memref<496xi32, #tpu.memory_space<vmem_shared>>
    %dma_wait3A_836 = arith.constant 992 : i32
    %dma_wait3A_837 = tpu.memref_slice %arg9[%dma_wait3A_836] : memref<1984xi32, #tpu.memory_space<vmem>> -> memref<496xi32, #tpu.memory_space<vmem>>
    tpu.wait_dma2 semaphore(%arg19 : memref<!tpu.dma_semaphore, #tpu.memory_space<semaphore_mem>>) src(%dma_wait3A_837 : memref<496xi32, #tpu.memory_space<vmem>>) dst(%dma_wait3A_835 : memref<496xi32, #tpu.memory_space<vmem_shared>>)
    %dma_wait3A_838 = arith.constant 1488 : i32
    %dma_wait3A_839 = tpu.memref_slice %arg9[%dma_wait3A_838] : memref<1984xi32, #tpu.memory_space<vmem>> -> memref<496xi32, #tpu.memory_space<vmem>>
    %dma_wait3A_840 = tpu.memref_slice %arg16[%add3A_813] : memref<31250xi32, #tpu.memory_space<vmem_shared>> -> memref<496xi32, #tpu.memory_space<vmem_shared>>
    %dma_wait3A_841 = tpu.memref_slice %arg16[%add3A_813] : memref<31250xi32, #tpu.memory_space<vmem_shared>> -> memref<496xi32, #tpu.memory_space<vmem_shared>>
    %dma_wait3A_842 = arith.constant 1488 : i32
    %dma_wait3A_843 = tpu.memref_slice %arg9[%dma_wait3A_842] : memref<1984xi32, #tpu.memory_space<vmem>> -> memref<496xi32, #tpu.memory_space<vmem>>
    tpu.wait_dma2 semaphore(%arg19 : memref<!tpu.dma_semaphore, #tpu.memory_space<semaphore_mem>>) src(%dma_wait3A_843 : memref<496xi32, #tpu.memory_space<vmem>>) dst(%dma_wait3A_841 : memref<496xi32, #tpu.memory_space<vmem_shared>>)
    %eq3A = arith.constant 0 : i32
    "tpu.trace_stop"() : () -> ()
    %eq3A_844 = arith.cmpi eq, %arg1, %eq3A : i32
    %convert_element_type3A = arith.extui %eq3A_844 : i1 to i32
    %cond3A = arith.constant 0 : i32
    %cond3A_845 = arith.cmpi ne, %convert_element_type3A, %cond3A : i32
    scf.if %cond3A_845 {
      "tpu.region"() ({
        %run_scoped3A = tpu.sem_alloc : memref<!tpu.dma_semaphore, #tpu.memory_space<semaphore_mem>>
        %dma_start3A_890 = arith.constant 0 : i32
        %dma_start3A_891 = arith.constant 0 : i32
        %dma_start3A_892 = tpu.memref_slice %arg7[%dma_start3A_890, %dma_start3A_891] : memref<496x32xi32, #tpu.memory_space<vmem>> -> memref<18x32xi32, #tpu.memory_space<vmem>>
        %dma_start3A_893 = arith.constant 31232 : i32
        %dma_start3A_894 = arith.constant 0 : i32
        %dma_start3A_895 = tpu.memref_slice %arg3[%dma_start3A_893, %dma_start3A_894] : memref<31250x32xi32, #tpu.memory_space<hbm>> -> memref<18x32xi32, #tpu.memory_space<hbm>>
        %dma_start3A_896 = arith.constant 0 : i32
        %dma_start3A_897 = arith.constant 0 : i32
        %dma_start3A_898 = tpu.memref_slice %arg7[%dma_start3A_896, %dma_start3A_897] : memref<496x32xi32, #tpu.memory_space<vmem>> -> memref<18x32xi32, #tpu.memory_space<vmem>>
        %dma_start3A_899 = arith.constant 31232 : i32
        %dma_start3A_900 = arith.constant 0 : i32
        %dma_start3A_901 = tpu.memref_slice %arg3[%dma_start3A_899, %dma_start3A_900] : memref<31250x32xi32, #tpu.memory_space<hbm>> -> memref<18x32xi32, #tpu.memory_space<hbm>>
        tpu.enqueue_dma source(%dma_start3A_901 : memref<18x32xi32, #tpu.memory_space<hbm>>) target(%dma_start3A_898 : memref<18x32xi32, #tpu.memory_space<vmem>>) target_semaphore(%run_scoped3A : memref<!tpu.dma_semaphore, #tpu.memory_space<semaphore_mem>>)
        %dma_wait3A_902 = arith.constant 0 : i32
        %dma_wait3A_903 = arith.constant 0 : i32
        %dma_wait3A_904 = tpu.memref_slice %arg7[%dma_wait3A_902, %dma_wait3A_903] : memref<496x32xi32, #tpu.memory_space<vmem>> -> memref<18x32xi32, #tpu.memory_space<vmem>>
        %dma_wait3A_905 = arith.constant 31232 : i32
        %dma_wait3A_906 = arith.constant 0 : i32
        %dma_wait3A_907 = tpu.memref_slice %arg3[%dma_wait3A_905, %dma_wait3A_906] : memref<31250x32xi32, #tpu.memory_space<hbm>> -> memref<18x32xi32, #tpu.memory_space<hbm>>
        %dma_wait3A_908 = arith.constant 0 : i32
        %dma_wait3A_909 = arith.constant 0 : i32
        %dma_wait3A_910 = tpu.memref_slice %arg7[%dma_wait3A_908, %dma_wait3A_909] : memref<496x32xi32, #tpu.memory_space<vmem>> -> memref<18x32xi32, #tpu.memory_space<vmem>>
        %dma_wait3A_911 = arith.constant 31232 : i32
        %dma_wait3A_912 = arith.constant 0 : i32
        %dma_wait3A_913 = tpu.memref_slice %arg3[%dma_wait3A_911, %dma_wait3A_912] : memref<31250x32xi32, #tpu.memory_space<hbm>> -> memref<18x32xi32, #tpu.memory_space<hbm>>
        tpu.wait_dma2 semaphore(%run_scoped3A : memref<!tpu.dma_semaphore, #tpu.memory_space<semaphore_mem>>) src(%dma_wait3A_913 : memref<18x32xi32, #tpu.memory_space<hbm>>) dst(%dma_wait3A_910 : memref<18x32xi32, #tpu.memory_space<vmem>>)
        tpu.yield
      }) : () -> ()
      %add3A_873 = arith.constant 0 : i32
      %add3A_874 = vector.broadcast %add3A_873 : i32 to vector<16xi32>
      %add3A_875 = arith.addi %add3A_874, %iota3A : vector<16xi32>
      %min3A = arith.constant 17 : i32
      %min3A_876 = vector.broadcast %min3A : i32 to vector<16xi32>
      %min3A_877 = arith.minsi %add3A_875, %min3A_876 : vector<16xi32>
      %gather3A_878 = tpu.vector_load_idx %arg7[%min3A_877, %broadcast_in_dim3A_6] : memref<496x32xi32, #tpu.memory_space<vmem>>[vector<16xi32>, vector<16xi32>], vector<16xi32>,
      %swap3A_879 = arith.constant 0 : index
      %swap3A_880 = tpu.vector_load %arg9[%swap3A_879] {strides = array<i32>} : memref<1984xi32, #tpu.memory_space<vmem>>, vector<16xi32>,
      tpu.vector_store %arg9[%swap3A_879], %gather3A_878 {strides = array<i32>} : memref<1984xi32, #tpu.memory_space<vmem>>, vector<16xi32>,
      %add3A_881 = arith.constant 16 : i32
      %add3A_882 = vector.broadcast %add3A_881 : i32 to vector<16xi32>
      %add3A_883 = arith.addi %add3A_882, %iota3A : vector<16xi32>
      %min3A_884 = arith.constant 17 : i32
      %min3A_885 = vector.broadcast %min3A_884 : i32 to vector<16xi32>
      %min3A_886 = arith.minsi %add3A_883, %min3A_885 : vector<16xi32>
      %gather3A_887 = tpu.vector_load_idx %arg7[%min3A_886, %broadcast_in_dim3A_6] : memref<496x32xi32, #tpu.memory_space<vmem>>[vector<16xi32>, vector<16xi32>], vector<16xi32>,
      %swap3A_888 = arith.constant 16 : index
      %swap3A_889 = tpu.vector_load %arg9[%swap3A_888] {strides = array<i32>} : memref<1984xi32, #tpu.memory_space<vmem>>, vector<16xi32>,
      tpu.vector_store %arg9[%swap3A_888], %gather3A_887 {strides = array<i32>} : memref<1984xi32, #tpu.memory_space<vmem>>, vector<16xi32>,
      "tpu.region"() ({
        %run_scoped3A = tpu.sem_alloc : memref<!tpu.dma_semaphore, #tpu.memory_space<semaphore_mem>>
        %dma_start3A_890 = arith.constant 0 : i32
        %dma_start3A_891 = tpu.memref_slice %arg9[%dma_start3A_890] : memref<1984xi32, #tpu.memory_space<vmem>> -> memref<18xi32, #tpu.memory_space<vmem>>
        %dma_start3A_892 = arith.constant 31232 : i32
        %dma_start3A_893 = tpu.memref_slice %arg16[%dma_start3A_892] : memref<31250xi32, #tpu.memory_space<vmem_shared>> -> memref<18xi32, #tpu.memory_space<vmem_shared>>
        %dma_start3A_894 = arith.constant 31232 : i32
        %dma_start3A_895 = tpu.memref_slice %arg16[%dma_start3A_894] : memref<31250xi32, #tpu.memory_space<vmem_shared>> -> memref<18xi32, #tpu.memory_space<vmem_shared>>
        %dma_start3A_896 = arith.constant 0 : i32
        %dma_start3A_897 = tpu.memref_slice %arg9[%dma_start3A_896] : memref<1984xi32, #tpu.memory_space<vmem>> -> memref<18xi32, #tpu.memory_space<vmem>>
        tpu.enqueue_dma source(%dma_start3A_897 : memref<18xi32, #tpu.memory_space<vmem>>) target(%dma_start3A_895 : memref<18xi32, #tpu.memory_space<vmem_shared>>) target_semaphore(%run_scoped3A : memref<!tpu.dma_semaphore, #tpu.memory_space<semaphore_mem>>)
        %dma_wait3A_898 = arith.constant 0 : i32
        %dma_wait3A_899 = tpu.memref_slice %arg9[%dma_wait3A_898] : memref<1984xi32, #tpu.memory_space<vmem>> -> memref<18xi32, #tpu.memory_space<vmem>>
        %dma_wait3A_900 = arith.constant 31232 : i32
        %dma_wait3A_901 = tpu.memref_slice %arg16[%dma_wait3A_900] : memref<31250xi32, #tpu.memory_space<vmem_shared>> -> memref<18xi32, #tpu.memory_space<vmem_shared>>
        %dma_wait3A_902 = arith.constant 31232 : i32
        %dma_wait3A_903 = tpu.memref_slice %arg16[%dma_wait3A_902] : memref<31250xi32, #tpu.memory_space<vmem_shared>> -> memref<18xi32, #tpu.memory_space<vmem_shared>>
        %dma_wait3A_904 = arith.constant 0 : i32
        %dma_wait3A_905 = tpu.memref_slice %arg9[%dma_wait3A_904] : memref<1984xi32, #tpu.memory_space<vmem>> -> memref<18xi32, #tpu.memory_space<vmem>>
        tpu.wait_dma2 semaphore(%run_scoped3A : memref<!tpu.dma_semaphore, #tpu.memory_space<semaphore_mem>>) src(%dma_wait3A_905 : memref<18xi32, #tpu.memory_space<vmem>>) dst(%dma_wait3A_903 : memref<18xi32, #tpu.memory_space<vmem_shared>>)
        tpu.yield
      }) : () -> ()
    } else {
    }
    "tpu.trace_start"() <{level = 10 : i32, message = "bm_barrier"}> : () -> ()
    %barrier3A = arith.constant 0 : index
    tpu.barrier barrier_id(%barrier3A)
    "tpu.trace_stop"() : () -> ()
    "tpu.trace_start"() <{level = 10 : i32, message = "bm_bcast"}> : () -> ()
    "tpu.region"() ({
      %run_scoped3A = tpu.sem_alloc : memref<!tpu.dma_semaphore, #tpu.memory_space<semaphore_mem>>
      tpu.enqueue_dma source(%arg16 : memref<31250xi32, #tpu.memory_space<vmem_shared>>) target(%arg6 : memref<31250xi32, #tpu.memory_space<vmem>>) target_semaphore(%run_scoped3A : memref<!tpu.dma_semaphore, #tpu.memory_space<semaphore_mem>>)
      tpu.wait_dma2 semaphore(%run_scoped3A : memref<!tpu.dma_semaphore, #tpu.memory_space<semaphore_mem>>) src(%arg16 : memref<31250xi32, #tpu.memory_space<vmem_shared>>) dst(%arg6 : memref<31250xi32, #tpu.memory_space<vmem>>)
      tpu.yield
    }) : () -> ()
    "tpu.trace_stop"() : () -> ()
    %dma_wait3A_846 = tpu.memref_slice %arg2[%mul3A_2] : memref<16384xi32, #tpu.memory_space<hbm>> -> memref<512xi32, #tpu.memory_space<hbm>>
    %dma_wait3A_847 = tpu.memref_slice %arg2[%mul3A_2] : memref<16384xi32, #tpu.memory_space<hbm>> -> memref<512xi32, #tpu.memory_space<hbm>>
    tpu.wait_dma2 semaphore(%arg17 : memref<!tpu.dma_semaphore, #tpu.memory_space<semaphore_mem>>) src(%dma_wait3A_847 : memref<512xi32, #tpu.memory_space<hbm>>) dst(%arg10 : memref<512xi32, #tpu.memory_space<vmem>>)
    "tpu.trace_start"() <{level = 10 : i32, message = "pass1"}> : () -> ()
    %scan3A = arith.constant 0 : i32
    %scan3A_848 = arith.constant 0 : i32
    %scan3A_849 = arith.constant 4 : i32
    %scan3A_850 = arith.addi %scan3A_848, %scan3A_849 : i32
    %scan3A_851 = arith.constant 1 : i32
    %scan3A_852 = scf.for %scan3A_873 = %scan3A_848 to %scan3A_850 step %scan3A_851 iter_args(%scan3A_874 = %scan3A) -> (i32)  : i32 {
      %mul3A_875 = arith.constant 16 : i32
      %mul3A_876 = arith.muli %scan3A_874, %mul3A_875 : i32
      %add3A_877 = arith.constant 0 : i32
      %add3A_878 = arith.addi %mul3A_876, %add3A_877 : i32
      %add3A_879 = arith.constant 64 : i32
      %add3A_880 = arith.addi %mul3A_876, %add3A_879 : i32
      %add3A_881 = arith.constant 128 : i32
      %add3A_882 = arith.addi %mul3A_876, %add3A_881 : i32
      %add3A_883 = arith.constant 192 : i32
      %add3A_884 = arith.addi %mul3A_876, %add3A_883 : i32
      %add3A_885 = arith.constant 256 : i32
      %add3A_886 = arith.addi %mul3A_876, %add3A_885 : i32
      %add3A_887 = arith.constant 320 : i32
      %add3A_888 = arith.addi %mul3A_876, %add3A_887 : i32
      %add3A_889 = arith.constant 384 : i32
      %add3A_890 = arith.addi %mul3A_876, %add3A_889 : i32
      %add3A_891 = arith.constant 448 : i32
      %add3A_892 = arith.addi %mul3A_876, %add3A_891 : i32
      %get3A = arith.index_cast %add3A_878 : i32 to index
      %get3A_893 = tpu.vector_load %arg10[%get3A] {strides = array<i32>} : memref<512xi32, #tpu.memory_space<vmem>>, vector<16xi32>,
      %get3A_894 = arith.index_cast %add3A_880 : i32 to index
      %get3A_895 = tpu.vector_load %arg10[%get3A_894] {strides = array<i32>} : memref<512xi32, #tpu.memory_space<vmem>>, vector<16xi32>,
      %get3A_896 = arith.index_cast %add3A_882 : i32 to index
      %get3A_897 = tpu.vector_load %arg10[%get3A_896] {strides = array<i32>} : memref<512xi32, #tpu.memory_space<vmem>>, vector<16xi32>,
      %get3A_898 = arith.index_cast %add3A_884 : i32 to index
      %get3A_899 = tpu.vector_load %arg10[%get3A_898] {strides = array<i32>} : memref<512xi32, #tpu.memory_space<vmem>>, vector<16xi32>,
      %get3A_900 = arith.index_cast %add3A_886 : i32 to index
      %get3A_901 = tpu.vector_load %arg10[%get3A_900] {strides = array<i32>} : memref<512xi32, #tpu.memory_space<vmem>>, vector<16xi32>,
      %get3A_902 = arith.index_cast %add3A_888 : i32 to index
      %get3A_903 = tpu.vector_load %arg10[%get3A_902] {strides = array<i32>} : memref<512xi32, #tpu.memory_space<vmem>>, vector<16xi32>,
      %get3A_904 = arith.index_cast %add3A_890 : i32 to index
      %get3A_905 = tpu.vector_load %arg10[%get3A_904] {strides = array<i32>} : memref<512xi32, #tpu.memory_space<vmem>>, vector<16xi32>,
      %get3A_906 = arith.index_cast %add3A_892 : i32 to index
      %get3A_907 = tpu.vector_load %arg10[%get3A_906] {strides = array<i32>} : memref<512xi32, #tpu.memory_space<vmem>>, vector<16xi32>,
      %broadcast_in_dim3A_908 = arith.constant 0 : i32
      %broadcast_in_dim3A_909 = vector.broadcast %broadcast_in_dim3A_908 : i32 to vector<16xi32>
      %broadcast_in_dim3A_910 = arith.constant 0 : i32
      %broadcast_in_dim3A_911 = vector.broadcast %broadcast_in_dim3A_910 : i32 to vector<16xi32>
      %broadcast_in_dim3A_912 = arith.constant 0 : i32
      %broadcast_in_dim3A_913 = vector.broadcast %broadcast_in_dim3A_912 : i32 to vector<16xi32>
      %broadcast_in_dim3A_914 = arith.constant 0 : i32
      %broadcast_in_dim3A_915 = vector.broadcast %broadcast_in_dim3A_914 : i32 to vector<16xi32>
      %broadcast_in_dim3A_916 = arith.constant 0 : i32
      %broadcast_in_dim3A_917 = vector.broadcast %broadcast_in_dim3A_916 : i32 to vector<16xi32>
      %broadcast_in_dim3A_918 = arith.constant 0 : i32
      %broadcast_in_dim3A_919 = vector.broadcast %broadcast_in_dim3A_918 : i32 to vector<16xi32>
      %broadcast_in_dim3A_920 = arith.constant 0 : i32
      %broadcast_in_dim3A_921 = vector.broadcast %broadcast_in_dim3A_920 : i32 to vector<16xi32>
      %broadcast_in_dim3A_922 = arith.constant 0 : i32
      %broadcast_in_dim3A_923 = vector.broadcast %broadcast_in_dim3A_922 : i32 to vector<16xi32>
      %add3A_924 = arith.constant 16384 : i32
      %add3A_925 = vector.broadcast %add3A_924 : i32 to vector<16xi32>
      %add3A_926 = arith.addi %broadcast_in_dim3A_909, %add3A_925 : vector<16xi32>
      %add3A_927 = arith.constant 16384 : i32
      %add3A_928 = vector.broadcast %add3A_927 : i32 to vector<16xi32>
      %add3A_929 = arith.addi %broadcast_in_dim3A_911, %add3A_928 : vector<16xi32>
      %add3A_930 = arith.constant 16384 : i32
      %add3A_931 = vector.broadcast %add3A_930 : i32 to vector<16xi32>
      %add3A_932 = arith.addi %broadcast_in_dim3A_913, %add3A_931 : vector<16xi32>
      %add3A_933 = arith.constant 16384 : i32
      %add3A_934 = vector.broadcast %add3A_933 : i32 to vector<16xi32>
      %add3A_935 = arith.addi %broadcast_in_dim3A_915, %add3A_934 : vector<16xi32>
      %add3A_936 = arith.constant 16384 : i32
      %add3A_937 = vector.broadcast %add3A_936 : i32 to vector<16xi32>
      %add3A_938 = arith.addi %broadcast_in_dim3A_917, %add3A_937 : vector<16xi32>
      %add3A_939 = arith.constant 16384 : i32
      %add3A_940 = vector.broadcast %add3A_939 : i32 to vector<16xi32>
      %add3A_941 = arith.addi %broadcast_in_dim3A_919, %add3A_940 : vector<16xi32>
      %add3A_942 = arith.constant 16384 : i32
      %add3A_943 = vector.broadcast %add3A_942 : i32 to vector<16xi32>
      %add3A_944 = arith.addi %broadcast_in_dim3A_921, %add3A_943 : vector<16xi32>
      %add3A_945 = arith.constant 16384 : i32
      %add3A_946 = vector.broadcast %add3A_945 : i32 to vector<16xi32>
      %add3A_947 = arith.addi %broadcast_in_dim3A_923, %add3A_946 : vector<16xi32>
      %min3A = arith.constant 31250 : i32
      %min3A_948 = vector.broadcast %min3A : i32 to vector<16xi32>
      %min3A_949 = arith.minsi %add3A_926, %min3A_948 : vector<16xi32>
      %sub3A = arith.constant 1 : i32
      %sub3A_950 = vector.broadcast %sub3A : i32 to vector<16xi32>
      %sub3A_951 = arith.subi %min3A_949, %sub3A_950 : vector<16xi32>
      %gather3A_952 = tpu.vector_load_idx %arg6[%sub3A_951] : memref<31250xi32, #tpu.memory_space<vmem>>[vector<16xi32>], vector<16xi32>,
      %min3A_953 = arith.constant 31250 : i32
      %min3A_954 = vector.broadcast %min3A_953 : i32 to vector<16xi32>
      %min3A_955 = arith.minsi %add3A_929, %min3A_954 : vector<16xi32>
      %sub3A_956 = arith.constant 1 : i32
      %sub3A_957 = vector.broadcast %sub3A_956 : i32 to vector<16xi32>
      %sub3A_958 = arith.subi %min3A_955, %sub3A_957 : vector<16xi32>
      %gather3A_959 = tpu.vector_load_idx %arg6[%sub3A_958] : memref<31250xi32, #tpu.memory_space<vmem>>[vector<16xi32>], vector<16xi32>,
      %min3A_960 = arith.constant 31250 : i32
      %min3A_961 = vector.broadcast %min3A_960 : i32 to vector<16xi32>
      %min3A_962 = arith.minsi %add3A_932, %min3A_961 : vector<16xi32>
      %sub3A_963 = arith.constant 1 : i32
      %sub3A_964 = vector.broadcast %sub3A_963 : i32 to vector<16xi32>
      %sub3A_965 = arith.subi %min3A_962, %sub3A_964 : vector<16xi32>
      %gather3A_966 = tpu.vector_load_idx %arg6[%sub3A_965] : memref<31250xi32, #tpu.memory_space<vmem>>[vector<16xi32>], vector<16xi32>,
      %min3A_967 = arith.constant 31250 : i32
      %min3A_968 = vector.broadcast %min3A_967 : i32 to vector<16xi32>
      %min3A_969 = arith.minsi %add3A_935, %min3A_968 : vector<16xi32>
      %sub3A_970 = arith.constant 1 : i32
      %sub3A_971 = vector.broadcast %sub3A_970 : i32 to vector<16xi32>
      %sub3A_972 = arith.subi %min3A_969, %sub3A_971 : vector<16xi32>
      %gather3A_973 = tpu.vector_load_idx %arg6[%sub3A_972] : memref<31250xi32, #tpu.memory_space<vmem>>[vector<16xi32>], vector<16xi32>,
      %min3A_974 = arith.constant 31250 : i32
      %min3A_975 = vector.broadcast %min3A_974 : i32 to vector<16xi32>
      %min3A_976 = arith.minsi %add3A_938, %min3A_975 : vector<16xi32>
      %sub3A_977 = arith.constant 1 : i32
      %sub3A_978 = vector.broadcast %sub3A_977 : i32 to vector<16xi32>
      %sub3A_979 = arith.subi %min3A_976, %sub3A_978 : vector<16xi32>
      %gather3A_980 = tpu.vector_load_idx %arg6[%sub3A_979] : memref<31250xi32, #tpu.memory_space<vmem>>[vector<16xi32>], vector<16xi32>,
      %min3A_981 = arith.constant 31250 : i32
      %min3A_982 = vector.broadcast %min3A_981 : i32 to vector<16xi32>
      %min3A_983 = arith.minsi %add3A_941, %min3A_982 : vector<16xi32>
      %sub3A_984 = arith.constant 1 : i32
      %sub3A_985 = vector.broadcast %sub3A_984 : i32 to vector<16xi32>
      %sub3A_986 = arith.subi %min3A_983, %sub3A_985 : vector<16xi32>
      %gather3A_987 = tpu.vector_load_idx %arg6[%sub3A_986] : memref<31250xi32, #tpu.memory_space<vmem>>[vector<16xi32>], vector<16xi32>,
      %min3A_988 = arith.constant 31250 : i32
      %min3A_989 = vector.broadcast %min3A_988 : i32 to vector<16xi32>
      %min3A_990 = arith.minsi %add3A_944, %min3A_989 : vector<16xi32>
      %sub3A_991 = arith.constant 1 : i32
      %sub3A_992 = vector.broadcast %sub3A_991 : i32 to vector<16xi32>
      %sub3A_993 = arith.subi %min3A_990, %sub3A_992 : vector<16xi32>
      %gather3A_994 = tpu.vector_load_idx %arg6[%sub3A_993] : memref<31250xi32, #tpu.memory_space<vmem>>[vector<16xi32>], vector<16xi32>,
      %min3A_995 = arith.constant 31250 : i32
      %min3A_996 = vector.broadcast %min3A_995 : i32 to vector<16xi32>
      %min3A_997 = arith.minsi %add3A_947, %min3A_996 : vector<16xi32>
      %sub3A_998 = arith.constant 1 : i32
      %sub3A_999 = vector.broadcast %sub3A_998 : i32 to vector<16xi32>
      %sub3A_1000 = arith.subi %min3A_997, %sub3A_999 : vector<16xi32>
      %gather3A_1001 = tpu.vector_load_idx %arg6[%sub3A_1000] : memref<31250xi32, #tpu.memory_space<vmem>>[vector<16xi32>], vector<16xi32>,
      %le3A = arith.constant 31250 : i32
      %le3A_1002 = vector.broadcast %le3A : i32 to vector<16xi32>
      %le3A_1003 = arith.cmpi sle, %add3A_926, %le3A_1002 : vector<16xi32>
      %lt3A = arith.cmpi slt, %gather3A_952, %get3A_893 : vector<16xi32>
      %and3A = arith.andi %le3A_1003, %lt3A : vector<16xi1>
      %select_n3A = arith.select %and3A, %add3A_926, %broadcast_in_dim3A_909 : vector<16xi1>, vector<16xi32>
      %le3A_1004 = arith.constant 31250 : i32
      %le3A_1005 = vector.broadcast %le3A_1004 : i32 to vector<16xi32>
      %le3A_1006 = arith.cmpi sle, %add3A_929, %le3A_1005 : vector<16xi32>
      %lt3A_1007 = arith.cmpi slt, %gather3A_959, %get3A_895 : vector<16xi32>
      %and3A_1008 = arith.andi %le3A_1006, %lt3A_1007 : vector<16xi1>
      %select_n3A_1009 = arith.select %and3A_1008, %add3A_929, %broadcast_in_dim3A_911 : vector<16xi1>, vector<16xi32>
      %le3A_1010 = arith.constant 31250 : i32
      %le3A_1011 = vector.broadcast %le3A_1010 : i32 to vector<16xi32>
      %le3A_1012 = arith.cmpi sle, %add3A_932, %le3A_1011 : vector<16xi32>
      %lt3A_1013 = arith.cmpi slt, %gather3A_966, %get3A_897 : vector<16xi32>
      %and3A_1014 = arith.andi %le3A_1012, %lt3A_1013 : vector<16xi1>
      %select_n3A_1015 = arith.select %and3A_1014, %add3A_932, %broadcast_in_dim3A_913 : vector<16xi1>, vector<16xi32>
      %le3A_1016 = arith.constant 31250 : i32
      %le3A_1017 = vector.broadcast %le3A_1016 : i32 to vector<16xi32>
      %le3A_1018 = arith.cmpi sle, %add3A_935, %le3A_1017 : vector<16xi32>
      %lt3A_1019 = arith.cmpi slt, %gather3A_973, %get3A_899 : vector<16xi32>
      %and3A_1020 = arith.andi %le3A_1018, %lt3A_1019 : vector<16xi1>
      %select_n3A_1021 = arith.select %and3A_1020, %add3A_935, %broadcast_in_dim3A_915 : vector<16xi1>, vector<16xi32>
      %le3A_1022 = arith.constant 31250 : i32
      %le3A_1023 = vector.broadcast %le3A_1022 : i32 to vector<16xi32>
      %le3A_1024 = arith.cmpi sle, %add3A_938, %le3A_1023 : vector<16xi32>
      %lt3A_1025 = arith.cmpi slt, %gather3A_980, %get3A_901 : vector<16xi32>
      %and3A_1026 = arith.andi %le3A_1024, %lt3A_1025 : vector<16xi1>
      %select_n3A_1027 = arith.select %and3A_1026, %add3A_938, %broadcast_in_dim3A_917 : vector<16xi1>, vector<16xi32>
      %le3A_1028 = arith.constant 31250 : i32
      %le3A_1029 = vector.broadcast %le3A_1028 : i32 to vector<16xi32>
      %le3A_1030 = arith.cmpi sle, %add3A_941, %le3A_1029 : vector<16xi32>
      %lt3A_1031 = arith.cmpi slt, %gather3A_987, %get3A_903 : vector<16xi32>
      %and3A_1032 = arith.andi %le3A_1030, %lt3A_1031 : vector<16xi1>
      %select_n3A_1033 = arith.select %and3A_1032, %add3A_941, %broadcast_in_dim3A_919 : vector<16xi1>, vector<16xi32>
      %le3A_1034 = arith.constant 31250 : i32
      %le3A_1035 = vector.broadcast %le3A_1034 : i32 to vector<16xi32>
      %le3A_1036 = arith.cmpi sle, %add3A_944, %le3A_1035 : vector<16xi32>
      %lt3A_1037 = arith.cmpi slt, %gather3A_994, %get3A_905 : vector<16xi32>
      %and3A_1038 = arith.andi %le3A_1036, %lt3A_1037 : vector<16xi1>
      %select_n3A_1039 = arith.select %and3A_1038, %add3A_944, %broadcast_in_dim3A_921 : vector<16xi1>, vector<16xi32>
      %le3A_1040 = arith.constant 31250 : i32
      %le3A_1041 = vector.broadcast %le3A_1040 : i32 to vector<16xi32>
      %le3A_1042 = arith.cmpi sle, %add3A_947, %le3A_1041 : vector<16xi32>
      %lt3A_1043 = arith.cmpi slt, %gather3A_1001, %get3A_907 : vector<16xi32>
      %and3A_1044 = arith.andi %le3A_1042, %lt3A_1043 : vector<16xi1>
      %select_n3A_1045 = arith.select %and3A_1044, %add3A_947, %broadcast_in_dim3A_923 : vector<16xi1>, vector<16xi32>
      %add3A_1046 = arith.constant 8192 : i32
      %add3A_1047 = vector.broadcast %add3A_1046 : i32 to vector<16xi32>
      %add3A_1048 = arith.addi %select_n3A, %add3A_1047 : vector<16xi32>
      %add3A_1049 = arith.constant 8192 : i32
      %add3A_1050 = vector.broadcast %add3A_1049 : i32 to vector<16xi32>
      %add3A_1051 = arith.addi %select_n3A_1009, %add3A_1050 : vector<16xi32>
      %add3A_1052 = arith.constant 8192 : i32
      %add3A_1053 = vector.broadcast %add3A_1052 : i32 to vector<16xi32>
      %add3A_1054 = arith.addi %select_n3A_1015, %add3A_1053 : vector<16xi32>
      %add3A_1055 = arith.constant 8192 : i32
      %add3A_1056 = vector.broadcast %add3A_1055 : i32 to vector<16xi32>
      %add3A_1057 = arith.addi %select_n3A_1021, %add3A_1056 : vector<16xi32>
      %add3A_1058 = arith.constant 8192 : i32
      %add3A_1059 = vector.broadcast %add3A_1058 : i32 to vector<16xi32>
      %add3A_1060 = arith.addi %select_n3A_1027, %add3A_1059 : vector<16xi32>
      %add3A_1061 = arith.constant 8192 : i32
      %add3A_1062 = vector.broadcast %add3A_1061 : i32 to vector<16xi32>
      %add3A_1063 = arith.addi %select_n3A_1033, %add3A_1062 : vector<16xi32>
      %add3A_1064 = arith.constant 8192 : i32
      %add3A_1065 = vector.broadcast %add3A_1064 : i32 to vector<16xi32>
      %add3A_1066 = arith.addi %select_n3A_1039, %add3A_1065 : vector<16xi32>
      %add3A_1067 = arith.constant 8192 : i32
      %add3A_1068 = vector.broadcast %add3A_1067 : i32 to vector<16xi32>
      %add3A_1069 = arith.addi %select_n3A_1045, %add3A_1068 : vector<16xi32>
      %min3A_1070 = arith.constant 31250 : i32
      %min3A_1071 = vector.broadcast %min3A_1070 : i32 to vector<16xi32>
      %min3A_1072 = arith.minsi %add3A_1048, %min3A_1071 : vector<16xi32>
      %sub3A_1073 = arith.constant 1 : i32
      %sub3A_1074 = vector.broadcast %sub3A_1073 : i32 to vector<16xi32>
      %sub3A_1075 = arith.subi %min3A_1072, %sub3A_1074 : vector<16xi32>
      %gather3A_1076 = tpu.vector_load_idx %arg6[%sub3A_1075] : memref<31250xi32, #tpu.memory_space<vmem>>[vector<16xi32>], vector<16xi32>,
      %min3A_1077 = arith.constant 31250 : i32
      %min3A_1078 = vector.broadcast %min3A_1077 : i32 to vector<16xi32>
      %min3A_1079 = arith.minsi %add3A_1051, %min3A_1078 : vector<16xi32>
      %sub3A_1080 = arith.constant 1 : i32
      %sub3A_1081 = vector.broadcast %sub3A_1080 : i32 to vector<16xi32>
      %sub3A_1082 = arith.subi %min3A_1079, %sub3A_1081 : vector<16xi32>
      %gather3A_1083 = tpu.vector_load_idx %arg6[%sub3A_1082] : memref<31250xi32, #tpu.memory_space<vmem>>[vector<16xi32>], vector<16xi32>,
      %min3A_1084 = arith.constant 31250 : i32
      %min3A_1085 = vector.broadcast %min3A_1084 : i32 to vector<16xi32>
      %min3A_1086 = arith.minsi %add3A_1054, %min3A_1085 : vector<16xi32>
      %sub3A_1087 = arith.constant 1 : i32
      %sub3A_1088 = vector.broadcast %sub3A_1087 : i32 to vector<16xi32>
      %sub3A_1089 = arith.subi %min3A_1086, %sub3A_1088 : vector<16xi32>
      %gather3A_1090 = tpu.vector_load_idx %arg6[%sub3A_1089] : memref<31250xi32, #tpu.memory_space<vmem>>[vector<16xi32>], vector<16xi32>,
      %min3A_1091 = arith.constant 31250 : i32
      %min3A_1092 = vector.broadcast %min3A_1091 : i32 to vector<16xi32>
      %min3A_1093 = arith.minsi %add3A_1057, %min3A_1092 : vector<16xi32>
      %sub3A_1094 = arith.constant 1 : i32
      %sub3A_1095 = vector.broadcast %sub3A_1094 : i32 to vector<16xi32>
      %sub3A_1096 = arith.subi %min3A_1093, %sub3A_1095 : vector<16xi32>
      %gather3A_1097 = tpu.vector_load_idx %arg6[%sub3A_1096] : memref<31250xi32, #tpu.memory_space<vmem>>[vector<16xi32>], vector<16xi32>,
      %min3A_1098 = arith.constant 31250 : i32
      %min3A_1099 = vector.broadcast %min3A_1098 : i32 to vector<16xi32>
      %min3A_1100 = arith.minsi %add3A_1060, %min3A_1099 : vector<16xi32>
      %sub3A_1101 = arith.constant 1 : i32
      %sub3A_1102 = vector.broadcast %sub3A_1101 : i32 to vector<16xi32>
      %sub3A_1103 = arith.subi %min3A_1100, %sub3A_1102 : vector<16xi32>
      %gather3A_1104 = tpu.vector_load_idx %arg6[%sub3A_1103] : memref<31250xi32, #tpu.memory_space<vmem>>[vector<16xi32>], vector<16xi32>,
      %min3A_1105 = arith.constant 31250 : i32
      %min3A_1106 = vector.broadcast %min3A_1105 : i32 to vector<16xi32>
      %min3A_1107 = arith.minsi %add3A_1063, %min3A_1106 : vector<16xi32>
      %sub3A_1108 = arith.constant 1 : i32
      %sub3A_1109 = vector.broadcast %sub3A_1108 : i32 to vector<16xi32>
      %sub3A_1110 = arith.subi %min3A_1107, %sub3A_1109 : vector<16xi32>
      %gather3A_1111 = tpu.vector_load_idx %arg6[%sub3A_1110] : memref<31250xi32, #tpu.memory_space<vmem>>[vector<16xi32>], vector<16xi32>,
      %min3A_1112 = arith.constant 31250 : i32
      %min3A_1113 = vector.broadcast %min3A_1112 : i32 to vector<16xi32>
      %min3A_1114 = arith.minsi %add3A_1066, %min3A_1113 : vector<16xi32>
      %sub3A_1115 = arith.constant 1 : i32
      %sub3A_1116 = vector.broadcast %sub3A_1115 : i32 to vector<16xi32>
      %sub3A_1117 = arith.subi %min3A_1114, %sub3A_1116 : vector<16xi32>
      %gather3A_1118 = tpu.vector_load_idx %arg6[%sub3A_1117] : memref<31250xi32, #tpu.memory_space<vmem>>[vector<16xi32>], vector<16xi32>,
      %min3A_1119 = arith.constant 31250 : i32
      %min3A_1120 = vector.broadcast %min3A_1119 : i32 to vector<16xi32>
      %min3A_1121 = arith.minsi %add3A_1069, %min3A_1120 : vector<16xi32>
      %sub3A_1122 = arith.constant 1 : i32
      %sub3A_1123 = vector.broadcast %sub3A_1122 : i32 to vector<16xi32>
      %sub3A_1124 = arith.subi %min3A_1121, %sub3A_1123 : vector<16xi32>
      %gather3A_1125 = tpu.vector_load_idx %arg6[%sub3A_1124] : memref<31250xi32, #tpu.memory_space<vmem>>[vector<16xi32>], vector<16xi32>,
      %le3A_1126 = arith.constant 31250 : i32
      %le3A_1127 = vector.broadcast %le3A_1126 : i32 to vector<16xi32>
      %le3A_1128 = arith.cmpi sle, %add3A_1048, %le3A_1127 : vector<16xi32>
      %lt3A_1129 = arith.cmpi slt, %gather3A_1076, %get3A_893 : vector<16xi32>
      %and3A_1130 = arith.andi %le3A_1128, %lt3A_1129 : vector<16xi1>
      %select_n3A_1131 = arith.select %and3A_1130, %add3A_1048, %select_n3A : vector<16xi1>, vector<16xi32>
      %le3A_1132 = arith.constant 31250 : i32
      %le3A_1133 = vector.broadcast %le3A_1132 : i32 to vector<16xi32>
      %le3A_1134 = arith.cmpi sle, %add3A_1051, %le3A_1133 : vector<16xi32>
      %lt3A_1135 = arith.cmpi slt, %gather3A_1083, %get3A_895 : vector<16xi32>
      %and3A_1136 = arith.andi %le3A_1134, %lt3A_1135 : vector<16xi1>
      %select_n3A_1137 = arith.select %and3A_1136, %add3A_1051, %select_n3A_1009 : vector<16xi1>, vector<16xi32>
      %le3A_1138 = arith.constant 31250 : i32
      %le3A_1139 = vector.broadcast %le3A_1138 : i32 to vector<16xi32>
      %le3A_1140 = arith.cmpi sle, %add3A_1054, %le3A_1139 : vector<16xi32>
      %lt3A_1141 = arith.cmpi slt, %gather3A_1090, %get3A_897 : vector<16xi32>
      %and3A_1142 = arith.andi %le3A_1140, %lt3A_1141 : vector<16xi1>
      %select_n3A_1143 = arith.select %and3A_1142, %add3A_1054, %select_n3A_1015 : vector<16xi1>, vector<16xi32>
      %le3A_1144 = arith.constant 31250 : i32
      %le3A_1145 = vector.broadcast %le3A_1144 : i32 to vector<16xi32>
      %le3A_1146 = arith.cmpi sle, %add3A_1057, %le3A_1145 : vector<16xi32>
      %lt3A_1147 = arith.cmpi slt, %gather3A_1097, %get3A_899 : vector<16xi32>
      %and3A_1148 = arith.andi %le3A_1146, %lt3A_1147 : vector<16xi1>
      %select_n3A_1149 = arith.select %and3A_1148, %add3A_1057, %select_n3A_1021 : vector<16xi1>, vector<16xi32>
      %le3A_1150 = arith.constant 31250 : i32
      %le3A_1151 = vector.broadcast %le3A_1150 : i32 to vector<16xi32>
      %le3A_1152 = arith.cmpi sle, %add3A_1060, %le3A_1151 : vector<16xi32>
      %lt3A_1153 = arith.cmpi slt, %gather3A_1104, %get3A_901 : vector<16xi32>
      %and3A_1154 = arith.andi %le3A_1152, %lt3A_1153 : vector<16xi1>
      %select_n3A_1155 = arith.select %and3A_1154, %add3A_1060, %select_n3A_1027 : vector<16xi1>, vector<16xi32>
      %le3A_1156 = arith.constant 31250 : i32
      %le3A_1157 = vector.broadcast %le3A_1156 : i32 to vector<16xi32>
      %le3A_1158 = arith.cmpi sle, %add3A_1063, %le3A_1157 : vector<16xi32>
      %lt3A_1159 = arith.cmpi slt, %gather3A_1111, %get3A_903 : vector<16xi32>
      %and3A_1160 = arith.andi %le3A_1158, %lt3A_1159 : vector<16xi1>
      %select_n3A_1161 = arith.select %and3A_1160, %add3A_1063, %select_n3A_1033 : vector<16xi1>, vector<16xi32>
      %le3A_1162 = arith.constant 31250 : i32
      %le3A_1163 = vector.broadcast %le3A_1162 : i32 to vector<16xi32>
      %le3A_1164 = arith.cmpi sle, %add3A_1066, %le3A_1163 : vector<16xi32>
      %lt3A_1165 = arith.cmpi slt, %gather3A_1118, %get3A_905 : vector<16xi32>
      %and3A_1166 = arith.andi %le3A_1164, %lt3A_1165 : vector<16xi1>
      %select_n3A_1167 = arith.select %and3A_1166, %add3A_1066, %select_n3A_1039 : vector<16xi1>, vector<16xi32>
      %le3A_1168 = arith.constant 31250 : i32
      %le3A_1169 = vector.broadcast %le3A_1168 : i32 to vector<16xi32>
      %le3A_1170 = arith.cmpi sle, %add3A_1069, %le3A_1169 : vector<16xi32>
      %lt3A_1171 = arith.cmpi slt, %gather3A_1125, %get3A_907 : vector<16xi32>
      %and3A_1172 = arith.andi %le3A_1170, %lt3A_1171 : vector<16xi1>
      %select_n3A_1173 = arith.select %and3A_1172, %add3A_1069, %select_n3A_1045 : vector<16xi1>, vector<16xi32>
      %add3A_1174 = arith.constant 4096 : i32
      %add3A_1175 = vector.broadcast %add3A_1174 : i32 to vector<16xi32>
      %add3A_1176 = arith.addi %select_n3A_1131, %add3A_1175 : vector<16xi32>
      %add3A_1177 = arith.constant 4096 : i32
      %add3A_1178 = vector.broadcast %add3A_1177 : i32 to vector<16xi32>
      %add3A_1179 = arith.addi %select_n3A_1137, %add3A_1178 : vector<16xi32>
      %add3A_1180 = arith.constant 4096 : i32
      %add3A_1181 = vector.broadcast %add3A_1180 : i32 to vector<16xi32>
      %add3A_1182 = arith.addi %select_n3A_1143, %add3A_1181 : vector<16xi32>
      %add3A_1183 = arith.constant 4096 : i32
      %add3A_1184 = vector.broadcast %add3A_1183 : i32 to vector<16xi32>
      %add3A_1185 = arith.addi %select_n3A_1149, %add3A_1184 : vector<16xi32>
      %add3A_1186 = arith.constant 4096 : i32
      %add3A_1187 = vector.broadcast %add3A_1186 : i32 to vector<16xi32>
      %add3A_1188 = arith.addi %select_n3A_1155, %add3A_1187 : vector<16xi32>
      %add3A_1189 = arith.constant 4096 : i32
      %add3A_1190 = vector.broadcast %add3A_1189 : i32 to vector<16xi32>
      %add3A_1191 = arith.addi %select_n3A_1161, %add3A_1190 : vector<16xi32>
      %add3A_1192 = arith.constant 4096 : i32
      %add3A_1193 = vector.broadcast %add3A_1192 : i32 to vector<16xi32>
      %add3A_1194 = arith.addi %select_n3A_1167, %add3A_1193 : vector<16xi32>
      %add3A_1195 = arith.constant 4096 : i32
      %add3A_1196 = vector.broadcast %add3A_1195 : i32 to vector<16xi32>
      %add3A_1197 = arith.addi %select_n3A_1173, %add3A_1196 : vector<16xi32>
      %min3A_1198 = arith.constant 31250 : i32
      %min3A_1199 = vector.broadcast %min3A_1198 : i32 to vector<16xi32>
      %min3A_1200 = arith.minsi %add3A_1176, %min3A_1199 : vector<16xi32>
      %sub3A_1201 = arith.constant 1 : i32
      %sub3A_1202 = vector.broadcast %sub3A_1201 : i32 to vector<16xi32>
      %sub3A_1203 = arith.subi %min3A_1200, %sub3A_1202 : vector<16xi32>
      %gather3A_1204 = tpu.vector_load_idx %arg6[%sub3A_1203] : memref<31250xi32, #tpu.memory_space<vmem>>[vector<16xi32>], vector<16xi32>,
      %min3A_1205 = arith.constant 31250 : i32
      %min3A_1206 = vector.broadcast %min3A_1205 : i32 to vector<16xi32>
      %min3A_1207 = arith.minsi %add3A_1179, %min3A_1206 : vector<16xi32>
      %sub3A_1208 = arith.constant 1 : i32
      %sub3A_1209 = vector.broadcast %sub3A_1208 : i32 to vector<16xi32>
      %sub3A_1210 = arith.subi %min3A_1207, %sub3A_1209 : vector<16xi32>
      %gather3A_1211 = tpu.vector_load_idx %arg6[%sub3A_1210] : memref<31250xi32, #tpu.memory_space<vmem>>[vector<16xi32>], vector<16xi32>,
      %min3A_1212 = arith.constant 31250 : i32
      %min3A_1213 = vector.broadcast %min3A_1212 : i32 to vector<16xi32>
      %min3A_1214 = arith.minsi %add3A_1182, %min3A_1213 : vector<16xi32>
      %sub3A_1215 = arith.constant 1 : i32
      %sub3A_1216 = vector.broadcast %sub3A_1215 : i32 to vector<16xi32>
      %sub3A_1217 = arith.subi %min3A_1214, %sub3A_1216 : vector<16xi32>
      %gather3A_1218 = tpu.vector_load_idx %arg6[%sub3A_1217] : memref<31250xi32, #tpu.memory_space<vmem>>[vector<16xi32>], vector<16xi32>,
      %min3A_1219 = arith.constant 31250 : i32
      %min3A_1220 = vector.broadcast %min3A_1219 : i32 to vector<16xi32>
      %min3A_1221 = arith.minsi %add3A_1185, %min3A_1220 : vector<16xi32>
      %sub3A_1222 = arith.constant 1 : i32
      %sub3A_1223 = vector.broadcast %sub3A_1222 : i32 to vector<16xi32>
      %sub3A_1224 = arith.subi %min3A_1221, %sub3A_1223 : vector<16xi32>
      %gather3A_1225 = tpu.vector_load_idx %arg6[%sub3A_1224] : memref<31250xi32, #tpu.memory_space<vmem>>[vector<16xi32>], vector<16xi32>,
      %min3A_1226 = arith.constant 31250 : i32
      %min3A_1227 = vector.broadcast %min3A_1226 : i32 to vector<16xi32>
      %min3A_1228 = arith.minsi %add3A_1188, %min3A_1227 : vector<16xi32>
      %sub3A_1229 = arith.constant 1 : i32
      %sub3A_1230 = vector.broadcast %sub3A_1229 : i32 to vector<16xi32>
      %sub3A_1231 = arith.subi %min3A_1228, %sub3A_1230 : vector<16xi32>
      %gather3A_1232 = tpu.vector_load_idx %arg6[%sub3A_1231] : memref<31250xi32, #tpu.memory_space<vmem>>[vector<16xi32>], vector<16xi32>,
      %min3A_1233 = arith.constant 31250 : i32
      %min3A_1234 = vector.broadcast %min3A_1233 : i32 to vector<16xi32>
      %min3A_1235 = arith.minsi %add3A_1191, %min3A_1234 : vector<16xi32>
      %sub3A_1236 = arith.constant 1 : i32
      %sub3A_1237 = vector.broadcast %sub3A_1236 : i32 to vector<16xi32>
      %sub3A_1238 = arith.subi %min3A_1235, %sub3A_1237 : vector<16xi32>
      %gather3A_1239 = tpu.vector_load_idx %arg6[%sub3A_1238] : memref<31250xi32, #tpu.memory_space<vmem>>[vector<16xi32>], vector<16xi32>,
      %min3A_1240 = arith.constant 31250 : i32
      %min3A_1241 = vector.broadcast %min3A_1240 : i32 to vector<16xi32>
      %min3A_1242 = arith.minsi %add3A_1194, %min3A_1241 : vector<16xi32>
      %sub3A_1243 = arith.constant 1 : i32
      %sub3A_1244 = vector.broadcast %sub3A_1243 : i32 to vector<16xi32>
      %sub3A_1245 = arith.subi %min3A_1242, %sub3A_1244 : vector<16xi32>
      %gather3A_1246 = tpu.vector_load_idx %arg6[%sub3A_1245] : memref<31250xi32, #tpu.memory_space<vmem>>[vector<16xi32>], vector<16xi32>,
      %min3A_1247 = arith.constant 31250 : i32
      %min3A_1248 = vector.broadcast %min3A_1247 : i32 to vector<16xi32>
      %min3A_1249 = arith.minsi %add3A_1197, %min3A_1248 : vector<16xi32>
      %sub3A_1250 = arith.constant 1 : i32
      %sub3A_1251 = vector.broadcast %sub3A_1250 : i32 to vector<16xi32>
      %sub3A_1252 = arith.subi %min3A_1249, %sub3A_1251 : vector<16xi32>
      %gather3A_1253 = tpu.vector_load_idx %arg6[%sub3A_1252] : memref<31250xi32, #tpu.memory_space<vmem>>[vector<16xi32>], vector<16xi32>,
      %le3A_1254 = arith.constant 31250 : i32
      %le3A_1255 = vector.broadcast %le3A_1254 : i32 to vector<16xi32>
      %le3A_1256 = arith.cmpi sle, %add3A_1176, %le3A_1255 : vector<16xi32>
      %lt3A_1257 = arith.cmpi slt, %gather3A_1204, %get3A_893 : vector<16xi32>
      %and3A_1258 = arith.andi %le3A_1256, %lt3A_1257 : vector<16xi1>
      %select_n3A_1259 = arith.select %and3A_1258, %add3A_1176, %select_n3A_1131 : vector<16xi1>, vector<16xi32>
      %le3A_1260 = arith.constant 31250 : i32
      %le3A_1261 = vector.broadcast %le3A_1260 : i32 to vector<16xi32>
      %le3A_1262 = arith.cmpi sle, %add3A_1179, %le3A_1261 : vector<16xi32>
      %lt3A_1263 = arith.cmpi slt, %gather3A_1211, %get3A_895 : vector<16xi32>
      %and3A_1264 = arith.andi %le3A_1262, %lt3A_1263 : vector<16xi1>
      %select_n3A_1265 = arith.select %and3A_1264, %add3A_1179, %select_n3A_1137 : vector<16xi1>, vector<16xi32>
      %le3A_1266 = arith.constant 31250 : i32
      %le3A_1267 = vector.broadcast %le3A_1266 : i32 to vector<16xi32>
      %le3A_1268 = arith.cmpi sle, %add3A_1182, %le3A_1267 : vector<16xi32>
      %lt3A_1269 = arith.cmpi slt, %gather3A_1218, %get3A_897 : vector<16xi32>
      %and3A_1270 = arith.andi %le3A_1268, %lt3A_1269 : vector<16xi1>
      %select_n3A_1271 = arith.select %and3A_1270, %add3A_1182, %select_n3A_1143 : vector<16xi1>, vector<16xi32>
      %le3A_1272 = arith.constant 31250 : i32
      %le3A_1273 = vector.broadcast %le3A_1272 : i32 to vector<16xi32>
      %le3A_1274 = arith.cmpi sle, %add3A_1185, %le3A_1273 : vector<16xi32>
      %lt3A_1275 = arith.cmpi slt, %gather3A_1225, %get3A_899 : vector<16xi32>
      %and3A_1276 = arith.andi %le3A_1274, %lt3A_1275 : vector<16xi1>
      %select_n3A_1277 = arith.select %and3A_1276, %add3A_1185, %select_n3A_1149 : vector<16xi1>, vector<16xi32>
      %le3A_1278 = arith.constant 31250 : i32
      %le3A_1279 = vector.broadcast %le3A_1278 : i32 to vector<16xi32>
      %le3A_1280 = arith.cmpi sle, %add3A_1188, %le3A_1279 : vector<16xi32>
      %lt3A_1281 = arith.cmpi slt, %gather3A_1232, %get3A_901 : vector<16xi32>
      %and3A_1282 = arith.andi %le3A_1280, %lt3A_1281 : vector<16xi1>
      %select_n3A_1283 = arith.select %and3A_1282, %add3A_1188, %select_n3A_1155 : vector<16xi1>, vector<16xi32>
      %le3A_1284 = arith.constant 31250 : i32
      %le3A_1285 = vector.broadcast %le3A_1284 : i32 to vector<16xi32>
      %le3A_1286 = arith.cmpi sle, %add3A_1191, %le3A_1285 : vector<16xi32>
      %lt3A_1287 = arith.cmpi slt, %gather3A_1239, %get3A_903 : vector<16xi32>
      %and3A_1288 = arith.andi %le3A_1286, %lt3A_1287 : vector<16xi1>
      %select_n3A_1289 = arith.select %and3A_1288, %add3A_1191, %select_n3A_1161 : vector<16xi1>, vector<16xi32>
      %le3A_1290 = arith.constant 31250 : i32
      %le3A_1291 = vector.broadcast %le3A_1290 : i32 to vector<16xi32>
      %le3A_1292 = arith.cmpi sle, %add3A_1194, %le3A_1291 : vector<16xi32>
      %lt3A_1293 = arith.cmpi slt, %gather3A_1246, %get3A_905 : vector<16xi32>
      %and3A_1294 = arith.andi %le3A_1292, %lt3A_1293 : vector<16xi1>
      %select_n3A_1295 = arith.select %and3A_1294, %add3A_1194, %select_n3A_1167 : vector<16xi1>, vector<16xi32>
      %le3A_1296 = arith.constant 31250 : i32
      %le3A_1297 = vector.broadcast %le3A_1296 : i32 to vector<16xi32>
      %le3A_1298 = arith.cmpi sle, %add3A_1197, %le3A_1297 : vector<16xi32>
      %lt3A_1299 = arith.cmpi slt, %gather3A_1253, %get3A_907 : vector<16xi32>
      %and3A_1300 = arith.andi %le3A_1298, %lt3A_1299 : vector<16xi1>
      %select_n3A_1301 = arith.select %and3A_1300, %add3A_1197, %select_n3A_1173 : vector<16xi1>, vector<16xi32>
      %add3A_1302 = arith.constant 2048 : i32
      %add3A_1303 = vector.broadcast %add3A_1302 : i32 to vector<16xi32>
      %add3A_1304 = arith.addi %select_n3A_1259, %add3A_1303 : vector<16xi32>
      %add3A_1305 = arith.constant 2048 : i32
      %add3A_1306 = vector.broadcast %add3A_1305 : i32 to vector<16xi32>
      %add3A_1307 = arith.addi %select_n3A_1265, %add3A_1306 : vector<16xi32>
      %add3A_1308 = arith.constant 2048 : i32
      %add3A_1309 = vector.broadcast %add3A_1308 : i32 to vector<16xi32>
      %add3A_1310 = arith.addi %select_n3A_1271, %add3A_1309 : vector<16xi32>
      %add3A_1311 = arith.constant 2048 : i32
      %add3A_1312 = vector.broadcast %add3A_1311 : i32 to vector<16xi32>
      %add3A_1313 = arith.addi %select_n3A_1277, %add3A_1312 : vector<16xi32>
      %add3A_1314 = arith.constant 2048 : i32
      %add3A_1315 = vector.broadcast %add3A_1314 : i32 to vector<16xi32>
      %add3A_1316 = arith.addi %select_n3A_1283, %add3A_1315 : vector<16xi32>
      %add3A_1317 = arith.constant 2048 : i32
      %add3A_1318 = vector.broadcast %add3A_1317 : i32 to vector<16xi32>
      %add3A_1319 = arith.addi %select_n3A_1289, %add3A_1318 : vector<16xi32>
      %add3A_1320 = arith.constant 2048 : i32
      %add3A_1321 = vector.broadcast %add3A_1320 : i32 to vector<16xi32>
      %add3A_1322 = arith.addi %select_n3A_1295, %add3A_1321 : vector<16xi32>
      %add3A_1323 = arith.constant 2048 : i32
      %add3A_1324 = vector.broadcast %add3A_1323 : i32 to vector<16xi32>
      %add3A_1325 = arith.addi %select_n3A_1301, %add3A_1324 : vector<16xi32>
      %min3A_1326 = arith.constant 31250 : i32
      %min3A_1327 = vector.broadcast %min3A_1326 : i32 to vector<16xi32>
      %min3A_1328 = arith.minsi %add3A_1304, %min3A_1327 : vector<16xi32>
      %sub3A_1329 = arith.constant 1 : i32
      %sub3A_1330 = vector.broadcast %sub3A_1329 : i32 to vector<16xi32>
      %sub3A_1331 = arith.subi %min3A_1328, %sub3A_1330 : vector<16xi32>
      %gather3A_1332 = tpu.vector_load_idx %arg6[%sub3A_1331] : memref<31250xi32, #tpu.memory_space<vmem>>[vector<16xi32>], vector<16xi32>,
      %min3A_1333 = arith.constant 31250 : i32
      %min3A_1334 = vector.broadcast %min3A_1333 : i32 to vector<16xi32>
      %min3A_1335 = arith.minsi %add3A_1307, %min3A_1334 : vector<16xi32>
      %sub3A_1336 = arith.constant 1 : i32
      %sub3A_1337 = vector.broadcast %sub3A_1336 : i32 to vector<16xi32>
      %sub3A_1338 = arith.subi %min3A_1335, %sub3A_1337 : vector<16xi32>
      %gather3A_1339 = tpu.vector_load_idx %arg6[%sub3A_1338] : memref<31250xi32, #tpu.memory_space<vmem>>[vector<16xi32>], vector<16xi32>,
      %min3A_1340 = arith.constant 31250 : i32
      %min3A_1341 = vector.broadcast %min3A_1340 : i32 to vector<16xi32>
      %min3A_1342 = arith.minsi %add3A_1310, %min3A_1341 : vector<16xi32>
      %sub3A_1343 = arith.constant 1 : i32
      %sub3A_1344 = vector.broadcast %sub3A_1343 : i32 to vector<16xi32>
      %sub3A_1345 = arith.subi %min3A_1342, %sub3A_1344 : vector<16xi32>
      %gather3A_1346 = tpu.vector_load_idx %arg6[%sub3A_1345] : memref<31250xi32, #tpu.memory_space<vmem>>[vector<16xi32>], vector<16xi32>,
      %min3A_1347 = arith.constant 31250 : i32
      %min3A_1348 = vector.broadcast %min3A_1347 : i32 to vector<16xi32>
      %min3A_1349 = arith.minsi %add3A_1313, %min3A_1348 : vector<16xi32>
      %sub3A_1350 = arith.constant 1 : i32
      %sub3A_1351 = vector.broadcast %sub3A_1350 : i32 to vector<16xi32>
      %sub3A_1352 = arith.subi %min3A_1349, %sub3A_1351 : vector<16xi32>
      %gather3A_1353 = tpu.vector_load_idx %arg6[%sub3A_1352] : memref<31250xi32, #tpu.memory_space<vmem>>[vector<16xi32>], vector<16xi32>,
      %min3A_1354 = arith.constant 31250 : i32
      %min3A_1355 = vector.broadcast %min3A_1354 : i32 to vector<16xi32>
      %min3A_1356 = arith.minsi %add3A_1316, %min3A_1355 : vector<16xi32>
      %sub3A_1357 = arith.constant 1 : i32
      %sub3A_1358 = vector.broadcast %sub3A_1357 : i32 to vector<16xi32>
      %sub3A_1359 = arith.subi %min3A_1356, %sub3A_1358 : vector<16xi32>
      %gather3A_1360 = tpu.vector_load_idx %arg6[%sub3A_1359] : memref<31250xi32, #tpu.memory_space<vmem>>[vector<16xi32>], vector<16xi32>,
      %min3A_1361 = arith.constant 31250 : i32
      %min3A_1362 = vector.broadcast %min3A_1361 : i32 to vector<16xi32>
      %min3A_1363 = arith.minsi %add3A_1319, %min3A_1362 : vector<16xi32>
      %sub3A_1364 = arith.constant 1 : i32
      %sub3A_1365 = vector.broadcast %sub3A_1364 : i32 to vector<16xi32>
      %sub3A_1366 = arith.subi %min3A_1363, %sub3A_1365 : vector<16xi32>
      %gather3A_1367 = tpu.vector_load_idx %arg6[%sub3A_1366] : memref<31250xi32, #tpu.memory_space<vmem>>[vector<16xi32>], vector<16xi32>,
      %min3A_1368 = arith.constant 31250 : i32
      %min3A_1369 = vector.broadcast %min3A_1368 : i32 to vector<16xi32>
      %min3A_1370 = arith.minsi %add3A_1322, %min3A_1369 : vector<16xi32>
      %sub3A_1371 = arith.constant 1 : i32
      %sub3A_1372 = vector.broadcast %sub3A_1371 : i32 to vector<16xi32>
      %sub3A_1373 = arith.subi %min3A_1370, %sub3A_1372 : vector<16xi32>
      %gather3A_1374 = tpu.vector_load_idx %arg6[%sub3A_1373] : memref<31250xi32, #tpu.memory_space<vmem>>[vector<16xi32>], vector<16xi32>,
      %min3A_1375 = arith.constant 31250 : i32
      %min3A_1376 = vector.broadcast %min3A_1375 : i32 to vector<16xi32>
      %min3A_1377 = arith.minsi %add3A_1325, %min3A_1376 : vector<16xi32>
      %sub3A_1378 = arith.constant 1 : i32
      %sub3A_1379 = vector.broadcast %sub3A_1378 : i32 to vector<16xi32>
      %sub3A_1380 = arith.subi %min3A_1377, %sub3A_1379 : vector<16xi32>
      %gather3A_1381 = tpu.vector_load_idx %arg6[%sub3A_1380] : memref<31250xi32, #tpu.memory_space<vmem>>[vector<16xi32>], vector<16xi32>,
      %le3A_1382 = arith.constant 31250 : i32
      %le3A_1383 = vector.broadcast %le3A_1382 : i32 to vector<16xi32>
      %le3A_1384 = arith.cmpi sle, %add3A_1304, %le3A_1383 : vector<16xi32>
      %lt3A_1385 = arith.cmpi slt, %gather3A_1332, %get3A_893 : vector<16xi32>
      %and3A_1386 = arith.andi %le3A_1384, %lt3A_1385 : vector<16xi1>
      %select_n3A_1387 = arith.select %and3A_1386, %add3A_1304, %select_n3A_1259 : vector<16xi1>, vector<16xi32>
      %le3A_1388 = arith.constant 31250 : i32
      %le3A_1389 = vector.broadcast %le3A_1388 : i32 to vector<16xi32>
      %le3A_1390 = arith.cmpi sle, %add3A_1307, %le3A_1389 : vector<16xi32>
      %lt3A_1391 = arith.cmpi slt, %gather3A_1339, %get3A_895 : vector<16xi32>
      %and3A_1392 = arith.andi %le3A_1390, %lt3A_1391 : vector<16xi1>
      %select_n3A_1393 = arith.select %and3A_1392, %add3A_1307, %select_n3A_1265 : vector<16xi1>, vector<16xi32>
      %le3A_1394 = arith.constant 31250 : i32
      %le3A_1395 = vector.broadcast %le3A_1394 : i32 to vector<16xi32>
      %le3A_1396 = arith.cmpi sle, %add3A_1310, %le3A_1395 : vector<16xi32>
      %lt3A_1397 = arith.cmpi slt, %gather3A_1346, %get3A_897 : vector<16xi32>
      %and3A_1398 = arith.andi %le3A_1396, %lt3A_1397 : vector<16xi1>
      %select_n3A_1399 = arith.select %and3A_1398, %add3A_1310, %select_n3A_1271 : vector<16xi1>, vector<16xi32>
      %le3A_1400 = arith.constant 31250 : i32
      %le3A_1401 = vector.broadcast %le3A_1400 : i32 to vector<16xi32>
      %le3A_1402 = arith.cmpi sle, %add3A_1313, %le3A_1401 : vector<16xi32>
      %lt3A_1403 = arith.cmpi slt, %gather3A_1353, %get3A_899 : vector<16xi32>
      %and3A_1404 = arith.andi %le3A_1402, %lt3A_1403 : vector<16xi1>
      %select_n3A_1405 = arith.select %and3A_1404, %add3A_1313, %select_n3A_1277 : vector<16xi1>, vector<16xi32>
      %le3A_1406 = arith.constant 31250 : i32
      %le3A_1407 = vector.broadcast %le3A_1406 : i32 to vector<16xi32>
      %le3A_1408 = arith.cmpi sle, %add3A_1316, %le3A_1407 : vector<16xi32>
      %lt3A_1409 = arith.cmpi slt, %gather3A_1360, %get3A_901 : vector<16xi32>
      %and3A_1410 = arith.andi %le3A_1408, %lt3A_1409 : vector<16xi1>
      %select_n3A_1411 = arith.select %and3A_1410, %add3A_1316, %select_n3A_1283 : vector<16xi1>, vector<16xi32>
      %le3A_1412 = arith.constant 31250 : i32
      %le3A_1413 = vector.broadcast %le3A_1412 : i32 to vector<16xi32>
      %le3A_1414 = arith.cmpi sle, %add3A_1319, %le3A_1413 : vector<16xi32>
      %lt3A_1415 = arith.cmpi slt, %gather3A_1367, %get3A_903 : vector<16xi32>
      %and3A_1416 = arith.andi %le3A_1414, %lt3A_1415 : vector<16xi1>
      %select_n3A_1417 = arith.select %and3A_1416, %add3A_1319, %select_n3A_1289 : vector<16xi1>, vector<16xi32>
      %le3A_1418 = arith.constant 31250 : i32
      %le3A_1419 = vector.broadcast %le3A_1418 : i32 to vector<16xi32>
      %le3A_1420 = arith.cmpi sle, %add3A_1322, %le3A_1419 : vector<16xi32>
      %lt3A_1421 = arith.cmpi slt, %gather3A_1374, %get3A_905 : vector<16xi32>
      %and3A_1422 = arith.andi %le3A_1420, %lt3A_1421 : vector<16xi1>
      %select_n3A_1423 = arith.select %and3A_1422, %add3A_1322, %select_n3A_1295 : vector<16xi1>, vector<16xi32>
      %le3A_1424 = arith.constant 31250 : i32
      %le3A_1425 = vector.broadcast %le3A_1424 : i32 to vector<16xi32>
      %le3A_1426 = arith.cmpi sle, %add3A_1325, %le3A_1425 : vector<16xi32>
      %lt3A_1427 = arith.cmpi slt, %gather3A_1381, %get3A_907 : vector<16xi32>
      %and3A_1428 = arith.andi %le3A_1426, %lt3A_1427 : vector<16xi1>
      %select_n3A_1429 = arith.select %and3A_1428, %add3A_1325, %select_n3A_1301 : vector<16xi1>, vector<16xi32>
      %add3A_1430 = arith.constant 1024 : i32
      %add3A_1431 = vector.broadcast %add3A_1430 : i32 to vector<16xi32>
      %add3A_1432 = arith.addi %select_n3A_1387, %add3A_1431 : vector<16xi32>
      %add3A_1433 = arith.constant 1024 : i32
      %add3A_1434 = vector.broadcast %add3A_1433 : i32 to vector<16xi32>
      %add3A_1435 = arith.addi %select_n3A_1393, %add3A_1434 : vector<16xi32>
      %add3A_1436 = arith.constant 1024 : i32
      %add3A_1437 = vector.broadcast %add3A_1436 : i32 to vector<16xi32>
      %add3A_1438 = arith.addi %select_n3A_1399, %add3A_1437 : vector<16xi32>
      %add3A_1439 = arith.constant 1024 : i32
      %add3A_1440 = vector.broadcast %add3A_1439 : i32 to vector<16xi32>
      %add3A_1441 = arith.addi %select_n3A_1405, %add3A_1440 : vector<16xi32>
      %add3A_1442 = arith.constant 1024 : i32
      %add3A_1443 = vector.broadcast %add3A_1442 : i32 to vector<16xi32>
      %add3A_1444 = arith.addi %select_n3A_1411, %add3A_1443 : vector<16xi32>
      %add3A_1445 = arith.constant 1024 : i32
      %add3A_1446 = vector.broadcast %add3A_1445 : i32 to vector<16xi32>
      %add3A_1447 = arith.addi %select_n3A_1417, %add3A_1446 : vector<16xi32>
      %add3A_1448 = arith.constant 1024 : i32
      %add3A_1449 = vector.broadcast %add3A_1448 : i32 to vector<16xi32>
      %add3A_1450 = arith.addi %select_n3A_1423, %add3A_1449 : vector<16xi32>
      %add3A_1451 = arith.constant 1024 : i32
      %add3A_1452 = vector.broadcast %add3A_1451 : i32 to vector<16xi32>
      %add3A_1453 = arith.addi %select_n3A_1429, %add3A_1452 : vector<16xi32>
      %min3A_1454 = arith.constant 31250 : i32
      %min3A_1455 = vector.broadcast %min3A_1454 : i32 to vector<16xi32>
      %min3A_1456 = arith.minsi %add3A_1432, %min3A_1455 : vector<16xi32>
      %sub3A_1457 = arith.constant 1 : i32
      %sub3A_1458 = vector.broadcast %sub3A_1457 : i32 to vector<16xi32>
      %sub3A_1459 = arith.subi %min3A_1456, %sub3A_1458 : vector<16xi32>
      %gather3A_1460 = tpu.vector_load_idx %arg6[%sub3A_1459] : memref<31250xi32, #tpu.memory_space<vmem>>[vector<16xi32>], vector<16xi32>,
      %min3A_1461 = arith.constant 31250 : i32
      %min3A_1462 = vector.broadcast %min3A_1461 : i32 to vector<16xi32>
      %min3A_1463 = arith.minsi %add3A_1435, %min3A_1462 : vector<16xi32>
      %sub3A_1464 = arith.constant 1 : i32
      %sub3A_1465 = vector.broadcast %sub3A_1464 : i32 to vector<16xi32>
      %sub3A_1466 = arith.subi %min3A_1463, %sub3A_1465 : vector<16xi32>
      %gather3A_1467 = tpu.vector_load_idx %arg6[%sub3A_1466] : memref<31250xi32, #tpu.memory_space<vmem>>[vector<16xi32>], vector<16xi32>,
      %min3A_1468 = arith.constant 31250 : i32
      %min3A_1469 = vector.broadcast %min3A_1468 : i32 to vector<16xi32>
      %min3A_1470 = arith.minsi %add3A_1438, %min3A_1469 : vector<16xi32>
      %sub3A_1471 = arith.constant 1 : i32
      %sub3A_1472 = vector.broadcast %sub3A_1471 : i32 to vector<16xi32>
      %sub3A_1473 = arith.subi %min3A_1470, %sub3A_1472 : vector<16xi32>
      %gather3A_1474 = tpu.vector_load_idx %arg6[%sub3A_1473] : memref<31250xi32, #tpu.memory_space<vmem>>[vector<16xi32>], vector<16xi32>,
      %min3A_1475 = arith.constant 31250 : i32
      %min3A_1476 = vector.broadcast %min3A_1475 : i32 to vector<16xi32>
      %min3A_1477 = arith.minsi %add3A_1441, %min3A_1476 : vector<16xi32>
      %sub3A_1478 = arith.constant 1 : i32
      %sub3A_1479 = vector.broadcast %sub3A_1478 : i32 to vector<16xi32>
      %sub3A_1480 = arith.subi %min3A_1477, %sub3A_1479 : vector<16xi32>
      %gather3A_1481 = tpu.vector_load_idx %arg6[%sub3A_1480] : memref<31250xi32, #tpu.memory_space<vmem>>[vector<16xi32>], vector<16xi32>,
      %min3A_1482 = arith.constant 31250 : i32
      %min3A_1483 = vector.broadcast %min3A_1482 : i32 to vector<16xi32>
      %min3A_1484 = arith.minsi %add3A_1444, %min3A_1483 : vector<16xi32>
      %sub3A_1485 = arith.constant 1 : i32
      %sub3A_1486 = vector.broadcast %sub3A_1485 : i32 to vector<16xi32>
      %sub3A_1487 = arith.subi %min3A_1484, %sub3A_1486 : vector<16xi32>
      %gather3A_1488 = tpu.vector_load_idx %arg6[%sub3A_1487] : memref<31250xi32, #tpu.memory_space<vmem>>[vector<16xi32>], vector<16xi32>,
      %min3A_1489 = arith.constant 31250 : i32
      %min3A_1490 = vector.broadcast %min3A_1489 : i32 to vector<16xi32>
      %min3A_1491 = arith.minsi %add3A_1447, %min3A_1490 : vector<16xi32>
      %sub3A_1492 = arith.constant 1 : i32
      %sub3A_1493 = vector.broadcast %sub3A_1492 : i32 to vector<16xi32>
      %sub3A_1494 = arith.subi %min3A_1491, %sub3A_1493 : vector<16xi32>
      %gather3A_1495 = tpu.vector_load_idx %arg6[%sub3A_1494] : memref<31250xi32, #tpu.memory_space<vmem>>[vector<16xi32>], vector<16xi32>,
      %min3A_1496 = arith.constant 31250 : i32
      %min3A_1497 = vector.broadcast %min3A_1496 : i32 to vector<16xi32>
      %min3A_1498 = arith.minsi %add3A_1450, %min3A_1497 : vector<16xi32>
      %sub3A_1499 = arith.constant 1 : i32
      %sub3A_1500 = vector.broadcast %sub3A_1499 : i32 to vector<16xi32>
      %sub3A_1501 = arith.subi %min3A_1498, %sub3A_1500 : vector<16xi32>
      %gather3A_1502 = tpu.vector_load_idx %arg6[%sub3A_1501] : memref<31250xi32, #tpu.memory_space<vmem>>[vector<16xi32>], vector<16xi32>,
      %min3A_1503 = arith.constant 31250 : i32
      %min3A_1504 = vector.broadcast %min3A_1503 : i32 to vector<16xi32>
      %min3A_1505 = arith.minsi %add3A_1453, %min3A_1504 : vector<16xi32>
      %sub3A_1506 = arith.constant 1 : i32
      %sub3A_1507 = vector.broadcast %sub3A_1506 : i32 to vector<16xi32>
      %sub3A_1508 = arith.subi %min3A_1505, %sub3A_1507 : vector<16xi32>
      %gather3A_1509 = tpu.vector_load_idx %arg6[%sub3A_1508] : memref<31250xi32, #tpu.memory_space<vmem>>[vector<16xi32>], vector<16xi32>,
      %le3A_1510 = arith.constant 31250 : i32
      %le3A_1511 = vector.broadcast %le3A_1510 : i32 to vector<16xi32>
      %le3A_1512 = arith.cmpi sle, %add3A_1432, %le3A_1511 : vector<16xi32>
      %lt3A_1513 = arith.cmpi slt, %gather3A_1460, %get3A_893 : vector<16xi32>
      %and3A_1514 = arith.andi %le3A_1512, %lt3A_1513 : vector<16xi1>
      %select_n3A_1515 = arith.select %and3A_1514, %add3A_1432, %select_n3A_1387 : vector<16xi1>, vector<16xi32>
      %le3A_1516 = arith.constant 31250 : i32
      %le3A_1517 = vector.broadcast %le3A_1516 : i32 to vector<16xi32>
      %le3A_1518 = arith.cmpi sle, %add3A_1435, %le3A_1517 : vector<16xi32>
      %lt3A_1519 = arith.cmpi slt, %gather3A_1467, %get3A_895 : vector<16xi32>
      %and3A_1520 = arith.andi %le3A_1518, %lt3A_1519 : vector<16xi1>
      %select_n3A_1521 = arith.select %and3A_1520, %add3A_1435, %select_n3A_1393 : vector<16xi1>, vector<16xi32>
      %le3A_1522 = arith.constant 31250 : i32
      %le3A_1523 = vector.broadcast %le3A_1522 : i32 to vector<16xi32>
      %le3A_1524 = arith.cmpi sle, %add3A_1438, %le3A_1523 : vector<16xi32>
      %lt3A_1525 = arith.cmpi slt, %gather3A_1474, %get3A_897 : vector<16xi32>
      %and3A_1526 = arith.andi %le3A_1524, %lt3A_1525 : vector<16xi1>
      %select_n3A_1527 = arith.select %and3A_1526, %add3A_1438, %select_n3A_1399 : vector<16xi1>, vector<16xi32>
      %le3A_1528 = arith.constant 31250 : i32
      %le3A_1529 = vector.broadcast %le3A_1528 : i32 to vector<16xi32>
      %le3A_1530 = arith.cmpi sle, %add3A_1441, %le3A_1529 : vector<16xi32>
      %lt3A_1531 = arith.cmpi slt, %gather3A_1481, %get3A_899 : vector<16xi32>
      %and3A_1532 = arith.andi %le3A_1530, %lt3A_1531 : vector<16xi1>
      %select_n3A_1533 = arith.select %and3A_1532, %add3A_1441, %select_n3A_1405 : vector<16xi1>, vector<16xi32>
      %le3A_1534 = arith.constant 31250 : i32
      %le3A_1535 = vector.broadcast %le3A_1534 : i32 to vector<16xi32>
      %le3A_1536 = arith.cmpi sle, %add3A_1444, %le3A_1535 : vector<16xi32>
      %lt3A_1537 = arith.cmpi slt, %gather3A_1488, %get3A_901 : vector<16xi32>
      %and3A_1538 = arith.andi %le3A_1536, %lt3A_1537 : vector<16xi1>
      %select_n3A_1539 = arith.select %and3A_1538, %add3A_1444, %select_n3A_1411 : vector<16xi1>, vector<16xi32>
      %le3A_1540 = arith.constant 31250 : i32
      %le3A_1541 = vector.broadcast %le3A_1540 : i32 to vector<16xi32>
      %le3A_1542 = arith.cmpi sle, %add3A_1447, %le3A_1541 : vector<16xi32>
      %lt3A_1543 = arith.cmpi slt, %gather3A_1495, %get3A_903 : vector<16xi32>
      %and3A_1544 = arith.andi %le3A_1542, %lt3A_1543 : vector<16xi1>
      %select_n3A_1545 = arith.select %and3A_1544, %add3A_1447, %select_n3A_1417 : vector<16xi1>, vector<16xi32>
      %le3A_1546 = arith.constant 31250 : i32
      %le3A_1547 = vector.broadcast %le3A_1546 : i32 to vector<16xi32>
      %le3A_1548 = arith.cmpi sle, %add3A_1450, %le3A_1547 : vector<16xi32>
      %lt3A_1549 = arith.cmpi slt, %gather3A_1502, %get3A_905 : vector<16xi32>
      %and3A_1550 = arith.andi %le3A_1548, %lt3A_1549 : vector<16xi1>
      %select_n3A_1551 = arith.select %and3A_1550, %add3A_1450, %select_n3A_1423 : vector<16xi1>, vector<16xi32>
      %le3A_1552 = arith.constant 31250 : i32
      %le3A_1553 = vector.broadcast %le3A_1552 : i32 to vector<16xi32>
      %le3A_1554 = arith.cmpi sle, %add3A_1453, %le3A_1553 : vector<16xi32>
      %lt3A_1555 = arith.cmpi slt, %gather3A_1509, %get3A_907 : vector<16xi32>
      %and3A_1556 = arith.andi %le3A_1554, %lt3A_1555 : vector<16xi1>
      %select_n3A_1557 = arith.select %and3A_1556, %add3A_1453, %select_n3A_1429 : vector<16xi1>, vector<16xi32>
      %add3A_1558 = arith.constant 512 : i32
      %add3A_1559 = vector.broadcast %add3A_1558 : i32 to vector<16xi32>
      %add3A_1560 = arith.addi %select_n3A_1515, %add3A_1559 : vector<16xi32>
      %add3A_1561 = arith.constant 512 : i32
      %add3A_1562 = vector.broadcast %add3A_1561 : i32 to vector<16xi32>
      %add3A_1563 = arith.addi %select_n3A_1521, %add3A_1562 : vector<16xi32>
      %add3A_1564 = arith.constant 512 : i32
      %add3A_1565 = vector.broadcast %add3A_1564 : i32 to vector<16xi32>
      %add3A_1566 = arith.addi %select_n3A_1527, %add3A_1565 : vector<16xi32>
      %add3A_1567 = arith.constant 512 : i32
      %add3A_1568 = vector.broadcast %add3A_1567 : i32 to vector<16xi32>
      %add3A_1569 = arith.addi %select_n3A_1533, %add3A_1568 : vector<16xi32>
      %add3A_1570 = arith.constant 512 : i32
      %add3A_1571 = vector.broadcast %add3A_1570 : i32 to vector<16xi32>
      %add3A_1572 = arith.addi %select_n3A_1539, %add3A_1571 : vector<16xi32>
      %add3A_1573 = arith.constant 512 : i32
      %add3A_1574 = vector.broadcast %add3A_1573 : i32 to vector<16xi32>
      %add3A_1575 = arith.addi %select_n3A_1545, %add3A_1574 : vector<16xi32>
      %add3A_1576 = arith.constant 512 : i32
      %add3A_1577 = vector.broadcast %add3A_1576 : i32 to vector<16xi32>
      %add3A_1578 = arith.addi %select_n3A_1551, %add3A_1577 : vector<16xi32>
      %add3A_1579 = arith.constant 512 : i32
      %add3A_1580 = vector.broadcast %add3A_1579 : i32 to vector<16xi32>
      %add3A_1581 = arith.addi %select_n3A_1557, %add3A_1580 : vector<16xi32>
      %min3A_1582 = arith.constant 31250 : i32
      %min3A_1583 = vector.broadcast %min3A_1582 : i32 to vector<16xi32>
      %min3A_1584 = arith.minsi %add3A_1560, %min3A_1583 : vector<16xi32>
      %sub3A_1585 = arith.constant 1 : i32
      %sub3A_1586 = vector.broadcast %sub3A_1585 : i32 to vector<16xi32>
      %sub3A_1587 = arith.subi %min3A_1584, %sub3A_1586 : vector<16xi32>
      %gather3A_1588 = tpu.vector_load_idx %arg6[%sub3A_1587] : memref<31250xi32, #tpu.memory_space<vmem>>[vector<16xi32>], vector<16xi32>,
      %min3A_1589 = arith.constant 31250 : i32
      %min3A_1590 = vector.broadcast %min3A_1589 : i32 to vector<16xi32>
      %min3A_1591 = arith.minsi %add3A_1563, %min3A_1590 : vector<16xi32>
      %sub3A_1592 = arith.constant 1 : i32
      %sub3A_1593 = vector.broadcast %sub3A_1592 : i32 to vector<16xi32>
      %sub3A_1594 = arith.subi %min3A_1591, %sub3A_1593 : vector<16xi32>
      %gather3A_1595 = tpu.vector_load_idx %arg6[%sub3A_1594] : memref<31250xi32, #tpu.memory_space<vmem>>[vector<16xi32>], vector<16xi32>,
      %min3A_1596 = arith.constant 31250 : i32
      %min3A_1597 = vector.broadcast %min3A_1596 : i32 to vector<16xi32>
      %min3A_1598 = arith.minsi %add3A_1566, %min3A_1597 : vector<16xi32>
      %sub3A_1599 = arith.constant 1 : i32
      %sub3A_1600 = vector.broadcast %sub3A_1599 : i32 to vector<16xi32>
      %sub3A_1601 = arith.subi %min3A_1598, %sub3A_1600 : vector<16xi32>
      %gather3A_1602 = tpu.vector_load_idx %arg6[%sub3A_1601] : memref<31250xi32, #tpu.memory_space<vmem>>[vector<16xi32>], vector<16xi32>,
      %min3A_1603 = arith.constant 31250 : i32
      %min3A_1604 = vector.broadcast %min3A_1603 : i32 to vector<16xi32>
      %min3A_1605 = arith.minsi %add3A_1569, %min3A_1604 : vector<16xi32>
      %sub3A_1606 = arith.constant 1 : i32
      %sub3A_1607 = vector.broadcast %sub3A_1606 : i32 to vector<16xi32>
      %sub3A_1608 = arith.subi %min3A_1605, %sub3A_1607 : vector<16xi32>
      %gather3A_1609 = tpu.vector_load_idx %arg6[%sub3A_1608] : memref<31250xi32, #tpu.memory_space<vmem>>[vector<16xi32>], vector<16xi32>,
      %min3A_1610 = arith.constant 31250 : i32
      %min3A_1611 = vector.broadcast %min3A_1610 : i32 to vector<16xi32>
      %min3A_1612 = arith.minsi %add3A_1572, %min3A_1611 : vector<16xi32>
      %sub3A_1613 = arith.constant 1 : i32
      %sub3A_1614 = vector.broadcast %sub3A_1613 : i32 to vector<16xi32>
      %sub3A_1615 = arith.subi %min3A_1612, %sub3A_1614 : vector<16xi32>
      %gather3A_1616 = tpu.vector_load_idx %arg6[%sub3A_1615] : memref<31250xi32, #tpu.memory_space<vmem>>[vector<16xi32>], vector<16xi32>,
      %min3A_1617 = arith.constant 31250 : i32
      %min3A_1618 = vector.broadcast %min3A_1617 : i32 to vector<16xi32>
      %min3A_1619 = arith.minsi %add3A_1575, %min3A_1618 : vector<16xi32>
      %sub3A_1620 = arith.constant 1 : i32
      %sub3A_1621 = vector.broadcast %sub3A_1620 : i32 to vector<16xi32>
      %sub3A_1622 = arith.subi %min3A_1619, %sub3A_1621 : vector<16xi32>
      %gather3A_1623 = tpu.vector_load_idx %arg6[%sub3A_1622] : memref<31250xi32, #tpu.memory_space<vmem>>[vector<16xi32>], vector<16xi32>,
      %min3A_1624 = arith.constant 31250 : i32
      %min3A_1625 = vector.broadcast %min3A_1624 : i32 to vector<16xi32>
      %min3A_1626 = arith.minsi %add3A_1578, %min3A_1625 : vector<16xi32>
      %sub3A_1627 = arith.constant 1 : i32
      %sub3A_1628 = vector.broadcast %sub3A_1627 : i32 to vector<16xi32>
      %sub3A_1629 = arith.subi %min3A_1626, %sub3A_1628 : vector<16xi32>
      %gather3A_1630 = tpu.vector_load_idx %arg6[%sub3A_1629] : memref<31250xi32, #tpu.memory_space<vmem>>[vector<16xi32>], vector<16xi32>,
      %min3A_1631 = arith.constant 31250 : i32
      %min3A_1632 = vector.broadcast %min3A_1631 : i32 to vector<16xi32>
      %min3A_1633 = arith.minsi %add3A_1581, %min3A_1632 : vector<16xi32>
      %sub3A_1634 = arith.constant 1 : i32
      %sub3A_1635 = vector.broadcast %sub3A_1634 : i32 to vector<16xi32>
      %sub3A_1636 = arith.subi %min3A_1633, %sub3A_1635 : vector<16xi32>
      %gather3A_1637 = tpu.vector_load_idx %arg6[%sub3A_1636] : memref<31250xi32, #tpu.memory_space<vmem>>[vector<16xi32>], vector<16xi32>,
      %le3A_1638 = arith.constant 31250 : i32
      %le3A_1639 = vector.broadcast %le3A_1638 : i32 to vector<16xi32>
      %le3A_1640 = arith.cmpi sle, %add3A_1560, %le3A_1639 : vector<16xi32>
      %lt3A_1641 = arith.cmpi slt, %gather3A_1588, %get3A_893 : vector<16xi32>
      %and3A_1642 = arith.andi %le3A_1640, %lt3A_1641 : vector<16xi1>
      %select_n3A_1643 = arith.select %and3A_1642, %add3A_1560, %select_n3A_1515 : vector<16xi1>, vector<16xi32>
      %le3A_1644 = arith.constant 31250 : i32
      %le3A_1645 = vector.broadcast %le3A_1644 : i32 to vector<16xi32>
      %le3A_1646 = arith.cmpi sle, %add3A_1563, %le3A_1645 : vector<16xi32>
      %lt3A_1647 = arith.cmpi slt, %gather3A_1595, %get3A_895 : vector<16xi32>
      %and3A_1648 = arith.andi %le3A_1646, %lt3A_1647 : vector<16xi1>
      %select_n3A_1649 = arith.select %and3A_1648, %add3A_1563, %select_n3A_1521 : vector<16xi1>, vector<16xi32>
      %le3A_1650 = arith.constant 31250 : i32
      %le3A_1651 = vector.broadcast %le3A_1650 : i32 to vector<16xi32>
      %le3A_1652 = arith.cmpi sle, %add3A_1566, %le3A_1651 : vector<16xi32>
      %lt3A_1653 = arith.cmpi slt, %gather3A_1602, %get3A_897 : vector<16xi32>
      %and3A_1654 = arith.andi %le3A_1652, %lt3A_1653 : vector<16xi1>
      %select_n3A_1655 = arith.select %and3A_1654, %add3A_1566, %select_n3A_1527 : vector<16xi1>, vector<16xi32>
      %le3A_1656 = arith.constant 31250 : i32
      %le3A_1657 = vector.broadcast %le3A_1656 : i32 to vector<16xi32>
      %le3A_1658 = arith.cmpi sle, %add3A_1569, %le3A_1657 : vector<16xi32>
      %lt3A_1659 = arith.cmpi slt, %gather3A_1609, %get3A_899 : vector<16xi32>
      %and3A_1660 = arith.andi %le3A_1658, %lt3A_1659 : vector<16xi1>
      %select_n3A_1661 = arith.select %and3A_1660, %add3A_1569, %select_n3A_1533 : vector<16xi1>, vector<16xi32>
      %le3A_1662 = arith.constant 31250 : i32
      %le3A_1663 = vector.broadcast %le3A_1662 : i32 to vector<16xi32>
      %le3A_1664 = arith.cmpi sle, %add3A_1572, %le3A_1663 : vector<16xi32>
      %lt3A_1665 = arith.cmpi slt, %gather3A_1616, %get3A_901 : vector<16xi32>
      %and3A_1666 = arith.andi %le3A_1664, %lt3A_1665 : vector<16xi1>
      %select_n3A_1667 = arith.select %and3A_1666, %add3A_1572, %select_n3A_1539 : vector<16xi1>, vector<16xi32>
      %le3A_1668 = arith.constant 31250 : i32
      %le3A_1669 = vector.broadcast %le3A_1668 : i32 to vector<16xi32>
      %le3A_1670 = arith.cmpi sle, %add3A_1575, %le3A_1669 : vector<16xi32>
      %lt3A_1671 = arith.cmpi slt, %gather3A_1623, %get3A_903 : vector<16xi32>
      %and3A_1672 = arith.andi %le3A_1670, %lt3A_1671 : vector<16xi1>
      %select_n3A_1673 = arith.select %and3A_1672, %add3A_1575, %select_n3A_1545 : vector<16xi1>, vector<16xi32>
      %le3A_1674 = arith.constant 31250 : i32
      %le3A_1675 = vector.broadcast %le3A_1674 : i32 to vector<16xi32>
      %le3A_1676 = arith.cmpi sle, %add3A_1578, %le3A_1675 : vector<16xi32>
      %lt3A_1677 = arith.cmpi slt, %gather3A_1630, %get3A_905 : vector<16xi32>
      %and3A_1678 = arith.andi %le3A_1676, %lt3A_1677 : vector<16xi1>
      %select_n3A_1679 = arith.select %and3A_1678, %add3A_1578, %select_n3A_1551 : vector<16xi1>, vector<16xi32>
      %le3A_1680 = arith.constant 31250 : i32
      %le3A_1681 = vector.broadcast %le3A_1680 : i32 to vector<16xi32>
      %le3A_1682 = arith.cmpi sle, %add3A_1581, %le3A_1681 : vector<16xi32>
      %lt3A_1683 = arith.cmpi slt, %gather3A_1637, %get3A_907 : vector<16xi32>
      %and3A_1684 = arith.andi %le3A_1682, %lt3A_1683 : vector<16xi1>
      %select_n3A_1685 = arith.select %and3A_1684, %add3A_1581, %select_n3A_1557 : vector<16xi1>, vector<16xi32>
      %add3A_1686 = arith.constant 256 : i32
      %add3A_1687 = vector.broadcast %add3A_1686 : i32 to vector<16xi32>
      %add3A_1688 = arith.addi %select_n3A_1643, %add3A_1687 : vector<16xi32>
      %add3A_1689 = arith.constant 256 : i32
      %add3A_1690 = vector.broadcast %add3A_1689 : i32 to vector<16xi32>
      %add3A_1691 = arith.addi %select_n3A_1649, %add3A_1690 : vector<16xi32>
      %add3A_1692 = arith.constant 256 : i32
      %add3A_1693 = vector.broadcast %add3A_1692 : i32 to vector<16xi32>
      %add3A_1694 = arith.addi %select_n3A_1655, %add3A_1693 : vector<16xi32>
      %add3A_1695 = arith.constant 256 : i32
      %add3A_1696 = vector.broadcast %add3A_1695 : i32 to vector<16xi32>
      %add3A_1697 = arith.addi %select_n3A_1661, %add3A_1696 : vector<16xi32>
      %add3A_1698 = arith.constant 256 : i32
      %add3A_1699 = vector.broadcast %add3A_1698 : i32 to vector<16xi32>
      %add3A_1700 = arith.addi %select_n3A_1667, %add3A_1699 : vector<16xi32>
      %add3A_1701 = arith.constant 256 : i32
      %add3A_1702 = vector.broadcast %add3A_1701 : i32 to vector<16xi32>
      %add3A_1703 = arith.addi %select_n3A_1673, %add3A_1702 : vector<16xi32>
      %add3A_1704 = arith.constant 256 : i32
      %add3A_1705 = vector.broadcast %add3A_1704 : i32 to vector<16xi32>
      %add3A_1706 = arith.addi %select_n3A_1679, %add3A_1705 : vector<16xi32>
      %add3A_1707 = arith.constant 256 : i32
      %add3A_1708 = vector.broadcast %add3A_1707 : i32 to vector<16xi32>
      %add3A_1709 = arith.addi %select_n3A_1685, %add3A_1708 : vector<16xi32>
      %min3A_1710 = arith.constant 31250 : i32
      %min3A_1711 = vector.broadcast %min3A_1710 : i32 to vector<16xi32>
      %min3A_1712 = arith.minsi %add3A_1688, %min3A_1711 : vector<16xi32>
      %sub3A_1713 = arith.constant 1 : i32
      %sub3A_1714 = vector.broadcast %sub3A_1713 : i32 to vector<16xi32>
      %sub3A_1715 = arith.subi %min3A_1712, %sub3A_1714 : vector<16xi32>
      %gather3A_1716 = tpu.vector_load_idx %arg6[%sub3A_1715] : memref<31250xi32, #tpu.memory_space<vmem>>[vector<16xi32>], vector<16xi32>,
      %min3A_1717 = arith.constant 31250 : i32
      %min3A_1718 = vector.broadcast %min3A_1717 : i32 to vector<16xi32>
      %min3A_1719 = arith.minsi %add3A_1691, %min3A_1718 : vector<16xi32>
      %sub3A_1720 = arith.constant 1 : i32
      %sub3A_1721 = vector.broadcast %sub3A_1720 : i32 to vector<16xi32>
      %sub3A_1722 = arith.subi %min3A_1719, %sub3A_1721 : vector<16xi32>
      %gather3A_1723 = tpu.vector_load_idx %arg6[%sub3A_1722] : memref<31250xi32, #tpu.memory_space<vmem>>[vector<16xi32>], vector<16xi32>,
      %min3A_1724 = arith.constant 31250 : i32
      %min3A_1725 = vector.broadcast %min3A_1724 : i32 to vector<16xi32>
      %min3A_1726 = arith.minsi %add3A_1694, %min3A_1725 : vector<16xi32>
      %sub3A_1727 = arith.constant 1 : i32
      %sub3A_1728 = vector.broadcast %sub3A_1727 : i32 to vector<16xi32>
      %sub3A_1729 = arith.subi %min3A_1726, %sub3A_1728 : vector<16xi32>
      %gather3A_1730 = tpu.vector_load_idx %arg6[%sub3A_1729] : memref<31250xi32, #tpu.memory_space<vmem>>[vector<16xi32>], vector<16xi32>,
      %min3A_1731 = arith.constant 31250 : i32
      %min3A_1732 = vector.broadcast %min3A_1731 : i32 to vector<16xi32>
      %min3A_1733 = arith.minsi %add3A_1697, %min3A_1732 : vector<16xi32>
      %sub3A_1734 = arith.constant 1 : i32
      %sub3A_1735 = vector.broadcast %sub3A_1734 : i32 to vector<16xi32>
      %sub3A_1736 = arith.subi %min3A_1733, %sub3A_1735 : vector<16xi32>
      %gather3A_1737 = tpu.vector_load_idx %arg6[%sub3A_1736] : memref<31250xi32, #tpu.memory_space<vmem>>[vector<16xi32>], vector<16xi32>,
      %min3A_1738 = arith.constant 31250 : i32
      %min3A_1739 = vector.broadcast %min3A_1738 : i32 to vector<16xi32>
      %min3A_1740 = arith.minsi %add3A_1700, %min3A_1739 : vector<16xi32>
      %sub3A_1741 = arith.constant 1 : i32
      %sub3A_1742 = vector.broadcast %sub3A_1741 : i32 to vector<16xi32>
      %sub3A_1743 = arith.subi %min3A_1740, %sub3A_1742 : vector<16xi32>
      %gather3A_1744 = tpu.vector_load_idx %arg6[%sub3A_1743] : memref<31250xi32, #tpu.memory_space<vmem>>[vector<16xi32>], vector<16xi32>,
      %min3A_1745 = arith.constant 31250 : i32
      %min3A_1746 = vector.broadcast %min3A_1745 : i32 to vector<16xi32>
      %min3A_1747 = arith.minsi %add3A_1703, %min3A_1746 : vector<16xi32>
      %sub3A_1748 = arith.constant 1 : i32
      %sub3A_1749 = vector.broadcast %sub3A_1748 : i32 to vector<16xi32>
      %sub3A_1750 = arith.subi %min3A_1747, %sub3A_1749 : vector<16xi32>
      %gather3A_1751 = tpu.vector_load_idx %arg6[%sub3A_1750] : memref<31250xi32, #tpu.memory_space<vmem>>[vector<16xi32>], vector<16xi32>,
      %min3A_1752 = arith.constant 31250 : i32
      %min3A_1753 = vector.broadcast %min3A_1752 : i32 to vector<16xi32>
      %min3A_1754 = arith.minsi %add3A_1706, %min3A_1753 : vector<16xi32>
      %sub3A_1755 = arith.constant 1 : i32
      %sub3A_1756 = vector.broadcast %sub3A_1755 : i32 to vector<16xi32>
      %sub3A_1757 = arith.subi %min3A_1754, %sub3A_1756 : vector<16xi32>
      %gather3A_1758 = tpu.vector_load_idx %arg6[%sub3A_1757] : memref<31250xi32, #tpu.memory_space<vmem>>[vector<16xi32>], vector<16xi32>,
      %min3A_1759 = arith.constant 31250 : i32
      %min3A_1760 = vector.broadcast %min3A_1759 : i32 to vector<16xi32>
      %min3A_1761 = arith.minsi %add3A_1709, %min3A_1760 : vector<16xi32>
      %sub3A_1762 = arith.constant 1 : i32
      %sub3A_1763 = vector.broadcast %sub3A_1762 : i32 to vector<16xi32>
      %sub3A_1764 = arith.subi %min3A_1761, %sub3A_1763 : vector<16xi32>
      %gather3A_1765 = tpu.vector_load_idx %arg6[%sub3A_1764] : memref<31250xi32, #tpu.memory_space<vmem>>[vector<16xi32>], vector<16xi32>,
      %le3A_1766 = arith.constant 31250 : i32
      %le3A_1767 = vector.broadcast %le3A_1766 : i32 to vector<16xi32>
      %le3A_1768 = arith.cmpi sle, %add3A_1688, %le3A_1767 : vector<16xi32>
      %lt3A_1769 = arith.cmpi slt, %gather3A_1716, %get3A_893 : vector<16xi32>
      %and3A_1770 = arith.andi %le3A_1768, %lt3A_1769 : vector<16xi1>
      %select_n3A_1771 = arith.select %and3A_1770, %add3A_1688, %select_n3A_1643 : vector<16xi1>, vector<16xi32>
      %le3A_1772 = arith.constant 31250 : i32
      %le3A_1773 = vector.broadcast %le3A_1772 : i32 to vector<16xi32>
      %le3A_1774 = arith.cmpi sle, %add3A_1691, %le3A_1773 : vector<16xi32>
      %lt3A_1775 = arith.cmpi slt, %gather3A_1723, %get3A_895 : vector<16xi32>
      %and3A_1776 = arith.andi %le3A_1774, %lt3A_1775 : vector<16xi1>
      %select_n3A_1777 = arith.select %and3A_1776, %add3A_1691, %select_n3A_1649 : vector<16xi1>, vector<16xi32>
      %le3A_1778 = arith.constant 31250 : i32
      %le3A_1779 = vector.broadcast %le3A_1778 : i32 to vector<16xi32>
      %le3A_1780 = arith.cmpi sle, %add3A_1694, %le3A_1779 : vector<16xi32>
      %lt3A_1781 = arith.cmpi slt, %gather3A_1730, %get3A_897 : vector<16xi32>
      %and3A_1782 = arith.andi %le3A_1780, %lt3A_1781 : vector<16xi1>
      %select_n3A_1783 = arith.select %and3A_1782, %add3A_1694, %select_n3A_1655 : vector<16xi1>, vector<16xi32>
      %le3A_1784 = arith.constant 31250 : i32
      %le3A_1785 = vector.broadcast %le3A_1784 : i32 to vector<16xi32>
      %le3A_1786 = arith.cmpi sle, %add3A_1697, %le3A_1785 : vector<16xi32>
      %lt3A_1787 = arith.cmpi slt, %gather3A_1737, %get3A_899 : vector<16xi32>
      %and3A_1788 = arith.andi %le3A_1786, %lt3A_1787 : vector<16xi1>
      %select_n3A_1789 = arith.select %and3A_1788, %add3A_1697, %select_n3A_1661 : vector<16xi1>, vector<16xi32>
      %le3A_1790 = arith.constant 31250 : i32
      %le3A_1791 = vector.broadcast %le3A_1790 : i32 to vector<16xi32>
      %le3A_1792 = arith.cmpi sle, %add3A_1700, %le3A_1791 : vector<16xi32>
      %lt3A_1793 = arith.cmpi slt, %gather3A_1744, %get3A_901 : vector<16xi32>
      %and3A_1794 = arith.andi %le3A_1792, %lt3A_1793 : vector<16xi1>
      %select_n3A_1795 = arith.select %and3A_1794, %add3A_1700, %select_n3A_1667 : vector<16xi1>, vector<16xi32>
      %le3A_1796 = arith.constant 31250 : i32
      %le3A_1797 = vector.broadcast %le3A_1796 : i32 to vector<16xi32>
      %le3A_1798 = arith.cmpi sle, %add3A_1703, %le3A_1797 : vector<16xi32>
      %lt3A_1799 = arith.cmpi slt, %gather3A_1751, %get3A_903 : vector<16xi32>
      %and3A_1800 = arith.andi %le3A_1798, %lt3A_1799 : vector<16xi1>
      %select_n3A_1801 = arith.select %and3A_1800, %add3A_1703, %select_n3A_1673 : vector<16xi1>, vector<16xi32>
      %le3A_1802 = arith.constant 31250 : i32
      %le3A_1803 = vector.broadcast %le3A_1802 : i32 to vector<16xi32>
      %le3A_1804 = arith.cmpi sle, %add3A_1706, %le3A_1803 : vector<16xi32>
      %lt3A_1805 = arith.cmpi slt, %gather3A_1758, %get3A_905 : vector<16xi32>
      %and3A_1806 = arith.andi %le3A_1804, %lt3A_1805 : vector<16xi1>
      %select_n3A_1807 = arith.select %and3A_1806, %add3A_1706, %select_n3A_1679 : vector<16xi1>, vector<16xi32>
      %le3A_1808 = arith.constant 31250 : i32
      %le3A_1809 = vector.broadcast %le3A_1808 : i32 to vector<16xi32>
      %le3A_1810 = arith.cmpi sle, %add3A_1709, %le3A_1809 : vector<16xi32>
      %lt3A_1811 = arith.cmpi slt, %gather3A_1765, %get3A_907 : vector<16xi32>
      %and3A_1812 = arith.andi %le3A_1810, %lt3A_1811 : vector<16xi1>
      %select_n3A_1813 = arith.select %and3A_1812, %add3A_1709, %select_n3A_1685 : vector<16xi1>, vector<16xi32>
      %add3A_1814 = arith.constant 128 : i32
      %add3A_1815 = vector.broadcast %add3A_1814 : i32 to vector<16xi32>
      %add3A_1816 = arith.addi %select_n3A_1771, %add3A_1815 : vector<16xi32>
      %add3A_1817 = arith.constant 128 : i32
      %add3A_1818 = vector.broadcast %add3A_1817 : i32 to vector<16xi32>
      %add3A_1819 = arith.addi %select_n3A_1777, %add3A_1818 : vector<16xi32>
      %add3A_1820 = arith.constant 128 : i32
      %add3A_1821 = vector.broadcast %add3A_1820 : i32 to vector<16xi32>
      %add3A_1822 = arith.addi %select_n3A_1783, %add3A_1821 : vector<16xi32>
      %add3A_1823 = arith.constant 128 : i32
      %add3A_1824 = vector.broadcast %add3A_1823 : i32 to vector<16xi32>
      %add3A_1825 = arith.addi %select_n3A_1789, %add3A_1824 : vector<16xi32>
      %add3A_1826 = arith.constant 128 : i32
      %add3A_1827 = vector.broadcast %add3A_1826 : i32 to vector<16xi32>
      %add3A_1828 = arith.addi %select_n3A_1795, %add3A_1827 : vector<16xi32>
      %add3A_1829 = arith.constant 128 : i32
      %add3A_1830 = vector.broadcast %add3A_1829 : i32 to vector<16xi32>
      %add3A_1831 = arith.addi %select_n3A_1801, %add3A_1830 : vector<16xi32>
      %add3A_1832 = arith.constant 128 : i32
      %add3A_1833 = vector.broadcast %add3A_1832 : i32 to vector<16xi32>
      %add3A_1834 = arith.addi %select_n3A_1807, %add3A_1833 : vector<16xi32>
      %add3A_1835 = arith.constant 128 : i32
      %add3A_1836 = vector.broadcast %add3A_1835 : i32 to vector<16xi32>
      %add3A_1837 = arith.addi %select_n3A_1813, %add3A_1836 : vector<16xi32>
      %min3A_1838 = arith.constant 31250 : i32
      %min3A_1839 = vector.broadcast %min3A_1838 : i32 to vector<16xi32>
      %min3A_1840 = arith.minsi %add3A_1816, %min3A_1839 : vector<16xi32>
      %sub3A_1841 = arith.constant 1 : i32
      %sub3A_1842 = vector.broadcast %sub3A_1841 : i32 to vector<16xi32>
      %sub3A_1843 = arith.subi %min3A_1840, %sub3A_1842 : vector<16xi32>
      %gather3A_1844 = tpu.vector_load_idx %arg6[%sub3A_1843] : memref<31250xi32, #tpu.memory_space<vmem>>[vector<16xi32>], vector<16xi32>,
      %min3A_1845 = arith.constant 31250 : i32
      %min3A_1846 = vector.broadcast %min3A_1845 : i32 to vector<16xi32>
      %min3A_1847 = arith.minsi %add3A_1819, %min3A_1846 : vector<16xi32>
      %sub3A_1848 = arith.constant 1 : i32
      %sub3A_1849 = vector.broadcast %sub3A_1848 : i32 to vector<16xi32>
      %sub3A_1850 = arith.subi %min3A_1847, %sub3A_1849 : vector<16xi32>
      %gather3A_1851 = tpu.vector_load_idx %arg6[%sub3A_1850] : memref<31250xi32, #tpu.memory_space<vmem>>[vector<16xi32>], vector<16xi32>,
      %min3A_1852 = arith.constant 31250 : i32
      %min3A_1853 = vector.broadcast %min3A_1852 : i32 to vector<16xi32>
      %min3A_1854 = arith.minsi %add3A_1822, %min3A_1853 : vector<16xi32>
      %sub3A_1855 = arith.constant 1 : i32
      %sub3A_1856 = vector.broadcast %sub3A_1855 : i32 to vector<16xi32>
      %sub3A_1857 = arith.subi %min3A_1854, %sub3A_1856 : vector<16xi32>
      %gather3A_1858 = tpu.vector_load_idx %arg6[%sub3A_1857] : memref<31250xi32, #tpu.memory_space<vmem>>[vector<16xi32>], vector<16xi32>,
      %min3A_1859 = arith.constant 31250 : i32
      %min3A_1860 = vector.broadcast %min3A_1859 : i32 to vector<16xi32>
      %min3A_1861 = arith.minsi %add3A_1825, %min3A_1860 : vector<16xi32>
      %sub3A_1862 = arith.constant 1 : i32
      %sub3A_1863 = vector.broadcast %sub3A_1862 : i32 to vector<16xi32>
      %sub3A_1864 = arith.subi %min3A_1861, %sub3A_1863 : vector<16xi32>
      %gather3A_1865 = tpu.vector_load_idx %arg6[%sub3A_1864] : memref<31250xi32, #tpu.memory_space<vmem>>[vector<16xi32>], vector<16xi32>,
      %min3A_1866 = arith.constant 31250 : i32
      %min3A_1867 = vector.broadcast %min3A_1866 : i32 to vector<16xi32>
      %min3A_1868 = arith.minsi %add3A_1828, %min3A_1867 : vector<16xi32>
      %sub3A_1869 = arith.constant 1 : i32
      %sub3A_1870 = vector.broadcast %sub3A_1869 : i32 to vector<16xi32>
      %sub3A_1871 = arith.subi %min3A_1868, %sub3A_1870 : vector<16xi32>
      %gather3A_1872 = tpu.vector_load_idx %arg6[%sub3A_1871] : memref<31250xi32, #tpu.memory_space<vmem>>[vector<16xi32>], vector<16xi32>,
      %min3A_1873 = arith.constant 31250 : i32
      %min3A_1874 = vector.broadcast %min3A_1873 : i32 to vector<16xi32>
      %min3A_1875 = arith.minsi %add3A_1831, %min3A_1874 : vector<16xi32>
      %sub3A_1876 = arith.constant 1 : i32
      %sub3A_1877 = vector.broadcast %sub3A_1876 : i32 to vector<16xi32>
      %sub3A_1878 = arith.subi %min3A_1875, %sub3A_1877 : vector<16xi32>
      %gather3A_1879 = tpu.vector_load_idx %arg6[%sub3A_1878] : memref<31250xi32, #tpu.memory_space<vmem>>[vector<16xi32>], vector<16xi32>,
      %min3A_1880 = arith.constant 31250 : i32
      %min3A_1881 = vector.broadcast %min3A_1880 : i32 to vector<16xi32>
      %min3A_1882 = arith.minsi %add3A_1834, %min3A_1881 : vector<16xi32>
      %sub3A_1883 = arith.constant 1 : i32
      %sub3A_1884 = vector.broadcast %sub3A_1883 : i32 to vector<16xi32>
      %sub3A_1885 = arith.subi %min3A_1882, %sub3A_1884 : vector<16xi32>
      %gather3A_1886 = tpu.vector_load_idx %arg6[%sub3A_1885] : memref<31250xi32, #tpu.memory_space<vmem>>[vector<16xi32>], vector<16xi32>,
      %min3A_1887 = arith.constant 31250 : i32
      %min3A_1888 = vector.broadcast %min3A_1887 : i32 to vector<16xi32>
      %min3A_1889 = arith.minsi %add3A_1837, %min3A_1888 : vector<16xi32>
      %sub3A_1890 = arith.constant 1 : i32
      %sub3A_1891 = vector.broadcast %sub3A_1890 : i32 to vector<16xi32>
      %sub3A_1892 = arith.subi %min3A_1889, %sub3A_1891 : vector<16xi32>
      %gather3A_1893 = tpu.vector_load_idx %arg6[%sub3A_1892] : memref<31250xi32, #tpu.memory_space<vmem>>[vector<16xi32>], vector<16xi32>,
      %le3A_1894 = arith.constant 31250 : i32
      %le3A_1895 = vector.broadcast %le3A_1894 : i32 to vector<16xi32>
      %le3A_1896 = arith.cmpi sle, %add3A_1816, %le3A_1895 : vector<16xi32>
      %lt3A_1897 = arith.cmpi slt, %gather3A_1844, %get3A_893 : vector<16xi32>
      %and3A_1898 = arith.andi %le3A_1896, %lt3A_1897 : vector<16xi1>
      %select_n3A_1899 = arith.select %and3A_1898, %add3A_1816, %select_n3A_1771 : vector<16xi1>, vector<16xi32>
      %le3A_1900 = arith.constant 31250 : i32
      %le3A_1901 = vector.broadcast %le3A_1900 : i32 to vector<16xi32>
      %le3A_1902 = arith.cmpi sle, %add3A_1819, %le3A_1901 : vector<16xi32>
      %lt3A_1903 = arith.cmpi slt, %gather3A_1851, %get3A_895 : vector<16xi32>
      %and3A_1904 = arith.andi %le3A_1902, %lt3A_1903 : vector<16xi1>
      %select_n3A_1905 = arith.select %and3A_1904, %add3A_1819, %select_n3A_1777 : vector<16xi1>, vector<16xi32>
      %le3A_1906 = arith.constant 31250 : i32
      %le3A_1907 = vector.broadcast %le3A_1906 : i32 to vector<16xi32>
      %le3A_1908 = arith.cmpi sle, %add3A_1822, %le3A_1907 : vector<16xi32>
      %lt3A_1909 = arith.cmpi slt, %gather3A_1858, %get3A_897 : vector<16xi32>
      %and3A_1910 = arith.andi %le3A_1908, %lt3A_1909 : vector<16xi1>
      %select_n3A_1911 = arith.select %and3A_1910, %add3A_1822, %select_n3A_1783 : vector<16xi1>, vector<16xi32>
      %le3A_1912 = arith.constant 31250 : i32
      %le3A_1913 = vector.broadcast %le3A_1912 : i32 to vector<16xi32>
      %le3A_1914 = arith.cmpi sle, %add3A_1825, %le3A_1913 : vector<16xi32>
      %lt3A_1915 = arith.cmpi slt, %gather3A_1865, %get3A_899 : vector<16xi32>
      %and3A_1916 = arith.andi %le3A_1914, %lt3A_1915 : vector<16xi1>
      %select_n3A_1917 = arith.select %and3A_1916, %add3A_1825, %select_n3A_1789 : vector<16xi1>, vector<16xi32>
      %le3A_1918 = arith.constant 31250 : i32
      %le3A_1919 = vector.broadcast %le3A_1918 : i32 to vector<16xi32>
      %le3A_1920 = arith.cmpi sle, %add3A_1828, %le3A_1919 : vector<16xi32>
      %lt3A_1921 = arith.cmpi slt, %gather3A_1872, %get3A_901 : vector<16xi32>
      %and3A_1922 = arith.andi %le3A_1920, %lt3A_1921 : vector<16xi1>
      %select_n3A_1923 = arith.select %and3A_1922, %add3A_1828, %select_n3A_1795 : vector<16xi1>, vector<16xi32>
      %le3A_1924 = arith.constant 31250 : i32
      %le3A_1925 = vector.broadcast %le3A_1924 : i32 to vector<16xi32>
      %le3A_1926 = arith.cmpi sle, %add3A_1831, %le3A_1925 : vector<16xi32>
      %lt3A_1927 = arith.cmpi slt, %gather3A_1879, %get3A_903 : vector<16xi32>
      %and3A_1928 = arith.andi %le3A_1926, %lt3A_1927 : vector<16xi1>
      %select_n3A_1929 = arith.select %and3A_1928, %add3A_1831, %select_n3A_1801 : vector<16xi1>, vector<16xi32>
      %le3A_1930 = arith.constant 31250 : i32
      %le3A_1931 = vector.broadcast %le3A_1930 : i32 to vector<16xi32>
      %le3A_1932 = arith.cmpi sle, %add3A_1834, %le3A_1931 : vector<16xi32>
      %lt3A_1933 = arith.cmpi slt, %gather3A_1886, %get3A_905 : vector<16xi32>
      %and3A_1934 = arith.andi %le3A_1932, %lt3A_1933 : vector<16xi1>
      %select_n3A_1935 = arith.select %and3A_1934, %add3A_1834, %select_n3A_1807 : vector<16xi1>, vector<16xi32>
      %le3A_1936 = arith.constant 31250 : i32
      %le3A_1937 = vector.broadcast %le3A_1936 : i32 to vector<16xi32>
      %le3A_1938 = arith.cmpi sle, %add3A_1837, %le3A_1937 : vector<16xi32>
      %lt3A_1939 = arith.cmpi slt, %gather3A_1893, %get3A_907 : vector<16xi32>
      %and3A_1940 = arith.andi %le3A_1938, %lt3A_1939 : vector<16xi1>
      %select_n3A_1941 = arith.select %and3A_1940, %add3A_1837, %select_n3A_1813 : vector<16xi1>, vector<16xi32>
      %add3A_1942 = arith.constant 64 : i32
      %add3A_1943 = vector.broadcast %add3A_1942 : i32 to vector<16xi32>
      %add3A_1944 = arith.addi %select_n3A_1899, %add3A_1943 : vector<16xi32>
      %add3A_1945 = arith.constant 64 : i32
      %add3A_1946 = vector.broadcast %add3A_1945 : i32 to vector<16xi32>
      %add3A_1947 = arith.addi %select_n3A_1905, %add3A_1946 : vector<16xi32>
      %add3A_1948 = arith.constant 64 : i32
      %add3A_1949 = vector.broadcast %add3A_1948 : i32 to vector<16xi32>
      %add3A_1950 = arith.addi %select_n3A_1911, %add3A_1949 : vector<16xi32>
      %add3A_1951 = arith.constant 64 : i32
      %add3A_1952 = vector.broadcast %add3A_1951 : i32 to vector<16xi32>
      %add3A_1953 = arith.addi %select_n3A_1917, %add3A_1952 : vector<16xi32>
      %add3A_1954 = arith.constant 64 : i32
      %add3A_1955 = vector.broadcast %add3A_1954 : i32 to vector<16xi32>
      %add3A_1956 = arith.addi %select_n3A_1923, %add3A_1955 : vector<16xi32>
      %add3A_1957 = arith.constant 64 : i32
      %add3A_1958 = vector.broadcast %add3A_1957 : i32 to vector<16xi32>
      %add3A_1959 = arith.addi %select_n3A_1929, %add3A_1958 : vector<16xi32>
      %add3A_1960 = arith.constant 64 : i32
      %add3A_1961 = vector.broadcast %add3A_1960 : i32 to vector<16xi32>
      %add3A_1962 = arith.addi %select_n3A_1935, %add3A_1961 : vector<16xi32>
      %add3A_1963 = arith.constant 64 : i32
      %add3A_1964 = vector.broadcast %add3A_1963 : i32 to vector<16xi32>
      %add3A_1965 = arith.addi %select_n3A_1941, %add3A_1964 : vector<16xi32>
      %min3A_1966 = arith.constant 31250 : i32
      %min3A_1967 = vector.broadcast %min3A_1966 : i32 to vector<16xi32>
      %min3A_1968 = arith.minsi %add3A_1944, %min3A_1967 : vector<16xi32>
      %sub3A_1969 = arith.constant 1 : i32
      %sub3A_1970 = vector.broadcast %sub3A_1969 : i32 to vector<16xi32>
      %sub3A_1971 = arith.subi %min3A_1968, %sub3A_1970 : vector<16xi32>
      %gather3A_1972 = tpu.vector_load_idx %arg6[%sub3A_1971] : memref<31250xi32, #tpu.memory_space<vmem>>[vector<16xi32>], vector<16xi32>,
      %min3A_1973 = arith.constant 31250 : i32
      %min3A_1974 = vector.broadcast %min3A_1973 : i32 to vector<16xi32>
      %min3A_1975 = arith.minsi %add3A_1947, %min3A_1974 : vector<16xi32>
      %sub3A_1976 = arith.constant 1 : i32
      %sub3A_1977 = vector.broadcast %sub3A_1976 : i32 to vector<16xi32>
      %sub3A_1978 = arith.subi %min3A_1975, %sub3A_1977 : vector<16xi32>
      %gather3A_1979 = tpu.vector_load_idx %arg6[%sub3A_1978] : memref<31250xi32, #tpu.memory_space<vmem>>[vector<16xi32>], vector<16xi32>,
      %min3A_1980 = arith.constant 31250 : i32
      %min3A_1981 = vector.broadcast %min3A_1980 : i32 to vector<16xi32>
      %min3A_1982 = arith.minsi %add3A_1950, %min3A_1981 : vector<16xi32>
      %sub3A_1983 = arith.constant 1 : i32
      %sub3A_1984 = vector.broadcast %sub3A_1983 : i32 to vector<16xi32>
      %sub3A_1985 = arith.subi %min3A_1982, %sub3A_1984 : vector<16xi32>
      %gather3A_1986 = tpu.vector_load_idx %arg6[%sub3A_1985] : memref<31250xi32, #tpu.memory_space<vmem>>[vector<16xi32>], vector<16xi32>,
      %min3A_1987 = arith.constant 31250 : i32
      %min3A_1988 = vector.broadcast %min3A_1987 : i32 to vector<16xi32>
      %min3A_1989 = arith.minsi %add3A_1953, %min3A_1988 : vector<16xi32>
      %sub3A_1990 = arith.constant 1 : i32
      %sub3A_1991 = vector.broadcast %sub3A_1990 : i32 to vector<16xi32>
      %sub3A_1992 = arith.subi %min3A_1989, %sub3A_1991 : vector<16xi32>
      %gather3A_1993 = tpu.vector_load_idx %arg6[%sub3A_1992] : memref<31250xi32, #tpu.memory_space<vmem>>[vector<16xi32>], vector<16xi32>,
      %min3A_1994 = arith.constant 31250 : i32
      %min3A_1995 = vector.broadcast %min3A_1994 : i32 to vector<16xi32>
      %min3A_1996 = arith.minsi %add3A_1956, %min3A_1995 : vector<16xi32>
      %sub3A_1997 = arith.constant 1 : i32
      %sub3A_1998 = vector.broadcast %sub3A_1997 : i32 to vector<16xi32>
      %sub3A_1999 = arith.subi %min3A_1996, %sub3A_1998 : vector<16xi32>
      %gather3A_2000 = tpu.vector_load_idx %arg6[%sub3A_1999] : memref<31250xi32, #tpu.memory_space<vmem>>[vector<16xi32>], vector<16xi32>,
      %min3A_2001 = arith.constant 31250 : i32
      %min3A_2002 = vector.broadcast %min3A_2001 : i32 to vector<16xi32>
      %min3A_2003 = arith.minsi %add3A_1959, %min3A_2002 : vector<16xi32>
      %sub3A_2004 = arith.constant 1 : i32
      %sub3A_2005 = vector.broadcast %sub3A_2004 : i32 to vector<16xi32>
      %sub3A_2006 = arith.subi %min3A_2003, %sub3A_2005 : vector<16xi32>
      %gather3A_2007 = tpu.vector_load_idx %arg6[%sub3A_2006] : memref<31250xi32, #tpu.memory_space<vmem>>[vector<16xi32>], vector<16xi32>,
      %min3A_2008 = arith.constant 31250 : i32
      %min3A_2009 = vector.broadcast %min3A_2008 : i32 to vector<16xi32>
      %min3A_2010 = arith.minsi %add3A_1962, %min3A_2009 : vector<16xi32>
      %sub3A_2011 = arith.constant 1 : i32
      %sub3A_2012 = vector.broadcast %sub3A_2011 : i32 to vector<16xi32>
      %sub3A_2013 = arith.subi %min3A_2010, %sub3A_2012 : vector<16xi32>
      %gather3A_2014 = tpu.vector_load_idx %arg6[%sub3A_2013] : memref<31250xi32, #tpu.memory_space<vmem>>[vector<16xi32>], vector<16xi32>,
      %min3A_2015 = arith.constant 31250 : i32
      %min3A_2016 = vector.broadcast %min3A_2015 : i32 to vector<16xi32>
      %min3A_2017 = arith.minsi %add3A_1965, %min3A_2016 : vector<16xi32>
      %sub3A_2018 = arith.constant 1 : i32
      %sub3A_2019 = vector.broadcast %sub3A_2018 : i32 to vector<16xi32>
      %sub3A_2020 = arith.subi %min3A_2017, %sub3A_2019 : vector<16xi32>
      %gather3A_2021 = tpu.vector_load_idx %arg6[%sub3A_2020] : memref<31250xi32, #tpu.memory_space<vmem>>[vector<16xi32>], vector<16xi32>,
      %le3A_2022 = arith.constant 31250 : i32
      %le3A_2023 = vector.broadcast %le3A_2022 : i32 to vector<16xi32>
      %le3A_2024 = arith.cmpi sle, %add3A_1944, %le3A_2023 : vector<16xi32>
      %lt3A_2025 = arith.cmpi slt, %gather3A_1972, %get3A_893 : vector<16xi32>
      %and3A_2026 = arith.andi %le3A_2024, %lt3A_2025 : vector<16xi1>
      %select_n3A_2027 = arith.select %and3A_2026, %add3A_1944, %select_n3A_1899 : vector<16xi1>, vector<16xi32>
      %le3A_2028 = arith.constant 31250 : i32
      %le3A_2029 = vector.broadcast %le3A_2028 : i32 to vector<16xi32>
      %le3A_2030 = arith.cmpi sle, %add3A_1947, %le3A_2029 : vector<16xi32>
      %lt3A_2031 = arith.cmpi slt, %gather3A_1979, %get3A_895 : vector<16xi32>
      %and3A_2032 = arith.andi %le3A_2030, %lt3A_2031 : vector<16xi1>
      %select_n3A_2033 = arith.select %and3A_2032, %add3A_1947, %select_n3A_1905 : vector<16xi1>, vector<16xi32>
      %le3A_2034 = arith.constant 31250 : i32
      %le3A_2035 = vector.broadcast %le3A_2034 : i32 to vector<16xi32>
      %le3A_2036 = arith.cmpi sle, %add3A_1950, %le3A_2035 : vector<16xi32>
      %lt3A_2037 = arith.cmpi slt, %gather3A_1986, %get3A_897 : vector<16xi32>
      %and3A_2038 = arith.andi %le3A_2036, %lt3A_2037 : vector<16xi1>
      %select_n3A_2039 = arith.select %and3A_2038, %add3A_1950, %select_n3A_1911 : vector<16xi1>, vector<16xi32>
      %le3A_2040 = arith.constant 31250 : i32
      %le3A_2041 = vector.broadcast %le3A_2040 : i32 to vector<16xi32>
      %le3A_2042 = arith.cmpi sle, %add3A_1953, %le3A_2041 : vector<16xi32>
      %lt3A_2043 = arith.cmpi slt, %gather3A_1993, %get3A_899 : vector<16xi32>
      %and3A_2044 = arith.andi %le3A_2042, %lt3A_2043 : vector<16xi1>
      %select_n3A_2045 = arith.select %and3A_2044, %add3A_1953, %select_n3A_1917 : vector<16xi1>, vector<16xi32>
      %le3A_2046 = arith.constant 31250 : i32
      %le3A_2047 = vector.broadcast %le3A_2046 : i32 to vector<16xi32>
      %le3A_2048 = arith.cmpi sle, %add3A_1956, %le3A_2047 : vector<16xi32>
      %lt3A_2049 = arith.cmpi slt, %gather3A_2000, %get3A_901 : vector<16xi32>
      %and3A_2050 = arith.andi %le3A_2048, %lt3A_2049 : vector<16xi1>
      %select_n3A_2051 = arith.select %and3A_2050, %add3A_1956, %select_n3A_1923 : vector<16xi1>, vector<16xi32>
      %le3A_2052 = arith.constant 31250 : i32
      %le3A_2053 = vector.broadcast %le3A_2052 : i32 to vector<16xi32>
      %le3A_2054 = arith.cmpi sle, %add3A_1959, %le3A_2053 : vector<16xi32>
      %lt3A_2055 = arith.cmpi slt, %gather3A_2007, %get3A_903 : vector<16xi32>
      %and3A_2056 = arith.andi %le3A_2054, %lt3A_2055 : vector<16xi1>
      %select_n3A_2057 = arith.select %and3A_2056, %add3A_1959, %select_n3A_1929 : vector<16xi1>, vector<16xi32>
      %le3A_2058 = arith.constant 31250 : i32
      %le3A_2059 = vector.broadcast %le3A_2058 : i32 to vector<16xi32>
      %le3A_2060 = arith.cmpi sle, %add3A_1962, %le3A_2059 : vector<16xi32>
      %lt3A_2061 = arith.cmpi slt, %gather3A_2014, %get3A_905 : vector<16xi32>
      %and3A_2062 = arith.andi %le3A_2060, %lt3A_2061 : vector<16xi1>
      %select_n3A_2063 = arith.select %and3A_2062, %add3A_1962, %select_n3A_1935 : vector<16xi1>, vector<16xi32>
      %le3A_2064 = arith.constant 31250 : i32
      %le3A_2065 = vector.broadcast %le3A_2064 : i32 to vector<16xi32>
      %le3A_2066 = arith.cmpi sle, %add3A_1965, %le3A_2065 : vector<16xi32>
      %lt3A_2067 = arith.cmpi slt, %gather3A_2021, %get3A_907 : vector<16xi32>
      %and3A_2068 = arith.andi %le3A_2066, %lt3A_2067 : vector<16xi1>
      %select_n3A_2069 = arith.select %and3A_2068, %add3A_1965, %select_n3A_1941 : vector<16xi1>, vector<16xi32>
      %add3A_2070 = arith.constant 32 : i32
      %add3A_2071 = vector.broadcast %add3A_2070 : i32 to vector<16xi32>
      %add3A_2072 = arith.addi %select_n3A_2027, %add3A_2071 : vector<16xi32>
      %add3A_2073 = arith.constant 32 : i32
      %add3A_2074 = vector.broadcast %add3A_2073 : i32 to vector<16xi32>
      %add3A_2075 = arith.addi %select_n3A_2033, %add3A_2074 : vector<16xi32>
      %add3A_2076 = arith.constant 32 : i32
      %add3A_2077 = vector.broadcast %add3A_2076 : i32 to vector<16xi32>
      %add3A_2078 = arith.addi %select_n3A_2039, %add3A_2077 : vector<16xi32>
      %add3A_2079 = arith.constant 32 : i32
      %add3A_2080 = vector.broadcast %add3A_2079 : i32 to vector<16xi32>
      %add3A_2081 = arith.addi %select_n3A_2045, %add3A_2080 : vector<16xi32>
      %add3A_2082 = arith.constant 32 : i32
      %add3A_2083 = vector.broadcast %add3A_2082 : i32 to vector<16xi32>
      %add3A_2084 = arith.addi %select_n3A_2051, %add3A_2083 : vector<16xi32>
      %add3A_2085 = arith.constant 32 : i32
      %add3A_2086 = vector.broadcast %add3A_2085 : i32 to vector<16xi32>
      %add3A_2087 = arith.addi %select_n3A_2057, %add3A_2086 : vector<16xi32>
      %add3A_2088 = arith.constant 32 : i32
      %add3A_2089 = vector.broadcast %add3A_2088 : i32 to vector<16xi32>
      %add3A_2090 = arith.addi %select_n3A_2063, %add3A_2089 : vector<16xi32>
      %add3A_2091 = arith.constant 32 : i32
      %add3A_2092 = vector.broadcast %add3A_2091 : i32 to vector<16xi32>
      %add3A_2093 = arith.addi %select_n3A_2069, %add3A_2092 : vector<16xi32>
      %min3A_2094 = arith.constant 31250 : i32
      %min3A_2095 = vector.broadcast %min3A_2094 : i32 to vector<16xi32>
      %min3A_2096 = arith.minsi %add3A_2072, %min3A_2095 : vector<16xi32>
      %sub3A_2097 = arith.constant 1 : i32
      %sub3A_2098 = vector.broadcast %sub3A_2097 : i32 to vector<16xi32>
      %sub3A_2099 = arith.subi %min3A_2096, %sub3A_2098 : vector<16xi32>
      %gather3A_2100 = tpu.vector_load_idx %arg6[%sub3A_2099] : memref<31250xi32, #tpu.memory_space<vmem>>[vector<16xi32>], vector<16xi32>,
      %min3A_2101 = arith.constant 31250 : i32
      %min3A_2102 = vector.broadcast %min3A_2101 : i32 to vector<16xi32>
      %min3A_2103 = arith.minsi %add3A_2075, %min3A_2102 : vector<16xi32>
      %sub3A_2104 = arith.constant 1 : i32
      %sub3A_2105 = vector.broadcast %sub3A_2104 : i32 to vector<16xi32>
      %sub3A_2106 = arith.subi %min3A_2103, %sub3A_2105 : vector<16xi32>
      %gather3A_2107 = tpu.vector_load_idx %arg6[%sub3A_2106] : memref<31250xi32, #tpu.memory_space<vmem>>[vector<16xi32>], vector<16xi32>,
      %min3A_2108 = arith.constant 31250 : i32
      %min3A_2109 = vector.broadcast %min3A_2108 : i32 to vector<16xi32>
      %min3A_2110 = arith.minsi %add3A_2078, %min3A_2109 : vector<16xi32>
      %sub3A_2111 = arith.constant 1 : i32
      %sub3A_2112 = vector.broadcast %sub3A_2111 : i32 to vector<16xi32>
      %sub3A_2113 = arith.subi %min3A_2110, %sub3A_2112 : vector<16xi32>
      %gather3A_2114 = tpu.vector_load_idx %arg6[%sub3A_2113] : memref<31250xi32, #tpu.memory_space<vmem>>[vector<16xi32>], vector<16xi32>,
      %min3A_2115 = arith.constant 31250 : i32
      %min3A_2116 = vector.broadcast %min3A_2115 : i32 to vector<16xi32>
      %min3A_2117 = arith.minsi %add3A_2081, %min3A_2116 : vector<16xi32>
      %sub3A_2118 = arith.constant 1 : i32
      %sub3A_2119 = vector.broadcast %sub3A_2118 : i32 to vector<16xi32>
      %sub3A_2120 = arith.subi %min3A_2117, %sub3A_2119 : vector<16xi32>
      %gather3A_2121 = tpu.vector_load_idx %arg6[%sub3A_2120] : memref<31250xi32, #tpu.memory_space<vmem>>[vector<16xi32>], vector<16xi32>,
      %min3A_2122 = arith.constant 31250 : i32
      %min3A_2123 = vector.broadcast %min3A_2122 : i32 to vector<16xi32>
      %min3A_2124 = arith.minsi %add3A_2084, %min3A_2123 : vector<16xi32>
      %sub3A_2125 = arith.constant 1 : i32
      %sub3A_2126 = vector.broadcast %sub3A_2125 : i32 to vector<16xi32>
      %sub3A_2127 = arith.subi %min3A_2124, %sub3A_2126 : vector<16xi32>
      %gather3A_2128 = tpu.vector_load_idx %arg6[%sub3A_2127] : memref<31250xi32, #tpu.memory_space<vmem>>[vector<16xi32>], vector<16xi32>,
      %min3A_2129 = arith.constant 31250 : i32
      %min3A_2130 = vector.broadcast %min3A_2129 : i32 to vector<16xi32>
      %min3A_2131 = arith.minsi %add3A_2087, %min3A_2130 : vector<16xi32>
      %sub3A_2132 = arith.constant 1 : i32
      %sub3A_2133 = vector.broadcast %sub3A_2132 : i32 to vector<16xi32>
      %sub3A_2134 = arith.subi %min3A_2131, %sub3A_2133 : vector<16xi32>
      %gather3A_2135 = tpu.vector_load_idx %arg6[%sub3A_2134] : memref<31250xi32, #tpu.memory_space<vmem>>[vector<16xi32>], vector<16xi32>,
      %min3A_2136 = arith.constant 31250 : i32
      %min3A_2137 = vector.broadcast %min3A_2136 : i32 to vector<16xi32>
      %min3A_2138 = arith.minsi %add3A_2090, %min3A_2137 : vector<16xi32>
      %sub3A_2139 = arith.constant 1 : i32
      %sub3A_2140 = vector.broadcast %sub3A_2139 : i32 to vector<16xi32>
      %sub3A_2141 = arith.subi %min3A_2138, %sub3A_2140 : vector<16xi32>
      %gather3A_2142 = tpu.vector_load_idx %arg6[%sub3A_2141] : memref<31250xi32, #tpu.memory_space<vmem>>[vector<16xi32>], vector<16xi32>,
      %min3A_2143 = arith.constant 31250 : i32
      %min3A_2144 = vector.broadcast %min3A_2143 : i32 to vector<16xi32>
      %min3A_2145 = arith.minsi %add3A_2093, %min3A_2144 : vector<16xi32>
      %sub3A_2146 = arith.constant 1 : i32
      %sub3A_2147 = vector.broadcast %sub3A_2146 : i32 to vector<16xi32>
      %sub3A_2148 = arith.subi %min3A_2145, %sub3A_2147 : vector<16xi32>
      %gather3A_2149 = tpu.vector_load_idx %arg6[%sub3A_2148] : memref<31250xi32, #tpu.memory_space<vmem>>[vector<16xi32>], vector<16xi32>,
      %le3A_2150 = arith.constant 31250 : i32
      %le3A_2151 = vector.broadcast %le3A_2150 : i32 to vector<16xi32>
      %le3A_2152 = arith.cmpi sle, %add3A_2072, %le3A_2151 : vector<16xi32>
      %lt3A_2153 = arith.cmpi slt, %gather3A_2100, %get3A_893 : vector<16xi32>
      %and3A_2154 = arith.andi %le3A_2152, %lt3A_2153 : vector<16xi1>
      %select_n3A_2155 = arith.select %and3A_2154, %add3A_2072, %select_n3A_2027 : vector<16xi1>, vector<16xi32>
      %le3A_2156 = arith.constant 31250 : i32
      %le3A_2157 = vector.broadcast %le3A_2156 : i32 to vector<16xi32>
      %le3A_2158 = arith.cmpi sle, %add3A_2075, %le3A_2157 : vector<16xi32>
      %lt3A_2159 = arith.cmpi slt, %gather3A_2107, %get3A_895 : vector<16xi32>
      %and3A_2160 = arith.andi %le3A_2158, %lt3A_2159 : vector<16xi1>
      %select_n3A_2161 = arith.select %and3A_2160, %add3A_2075, %select_n3A_2033 : vector<16xi1>, vector<16xi32>
      %le3A_2162 = arith.constant 31250 : i32
      %le3A_2163 = vector.broadcast %le3A_2162 : i32 to vector<16xi32>
      %le3A_2164 = arith.cmpi sle, %add3A_2078, %le3A_2163 : vector<16xi32>
      %lt3A_2165 = arith.cmpi slt, %gather3A_2114, %get3A_897 : vector<16xi32>
      %and3A_2166 = arith.andi %le3A_2164, %lt3A_2165 : vector<16xi1>
      %select_n3A_2167 = arith.select %and3A_2166, %add3A_2078, %select_n3A_2039 : vector<16xi1>, vector<16xi32>
      %le3A_2168 = arith.constant 31250 : i32
      %le3A_2169 = vector.broadcast %le3A_2168 : i32 to vector<16xi32>
      %le3A_2170 = arith.cmpi sle, %add3A_2081, %le3A_2169 : vector<16xi32>
      %lt3A_2171 = arith.cmpi slt, %gather3A_2121, %get3A_899 : vector<16xi32>
      %and3A_2172 = arith.andi %le3A_2170, %lt3A_2171 : vector<16xi1>
      %select_n3A_2173 = arith.select %and3A_2172, %add3A_2081, %select_n3A_2045 : vector<16xi1>, vector<16xi32>
      %le3A_2174 = arith.constant 31250 : i32
      %le3A_2175 = vector.broadcast %le3A_2174 : i32 to vector<16xi32>
      %le3A_2176 = arith.cmpi sle, %add3A_2084, %le3A_2175 : vector<16xi32>
      %lt3A_2177 = arith.cmpi slt, %gather3A_2128, %get3A_901 : vector<16xi32>
      %and3A_2178 = arith.andi %le3A_2176, %lt3A_2177 : vector<16xi1>
      %select_n3A_2179 = arith.select %and3A_2178, %add3A_2084, %select_n3A_2051 : vector<16xi1>, vector<16xi32>
      %le3A_2180 = arith.constant 31250 : i32
      %le3A_2181 = vector.broadcast %le3A_2180 : i32 to vector<16xi32>
      %le3A_2182 = arith.cmpi sle, %add3A_2087, %le3A_2181 : vector<16xi32>
      %lt3A_2183 = arith.cmpi slt, %gather3A_2135, %get3A_903 : vector<16xi32>
      %and3A_2184 = arith.andi %le3A_2182, %lt3A_2183 : vector<16xi1>
      %select_n3A_2185 = arith.select %and3A_2184, %add3A_2087, %select_n3A_2057 : vector<16xi1>, vector<16xi32>
      %le3A_2186 = arith.constant 31250 : i32
      %le3A_2187 = vector.broadcast %le3A_2186 : i32 to vector<16xi32>
      %le3A_2188 = arith.cmpi sle, %add3A_2090, %le3A_2187 : vector<16xi32>
      %lt3A_2189 = arith.cmpi slt, %gather3A_2142, %get3A_905 : vector<16xi32>
      %and3A_2190 = arith.andi %le3A_2188, %lt3A_2189 : vector<16xi1>
      %select_n3A_2191 = arith.select %and3A_2190, %add3A_2090, %select_n3A_2063 : vector<16xi1>, vector<16xi32>
      %le3A_2192 = arith.constant 31250 : i32
      %le3A_2193 = vector.broadcast %le3A_2192 : i32 to vector<16xi32>
      %le3A_2194 = arith.cmpi sle, %add3A_2093, %le3A_2193 : vector<16xi32>
      %lt3A_2195 = arith.cmpi slt, %gather3A_2149, %get3A_907 : vector<16xi32>
      %and3A_2196 = arith.andi %le3A_2194, %lt3A_2195 : vector<16xi1>
      %select_n3A_2197 = arith.select %and3A_2196, %add3A_2093, %select_n3A_2069 : vector<16xi1>, vector<16xi32>
      %add3A_2198 = arith.constant 16 : i32
      %add3A_2199 = vector.broadcast %add3A_2198 : i32 to vector<16xi32>
      %add3A_2200 = arith.addi %select_n3A_2155, %add3A_2199 : vector<16xi32>
      %add3A_2201 = arith.constant 16 : i32
      %add3A_2202 = vector.broadcast %add3A_2201 : i32 to vector<16xi32>
      %add3A_2203 = arith.addi %select_n3A_2161, %add3A_2202 : vector<16xi32>
      %add3A_2204 = arith.constant 16 : i32
      %add3A_2205 = vector.broadcast %add3A_2204 : i32 to vector<16xi32>
      %add3A_2206 = arith.addi %select_n3A_2167, %add3A_2205 : vector<16xi32>
      %add3A_2207 = arith.constant 16 : i32
      %add3A_2208 = vector.broadcast %add3A_2207 : i32 to vector<16xi32>
      %add3A_2209 = arith.addi %select_n3A_2173, %add3A_2208 : vector<16xi32>
      %add3A_2210 = arith.constant 16 : i32
      %add3A_2211 = vector.broadcast %add3A_2210 : i32 to vector<16xi32>
      %add3A_2212 = arith.addi %select_n3A_2179, %add3A_2211 : vector<16xi32>
      %add3A_2213 = arith.constant 16 : i32
      %add3A_2214 = vector.broadcast %add3A_2213 : i32 to vector<16xi32>
      %add3A_2215 = arith.addi %select_n3A_2185, %add3A_2214 : vector<16xi32>
      %add3A_2216 = arith.constant 16 : i32
      %add3A_2217 = vector.broadcast %add3A_2216 : i32 to vector<16xi32>
      %add3A_2218 = arith.addi %select_n3A_2191, %add3A_2217 : vector<16xi32>
      %add3A_2219 = arith.constant 16 : i32
      %add3A_2220 = vector.broadcast %add3A_2219 : i32 to vector<16xi32>
      %add3A_2221 = arith.addi %select_n3A_2197, %add3A_2220 : vector<16xi32>
      %min3A_2222 = arith.constant 31250 : i32
      %min3A_2223 = vector.broadcast %min3A_2222 : i32 to vector<16xi32>
      %min3A_2224 = arith.minsi %add3A_2200, %min3A_2223 : vector<16xi32>
      %sub3A_2225 = arith.constant 1 : i32
      %sub3A_2226 = vector.broadcast %sub3A_2225 : i32 to vector<16xi32>
      %sub3A_2227 = arith.subi %min3A_2224, %sub3A_2226 : vector<16xi32>
      %gather3A_2228 = tpu.vector_load_idx %arg6[%sub3A_2227] : memref<31250xi32, #tpu.memory_space<vmem>>[vector<16xi32>], vector<16xi32>,
      %min3A_2229 = arith.constant 31250 : i32
      %min3A_2230 = vector.broadcast %min3A_2229 : i32 to vector<16xi32>
      %min3A_2231 = arith.minsi %add3A_2203, %min3A_2230 : vector<16xi32>
      %sub3A_2232 = arith.constant 1 : i32
      %sub3A_2233 = vector.broadcast %sub3A_2232 : i32 to vector<16xi32>
      %sub3A_2234 = arith.subi %min3A_2231, %sub3A_2233 : vector<16xi32>
      %gather3A_2235 = tpu.vector_load_idx %arg6[%sub3A_2234] : memref<31250xi32, #tpu.memory_space<vmem>>[vector<16xi32>], vector<16xi32>,
      %min3A_2236 = arith.constant 31250 : i32
      %min3A_2237 = vector.broadcast %min3A_2236 : i32 to vector<16xi32>
      %min3A_2238 = arith.minsi %add3A_2206, %min3A_2237 : vector<16xi32>
      %sub3A_2239 = arith.constant 1 : i32
      %sub3A_2240 = vector.broadcast %sub3A_2239 : i32 to vector<16xi32>
      %sub3A_2241 = arith.subi %min3A_2238, %sub3A_2240 : vector<16xi32>
      %gather3A_2242 = tpu.vector_load_idx %arg6[%sub3A_2241] : memref<31250xi32, #tpu.memory_space<vmem>>[vector<16xi32>], vector<16xi32>,
      %min3A_2243 = arith.constant 31250 : i32
      %min3A_2244 = vector.broadcast %min3A_2243 : i32 to vector<16xi32>
      %min3A_2245 = arith.minsi %add3A_2209, %min3A_2244 : vector<16xi32>
      %sub3A_2246 = arith.constant 1 : i32
      %sub3A_2247 = vector.broadcast %sub3A_2246 : i32 to vector<16xi32>
      %sub3A_2248 = arith.subi %min3A_2245, %sub3A_2247 : vector<16xi32>
      %gather3A_2249 = tpu.vector_load_idx %arg6[%sub3A_2248] : memref<31250xi32, #tpu.memory_space<vmem>>[vector<16xi32>], vector<16xi32>,
      %min3A_2250 = arith.constant 31250 : i32
      %min3A_2251 = vector.broadcast %min3A_2250 : i32 to vector<16xi32>
      %min3A_2252 = arith.minsi %add3A_2212, %min3A_2251 : vector<16xi32>
      %sub3A_2253 = arith.constant 1 : i32
      %sub3A_2254 = vector.broadcast %sub3A_2253 : i32 to vector<16xi32>
      %sub3A_2255 = arith.subi %min3A_2252, %sub3A_2254 : vector<16xi32>
      %gather3A_2256 = tpu.vector_load_idx %arg6[%sub3A_2255] : memref<31250xi32, #tpu.memory_space<vmem>>[vector<16xi32>], vector<16xi32>,
      %min3A_2257 = arith.constant 31250 : i32
      %min3A_2258 = vector.broadcast %min3A_2257 : i32 to vector<16xi32>
      %min3A_2259 = arith.minsi %add3A_2215, %min3A_2258 : vector<16xi32>
      %sub3A_2260 = arith.constant 1 : i32
      %sub3A_2261 = vector.broadcast %sub3A_2260 : i32 to vector<16xi32>
      %sub3A_2262 = arith.subi %min3A_2259, %sub3A_2261 : vector<16xi32>
      %gather3A_2263 = tpu.vector_load_idx %arg6[%sub3A_2262] : memref<31250xi32, #tpu.memory_space<vmem>>[vector<16xi32>], vector<16xi32>,
      %min3A_2264 = arith.constant 31250 : i32
      %min3A_2265 = vector.broadcast %min3A_2264 : i32 to vector<16xi32>
      %min3A_2266 = arith.minsi %add3A_2218, %min3A_2265 : vector<16xi32>
      %sub3A_2267 = arith.constant 1 : i32
      %sub3A_2268 = vector.broadcast %sub3A_2267 : i32 to vector<16xi32>
      %sub3A_2269 = arith.subi %min3A_2266, %sub3A_2268 : vector<16xi32>
      %gather3A_2270 = tpu.vector_load_idx %arg6[%sub3A_2269] : memref<31250xi32, #tpu.memory_space<vmem>>[vector<16xi32>], vector<16xi32>,
      %min3A_2271 = arith.constant 31250 : i32
      %min3A_2272 = vector.broadcast %min3A_2271 : i32 to vector<16xi32>
      %min3A_2273 = arith.minsi %add3A_2221, %min3A_2272 : vector<16xi32>
      %sub3A_2274 = arith.constant 1 : i32
      %sub3A_2275 = vector.broadcast %sub3A_2274 : i32 to vector<16xi32>
      %sub3A_2276 = arith.subi %min3A_2273, %sub3A_2275 : vector<16xi32>
      %gather3A_2277 = tpu.vector_load_idx %arg6[%sub3A_2276] : memref<31250xi32, #tpu.memory_space<vmem>>[vector<16xi32>], vector<16xi32>,
      %le3A_2278 = arith.constant 31250 : i32
      %le3A_2279 = vector.broadcast %le3A_2278 : i32 to vector<16xi32>
      %le3A_2280 = arith.cmpi sle, %add3A_2200, %le3A_2279 : vector<16xi32>
      %lt3A_2281 = arith.cmpi slt, %gather3A_2228, %get3A_893 : vector<16xi32>
      %and3A_2282 = arith.andi %le3A_2280, %lt3A_2281 : vector<16xi1>
      %select_n3A_2283 = arith.select %and3A_2282, %add3A_2200, %select_n3A_2155 : vector<16xi1>, vector<16xi32>
      %le3A_2284 = arith.constant 31250 : i32
      %le3A_2285 = vector.broadcast %le3A_2284 : i32 to vector<16xi32>
      %le3A_2286 = arith.cmpi sle, %add3A_2203, %le3A_2285 : vector<16xi32>
      %lt3A_2287 = arith.cmpi slt, %gather3A_2235, %get3A_895 : vector<16xi32>
      %and3A_2288 = arith.andi %le3A_2286, %lt3A_2287 : vector<16xi1>
      %select_n3A_2289 = arith.select %and3A_2288, %add3A_2203, %select_n3A_2161 : vector<16xi1>, vector<16xi32>
      %le3A_2290 = arith.constant 31250 : i32
      %le3A_2291 = vector.broadcast %le3A_2290 : i32 to vector<16xi32>
      %le3A_2292 = arith.cmpi sle, %add3A_2206, %le3A_2291 : vector<16xi32>
      %lt3A_2293 = arith.cmpi slt, %gather3A_2242, %get3A_897 : vector<16xi32>
      %and3A_2294 = arith.andi %le3A_2292, %lt3A_2293 : vector<16xi1>
      %select_n3A_2295 = arith.select %and3A_2294, %add3A_2206, %select_n3A_2167 : vector<16xi1>, vector<16xi32>
      %le3A_2296 = arith.constant 31250 : i32
      %le3A_2297 = vector.broadcast %le3A_2296 : i32 to vector<16xi32>
      %le3A_2298 = arith.cmpi sle, %add3A_2209, %le3A_2297 : vector<16xi32>
      %lt3A_2299 = arith.cmpi slt, %gather3A_2249, %get3A_899 : vector<16xi32>
      %and3A_2300 = arith.andi %le3A_2298, %lt3A_2299 : vector<16xi1>
      %select_n3A_2301 = arith.select %and3A_2300, %add3A_2209, %select_n3A_2173 : vector<16xi1>, vector<16xi32>
      %le3A_2302 = arith.constant 31250 : i32
      %le3A_2303 = vector.broadcast %le3A_2302 : i32 to vector<16xi32>
      %le3A_2304 = arith.cmpi sle, %add3A_2212, %le3A_2303 : vector<16xi32>
      %lt3A_2305 = arith.cmpi slt, %gather3A_2256, %get3A_901 : vector<16xi32>
      %and3A_2306 = arith.andi %le3A_2304, %lt3A_2305 : vector<16xi1>
      %select_n3A_2307 = arith.select %and3A_2306, %add3A_2212, %select_n3A_2179 : vector<16xi1>, vector<16xi32>
      %le3A_2308 = arith.constant 31250 : i32
      %le3A_2309 = vector.broadcast %le3A_2308 : i32 to vector<16xi32>
      %le3A_2310 = arith.cmpi sle, %add3A_2215, %le3A_2309 : vector<16xi32>
      %lt3A_2311 = arith.cmpi slt, %gather3A_2263, %get3A_903 : vector<16xi32>
      %and3A_2312 = arith.andi %le3A_2310, %lt3A_2311 : vector<16xi1>
      %select_n3A_2313 = arith.select %and3A_2312, %add3A_2215, %select_n3A_2185 : vector<16xi1>, vector<16xi32>
      %le3A_2314 = arith.constant 31250 : i32
      %le3A_2315 = vector.broadcast %le3A_2314 : i32 to vector<16xi32>
      %le3A_2316 = arith.cmpi sle, %add3A_2218, %le3A_2315 : vector<16xi32>
      %lt3A_2317 = arith.cmpi slt, %gather3A_2270, %get3A_905 : vector<16xi32>
      %and3A_2318 = arith.andi %le3A_2316, %lt3A_2317 : vector<16xi1>
      %select_n3A_2319 = arith.select %and3A_2318, %add3A_2218, %select_n3A_2191 : vector<16xi1>, vector<16xi32>
      %le3A_2320 = arith.constant 31250 : i32
      %le3A_2321 = vector.broadcast %le3A_2320 : i32 to vector<16xi32>
      %le3A_2322 = arith.cmpi sle, %add3A_2221, %le3A_2321 : vector<16xi32>
      %lt3A_2323 = arith.cmpi slt, %gather3A_2277, %get3A_907 : vector<16xi32>
      %and3A_2324 = arith.andi %le3A_2322, %lt3A_2323 : vector<16xi1>
      %select_n3A_2325 = arith.select %and3A_2324, %add3A_2221, %select_n3A_2197 : vector<16xi1>, vector<16xi32>
      %add3A_2326 = arith.constant 8 : i32
      %add3A_2327 = vector.broadcast %add3A_2326 : i32 to vector<16xi32>
      %add3A_2328 = arith.addi %select_n3A_2283, %add3A_2327 : vector<16xi32>
      %add3A_2329 = arith.constant 8 : i32
      %add3A_2330 = vector.broadcast %add3A_2329 : i32 to vector<16xi32>
      %add3A_2331 = arith.addi %select_n3A_2289, %add3A_2330 : vector<16xi32>
      %add3A_2332 = arith.constant 8 : i32
      %add3A_2333 = vector.broadcast %add3A_2332 : i32 to vector<16xi32>
      %add3A_2334 = arith.addi %select_n3A_2295, %add3A_2333 : vector<16xi32>
      %add3A_2335 = arith.constant 8 : i32
      %add3A_2336 = vector.broadcast %add3A_2335 : i32 to vector<16xi32>
      %add3A_2337 = arith.addi %select_n3A_2301, %add3A_2336 : vector<16xi32>
      %add3A_2338 = arith.constant 8 : i32
      %add3A_2339 = vector.broadcast %add3A_2338 : i32 to vector<16xi32>
      %add3A_2340 = arith.addi %select_n3A_2307, %add3A_2339 : vector<16xi32>
      %add3A_2341 = arith.constant 8 : i32
      %add3A_2342 = vector.broadcast %add3A_2341 : i32 to vector<16xi32>
      %add3A_2343 = arith.addi %select_n3A_2313, %add3A_2342 : vector<16xi32>
      %add3A_2344 = arith.constant 8 : i32
      %add3A_2345 = vector.broadcast %add3A_2344 : i32 to vector<16xi32>
      %add3A_2346 = arith.addi %select_n3A_2319, %add3A_2345 : vector<16xi32>
      %add3A_2347 = arith.constant 8 : i32
      %add3A_2348 = vector.broadcast %add3A_2347 : i32 to vector<16xi32>
      %add3A_2349 = arith.addi %select_n3A_2325, %add3A_2348 : vector<16xi32>
      %min3A_2350 = arith.constant 31250 : i32
      %min3A_2351 = vector.broadcast %min3A_2350 : i32 to vector<16xi32>
      %min3A_2352 = arith.minsi %add3A_2328, %min3A_2351 : vector<16xi32>
      %sub3A_2353 = arith.constant 1 : i32
      %sub3A_2354 = vector.broadcast %sub3A_2353 : i32 to vector<16xi32>
      %sub3A_2355 = arith.subi %min3A_2352, %sub3A_2354 : vector<16xi32>
      %gather3A_2356 = tpu.vector_load_idx %arg6[%sub3A_2355] : memref<31250xi32, #tpu.memory_space<vmem>>[vector<16xi32>], vector<16xi32>,
      %min3A_2357 = arith.constant 31250 : i32
      %min3A_2358 = vector.broadcast %min3A_2357 : i32 to vector<16xi32>
      %min3A_2359 = arith.minsi %add3A_2331, %min3A_2358 : vector<16xi32>
      %sub3A_2360 = arith.constant 1 : i32
      %sub3A_2361 = vector.broadcast %sub3A_2360 : i32 to vector<16xi32>
      %sub3A_2362 = arith.subi %min3A_2359, %sub3A_2361 : vector<16xi32>
      %gather3A_2363 = tpu.vector_load_idx %arg6[%sub3A_2362] : memref<31250xi32, #tpu.memory_space<vmem>>[vector<16xi32>], vector<16xi32>,
      %min3A_2364 = arith.constant 31250 : i32
      %min3A_2365 = vector.broadcast %min3A_2364 : i32 to vector<16xi32>
      %min3A_2366 = arith.minsi %add3A_2334, %min3A_2365 : vector<16xi32>
      %sub3A_2367 = arith.constant 1 : i32
      %sub3A_2368 = vector.broadcast %sub3A_2367 : i32 to vector<16xi32>
      %sub3A_2369 = arith.subi %min3A_2366, %sub3A_2368 : vector<16xi32>
      %gather3A_2370 = tpu.vector_load_idx %arg6[%sub3A_2369] : memref<31250xi32, #tpu.memory_space<vmem>>[vector<16xi32>], vector<16xi32>,
      %min3A_2371 = arith.constant 31250 : i32
      %min3A_2372 = vector.broadcast %min3A_2371 : i32 to vector<16xi32>
      %min3A_2373 = arith.minsi %add3A_2337, %min3A_2372 : vector<16xi32>
      %sub3A_2374 = arith.constant 1 : i32
      %sub3A_2375 = vector.broadcast %sub3A_2374 : i32 to vector<16xi32>
      %sub3A_2376 = arith.subi %min3A_2373, %sub3A_2375 : vector<16xi32>
      %gather3A_2377 = tpu.vector_load_idx %arg6[%sub3A_2376] : memref<31250xi32, #tpu.memory_space<vmem>>[vector<16xi32>], vector<16xi32>,
      %min3A_2378 = arith.constant 31250 : i32
      %min3A_2379 = vector.broadcast %min3A_2378 : i32 to vector<16xi32>
      %min3A_2380 = arith.minsi %add3A_2340, %min3A_2379 : vector<16xi32>
      %sub3A_2381 = arith.constant 1 : i32
      %sub3A_2382 = vector.broadcast %sub3A_2381 : i32 to vector<16xi32>
      %sub3A_2383 = arith.subi %min3A_2380, %sub3A_2382 : vector<16xi32>
      %gather3A_2384 = tpu.vector_load_idx %arg6[%sub3A_2383] : memref<31250xi32, #tpu.memory_space<vmem>>[vector<16xi32>], vector<16xi32>,
      %min3A_2385 = arith.constant 31250 : i32
      %min3A_2386 = vector.broadcast %min3A_2385 : i32 to vector<16xi32>
      %min3A_2387 = arith.minsi %add3A_2343, %min3A_2386 : vector<16xi32>
      %sub3A_2388 = arith.constant 1 : i32
      %sub3A_2389 = vector.broadcast %sub3A_2388 : i32 to vector<16xi32>
      %sub3A_2390 = arith.subi %min3A_2387, %sub3A_2389 : vector<16xi32>
      %gather3A_2391 = tpu.vector_load_idx %arg6[%sub3A_2390] : memref<31250xi32, #tpu.memory_space<vmem>>[vector<16xi32>], vector<16xi32>,
      %min3A_2392 = arith.constant 31250 : i32
      %min3A_2393 = vector.broadcast %min3A_2392 : i32 to vector<16xi32>
      %min3A_2394 = arith.minsi %add3A_2346, %min3A_2393 : vector<16xi32>
      %sub3A_2395 = arith.constant 1 : i32
      %sub3A_2396 = vector.broadcast %sub3A_2395 : i32 to vector<16xi32>
      %sub3A_2397 = arith.subi %min3A_2394, %sub3A_2396 : vector<16xi32>
      %gather3A_2398 = tpu.vector_load_idx %arg6[%sub3A_2397] : memref<31250xi32, #tpu.memory_space<vmem>>[vector<16xi32>], vector<16xi32>,
      %min3A_2399 = arith.constant 31250 : i32
      %min3A_2400 = vector.broadcast %min3A_2399 : i32 to vector<16xi32>
      %min3A_2401 = arith.minsi %add3A_2349, %min3A_2400 : vector<16xi32>
      %sub3A_2402 = arith.constant 1 : i32
      %sub3A_2403 = vector.broadcast %sub3A_2402 : i32 to vector<16xi32>
      %sub3A_2404 = arith.subi %min3A_2401, %sub3A_2403 : vector<16xi32>
      %gather3A_2405 = tpu.vector_load_idx %arg6[%sub3A_2404] : memref<31250xi32, #tpu.memory_space<vmem>>[vector<16xi32>], vector<16xi32>,
      %le3A_2406 = arith.constant 31250 : i32
      %le3A_2407 = vector.broadcast %le3A_2406 : i32 to vector<16xi32>
      %le3A_2408 = arith.cmpi sle, %add3A_2328, %le3A_2407 : vector<16xi32>
      %lt3A_2409 = arith.cmpi slt, %gather3A_2356, %get3A_893 : vector<16xi32>
      %and3A_2410 = arith.andi %le3A_2408, %lt3A_2409 : vector<16xi1>
      %select_n3A_2411 = arith.select %and3A_2410, %add3A_2328, %select_n3A_2283 : vector<16xi1>, vector<16xi32>
      %le3A_2412 = arith.constant 31250 : i32
      %le3A_2413 = vector.broadcast %le3A_2412 : i32 to vector<16xi32>
      %le3A_2414 = arith.cmpi sle, %add3A_2331, %le3A_2413 : vector<16xi32>
      %lt3A_2415 = arith.cmpi slt, %gather3A_2363, %get3A_895 : vector<16xi32>
      %and3A_2416 = arith.andi %le3A_2414, %lt3A_2415 : vector<16xi1>
      %select_n3A_2417 = arith.select %and3A_2416, %add3A_2331, %select_n3A_2289 : vector<16xi1>, vector<16xi32>
      %le3A_2418 = arith.constant 31250 : i32
      %le3A_2419 = vector.broadcast %le3A_2418 : i32 to vector<16xi32>
      %le3A_2420 = arith.cmpi sle, %add3A_2334, %le3A_2419 : vector<16xi32>
      %lt3A_2421 = arith.cmpi slt, %gather3A_2370, %get3A_897 : vector<16xi32>
      %and3A_2422 = arith.andi %le3A_2420, %lt3A_2421 : vector<16xi1>
      %select_n3A_2423 = arith.select %and3A_2422, %add3A_2334, %select_n3A_2295 : vector<16xi1>, vector<16xi32>
      %le3A_2424 = arith.constant 31250 : i32
      %le3A_2425 = vector.broadcast %le3A_2424 : i32 to vector<16xi32>
      %le3A_2426 = arith.cmpi sle, %add3A_2337, %le3A_2425 : vector<16xi32>
      %lt3A_2427 = arith.cmpi slt, %gather3A_2377, %get3A_899 : vector<16xi32>
      %and3A_2428 = arith.andi %le3A_2426, %lt3A_2427 : vector<16xi1>
      %select_n3A_2429 = arith.select %and3A_2428, %add3A_2337, %select_n3A_2301 : vector<16xi1>, vector<16xi32>
      %le3A_2430 = arith.constant 31250 : i32
      %le3A_2431 = vector.broadcast %le3A_2430 : i32 to vector<16xi32>
      %le3A_2432 = arith.cmpi sle, %add3A_2340, %le3A_2431 : vector<16xi32>
      %lt3A_2433 = arith.cmpi slt, %gather3A_2384, %get3A_901 : vector<16xi32>
      %and3A_2434 = arith.andi %le3A_2432, %lt3A_2433 : vector<16xi1>
      %select_n3A_2435 = arith.select %and3A_2434, %add3A_2340, %select_n3A_2307 : vector<16xi1>, vector<16xi32>
      %le3A_2436 = arith.constant 31250 : i32
      %le3A_2437 = vector.broadcast %le3A_2436 : i32 to vector<16xi32>
      %le3A_2438 = arith.cmpi sle, %add3A_2343, %le3A_2437 : vector<16xi32>
      %lt3A_2439 = arith.cmpi slt, %gather3A_2391, %get3A_903 : vector<16xi32>
      %and3A_2440 = arith.andi %le3A_2438, %lt3A_2439 : vector<16xi1>
      %select_n3A_2441 = arith.select %and3A_2440, %add3A_2343, %select_n3A_2313 : vector<16xi1>, vector<16xi32>
      %le3A_2442 = arith.constant 31250 : i32
      %le3A_2443 = vector.broadcast %le3A_2442 : i32 to vector<16xi32>
      %le3A_2444 = arith.cmpi sle, %add3A_2346, %le3A_2443 : vector<16xi32>
      %lt3A_2445 = arith.cmpi slt, %gather3A_2398, %get3A_905 : vector<16xi32>
      %and3A_2446 = arith.andi %le3A_2444, %lt3A_2445 : vector<16xi1>
      %select_n3A_2447 = arith.select %and3A_2446, %add3A_2346, %select_n3A_2319 : vector<16xi1>, vector<16xi32>
      %le3A_2448 = arith.constant 31250 : i32
      %le3A_2449 = vector.broadcast %le3A_2448 : i32 to vector<16xi32>
      %le3A_2450 = arith.cmpi sle, %add3A_2349, %le3A_2449 : vector<16xi32>
      %lt3A_2451 = arith.cmpi slt, %gather3A_2405, %get3A_907 : vector<16xi32>
      %and3A_2452 = arith.andi %le3A_2450, %lt3A_2451 : vector<16xi1>
      %select_n3A_2453 = arith.select %and3A_2452, %add3A_2349, %select_n3A_2325 : vector<16xi1>, vector<16xi32>
      %add3A_2454 = arith.constant 4 : i32
      %add3A_2455 = vector.broadcast %add3A_2454 : i32 to vector<16xi32>
      %add3A_2456 = arith.addi %select_n3A_2411, %add3A_2455 : vector<16xi32>
      %add3A_2457 = arith.constant 4 : i32
      %add3A_2458 = vector.broadcast %add3A_2457 : i32 to vector<16xi32>
      %add3A_2459 = arith.addi %select_n3A_2417, %add3A_2458 : vector<16xi32>
      %add3A_2460 = arith.constant 4 : i32
      %add3A_2461 = vector.broadcast %add3A_2460 : i32 to vector<16xi32>
      %add3A_2462 = arith.addi %select_n3A_2423, %add3A_2461 : vector<16xi32>
      %add3A_2463 = arith.constant 4 : i32
      %add3A_2464 = vector.broadcast %add3A_2463 : i32 to vector<16xi32>
      %add3A_2465 = arith.addi %select_n3A_2429, %add3A_2464 : vector<16xi32>
      %add3A_2466 = arith.constant 4 : i32
      %add3A_2467 = vector.broadcast %add3A_2466 : i32 to vector<16xi32>
      %add3A_2468 = arith.addi %select_n3A_2435, %add3A_2467 : vector<16xi32>
      %add3A_2469 = arith.constant 4 : i32
      %add3A_2470 = vector.broadcast %add3A_2469 : i32 to vector<16xi32>
      %add3A_2471 = arith.addi %select_n3A_2441, %add3A_2470 : vector<16xi32>
      %add3A_2472 = arith.constant 4 : i32
      %add3A_2473 = vector.broadcast %add3A_2472 : i32 to vector<16xi32>
      %add3A_2474 = arith.addi %select_n3A_2447, %add3A_2473 : vector<16xi32>
      %add3A_2475 = arith.constant 4 : i32
      %add3A_2476 = vector.broadcast %add3A_2475 : i32 to vector<16xi32>
      %add3A_2477 = arith.addi %select_n3A_2453, %add3A_2476 : vector<16xi32>
      %min3A_2478 = arith.constant 31250 : i32
      %min3A_2479 = vector.broadcast %min3A_2478 : i32 to vector<16xi32>
      %min3A_2480 = arith.minsi %add3A_2456, %min3A_2479 : vector<16xi32>
      %sub3A_2481 = arith.constant 1 : i32
      %sub3A_2482 = vector.broadcast %sub3A_2481 : i32 to vector<16xi32>
      %sub3A_2483 = arith.subi %min3A_2480, %sub3A_2482 : vector<16xi32>
      %gather3A_2484 = tpu.vector_load_idx %arg6[%sub3A_2483] : memref<31250xi32, #tpu.memory_space<vmem>>[vector<16xi32>], vector<16xi32>,
      %min3A_2485 = arith.constant 31250 : i32
      %min3A_2486 = vector.broadcast %min3A_2485 : i32 to vector<16xi32>
      %min3A_2487 = arith.minsi %add3A_2459, %min3A_2486 : vector<16xi32>
      %sub3A_2488 = arith.constant 1 : i32
      %sub3A_2489 = vector.broadcast %sub3A_2488 : i32 to vector<16xi32>
      %sub3A_2490 = arith.subi %min3A_2487, %sub3A_2489 : vector<16xi32>
      %gather3A_2491 = tpu.vector_load_idx %arg6[%sub3A_2490] : memref<31250xi32, #tpu.memory_space<vmem>>[vector<16xi32>], vector<16xi32>,
      %min3A_2492 = arith.constant 31250 : i32
      %min3A_2493 = vector.broadcast %min3A_2492 : i32 to vector<16xi32>
      %min3A_2494 = arith.minsi %add3A_2462, %min3A_2493 : vector<16xi32>
      %sub3A_2495 = arith.constant 1 : i32
      %sub3A_2496 = vector.broadcast %sub3A_2495 : i32 to vector<16xi32>
      %sub3A_2497 = arith.subi %min3A_2494, %sub3A_2496 : vector<16xi32>
      %gather3A_2498 = tpu.vector_load_idx %arg6[%sub3A_2497] : memref<31250xi32, #tpu.memory_space<vmem>>[vector<16xi32>], vector<16xi32>,
      %min3A_2499 = arith.constant 31250 : i32
      %min3A_2500 = vector.broadcast %min3A_2499 : i32 to vector<16xi32>
      %min3A_2501 = arith.minsi %add3A_2465, %min3A_2500 : vector<16xi32>
      %sub3A_2502 = arith.constant 1 : i32
      %sub3A_2503 = vector.broadcast %sub3A_2502 : i32 to vector<16xi32>
      %sub3A_2504 = arith.subi %min3A_2501, %sub3A_2503 : vector<16xi32>
      %gather3A_2505 = tpu.vector_load_idx %arg6[%sub3A_2504] : memref<31250xi32, #tpu.memory_space<vmem>>[vector<16xi32>], vector<16xi32>,
      %min3A_2506 = arith.constant 31250 : i32
      %min3A_2507 = vector.broadcast %min3A_2506 : i32 to vector<16xi32>
      %min3A_2508 = arith.minsi %add3A_2468, %min3A_2507 : vector<16xi32>
      %sub3A_2509 = arith.constant 1 : i32
      %sub3A_2510 = vector.broadcast %sub3A_2509 : i32 to vector<16xi32>
      %sub3A_2511 = arith.subi %min3A_2508, %sub3A_2510 : vector<16xi32>
      %gather3A_2512 = tpu.vector_load_idx %arg6[%sub3A_2511] : memref<31250xi32, #tpu.memory_space<vmem>>[vector<16xi32>], vector<16xi32>,
      %min3A_2513 = arith.constant 31250 : i32
      %min3A_2514 = vector.broadcast %min3A_2513 : i32 to vector<16xi32>
      %min3A_2515 = arith.minsi %add3A_2471, %min3A_2514 : vector<16xi32>
      %sub3A_2516 = arith.constant 1 : i32
      %sub3A_2517 = vector.broadcast %sub3A_2516 : i32 to vector<16xi32>
      %sub3A_2518 = arith.subi %min3A_2515, %sub3A_2517 : vector<16xi32>
      %gather3A_2519 = tpu.vector_load_idx %arg6[%sub3A_2518] : memref<31250xi32, #tpu.memory_space<vmem>>[vector<16xi32>], vector<16xi32>,
      %min3A_2520 = arith.constant 31250 : i32
      %min3A_2521 = vector.broadcast %min3A_2520 : i32 to vector<16xi32>
      %min3A_2522 = arith.minsi %add3A_2474, %min3A_2521 : vector<16xi32>
      %sub3A_2523 = arith.constant 1 : i32
      %sub3A_2524 = vector.broadcast %sub3A_2523 : i32 to vector<16xi32>
      %sub3A_2525 = arith.subi %min3A_2522, %sub3A_2524 : vector<16xi32>
      %gather3A_2526 = tpu.vector_load_idx %arg6[%sub3A_2525] : memref<31250xi32, #tpu.memory_space<vmem>>[vector<16xi32>], vector<16xi32>,
      %min3A_2527 = arith.constant 31250 : i32
      %min3A_2528 = vector.broadcast %min3A_2527 : i32 to vector<16xi32>
      %min3A_2529 = arith.minsi %add3A_2477, %min3A_2528 : vector<16xi32>
      %sub3A_2530 = arith.constant 1 : i32
      %sub3A_2531 = vector.broadcast %sub3A_2530 : i32 to vector<16xi32>
      %sub3A_2532 = arith.subi %min3A_2529, %sub3A_2531 : vector<16xi32>
      %gather3A_2533 = tpu.vector_load_idx %arg6[%sub3A_2532] : memref<31250xi32, #tpu.memory_space<vmem>>[vector<16xi32>], vector<16xi32>,
      %le3A_2534 = arith.constant 31250 : i32
      %le3A_2535 = vector.broadcast %le3A_2534 : i32 to vector<16xi32>
      %le3A_2536 = arith.cmpi sle, %add3A_2456, %le3A_2535 : vector<16xi32>
      %lt3A_2537 = arith.cmpi slt, %gather3A_2484, %get3A_893 : vector<16xi32>
      %and3A_2538 = arith.andi %le3A_2536, %lt3A_2537 : vector<16xi1>
      %select_n3A_2539 = arith.select %and3A_2538, %add3A_2456, %select_n3A_2411 : vector<16xi1>, vector<16xi32>
      %le3A_2540 = arith.constant 31250 : i32
      %le3A_2541 = vector.broadcast %le3A_2540 : i32 to vector<16xi32>
      %le3A_2542 = arith.cmpi sle, %add3A_2459, %le3A_2541 : vector<16xi32>
      %lt3A_2543 = arith.cmpi slt, %gather3A_2491, %get3A_895 : vector<16xi32>
      %and3A_2544 = arith.andi %le3A_2542, %lt3A_2543 : vector<16xi1>
      %select_n3A_2545 = arith.select %and3A_2544, %add3A_2459, %select_n3A_2417 : vector<16xi1>, vector<16xi32>
      %le3A_2546 = arith.constant 31250 : i32
      %le3A_2547 = vector.broadcast %le3A_2546 : i32 to vector<16xi32>
      %le3A_2548 = arith.cmpi sle, %add3A_2462, %le3A_2547 : vector<16xi32>
      %lt3A_2549 = arith.cmpi slt, %gather3A_2498, %get3A_897 : vector<16xi32>
      %and3A_2550 = arith.andi %le3A_2548, %lt3A_2549 : vector<16xi1>
      %select_n3A_2551 = arith.select %and3A_2550, %add3A_2462, %select_n3A_2423 : vector<16xi1>, vector<16xi32>
      %le3A_2552 = arith.constant 31250 : i32
      %le3A_2553 = vector.broadcast %le3A_2552 : i32 to vector<16xi32>
      %le3A_2554 = arith.cmpi sle, %add3A_2465, %le3A_2553 : vector<16xi32>
      %lt3A_2555 = arith.cmpi slt, %gather3A_2505, %get3A_899 : vector<16xi32>
      %and3A_2556 = arith.andi %le3A_2554, %lt3A_2555 : vector<16xi1>
      %select_n3A_2557 = arith.select %and3A_2556, %add3A_2465, %select_n3A_2429 : vector<16xi1>, vector<16xi32>
      %le3A_2558 = arith.constant 31250 : i32
      %le3A_2559 = vector.broadcast %le3A_2558 : i32 to vector<16xi32>
      %le3A_2560 = arith.cmpi sle, %add3A_2468, %le3A_2559 : vector<16xi32>
      %lt3A_2561 = arith.cmpi slt, %gather3A_2512, %get3A_901 : vector<16xi32>
      %and3A_2562 = arith.andi %le3A_2560, %lt3A_2561 : vector<16xi1>
      %select_n3A_2563 = arith.select %and3A_2562, %add3A_2468, %select_n3A_2435 : vector<16xi1>, vector<16xi32>
      %le3A_2564 = arith.constant 31250 : i32
      %le3A_2565 = vector.broadcast %le3A_2564 : i32 to vector<16xi32>
      %le3A_2566 = arith.cmpi sle, %add3A_2471, %le3A_2565 : vector<16xi32>
      %lt3A_2567 = arith.cmpi slt, %gather3A_2519, %get3A_903 : vector<16xi32>
      %and3A_2568 = arith.andi %le3A_2566, %lt3A_2567 : vector<16xi1>
      %select_n3A_2569 = arith.select %and3A_2568, %add3A_2471, %select_n3A_2441 : vector<16xi1>, vector<16xi32>
      %le3A_2570 = arith.constant 31250 : i32
      %le3A_2571 = vector.broadcast %le3A_2570 : i32 to vector<16xi32>
      %le3A_2572 = arith.cmpi sle, %add3A_2474, %le3A_2571 : vector<16xi32>
      %lt3A_2573 = arith.cmpi slt, %gather3A_2526, %get3A_905 : vector<16xi32>
      %and3A_2574 = arith.andi %le3A_2572, %lt3A_2573 : vector<16xi1>
      %select_n3A_2575 = arith.select %and3A_2574, %add3A_2474, %select_n3A_2447 : vector<16xi1>, vector<16xi32>
      %le3A_2576 = arith.constant 31250 : i32
      %le3A_2577 = vector.broadcast %le3A_2576 : i32 to vector<16xi32>
      %le3A_2578 = arith.cmpi sle, %add3A_2477, %le3A_2577 : vector<16xi32>
      %lt3A_2579 = arith.cmpi slt, %gather3A_2533, %get3A_907 : vector<16xi32>
      %and3A_2580 = arith.andi %le3A_2578, %lt3A_2579 : vector<16xi1>
      %select_n3A_2581 = arith.select %and3A_2580, %add3A_2477, %select_n3A_2453 : vector<16xi1>, vector<16xi32>
      %add3A_2582 = arith.constant 2 : i32
      %add3A_2583 = vector.broadcast %add3A_2582 : i32 to vector<16xi32>
      %add3A_2584 = arith.addi %select_n3A_2539, %add3A_2583 : vector<16xi32>
      %add3A_2585 = arith.constant 2 : i32
      %add3A_2586 = vector.broadcast %add3A_2585 : i32 to vector<16xi32>
      %add3A_2587 = arith.addi %select_n3A_2545, %add3A_2586 : vector<16xi32>
      %add3A_2588 = arith.constant 2 : i32
      %add3A_2589 = vector.broadcast %add3A_2588 : i32 to vector<16xi32>
      %add3A_2590 = arith.addi %select_n3A_2551, %add3A_2589 : vector<16xi32>
      %add3A_2591 = arith.constant 2 : i32
      %add3A_2592 = vector.broadcast %add3A_2591 : i32 to vector<16xi32>
      %add3A_2593 = arith.addi %select_n3A_2557, %add3A_2592 : vector<16xi32>
      %add3A_2594 = arith.constant 2 : i32
      %add3A_2595 = vector.broadcast %add3A_2594 : i32 to vector<16xi32>
      %add3A_2596 = arith.addi %select_n3A_2563, %add3A_2595 : vector<16xi32>
      %add3A_2597 = arith.constant 2 : i32
      %add3A_2598 = vector.broadcast %add3A_2597 : i32 to vector<16xi32>
      %add3A_2599 = arith.addi %select_n3A_2569, %add3A_2598 : vector<16xi32>
      %add3A_2600 = arith.constant 2 : i32
      %add3A_2601 = vector.broadcast %add3A_2600 : i32 to vector<16xi32>
      %add3A_2602 = arith.addi %select_n3A_2575, %add3A_2601 : vector<16xi32>
      %add3A_2603 = arith.constant 2 : i32
      %add3A_2604 = vector.broadcast %add3A_2603 : i32 to vector<16xi32>
      %add3A_2605 = arith.addi %select_n3A_2581, %add3A_2604 : vector<16xi32>
      %min3A_2606 = arith.constant 31250 : i32
      %min3A_2607 = vector.broadcast %min3A_2606 : i32 to vector<16xi32>
      %min3A_2608 = arith.minsi %add3A_2584, %min3A_2607 : vector<16xi32>
      %sub3A_2609 = arith.constant 1 : i32
      %sub3A_2610 = vector.broadcast %sub3A_2609 : i32 to vector<16xi32>
      %sub3A_2611 = arith.subi %min3A_2608, %sub3A_2610 : vector<16xi32>
      %gather3A_2612 = tpu.vector_load_idx %arg6[%sub3A_2611] : memref<31250xi32, #tpu.memory_space<vmem>>[vector<16xi32>], vector<16xi32>,
      %min3A_2613 = arith.constant 31250 : i32
      %min3A_2614 = vector.broadcast %min3A_2613 : i32 to vector<16xi32>
      %min3A_2615 = arith.minsi %add3A_2587, %min3A_2614 : vector<16xi32>
      %sub3A_2616 = arith.constant 1 : i32
      %sub3A_2617 = vector.broadcast %sub3A_2616 : i32 to vector<16xi32>
      %sub3A_2618 = arith.subi %min3A_2615, %sub3A_2617 : vector<16xi32>
      %gather3A_2619 = tpu.vector_load_idx %arg6[%sub3A_2618] : memref<31250xi32, #tpu.memory_space<vmem>>[vector<16xi32>], vector<16xi32>,
      %min3A_2620 = arith.constant 31250 : i32
      %min3A_2621 = vector.broadcast %min3A_2620 : i32 to vector<16xi32>
      %min3A_2622 = arith.minsi %add3A_2590, %min3A_2621 : vector<16xi32>
      %sub3A_2623 = arith.constant 1 : i32
      %sub3A_2624 = vector.broadcast %sub3A_2623 : i32 to vector<16xi32>
      %sub3A_2625 = arith.subi %min3A_2622, %sub3A_2624 : vector<16xi32>
      %gather3A_2626 = tpu.vector_load_idx %arg6[%sub3A_2625] : memref<31250xi32, #tpu.memory_space<vmem>>[vector<16xi32>], vector<16xi32>,
      %min3A_2627 = arith.constant 31250 : i32
      %min3A_2628 = vector.broadcast %min3A_2627 : i32 to vector<16xi32>
      %min3A_2629 = arith.minsi %add3A_2593, %min3A_2628 : vector<16xi32>
      %sub3A_2630 = arith.constant 1 : i32
      %sub3A_2631 = vector.broadcast %sub3A_2630 : i32 to vector<16xi32>
      %sub3A_2632 = arith.subi %min3A_2629, %sub3A_2631 : vector<16xi32>
      %gather3A_2633 = tpu.vector_load_idx %arg6[%sub3A_2632] : memref<31250xi32, #tpu.memory_space<vmem>>[vector<16xi32>], vector<16xi32>,
      %min3A_2634 = arith.constant 31250 : i32
      %min3A_2635 = vector.broadcast %min3A_2634 : i32 to vector<16xi32>
      %min3A_2636 = arith.minsi %add3A_2596, %min3A_2635 : vector<16xi32>
      %sub3A_2637 = arith.constant 1 : i32
      %sub3A_2638 = vector.broadcast %sub3A_2637 : i32 to vector<16xi32>
      %sub3A_2639 = arith.subi %min3A_2636, %sub3A_2638 : vector<16xi32>
      %gather3A_2640 = tpu.vector_load_idx %arg6[%sub3A_2639] : memref<31250xi32, #tpu.memory_space<vmem>>[vector<16xi32>], vector<16xi32>,
      %min3A_2641 = arith.constant 31250 : i32
      %min3A_2642 = vector.broadcast %min3A_2641 : i32 to vector<16xi32>
      %min3A_2643 = arith.minsi %add3A_2599, %min3A_2642 : vector<16xi32>
      %sub3A_2644 = arith.constant 1 : i32
      %sub3A_2645 = vector.broadcast %sub3A_2644 : i32 to vector<16xi32>
      %sub3A_2646 = arith.subi %min3A_2643, %sub3A_2645 : vector<16xi32>
      %gather3A_2647 = tpu.vector_load_idx %arg6[%sub3A_2646] : memref<31250xi32, #tpu.memory_space<vmem>>[vector<16xi32>], vector<16xi32>,
      %min3A_2648 = arith.constant 31250 : i32
      %min3A_2649 = vector.broadcast %min3A_2648 : i32 to vector<16xi32>
      %min3A_2650 = arith.minsi %add3A_2602, %min3A_2649 : vector<16xi32>
      %sub3A_2651 = arith.constant 1 : i32
      %sub3A_2652 = vector.broadcast %sub3A_2651 : i32 to vector<16xi32>
      %sub3A_2653 = arith.subi %min3A_2650, %sub3A_2652 : vector<16xi32>
      %gather3A_2654 = tpu.vector_load_idx %arg6[%sub3A_2653] : memref<31250xi32, #tpu.memory_space<vmem>>[vector<16xi32>], vector<16xi32>,
      %min3A_2655 = arith.constant 31250 : i32
      %min3A_2656 = vector.broadcast %min3A_2655 : i32 to vector<16xi32>
      %min3A_2657 = arith.minsi %add3A_2605, %min3A_2656 : vector<16xi32>
      %sub3A_2658 = arith.constant 1 : i32
      %sub3A_2659 = vector.broadcast %sub3A_2658 : i32 to vector<16xi32>
      %sub3A_2660 = arith.subi %min3A_2657, %sub3A_2659 : vector<16xi32>
      %gather3A_2661 = tpu.vector_load_idx %arg6[%sub3A_2660] : memref<31250xi32, #tpu.memory_space<vmem>>[vector<16xi32>], vector<16xi32>,
      %le3A_2662 = arith.constant 31250 : i32
      %le3A_2663 = vector.broadcast %le3A_2662 : i32 to vector<16xi32>
      %le3A_2664 = arith.cmpi sle, %add3A_2584, %le3A_2663 : vector<16xi32>
      %lt3A_2665 = arith.cmpi slt, %gather3A_2612, %get3A_893 : vector<16xi32>
      %and3A_2666 = arith.andi %le3A_2664, %lt3A_2665 : vector<16xi1>
      %select_n3A_2667 = arith.select %and3A_2666, %add3A_2584, %select_n3A_2539 : vector<16xi1>, vector<16xi32>
      %le3A_2668 = arith.constant 31250 : i32
      %le3A_2669 = vector.broadcast %le3A_2668 : i32 to vector<16xi32>
      %le3A_2670 = arith.cmpi sle, %add3A_2587, %le3A_2669 : vector<16xi32>
      %lt3A_2671 = arith.cmpi slt, %gather3A_2619, %get3A_895 : vector<16xi32>
      %and3A_2672 = arith.andi %le3A_2670, %lt3A_2671 : vector<16xi1>
      %select_n3A_2673 = arith.select %and3A_2672, %add3A_2587, %select_n3A_2545 : vector<16xi1>, vector<16xi32>
      %le3A_2674 = arith.constant 31250 : i32
      %le3A_2675 = vector.broadcast %le3A_2674 : i32 to vector<16xi32>
      %le3A_2676 = arith.cmpi sle, %add3A_2590, %le3A_2675 : vector<16xi32>
      %lt3A_2677 = arith.cmpi slt, %gather3A_2626, %get3A_897 : vector<16xi32>
      %and3A_2678 = arith.andi %le3A_2676, %lt3A_2677 : vector<16xi1>
      %select_n3A_2679 = arith.select %and3A_2678, %add3A_2590, %select_n3A_2551 : vector<16xi1>, vector<16xi32>
      %le3A_2680 = arith.constant 31250 : i32
      %le3A_2681 = vector.broadcast %le3A_2680 : i32 to vector<16xi32>
      %le3A_2682 = arith.cmpi sle, %add3A_2593, %le3A_2681 : vector<16xi32>
      %lt3A_2683 = arith.cmpi slt, %gather3A_2633, %get3A_899 : vector<16xi32>
      %and3A_2684 = arith.andi %le3A_2682, %lt3A_2683 : vector<16xi1>
      %select_n3A_2685 = arith.select %and3A_2684, %add3A_2593, %select_n3A_2557 : vector<16xi1>, vector<16xi32>
      %le3A_2686 = arith.constant 31250 : i32
      %le3A_2687 = vector.broadcast %le3A_2686 : i32 to vector<16xi32>
      %le3A_2688 = arith.cmpi sle, %add3A_2596, %le3A_2687 : vector<16xi32>
      %lt3A_2689 = arith.cmpi slt, %gather3A_2640, %get3A_901 : vector<16xi32>
      %and3A_2690 = arith.andi %le3A_2688, %lt3A_2689 : vector<16xi1>
      %select_n3A_2691 = arith.select %and3A_2690, %add3A_2596, %select_n3A_2563 : vector<16xi1>, vector<16xi32>
      %le3A_2692 = arith.constant 31250 : i32
      %le3A_2693 = vector.broadcast %le3A_2692 : i32 to vector<16xi32>
      %le3A_2694 = arith.cmpi sle, %add3A_2599, %le3A_2693 : vector<16xi32>
      %lt3A_2695 = arith.cmpi slt, %gather3A_2647, %get3A_903 : vector<16xi32>
      %and3A_2696 = arith.andi %le3A_2694, %lt3A_2695 : vector<16xi1>
      %select_n3A_2697 = arith.select %and3A_2696, %add3A_2599, %select_n3A_2569 : vector<16xi1>, vector<16xi32>
      %le3A_2698 = arith.constant 31250 : i32
      %le3A_2699 = vector.broadcast %le3A_2698 : i32 to vector<16xi32>
      %le3A_2700 = arith.cmpi sle, %add3A_2602, %le3A_2699 : vector<16xi32>
      %lt3A_2701 = arith.cmpi slt, %gather3A_2654, %get3A_905 : vector<16xi32>
      %and3A_2702 = arith.andi %le3A_2700, %lt3A_2701 : vector<16xi1>
      %select_n3A_2703 = arith.select %and3A_2702, %add3A_2602, %select_n3A_2575 : vector<16xi1>, vector<16xi32>
      %le3A_2704 = arith.constant 31250 : i32
      %le3A_2705 = vector.broadcast %le3A_2704 : i32 to vector<16xi32>
      %le3A_2706 = arith.cmpi sle, %add3A_2605, %le3A_2705 : vector<16xi32>
      %lt3A_2707 = arith.cmpi slt, %gather3A_2661, %get3A_907 : vector<16xi32>
      %and3A_2708 = arith.andi %le3A_2706, %lt3A_2707 : vector<16xi1>
      %select_n3A_2709 = arith.select %and3A_2708, %add3A_2605, %select_n3A_2581 : vector<16xi1>, vector<16xi32>
      %add3A_2710 = arith.constant 1 : i32
      %add3A_2711 = vector.broadcast %add3A_2710 : i32 to vector<16xi32>
      %add3A_2712 = arith.addi %select_n3A_2667, %add3A_2711 : vector<16xi32>
      %add3A_2713 = arith.constant 1 : i32
      %add3A_2714 = vector.broadcast %add3A_2713 : i32 to vector<16xi32>
      %add3A_2715 = arith.addi %select_n3A_2673, %add3A_2714 : vector<16xi32>
      %add3A_2716 = arith.constant 1 : i32
      %add3A_2717 = vector.broadcast %add3A_2716 : i32 to vector<16xi32>
      %add3A_2718 = arith.addi %select_n3A_2679, %add3A_2717 : vector<16xi32>
      %add3A_2719 = arith.constant 1 : i32
      %add3A_2720 = vector.broadcast %add3A_2719 : i32 to vector<16xi32>
      %add3A_2721 = arith.addi %select_n3A_2685, %add3A_2720 : vector<16xi32>
      %add3A_2722 = arith.constant 1 : i32
      %add3A_2723 = vector.broadcast %add3A_2722 : i32 to vector<16xi32>
      %add3A_2724 = arith.addi %select_n3A_2691, %add3A_2723 : vector<16xi32>
      %add3A_2725 = arith.constant 1 : i32
      %add3A_2726 = vector.broadcast %add3A_2725 : i32 to vector<16xi32>
      %add3A_2727 = arith.addi %select_n3A_2697, %add3A_2726 : vector<16xi32>
      %add3A_2728 = arith.constant 1 : i32
      %add3A_2729 = vector.broadcast %add3A_2728 : i32 to vector<16xi32>
      %add3A_2730 = arith.addi %select_n3A_2703, %add3A_2729 : vector<16xi32>
      %add3A_2731 = arith.constant 1 : i32
      %add3A_2732 = vector.broadcast %add3A_2731 : i32 to vector<16xi32>
      %add3A_2733 = arith.addi %select_n3A_2709, %add3A_2732 : vector<16xi32>
      %min3A_2734 = arith.constant 31250 : i32
      %min3A_2735 = vector.broadcast %min3A_2734 : i32 to vector<16xi32>
      %min3A_2736 = arith.minsi %add3A_2712, %min3A_2735 : vector<16xi32>
      %sub3A_2737 = arith.constant 1 : i32
      %sub3A_2738 = vector.broadcast %sub3A_2737 : i32 to vector<16xi32>
      %sub3A_2739 = arith.subi %min3A_2736, %sub3A_2738 : vector<16xi32>
      %gather3A_2740 = tpu.vector_load_idx %arg6[%sub3A_2739] : memref<31250xi32, #tpu.memory_space<vmem>>[vector<16xi32>], vector<16xi32>,
      %min3A_2741 = arith.constant 31250 : i32
      %min3A_2742 = vector.broadcast %min3A_2741 : i32 to vector<16xi32>
      %min3A_2743 = arith.minsi %add3A_2715, %min3A_2742 : vector<16xi32>
      %sub3A_2744 = arith.constant 1 : i32
      %sub3A_2745 = vector.broadcast %sub3A_2744 : i32 to vector<16xi32>
      %sub3A_2746 = arith.subi %min3A_2743, %sub3A_2745 : vector<16xi32>
      %gather3A_2747 = tpu.vector_load_idx %arg6[%sub3A_2746] : memref<31250xi32, #tpu.memory_space<vmem>>[vector<16xi32>], vector<16xi32>,
      %min3A_2748 = arith.constant 31250 : i32
      %min3A_2749 = vector.broadcast %min3A_2748 : i32 to vector<16xi32>
      %min3A_2750 = arith.minsi %add3A_2718, %min3A_2749 : vector<16xi32>
      %sub3A_2751 = arith.constant 1 : i32
      %sub3A_2752 = vector.broadcast %sub3A_2751 : i32 to vector<16xi32>
      %sub3A_2753 = arith.subi %min3A_2750, %sub3A_2752 : vector<16xi32>
      %gather3A_2754 = tpu.vector_load_idx %arg6[%sub3A_2753] : memref<31250xi32, #tpu.memory_space<vmem>>[vector<16xi32>], vector<16xi32>,
      %min3A_2755 = arith.constant 31250 : i32
      %min3A_2756 = vector.broadcast %min3A_2755 : i32 to vector<16xi32>
      %min3A_2757 = arith.minsi %add3A_2721, %min3A_2756 : vector<16xi32>
      %sub3A_2758 = arith.constant 1 : i32
      %sub3A_2759 = vector.broadcast %sub3A_2758 : i32 to vector<16xi32>
      %sub3A_2760 = arith.subi %min3A_2757, %sub3A_2759 : vector<16xi32>
      %gather3A_2761 = tpu.vector_load_idx %arg6[%sub3A_2760] : memref<31250xi32, #tpu.memory_space<vmem>>[vector<16xi32>], vector<16xi32>,
      %min3A_2762 = arith.constant 31250 : i32
      %min3A_2763 = vector.broadcast %min3A_2762 : i32 to vector<16xi32>
      %min3A_2764 = arith.minsi %add3A_2724, %min3A_2763 : vector<16xi32>
      %sub3A_2765 = arith.constant 1 : i32
      %sub3A_2766 = vector.broadcast %sub3A_2765 : i32 to vector<16xi32>
      %sub3A_2767 = arith.subi %min3A_2764, %sub3A_2766 : vector<16xi32>
      %gather3A_2768 = tpu.vector_load_idx %arg6[%sub3A_2767] : memref<31250xi32, #tpu.memory_space<vmem>>[vector<16xi32>], vector<16xi32>,
      %min3A_2769 = arith.constant 31250 : i32
      %min3A_2770 = vector.broadcast %min3A_2769 : i32 to vector<16xi32>
      %min3A_2771 = arith.minsi %add3A_2727, %min3A_2770 : vector<16xi32>
      %sub3A_2772 = arith.constant 1 : i32
      %sub3A_2773 = vector.broadcast %sub3A_2772 : i32 to vector<16xi32>
      %sub3A_2774 = arith.subi %min3A_2771, %sub3A_2773 : vector<16xi32>
      %gather3A_2775 = tpu.vector_load_idx %arg6[%sub3A_2774] : memref<31250xi32, #tpu.memory_space<vmem>>[vector<16xi32>], vector<16xi32>,
      %min3A_2776 = arith.constant 31250 : i32
      %min3A_2777 = vector.broadcast %min3A_2776 : i32 to vector<16xi32>
      %min3A_2778 = arith.minsi %add3A_2730, %min3A_2777 : vector<16xi32>
      %sub3A_2779 = arith.constant 1 : i32
      %sub3A_2780 = vector.broadcast %sub3A_2779 : i32 to vector<16xi32>
      %sub3A_2781 = arith.subi %min3A_2778, %sub3A_2780 : vector<16xi32>
      %gather3A_2782 = tpu.vector_load_idx %arg6[%sub3A_2781] : memref<31250xi32, #tpu.memory_space<vmem>>[vector<16xi32>], vector<16xi32>,
      %min3A_2783 = arith.constant 31250 : i32
      %min3A_2784 = vector.broadcast %min3A_2783 : i32 to vector<16xi32>
      %min3A_2785 = arith.minsi %add3A_2733, %min3A_2784 : vector<16xi32>
      %sub3A_2786 = arith.constant 1 : i32
      %sub3A_2787 = vector.broadcast %sub3A_2786 : i32 to vector<16xi32>
      %sub3A_2788 = arith.subi %min3A_2785, %sub3A_2787 : vector<16xi32>
      %gather3A_2789 = tpu.vector_load_idx %arg6[%sub3A_2788] : memref<31250xi32, #tpu.memory_space<vmem>>[vector<16xi32>], vector<16xi32>,
      %le3A_2790 = arith.constant 31250 : i32
      %le3A_2791 = vector.broadcast %le3A_2790 : i32 to vector<16xi32>
      %le3A_2792 = arith.cmpi sle, %add3A_2712, %le3A_2791 : vector<16xi32>
      %lt3A_2793 = arith.cmpi slt, %gather3A_2740, %get3A_893 : vector<16xi32>
      %and3A_2794 = arith.andi %le3A_2792, %lt3A_2793 : vector<16xi1>
      %select_n3A_2795 = arith.select %and3A_2794, %add3A_2712, %select_n3A_2667 : vector<16xi1>, vector<16xi32>
      %le3A_2796 = arith.constant 31250 : i32
      %le3A_2797 = vector.broadcast %le3A_2796 : i32 to vector<16xi32>
      %le3A_2798 = arith.cmpi sle, %add3A_2715, %le3A_2797 : vector<16xi32>
      %lt3A_2799 = arith.cmpi slt, %gather3A_2747, %get3A_895 : vector<16xi32>
      %and3A_2800 = arith.andi %le3A_2798, %lt3A_2799 : vector<16xi1>
      %select_n3A_2801 = arith.select %and3A_2800, %add3A_2715, %select_n3A_2673 : vector<16xi1>, vector<16xi32>
      %le3A_2802 = arith.constant 31250 : i32
      %le3A_2803 = vector.broadcast %le3A_2802 : i32 to vector<16xi32>
      %le3A_2804 = arith.cmpi sle, %add3A_2718, %le3A_2803 : vector<16xi32>
      %lt3A_2805 = arith.cmpi slt, %gather3A_2754, %get3A_897 : vector<16xi32>
      %and3A_2806 = arith.andi %le3A_2804, %lt3A_2805 : vector<16xi1>
      %select_n3A_2807 = arith.select %and3A_2806, %add3A_2718, %select_n3A_2679 : vector<16xi1>, vector<16xi32>
      %le3A_2808 = arith.constant 31250 : i32
      %le3A_2809 = vector.broadcast %le3A_2808 : i32 to vector<16xi32>
      %le3A_2810 = arith.cmpi sle, %add3A_2721, %le3A_2809 : vector<16xi32>
      %lt3A_2811 = arith.cmpi slt, %gather3A_2761, %get3A_899 : vector<16xi32>
      %and3A_2812 = arith.andi %le3A_2810, %lt3A_2811 : vector<16xi1>
      %select_n3A_2813 = arith.select %and3A_2812, %add3A_2721, %select_n3A_2685 : vector<16xi1>, vector<16xi32>
      %le3A_2814 = arith.constant 31250 : i32
      %le3A_2815 = vector.broadcast %le3A_2814 : i32 to vector<16xi32>
      %le3A_2816 = arith.cmpi sle, %add3A_2724, %le3A_2815 : vector<16xi32>
      %lt3A_2817 = arith.cmpi slt, %gather3A_2768, %get3A_901 : vector<16xi32>
      %and3A_2818 = arith.andi %le3A_2816, %lt3A_2817 : vector<16xi1>
      %select_n3A_2819 = arith.select %and3A_2818, %add3A_2724, %select_n3A_2691 : vector<16xi1>, vector<16xi32>
      %le3A_2820 = arith.constant 31250 : i32
      %le3A_2821 = vector.broadcast %le3A_2820 : i32 to vector<16xi32>
      %le3A_2822 = arith.cmpi sle, %add3A_2727, %le3A_2821 : vector<16xi32>
      %lt3A_2823 = arith.cmpi slt, %gather3A_2775, %get3A_903 : vector<16xi32>
      %and3A_2824 = arith.andi %le3A_2822, %lt3A_2823 : vector<16xi1>
      %select_n3A_2825 = arith.select %and3A_2824, %add3A_2727, %select_n3A_2697 : vector<16xi1>, vector<16xi32>
      %le3A_2826 = arith.constant 31250 : i32
      %le3A_2827 = vector.broadcast %le3A_2826 : i32 to vector<16xi32>
      %le3A_2828 = arith.cmpi sle, %add3A_2730, %le3A_2827 : vector<16xi32>
      %lt3A_2829 = arith.cmpi slt, %gather3A_2782, %get3A_905 : vector<16xi32>
      %and3A_2830 = arith.andi %le3A_2828, %lt3A_2829 : vector<16xi1>
      %select_n3A_2831 = arith.select %and3A_2830, %add3A_2730, %select_n3A_2703 : vector<16xi1>, vector<16xi32>
      %le3A_2832 = arith.constant 31250 : i32
      %le3A_2833 = vector.broadcast %le3A_2832 : i32 to vector<16xi32>
      %le3A_2834 = arith.cmpi sle, %add3A_2733, %le3A_2833 : vector<16xi32>
      %lt3A_2835 = arith.cmpi slt, %gather3A_2789, %get3A_907 : vector<16xi32>
      %and3A_2836 = arith.andi %le3A_2834, %lt3A_2835 : vector<16xi1>
      %select_n3A_2837 = arith.select %and3A_2836, %add3A_2733, %select_n3A_2709 : vector<16xi1>, vector<16xi32>
      %swap3A_2838 = arith.index_cast %add3A_878 : i32 to index
      %swap3A_2839 = tpu.vector_load %arg11[%swap3A_2838] {strides = array<i32>} : memref<512xi32, #tpu.memory_space<vmem>>, vector<16xi32>,
      tpu.vector_store %arg11[%swap3A_2838], %select_n3A_2795 {strides = array<i32>} : memref<512xi32, #tpu.memory_space<vmem>>, vector<16xi32>,
      %min3A_2840 = arith.constant 31249 : i32
      %min3A_2841 = vector.broadcast %min3A_2840 : i32 to vector<16xi32>
      %min3A_2842 = arith.minsi %select_n3A_2795, %min3A_2841 : vector<16xi32>
      %swap3A_2843 = arith.index_cast %add3A_878 : i32 to index
      %swap3A_2844 = tpu.vector_load %arg12[%swap3A_2843] {strides = array<i32>} : memref<512xi32, #tpu.memory_space<vmem>>, vector<16xi32>,
      tpu.vector_store %arg12[%swap3A_2843], %min3A_2842 {strides = array<i32>} : memref<512xi32, #tpu.memory_space<vmem>>, vector<16xi32>,
      %swap3A_2845 = arith.index_cast %add3A_880 : i32 to index
      %swap3A_2846 = tpu.vector_load %arg11[%swap3A_2845] {strides = array<i32>} : memref<512xi32, #tpu.memory_space<vmem>>, vector<16xi32>,
      tpu.vector_store %arg11[%swap3A_2845], %select_n3A_2801 {strides = array<i32>} : memref<512xi32, #tpu.memory_space<vmem>>, vector<16xi32>,
      %min3A_2847 = arith.constant 31249 : i32
      %min3A_2848 = vector.broadcast %min3A_2847 : i32 to vector<16xi32>
      %min3A_2849 = arith.minsi %select_n3A_2801, %min3A_2848 : vector<16xi32>
      %swap3A_2850 = arith.index_cast %add3A_880 : i32 to index
      %swap3A_2851 = tpu.vector_load %arg12[%swap3A_2850] {strides = array<i32>} : memref<512xi32, #tpu.memory_space<vmem>>, vector<16xi32>,
      tpu.vector_store %arg12[%swap3A_2850], %min3A_2849 {strides = array<i32>} : memref<512xi32, #tpu.memory_space<vmem>>, vector<16xi32>,
      %swap3A_2852 = arith.index_cast %add3A_882 : i32 to index
      %swap3A_2853 = tpu.vector_load %arg11[%swap3A_2852] {strides = array<i32>} : memref<512xi32, #tpu.memory_space<vmem>>, vector<16xi32>,
      tpu.vector_store %arg11[%swap3A_2852], %select_n3A_2807 {strides = array<i32>} : memref<512xi32, #tpu.memory_space<vmem>>, vector<16xi32>,
      %min3A_2854 = arith.constant 31249 : i32
      %min3A_2855 = vector.broadcast %min3A_2854 : i32 to vector<16xi32>
      %min3A_2856 = arith.minsi %select_n3A_2807, %min3A_2855 : vector<16xi32>
      %swap3A_2857 = arith.index_cast %add3A_882 : i32 to index
      %swap3A_2858 = tpu.vector_load %arg12[%swap3A_2857] {strides = array<i32>} : memref<512xi32, #tpu.memory_space<vmem>>, vector<16xi32>,
      tpu.vector_store %arg12[%swap3A_2857], %min3A_2856 {strides = array<i32>} : memref<512xi32, #tpu.memory_space<vmem>>, vector<16xi32>,
      %swap3A_2859 = arith.index_cast %add3A_884 : i32 to index
      %swap3A_2860 = tpu.vector_load %arg11[%swap3A_2859] {strides = array<i32>} : memref<512xi32, #tpu.memory_space<vmem>>, vector<16xi32>,
      tpu.vector_store %arg11[%swap3A_2859], %select_n3A_2813 {strides = array<i32>} : memref<512xi32, #tpu.memory_space<vmem>>, vector<16xi32>,
      %min3A_2861 = arith.constant 31249 : i32
      %min3A_2862 = vector.broadcast %min3A_2861 : i32 to vector<16xi32>
      %min3A_2863 = arith.minsi %select_n3A_2813, %min3A_2862 : vector<16xi32>
      %swap3A_2864 = arith.index_cast %add3A_884 : i32 to index
      %swap3A_2865 = tpu.vector_load %arg12[%swap3A_2864] {strides = array<i32>} : memref<512xi32, #tpu.memory_space<vmem>>, vector<16xi32>,
      tpu.vector_store %arg12[%swap3A_2864], %min3A_2863 {strides = array<i32>} : memref<512xi32, #tpu.memory_space<vmem>>, vector<16xi32>,
      %swap3A_2866 = arith.index_cast %add3A_886 : i32 to index
      %swap3A_2867 = tpu.vector_load %arg11[%swap3A_2866] {strides = array<i32>} : memref<512xi32, #tpu.memory_space<vmem>>, vector<16xi32>,
      tpu.vector_store %arg11[%swap3A_2866], %select_n3A_2819 {strides = array<i32>} : memref<512xi32, #tpu.memory_space<vmem>>, vector<16xi32>,
      %min3A_2868 = arith.constant 31249 : i32
      %min3A_2869 = vector.broadcast %min3A_2868 : i32 to vector<16xi32>
      %min3A_2870 = arith.minsi %select_n3A_2819, %min3A_2869 : vector<16xi32>
      %swap3A_2871 = arith.index_cast %add3A_886 : i32 to index
      %swap3A_2872 = tpu.vector_load %arg12[%swap3A_2871] {strides = array<i32>} : memref<512xi32, #tpu.memory_space<vmem>>, vector<16xi32>,
      tpu.vector_store %arg12[%swap3A_2871], %min3A_2870 {strides = array<i32>} : memref<512xi32, #tpu.memory_space<vmem>>, vector<16xi32>,
      %swap3A_2873 = arith.index_cast %add3A_888 : i32 to index
      %swap3A_2874 = tpu.vector_load %arg11[%swap3A_2873] {strides = array<i32>} : memref<512xi32, #tpu.memory_space<vmem>>, vector<16xi32>,
      tpu.vector_store %arg11[%swap3A_2873], %select_n3A_2825 {strides = array<i32>} : memref<512xi32, #tpu.memory_space<vmem>>, vector<16xi32>,
      %min3A_2875 = arith.constant 31249 : i32
      %min3A_2876 = vector.broadcast %min3A_2875 : i32 to vector<16xi32>
      %min3A_2877 = arith.minsi %select_n3A_2825, %min3A_2876 : vector<16xi32>
      %swap3A_2878 = arith.index_cast %add3A_888 : i32 to index
      %swap3A_2879 = tpu.vector_load %arg12[%swap3A_2878] {strides = array<i32>} : memref<512xi32, #tpu.memory_space<vmem>>, vector<16xi32>,
      tpu.vector_store %arg12[%swap3A_2878], %min3A_2877 {strides = array<i32>} : memref<512xi32, #tpu.memory_space<vmem>>, vector<16xi32>,
      %swap3A_2880 = arith.index_cast %add3A_890 : i32 to index
      %swap3A_2881 = tpu.vector_load %arg11[%swap3A_2880] {strides = array<i32>} : memref<512xi32, #tpu.memory_space<vmem>>, vector<16xi32>,
      tpu.vector_store %arg11[%swap3A_2880], %select_n3A_2831 {strides = array<i32>} : memref<512xi32, #tpu.memory_space<vmem>>, vector<16xi32>,
      %min3A_2882 = arith.constant 31249 : i32
      %min3A_2883 = vector.broadcast %min3A_2882 : i32 to vector<16xi32>
      %min3A_2884 = arith.minsi %select_n3A_2831, %min3A_2883 : vector<16xi32>
      %swap3A_2885 = arith.index_cast %add3A_890 : i32 to index
      %swap3A_2886 = tpu.vector_load %arg12[%swap3A_2885] {strides = array<i32>} : memref<512xi32, #tpu.memory_space<vmem>>, vector<16xi32>,
      tpu.vector_store %arg12[%swap3A_2885], %min3A_2884 {strides = array<i32>} : memref<512xi32, #tpu.memory_space<vmem>>, vector<16xi32>,
      %swap3A_2887 = arith.index_cast %add3A_892 : i32 to index
      %swap3A_2888 = tpu.vector_load %arg11[%swap3A_2887] {strides = array<i32>} : memref<512xi32, #tpu.memory_space<vmem>>, vector<16xi32>,
      tpu.vector_store %arg11[%swap3A_2887], %select_n3A_2837 {strides = array<i32>} : memref<512xi32, #tpu.memory_space<vmem>>, vector<16xi32>,
      %min3A_2889 = arith.constant 31249 : i32
      %min3A_2890 = vector.broadcast %min3A_2889 : i32 to vector<16xi32>
      %min3A_2891 = arith.minsi %select_n3A_2837, %min3A_2890 : vector<16xi32>
      %swap3A_2892 = arith.index_cast %add3A_892 : i32 to index
      %swap3A_2893 = tpu.vector_load %arg12[%swap3A_2892] {strides = array<i32>} : memref<512xi32, #tpu.memory_space<vmem>>, vector<16xi32>,
      tpu.vector_store %arg12[%swap3A_2892], %min3A_2891 {strides = array<i32>} : memref<512xi32, #tpu.memory_space<vmem>>, vector<16xi32>,
      %add3A_2894 = arith.constant 1 : i32
      %add3A_2895 = arith.addi %scan3A_874, %add3A_2894 : i32
      scf.yield %add3A_2895 : i32
    }
    %scan3A_853 = arith.constant 4 : i32
    "tpu.trace_stop"() : () -> ()
    %dma_start3A_854 = arith.constant 0 : i32
    %dma_start3A_855 = arith.constant 0 : i32
    %dma_start3A_856 = tpu.memref_slice %arg3[%dma_start3A_854, %dma_start3A_855] : memref<31250x32xi32, #tpu.memory_space<hbm>> -> memref<31250x32xi32, #tpu.memory_space<hbm>>
    tpu.enqueue_indirect_dma source(%dma_start3A_856 : memref<31250x32xi32, #tpu.memory_space<hbm>>) target(%arg13 : memref<512x32xi32, #tpu.memory_space<vmem>>) offsets(%arg12 : memref<512xi32, #tpu.memory_space<vmem>>) semaphore(%arg20 : memref<!tpu.dma_semaphore, #tpu.memory_space<semaphore_mem>>)
    %dma_start3A_857 = arith.constant 0 : i32
    %dma_start3A_858 = arith.constant 0 : i32
    %dma_start3A_859 = tpu.memref_slice %arg4[%dma_start3A_857, %dma_start3A_858] : memref<31250x32xf32, #tpu.memory_space<hbm>> -> memref<31250x32xf32, #tpu.memory_space<hbm>>
    tpu.enqueue_indirect_dma source(%dma_start3A_859 : memref<31250x32xf32, #tpu.memory_space<hbm>>) target(%arg14 : memref<512x32xf32, #tpu.memory_space<vmem>>) offsets(%arg12 : memref<512xi32, #tpu.memory_space<vmem>>) semaphore(%arg21 : memref<!tpu.dma_semaphore, #tpu.memory_space<semaphore_mem>>)
    "tpu.trace_start"() <{level = 10 : i32, message = "row_gather"}> : () -> ()
    %dma_wait3A_860 = arith.constant 0 : i32
    %dma_wait3A_861 = arith.constant 0 : i32
    %dma_wait3A_862 = tpu.memref_slice %arg3[%dma_wait3A_860, %dma_wait3A_861] : memref<31250x32xi32, #tpu.memory_space<hbm>> -> memref<31250x32xi32, #tpu.memory_space<hbm>>
    tpu.wait_indirect_dma semaphore(%arg20 : memref<!tpu.dma_semaphore, #tpu.memory_space<semaphore_mem>>) src(%dma_wait3A_862 : memref<31250x32xi32, #tpu.memory_space<hbm>>) dst(%arg13 : memref<512x32xi32, #tpu.memory_space<vmem>>)
    %dma_wait3A_863 = arith.constant 0 : i32
    %dma_wait3A_864 = arith.constant 0 : i32
    %dma_wait3A_865 = tpu.memref_slice %arg4[%dma_wait3A_863, %dma_wait3A_864] : memref<31250x32xf32, #tpu.memory_space<hbm>> -> memref<31250x32xf32, #tpu.memory_space<hbm>>
    tpu.wait_indirect_dma semaphore(%arg21 : memref<!tpu.dma_semaphore, #tpu.memory_space<semaphore_mem>>) src(%dma_wait3A_865 : memref<31250x32xf32, #tpu.memory_space<hbm>>) dst(%arg14 : memref<512x32xf32, #tpu.memory_space<vmem>>)
    "tpu.trace_stop"() : () -> ()
    "tpu.trace_start"() <{level = 10 : i32, message = "pass2"}> : () -> ()
    %scan3A_866 = arith.constant 0 : i32
    %scan3A_867 = arith.constant 0 : i32
    %scan3A_868 = arith.constant 16 : i32
    %scan3A_869 = arith.addi %scan3A_867, %scan3A_868 : i32
    %scan3A_870 = arith.constant 1 : i32
    %scan3A_871 = scf.for %scan3A_873 = %scan3A_867 to %scan3A_869 step %scan3A_870 iter_args(%scan3A_874 = %scan3A_866) -> (i32)  : i32 {
      %mul3A_875 = arith.constant 16 : i32
      %mul3A_876 = arith.muli %scan3A_874, %mul3A_875 : i32
      %get3A = arith.index_cast %mul3A_876 : i32 to index
      %get3A_877 = tpu.vector_load %arg10[%get3A] {strides = array<i32>} : memref<512xi32, #tpu.memory_space<vmem>>, vector<16xi32>,
      %get3A_878 = arith.index_cast %mul3A_876 : i32 to index
      %get3A_879 = tpu.vector_load %arg11[%get3A_878] {strides = array<i32>} : memref<512xi32, #tpu.memory_space<vmem>>, vector<16xi32>,
      %get3A_880 = arith.index_cast %mul3A_876 : i32 to index
      %get3A_881 = tpu.vector_load %arg12[%get3A_880] {strides = array<i32>} : memref<512xi32, #tpu.memory_space<vmem>>, vector<16xi32>,
      %iota3A_882 = tpu.iota {dimensions = array<i32: 0>} : vector<16xi32>
      %add3A_883 = vector.broadcast %mul3A_876 : i32 to vector<16xi32>
      %add3A_884 = arith.addi %add3A_883, %iota3A_882 : vector<16xi32>
      %gt3A = arith.cmpi sgt, %get3A_879, %get3A_881 : vector<16xi32>
      %jit3A = arith.constant 32 : i32
      %jit3A_885 = arith.constant 0 : i32
      %broadcast_in_dim3A_886 = vector.broadcast %jit3A : i32 to vector<16xi32>
      %broadcast_in_dim3A_887 = vector.broadcast %jit3A_885 : i32 to vector<16xi32>
      %select_n3A = arith.select %gt3A, %broadcast_in_dim3A_886, %broadcast_in_dim3A_887 : vector<16xi1>, vector<16xi32>
      %add3A_888 = arith.constant 16 : i32
      %add3A_889 = vector.broadcast %add3A_888 : i32 to vector<16xi32>
      %add3A_890 = arith.addi %select_n3A, %add3A_889 : vector<16xi32>
      %min3A = arith.constant 32 : i32
      %min3A_891 = vector.broadcast %min3A : i32 to vector<16xi32>
      %min3A_892 = arith.minsi %add3A_890, %min3A_891 : vector<16xi32>
      %sub3A = arith.constant 1 : i32
      %sub3A_893 = vector.broadcast %sub3A : i32 to vector<16xi32>
      %sub3A_894 = arith.subi %min3A_892, %sub3A_893 : vector<16xi32>
      %gather3A_895 = tpu.vector_load_idx %arg13[%add3A_884, %sub3A_894] : memref<512x32xi32, #tpu.memory_space<vmem>>[vector<16xi32>, vector<16xi32>], vector<16xi32>,
      %le3A = arith.constant 32 : i32
      %le3A_896 = vector.broadcast %le3A : i32 to vector<16xi32>
      %le3A_897 = arith.cmpi sle, %add3A_890, %le3A_896 : vector<16xi32>
      %lt3A = arith.cmpi slt, %gather3A_895, %get3A_877 : vector<16xi32>
      %and3A = arith.andi %le3A_897, %lt3A : vector<16xi1>
      %select_n3A_898 = arith.select %and3A, %add3A_890, %select_n3A : vector<16xi1>, vector<16xi32>
      %add3A_899 = arith.constant 8 : i32
      %add3A_900 = vector.broadcast %add3A_899 : i32 to vector<16xi32>
      %add3A_901 = arith.addi %select_n3A_898, %add3A_900 : vector<16xi32>
      %min3A_902 = arith.constant 32 : i32
      %min3A_903 = vector.broadcast %min3A_902 : i32 to vector<16xi32>
      %min3A_904 = arith.minsi %add3A_901, %min3A_903 : vector<16xi32>
      %sub3A_905 = arith.constant 1 : i32
      %sub3A_906 = vector.broadcast %sub3A_905 : i32 to vector<16xi32>
      %sub3A_907 = arith.subi %min3A_904, %sub3A_906 : vector<16xi32>
      %gather3A_908 = tpu.vector_load_idx %arg13[%add3A_884, %sub3A_907] : memref<512x32xi32, #tpu.memory_space<vmem>>[vector<16xi32>, vector<16xi32>], vector<16xi32>,
      %le3A_909 = arith.constant 32 : i32
      %le3A_910 = vector.broadcast %le3A_909 : i32 to vector<16xi32>
      %le3A_911 = arith.cmpi sle, %add3A_901, %le3A_910 : vector<16xi32>
      %lt3A_912 = arith.cmpi slt, %gather3A_908, %get3A_877 : vector<16xi32>
      %and3A_913 = arith.andi %le3A_911, %lt3A_912 : vector<16xi1>
      %select_n3A_914 = arith.select %and3A_913, %add3A_901, %select_n3A_898 : vector<16xi1>, vector<16xi32>
      %add3A_915 = arith.constant 4 : i32
      %add3A_916 = vector.broadcast %add3A_915 : i32 to vector<16xi32>
      %add3A_917 = arith.addi %select_n3A_914, %add3A_916 : vector<16xi32>
      %min3A_918 = arith.constant 32 : i32
      %min3A_919 = vector.broadcast %min3A_918 : i32 to vector<16xi32>
      %min3A_920 = arith.minsi %add3A_917, %min3A_919 : vector<16xi32>
      %sub3A_921 = arith.constant 1 : i32
      %sub3A_922 = vector.broadcast %sub3A_921 : i32 to vector<16xi32>
      %sub3A_923 = arith.subi %min3A_920, %sub3A_922 : vector<16xi32>
      %gather3A_924 = tpu.vector_load_idx %arg13[%add3A_884, %sub3A_923] : memref<512x32xi32, #tpu.memory_space<vmem>>[vector<16xi32>, vector<16xi32>], vector<16xi32>,
      %le3A_925 = arith.constant 32 : i32
      %le3A_926 = vector.broadcast %le3A_925 : i32 to vector<16xi32>
      %le3A_927 = arith.cmpi sle, %add3A_917, %le3A_926 : vector<16xi32>
      %lt3A_928 = arith.cmpi slt, %gather3A_924, %get3A_877 : vector<16xi32>
      %and3A_929 = arith.andi %le3A_927, %lt3A_928 : vector<16xi1>
      %select_n3A_930 = arith.select %and3A_929, %add3A_917, %select_n3A_914 : vector<16xi1>, vector<16xi32>
      %add3A_931 = arith.constant 2 : i32
      %add3A_932 = vector.broadcast %add3A_931 : i32 to vector<16xi32>
      %add3A_933 = arith.addi %select_n3A_930, %add3A_932 : vector<16xi32>
      %min3A_934 = arith.constant 32 : i32
      %min3A_935 = vector.broadcast %min3A_934 : i32 to vector<16xi32>
      %min3A_936 = arith.minsi %add3A_933, %min3A_935 : vector<16xi32>
      %sub3A_937 = arith.constant 1 : i32
      %sub3A_938 = vector.broadcast %sub3A_937 : i32 to vector<16xi32>
      %sub3A_939 = arith.subi %min3A_936, %sub3A_938 : vector<16xi32>
      %gather3A_940 = tpu.vector_load_idx %arg13[%add3A_884, %sub3A_939] : memref<512x32xi32, #tpu.memory_space<vmem>>[vector<16xi32>, vector<16xi32>], vector<16xi32>,
      %le3A_941 = arith.constant 32 : i32
      %le3A_942 = vector.broadcast %le3A_941 : i32 to vector<16xi32>
      %le3A_943 = arith.cmpi sle, %add3A_933, %le3A_942 : vector<16xi32>
      %lt3A_944 = arith.cmpi slt, %gather3A_940, %get3A_877 : vector<16xi32>
      %and3A_945 = arith.andi %le3A_943, %lt3A_944 : vector<16xi1>
      %select_n3A_946 = arith.select %and3A_945, %add3A_933, %select_n3A_930 : vector<16xi1>, vector<16xi32>
      %add3A_947 = arith.constant 1 : i32
      %add3A_948 = vector.broadcast %add3A_947 : i32 to vector<16xi32>
      %add3A_949 = arith.addi %select_n3A_946, %add3A_948 : vector<16xi32>
      %min3A_950 = arith.constant 32 : i32
      %min3A_951 = vector.broadcast %min3A_950 : i32 to vector<16xi32>
      %min3A_952 = arith.minsi %add3A_949, %min3A_951 : vector<16xi32>
      %sub3A_953 = arith.constant 1 : i32
      %sub3A_954 = vector.broadcast %sub3A_953 : i32 to vector<16xi32>
      %sub3A_955 = arith.subi %min3A_952, %sub3A_954 : vector<16xi32>
      %gather3A_956 = tpu.vector_load_idx %arg13[%add3A_884, %sub3A_955] : memref<512x32xi32, #tpu.memory_space<vmem>>[vector<16xi32>, vector<16xi32>], vector<16xi32>,
      %le3A_957 = arith.constant 32 : i32
      %le3A_958 = vector.broadcast %le3A_957 : i32 to vector<16xi32>
      %le3A_959 = arith.cmpi sle, %add3A_949, %le3A_958 : vector<16xi32>
      %lt3A_960 = arith.cmpi slt, %gather3A_956, %get3A_877 : vector<16xi32>
      %and3A_961 = arith.andi %le3A_959, %lt3A_960 : vector<16xi1>
      %select_n3A_962 = arith.select %and3A_961, %add3A_949, %select_n3A_946 : vector<16xi1>, vector<16xi32>
      %mul3A_963 = arith.constant 32 : i32
      %mul3A_964 = vector.broadcast %mul3A_963 : i32 to vector<16xi32>
      %mul3A_965 = arith.muli %get3A_879, %mul3A_964 : vector<16xi32>
      %add3A_966 = arith.addi %mul3A_965, %select_n3A_962 : vector<16xi32>
      %min3A_967 = arith.constant 999999 : i32
      %min3A_968 = vector.broadcast %min3A_967 : i32 to vector<16xi32>
      %min3A_969 = arith.minsi %add3A_966, %min3A_968 : vector<16xi32>
      %mul3A_970 = arith.constant 32 : i32
      %mul3A_971 = vector.broadcast %mul3A_970 : i32 to vector<16xi32>
      %mul3A_972 = arith.muli %get3A_881, %mul3A_971 : vector<16xi32>
      %sub3A_973 = arith.subi %min3A_969, %mul3A_972 : vector<16xi32>
      %gather3A_974 = tpu.vector_load_idx %arg14[%add3A_884, %sub3A_973] : memref<512x32xf32, #tpu.memory_space<vmem>>[vector<16xi32>, vector<16xi32>], vector<16xf32>,
      %swap3A_975 = arith.index_cast %mul3A_876 : i32 to index
      %swap3A_976 = tpu.vector_load %arg15[%swap3A_975] {strides = array<i32>} : memref<512xf32, #tpu.memory_space<vmem>>, vector<16xf32>,
      tpu.vector_store %arg15[%swap3A_975], %gather3A_974 {strides = array<i32>} : memref<512xf32, #tpu.memory_space<vmem>>, vector<16xf32>,
      %add3A_977 = arith.constant 256 : i32
      %add3A_978 = arith.addi %mul3A_876, %add3A_977 : i32
      %get3A_979 = arith.index_cast %add3A_978 : i32 to index
      %get3A_980 = tpu.vector_load %arg10[%get3A_979] {strides = array<i32>} : memref<512xi32, #tpu.memory_space<vmem>>, vector<16xi32>,
      %get3A_981 = arith.index_cast %add3A_978 : i32 to index
      %get3A_982 = tpu.vector_load %arg11[%get3A_981] {strides = array<i32>} : memref<512xi32, #tpu.memory_space<vmem>>, vector<16xi32>,
      %get3A_983 = arith.index_cast %add3A_978 : i32 to index
      %get3A_984 = tpu.vector_load %arg12[%get3A_983] {strides = array<i32>} : memref<512xi32, #tpu.memory_space<vmem>>, vector<16xi32>,
      %iota3A_985 = tpu.iota {dimensions = array<i32: 0>} : vector<16xi32>
      %add3A_986 = vector.broadcast %add3A_978 : i32 to vector<16xi32>
      %add3A_987 = arith.addi %add3A_986, %iota3A_985 : vector<16xi32>
      %gt3A_988 = arith.cmpi sgt, %get3A_982, %get3A_984 : vector<16xi32>
      %jit3A_989 = arith.constant 32 : i32
      %jit3A_990 = arith.constant 0 : i32
      %broadcast_in_dim3A_991 = vector.broadcast %jit3A_989 : i32 to vector<16xi32>
      %broadcast_in_dim3A_992 = vector.broadcast %jit3A_990 : i32 to vector<16xi32>
      %select_n3A_993 = arith.select %gt3A_988, %broadcast_in_dim3A_991, %broadcast_in_dim3A_992 : vector<16xi1>, vector<16xi32>
      %add3A_994 = arith.constant 16 : i32
      %add3A_995 = vector.broadcast %add3A_994 : i32 to vector<16xi32>
      %add3A_996 = arith.addi %select_n3A_993, %add3A_995 : vector<16xi32>
      %min3A_997 = arith.constant 32 : i32
      %min3A_998 = vector.broadcast %min3A_997 : i32 to vector<16xi32>
      %min3A_999 = arith.minsi %add3A_996, %min3A_998 : vector<16xi32>
      %sub3A_1000 = arith.constant 1 : i32
      %sub3A_1001 = vector.broadcast %sub3A_1000 : i32 to vector<16xi32>
      %sub3A_1002 = arith.subi %min3A_999, %sub3A_1001 : vector<16xi32>
      %gather3A_1003 = tpu.vector_load_idx %arg13[%add3A_987, %sub3A_1002] : memref<512x32xi32, #tpu.memory_space<vmem>>[vector<16xi32>, vector<16xi32>], vector<16xi32>,
      %le3A_1004 = arith.constant 32 : i32
      %le3A_1005 = vector.broadcast %le3A_1004 : i32 to vector<16xi32>
      %le3A_1006 = arith.cmpi sle, %add3A_996, %le3A_1005 : vector<16xi32>
      %lt3A_1007 = arith.cmpi slt, %gather3A_1003, %get3A_980 : vector<16xi32>
      %and3A_1008 = arith.andi %le3A_1006, %lt3A_1007 : vector<16xi1>
      %select_n3A_1009 = arith.select %and3A_1008, %add3A_996, %select_n3A_993 : vector<16xi1>, vector<16xi32>
      %add3A_1010 = arith.constant 8 : i32
      %add3A_1011 = vector.broadcast %add3A_1010 : i32 to vector<16xi32>
      %add3A_1012 = arith.addi %select_n3A_1009, %add3A_1011 : vector<16xi32>
      %min3A_1013 = arith.constant 32 : i32
      %min3A_1014 = vector.broadcast %min3A_1013 : i32 to vector<16xi32>
      %min3A_1015 = arith.minsi %add3A_1012, %min3A_1014 : vector<16xi32>
      %sub3A_1016 = arith.constant 1 : i32
      %sub3A_1017 = vector.broadcast %sub3A_1016 : i32 to vector<16xi32>
      %sub3A_1018 = arith.subi %min3A_1015, %sub3A_1017 : vector<16xi32>
      %gather3A_1019 = tpu.vector_load_idx %arg13[%add3A_987, %sub3A_1018] : memref<512x32xi32, #tpu.memory_space<vmem>>[vector<16xi32>, vector<16xi32>], vector<16xi32>,
      %le3A_1020 = arith.constant 32 : i32
      %le3A_1021 = vector.broadcast %le3A_1020 : i32 to vector<16xi32>
      %le3A_1022 = arith.cmpi sle, %add3A_1012, %le3A_1021 : vector<16xi32>
      %lt3A_1023 = arith.cmpi slt, %gather3A_1019, %get3A_980 : vector<16xi32>
      %and3A_1024 = arith.andi %le3A_1022, %lt3A_1023 : vector<16xi1>
      %select_n3A_1025 = arith.select %and3A_1024, %add3A_1012, %select_n3A_1009 : vector<16xi1>, vector<16xi32>
      %add3A_1026 = arith.constant 4 : i32
      %add3A_1027 = vector.broadcast %add3A_1026 : i32 to vector<16xi32>
      %add3A_1028 = arith.addi %select_n3A_1025, %add3A_1027 : vector<16xi32>
      %min3A_1029 = arith.constant 32 : i32
      %min3A_1030 = vector.broadcast %min3A_1029 : i32 to vector<16xi32>
      %min3A_1031 = arith.minsi %add3A_1028, %min3A_1030 : vector<16xi32>
      %sub3A_1032 = arith.constant 1 : i32
      %sub3A_1033 = vector.broadcast %sub3A_1032 : i32 to vector<16xi32>
      %sub3A_1034 = arith.subi %min3A_1031, %sub3A_1033 : vector<16xi32>
      %gather3A_1035 = tpu.vector_load_idx %arg13[%add3A_987, %sub3A_1034] : memref<512x32xi32, #tpu.memory_space<vmem>>[vector<16xi32>, vector<16xi32>], vector<16xi32>,
      %le3A_1036 = arith.constant 32 : i32
      %le3A_1037 = vector.broadcast %le3A_1036 : i32 to vector<16xi32>
      %le3A_1038 = arith.cmpi sle, %add3A_1028, %le3A_1037 : vector<16xi32>
      %lt3A_1039 = arith.cmpi slt, %gather3A_1035, %get3A_980 : vector<16xi32>
      %and3A_1040 = arith.andi %le3A_1038, %lt3A_1039 : vector<16xi1>
      %select_n3A_1041 = arith.select %and3A_1040, %add3A_1028, %select_n3A_1025 : vector<16xi1>, vector<16xi32>
      %add3A_1042 = arith.constant 2 : i32
      %add3A_1043 = vector.broadcast %add3A_1042 : i32 to vector<16xi32>
      %add3A_1044 = arith.addi %select_n3A_1041, %add3A_1043 : vector<16xi32>
      %min3A_1045 = arith.constant 32 : i32
      %min3A_1046 = vector.broadcast %min3A_1045 : i32 to vector<16xi32>
      %min3A_1047 = arith.minsi %add3A_1044, %min3A_1046 : vector<16xi32>
      %sub3A_1048 = arith.constant 1 : i32
      %sub3A_1049 = vector.broadcast %sub3A_1048 : i32 to vector<16xi32>
      %sub3A_1050 = arith.subi %min3A_1047, %sub3A_1049 : vector<16xi32>
      %gather3A_1051 = tpu.vector_load_idx %arg13[%add3A_987, %sub3A_1050] : memref<512x32xi32, #tpu.memory_space<vmem>>[vector<16xi32>, vector<16xi32>], vector<16xi32>,
      %le3A_1052 = arith.constant 32 : i32
      %le3A_1053 = vector.broadcast %le3A_1052 : i32 to vector<16xi32>
      %le3A_1054 = arith.cmpi sle, %add3A_1044, %le3A_1053 : vector<16xi32>
      %lt3A_1055 = arith.cmpi slt, %gather3A_1051, %get3A_980 : vector<16xi32>
      %and3A_1056 = arith.andi %le3A_1054, %lt3A_1055 : vector<16xi1>
      %select_n3A_1057 = arith.select %and3A_1056, %add3A_1044, %select_n3A_1041 : vector<16xi1>, vector<16xi32>
      %add3A_1058 = arith.constant 1 : i32
      %add3A_1059 = vector.broadcast %add3A_1058 : i32 to vector<16xi32>
      %add3A_1060 = arith.addi %select_n3A_1057, %add3A_1059 : vector<16xi32>
      %min3A_1061 = arith.constant 32 : i32
      %min3A_1062 = vector.broadcast %min3A_1061 : i32 to vector<16xi32>
      %min3A_1063 = arith.minsi %add3A_1060, %min3A_1062 : vector<16xi32>
      %sub3A_1064 = arith.constant 1 : i32
      %sub3A_1065 = vector.broadcast %sub3A_1064 : i32 to vector<16xi32>
      %sub3A_1066 = arith.subi %min3A_1063, %sub3A_1065 : vector<16xi32>
      %gather3A_1067 = tpu.vector_load_idx %arg13[%add3A_987, %sub3A_1066] : memref<512x32xi32, #tpu.memory_space<vmem>>[vector<16xi32>, vector<16xi32>], vector<16xi32>,
      %le3A_1068 = arith.constant 32 : i32
      %le3A_1069 = vector.broadcast %le3A_1068 : i32 to vector<16xi32>
      %le3A_1070 = arith.cmpi sle, %add3A_1060, %le3A_1069 : vector<16xi32>
      %lt3A_1071 = arith.cmpi slt, %gather3A_1067, %get3A_980 : vector<16xi32>
      %and3A_1072 = arith.andi %le3A_1070, %lt3A_1071 : vector<16xi1>
      %select_n3A_1073 = arith.select %and3A_1072, %add3A_1060, %select_n3A_1057 : vector<16xi1>, vector<16xi32>
      %mul3A_1074 = arith.constant 32 : i32
      %mul3A_1075 = vector.broadcast %mul3A_1074 : i32 to vector<16xi32>
      %mul3A_1076 = arith.muli %get3A_982, %mul3A_1075 : vector<16xi32>
      %add3A_1077 = arith.addi %mul3A_1076, %select_n3A_1073 : vector<16xi32>
      %min3A_1078 = arith.constant 999999 : i32
      %min3A_1079 = vector.broadcast %min3A_1078 : i32 to vector<16xi32>
      %min3A_1080 = arith.minsi %add3A_1077, %min3A_1079 : vector<16xi32>
      %mul3A_1081 = arith.constant 32 : i32
      %mul3A_1082 = vector.broadcast %mul3A_1081 : i32 to vector<16xi32>
      %mul3A_1083 = arith.muli %get3A_984, %mul3A_1082 : vector<16xi32>
      %sub3A_1084 = arith.subi %min3A_1080, %mul3A_1083 : vector<16xi32>
      %gather3A_1085 = tpu.vector_load_idx %arg14[%add3A_987, %sub3A_1084] : memref<512x32xf32, #tpu.memory_space<vmem>>[vector<16xi32>, vector<16xi32>], vector<16xf32>,
      %swap3A_1086 = arith.index_cast %add3A_978 : i32 to index
      %swap3A_1087 = tpu.vector_load %arg15[%swap3A_1086] {strides = array<i32>} : memref<512xf32, #tpu.memory_space<vmem>>, vector<16xf32>,
      tpu.vector_store %arg15[%swap3A_1086], %gather3A_1085 {strides = array<i32>} : memref<512xf32, #tpu.memory_space<vmem>>, vector<16xf32>,
      %add3A_1088 = arith.constant 1 : i32
      %add3A_1089 = arith.addi %scan3A_874, %add3A_1088 : i32
      scf.yield %add3A_1089 : i32
    }
    %scan3A_872 = arith.constant 16 : i32
    "tpu.trace_stop"() : () -> ()
    "tpu.region"() ({
      %run_scoped3A = tpu.sem_alloc : memref<!tpu.dma_semaphore, #tpu.memory_space<semaphore_mem>>
      %dma_start3A_873 = tpu.memref_slice %arg5[%mul3A_2] : memref<16384xf32, #tpu.memory_space<hbm>> -> memref<512xf32, #tpu.memory_space<hbm>>
      %dma_start3A_874 = tpu.memref_slice %arg5[%mul3A_2] : memref<16384xf32, #tpu.memory_space<hbm>> -> memref<512xf32, #tpu.memory_space<hbm>>
      tpu.enqueue_dma source(%arg15 : memref<512xf32, #tpu.memory_space<vmem>>) target(%dma_start3A_874 : memref<512xf32, #tpu.memory_space<hbm>>) target_semaphore(%run_scoped3A : memref<!tpu.dma_semaphore, #tpu.memory_space<semaphore_mem>>)
      %dma_wait3A_875 = tpu.memref_slice %arg5[%mul3A_2] : memref<16384xf32, #tpu.memory_space<hbm>> -> memref<512xf32, #tpu.memory_space<hbm>>
      %dma_wait3A_876 = tpu.memref_slice %arg5[%mul3A_2] : memref<16384xf32, #tpu.memory_space<hbm>> -> memref<512xf32, #tpu.memory_space<hbm>>
      tpu.wait_dma2 semaphore(%run_scoped3A : memref<!tpu.dma_semaphore, #tpu.memory_space<semaphore_mem>>) src(%arg15 : memref<512xf32, #tpu.memory_space<vmem>>) dst(%dma_wait3A_876 : memref<512xf32, #tpu.memory_space<hbm>>)
      tpu.yield
    }) : () -> ()
    return
  }
}

</mosaic_0001>

<sc_bundles>
// kernel: _lookup.3.cloned.1.call-start
scs
__scs_entry_jumppad:
0x0: {  	(pc) =	sbr.rel $0x88, $3  }
0x1: {  	(tag) =	ssettag $0x0;
	lr =	simm.s32 $0x1  }
0x2: {  	[smem:$0x3F9E] =	sst lr;
	_ =	strace $0xD0000000  }
0x3: {  	_ = 	snop  }
0x4: {  	_ = 	snop  }
0x5: {  	_ = 	snop  }
0x6: {  	_ = 	snop  }
0x7: {  	_ = 	snop  }
__scs_overlays_trampoline_lowered:
0x8: {  	[smem:$0x3FAD] =	sst s0  }
0x9: {  	[smem:$0x3FAE] =	sst s1  }
0xa: {  	[smem:$0x3FAF] =	sst s2  }
0xb: {  	[smem:$0x3FB0] =	sst s3  }
0xc: {  	[smem:$0x3FB1] =	sst s4  }
0xd: {  	[smem:$0x3FB2] =	sst s5  }
0xe: {  	[smem:$0x3FB3] =	sst s6  }
0xf: {  	[smem:$0x3FB4] =	sst s7  }
0x10: {  	[smem:$0x3FB5] =	sst s8  }
0x11: {  	[smem:$0x3FB6] =	sst s9;
	s0 =	simm.s32 @!p0 $0x0  }
0x12: {  	s1 =	sld [smem:$0x3F9C];
	s0 =	simm.s32 @p0 $0x1  }
0x13: {  	[smem:$0x3FB7] =	sst s0;
	s0 =	simm.s32 @!p1 $0x0  }
0x14: {  	s2 =	sld [smem:$0x3F9B];
	s0 =	simm.s32 @p1 $0x1  }
0x15: {  	[smem:$0x3FB8] =	sst s0;
	s0 =	simm.s32 @!p2 $0x0  }
0x16: {  	s3 =	sld [smem:$0x3FDB];
	s0 =	simm.s32 @p2 $0x1  }
0x17: {  	s4 =	simm.s32 $0x1BF5;
	[smem:$0x3FBA] =	sst s0  }
0x18: {  	s0 =	sld [smem:$0x3F9D];
	_ =	swait.ge [sflag:s4], $0x0  }
0x19: {  	s7 =	sld [smem:$0x3F9E]  }
0x1a: {  	s8 =	sadd.s32 $0xFFFFE003, lr  }
0x1b: {  	s9 =	sadd.s32 $0xFFFFFEF7, lr;
	s5 =	simm.s32 $0xFFFFFFFF;
	p2 =	slt.u32 s8, $0xFFFFF086  }
0x1c: {  	p1 =	slt.u32 s9, $0xF7A;
	s5 =	simm.s32 @!p2 $0x0  }
0x1d: {  	s5 =	simm.s32 @p1 $0x1;
	p0 =	seq.s32 s7, s2  }
0x1e: {  	s7 =	smul.u32 @!p0 $0xF7A, s2;
	p2 =	seq.s32 @!p0 s5, $0x0  }
0x1f: {  	s9 =	smul.u32 $0xF7A, s1;
	s8 =	simm.s32 @!p0 $0x1BF5;
	p2 =	por !p2, p0  }
0x20: {  	[sflag:s8] =	ssyncset.s32 @!p0 $0xFFFFF086;
	s6 =	sadd.s32 @!p0 s3, s7;
	s7 =	simm.s32 @!p0 $0x108  }
0x21: {  	s3 =	sadd.s32 s3, s9;
	s6 =	sadd.s32 @!p0 $0x88, s6;
	s7 =	simm.s32 @p2 $0x1082  }
0x22: {  	[simem:s7], [sflag:s8] =	dma.local @!p0 [hbm:s6], $0xF7A  }
0x23: {  	s9 =	sor.u32 $0xD0000000, s2;
	s6 =	simm.s32 $0x108;
	_ =	swait.ge @!p0 [sflag:s8], $0x0  }
0x24: {  	s3 =	sadd.s32 $0x88, s3;
	s6 =	simm.s32 @!p1 $0x1082;
	[sflag:s4] =	ssyncset.s32 $0xFFFFF086  }
0x25: {  	[simem:s6], [sflag:s4] =	dma.local [hbm:s3], $0xF7A  }
0x26: {  	[smem:$0x3F9E] =	sst s1;
	(tag) =	ssettag s2;
	_ =	strace s9  }
0x27: {  	s1 =	sld [smem:$0x3FAE]  }
0x28: {  	s2 =	sld [smem:$0x3FAF]  }
0x29: {  	s4 =	sld [smem:$0x3FB1]  }
0x2a: {  	p0 =	seq.s32 s5, $0x0;
	s5 =	sld [smem:$0x3FB2]  }
0x2b: {  	s6 =	sld [smem:$0x3FB3]  }
0x2c: {  	s7 =	sld [smem:$0x3FB4]  }
0x2d: {  	s3 =	simm.s32 $0x108;
	s8 =	sld [smem:$0x3FB5]  }
0x2e: {  	s3 =	simm.s32 @!p0 $0x1082;
	s9 =	sld [smem:$0x3FB6]  }
0x2f: {  	lr =	sadd.s32 s0, s3;
	s0 =	sld [smem:$0x3FAD]  }
0x30: {  	s3 =	sld [smem:$0x3FB0]  }
0x31: {  	[smem:$0x3FB9] =	sst s10  }
0x32: {  	s10 =	sld [smem:$0x3FB7];
	_ =	sdelay $0x3  }
0x33: {  	p0 =	seq.s32 s10, $0x1;
	s10 =	sld [smem:$0x3FB9];
	_ =	sdelay $0x3  }
0x34: {  	[smem:$0x3FB9] =	sst s10  }
0x35: {  	s10 =	sld [smem:$0x3FB8];
	_ =	sdelay $0x3  }
0x36: {  	p1 =	seq.s32 s10, $0x1;
	s10 =	sld [smem:$0x3FB9];
	_ =	sdelay $0x3  }
0x37: {  	[smem:$0x3FB9] =	sst s10  }
0x38: {  	s10 =	sld [smem:$0x3FBA]  }
0x39: {  	_ = 	snop;
	(pc) =	sbr.ind lr, $3  }
0x3a: {  	_ = 	snop  }
0x3b: {  	_ = 	snop  }
0x3c: {  	p2 =	seq.s32 s10, $0x1;
	s10 =	sld [smem:$0x3FB9]  }
0x3d: {  	_ =	shalt  }
0x3e: {  	_ =	shalt  }
0x3f: {  	_ =	shalt  }
0x40: {  	_ =	shalt  }
0x41: {  	_ =	shalt  }
0x42: {  	_ =	shalt  }
0x43: {  	_ =	shalt  }
0x44: {  	_ =	shalt  }
0x45: {  	_ =	shalt  }
0x46: {  	_ =	shalt  }
0x47: {  	_ =	shalt  }
0x48: {  	_ =	shalt  }
0x49: {  	_ =	shalt  }
0x4a: {  	_ =	shalt  }
0x4b: {  	_ =	shalt  }
0x4c: {  	_ =	shalt  }
0x4d: {  	_ =	shalt  }
0x4e: {  	_ =	shalt  }
0x4f: {  	_ =	shalt  }
0x50: {  	_ =	shalt  }
0x51: {  	_ =	shalt  }
0x52: {  	_ =	shalt  }
0x53: {  	_ =	shalt  }
0x54: {  	_ =	shalt  }
0x55: {  	_ =	shalt  }
0x56: {  	_ =	shalt  }
0x57: {  	_ =	shalt  }
0x58: {  	_ =	shalt  }
0x59: {  	_ =	shalt  }
0x5a: {  	_ =	shalt  }
0x5b: {  	_ =	shalt  }
0x5c: {  	_ =	shalt  }
0x5d: {  	_ =	shalt  }
0x5e: {  	_ =	shalt  }
0x5f: {  	_ =	shalt  }
0x60: {  	_ =	shalt  }
0x61: {  	_ =	shalt  }
0x62: {  	_ =	shalt  }
0x63: {  	_ =	shalt  }
0x64: {  	_ =	shalt  }
0x65: {  	_ =	shalt  }
0x66: {  	_ =	shalt  }
0x67: {  	_ =	shalt  }
0x68: {  	_ =	shalt  }
0x69: {  	_ =	shalt  }
0x6a: {  	_ =	shalt  }
0x6b: {  	_ =	shalt  }
0x6c: {  	_ =	shalt  }
0x6d: {  	_ =	shalt  }
0x6e: {  	_ =	shalt  }
0x6f: {  	_ =	shalt  }
0x70: {  	_ =	shalt  }
0x71: {  	_ =	shalt  }
0x72: {  	_ =	shalt  }
0x73: {  	_ =	shalt  }
0x74: {  	_ =	shalt  }
0x75: {  	_ =	shalt  }
0x76: {  	_ =	shalt  }
0x77: {  	_ =	shalt  }
0x78: {  	_ =	shalt  }
0x79: {  	_ =	shalt  }
0x7a: {  	_ =	shalt  }
0x7b: {  	_ =	shalt  }
0x7c: {  	_ =	shalt  }
0x7d: {  	_ =	shalt  }
0x7e: {  	_ =	shalt  }
0x7f: {  	_ =	shalt  }
0x80: {  	_ =	shalt  }
0x81: {  	_ =	shalt  }
0x82: {  	_ =	shalt  }
0x83: {  	_ =	shalt  }
0x84: {  	_ =	shalt  }
0x85: {  	_ =	shalt  }
0x86: {  	_ =	shalt  }
0x87: {  	_ =	shalt  }
.Lfunc_end0:
.L_simem_size_0:
called_computation_lowered:
.L_overlay_start_0:
0x88: {  	s2 =	sld [smem:$0x3FD9]  }
0x89: {  	s3 =	sld [smem:$0x3FFE];
	_ =	sdelay $0x1  }
0x8a: {  	s1 =	srdreg.scid  }
0x8b: {  	s0 =	sand.u32 $0x1, s1  }
0x8c: {  	s17 =	sshll.u32 s0, $0xA;
	s2 =	sadd.s32 s3, s2  }
0x8d: {  	s2 =	sadd.s32 s2, s17  }
0x8e: {  	[smem:$0x3FC5] =	sst s2  }
0x8f: {  	_ = 	snop  }
0x90: {  	s2 =	sld [smem:$0x3FC9]  }
0x91: {  	s18 =	sld [smem:$0x3FD0];
	(tm) =	ssettm $0x1  }
0x92: {  	s4 =	sld [smem:$0x3FFB];
	_ =	sdelay $0x3  }
0x93: {  	_ =	strace s4  }
0x94: {  	s4 =	sld [smem:$0x3FFC];
	_ =	sdelay $0x3  }
0x95: {  	_ =	strace s4  }
0x96: {  	s4 =	sld [smem:$0x3FFD];
	_ =	sdelay $0x3  }
0x97: {  	_ =	strace s4  }
0x98: {  	_ =	strace $0x8FFFFFFF  }
0x99: {  	s19 =	sld [smem:$0x3FDB];
	_ =	sdelay $0x1  }
0x9a: {  	s5 =	simm.s32 $_scs_section_size  }
0x9b: {  	s6 =	simm.s32 $_size__tile_overlayer_lowered;
	s7 =	simm.s32 $_tile_overlayer_lowered  }
0x9c: {  	s22 =	simm.s32 $0x1BFF;
	s21 =	sshll.u32 s7, $0x1;
	s4 =	sadd.s32 s5, s19  }
0x9d: {  	s8 =	simm.s32 $0x0;
	s20 =	sshll.u32 s6, $0x1;
	s6 =	sadd.s32 s21, s4  }
0x9e: {  	[timem:s8], [sflag:s22] =	dma.local [hbm:s6], s20  }
0x9f: {  	_ =	swait.ge [sflag:s22], s20  }
0xa0: {  	s5 =	ssub.s32 $0x0, s20;
	[sflag:s22] =	ssyncset.done $0x0  }
0xa1: {  	[sflag:s22] =	ssyncadd.s32 s5;
	_ =	sdelay $0x1  }
0xa2: {  	s23 =	simm.s32 $0x1B8B  }
0xa3: {  	_ =	swait.ge [sflag:s23], $0x1  }
0xa4: {  	[sflag:s23] =	ssyncset.done $0x0  }
0xa5: {  	s25 =	simm.s32 $0x1B8E;
	s24 =	sld [smem:$0x3FFE];
	[sflag:s23] =	ssyncadd.s32 $0xFFFFFFFF  }
0xa6: {  	s26 =	simm.s32 $execute0_lowered;
	[smem:$0x3FD2] =	sst s25  }
0xa7: {  	s6 =	sshll.u32 s26, $0x1;
	_ =	strace $0x80000046;
	[dreg:$0x1] =	wrdreg $0xFFFFFFFF  }
0xa8: {  	s28 =	simm.s32 $_size_execute0_lowered;
	s4 =	sadd.s32 s4, s6;
	[dreg:$0x0] =	wrdreg $0x0  }
0xa9: {  	s6 =	sshll.u32 s28, $0x1;
	[dreg:$0x2] =	wrdreg s4  }
0xaa: {  	[dreg:$0x3] =	wrdreg s6  }
0xab: {  	[dreg:$0x4] =	wrdreg $0xC0  }
0xac: {  	_ =	task [dreg:s8], $0x5FFFF  }
0xad: {  	[dreg:$0x1] =	wrdreg $0xFFFFFFFF  }
0xae: {  	[dreg:$0x0] =	wrdreg $0x60  }
0xaf: {  	[dreg:$0x2] =	wrdreg s2  }
0xb0: {  	[dreg:$0x3] =	wrdreg s24  }
0xb1: {  	[dreg:$0x4] =	wrdreg s18  }
0xb2: {  	[dreg:$0x5] =	wrdreg $0x185D80  }
0xb3: {  	[dreg:$0x6] =	wrdreg $0x9  }
0xb4: {  	_ =	task.clear_ibuf [dreg:s8], $0x7FFFF;
	_ =	strace $0x90000046  }
0xb5: {  	s29 =	simm.s32 $0x9;
	_ =	strace $0x8000004E  }
0xb6: {  	_ =	swait.ge [sflag:s29], $0x1  }
0xb7: {  	[sflag:s29] =	ssyncadd.s32 $0xFFFFFFFF  }
0xb8: {  	_ =	strace $0x9000004E  }
0xb9: {  	_ =	sfence  }
0xba: {  	s30 =	sld [smem:$0x0];
	_ =	sdelay $0x2  }
0xbb: {  	s31 =	sshll.u32 s1, $0xD;
	s1 =	sshrl.u32 s1, $0x2  }
0xbc: {  	s3 =	sand.u32 $0x4000, s31;
	s1 =	sadd.s32 s1, s30  }
0xbd: {  	s0 =	sor.u32 s3, s0;
	s1 =	sshll.u32 s1, $0x11  }
0xbe: {  	s0 =	sor.u32 s1, s0  }
0xbf: {  	s0 =	sadd.s32 $0x8F2B, s0  }
0xc0: {  	[sflag:s0] =	ssyncadd.remote.s32 $0x1  }
0xc1: {  	_ =	sfence.sel $0xFFFF  }
0xc2: {  	[dreg:$0x0] =	wrdreg $0xFFFFFFFF;
	(pc) =	sbr.abs _section_cstart, $3  }
0xc3: {  	[dreg:$0x1] =	wrdreg $0xFFFFFFFF  }
0xc4: {  	_ =	task.clear_ibuf [dreg:s8], $0x2FFFF;
	_ =	strace $0x9FFFFFFF  }
0xc5: {  	(tm) =	ssettm $0x7FFFFFFF  }
tec
execute0_lowered:
.L_overlay_start_1:
0x0: {  	(tag) =	ssettag $0x1  }
0x1: {  	s0 =	rddreg [dreg:$0x0]  }
0x2: {  	s1 =	rddreg [dreg:$0x1]  }
0x3: {  	s4 =	rddreg [dreg:$0x2]  }
0x4: {  	s15 =	rddreg [dreg:$0x3];
	s2 =	simm.s32 $0x0;
	s5 =	srdreg.scid  }
0x5: {  	s6 =	stileid.u32;
	s19 =	simm.s32 $0x7A18;
	s28 =	simm.s32 $0x6  }
0x6: {  	s29 =	simm.s32 $0x1;
	s30 =	simm.s32 $0x200;
	s31 =	simm.s32 $0x101D8  }
0x7: {  	s18 =	simm.s32 $0x143D8;
	[smem:$0x7FF] =	sst s2;
	s3 =	sadd.s32 $0x600, s1  }
0x8: {  	v0 =	vlaneseq.u32;
	s5 =	sand.u32 $0x1, s5;
	s7 =	sadd.s32 $0x1F000, s1;
	s9 =	smul.u32 $0x7A0, s6  }
0x9: {  	s10 =	sshll.u32 s6, $0x7;
	s21 =	smul.u32 $0x1E80, s6;
	v0 =	vmul.u32 $0x20, v0;
	s14 =	sadd.s32 $0x1EE00, s1  }
0xa: {  	v32 =	vimm.s32 $0x3FFF;
	p0 =	sne.s32 s6, $0x0;
	_ =	strace $0x80000047;
	s20 =	ssub.s32 $0x2, s5  }
0xb: {  	v33 =	vimm.s32 $0x0;
	[dreg:$0x5] =	wrdreg s7;
	s5 =	sshll.u32 s5, $0x6;
	vm0 =	vcmask @!p0 $0x300;
	s8 =	sshrl.u32 s20, $0x1;
	v1 =	vor.u32 $0x1F, v0  }
0xc: {  	s5 =	sor.u32 s5, s10;
	s11 =	sadd.s32 $0x1E8, s9;
	s23 =	sadd.s32 s3, s21;
	v3 =	vor.u32 $0x41F, v0;
	v4 =	vor.u32 $0x61F, v0;
	v5 =	vor.u32 $0x81F, v0  }
0xd: {  	s24 =	sadd.s32 $0x3D0, s9;
	s13 =	sadd.s32 $0x5B0, s9;
	v6 =	vor.u32 $0xA1F, v0;
	v7 =	vor.u32 $0xC1F, v0;
	v8 =	vor.u32 $0xE1F, v0;
	s21 =	simm.s32 $0xB818  }
0xe: {  	v9 =	vor.u32 $0x101F, v0;
	v10 =	vor.u32 $0x121F, v0;
	v11 =	vor.u32 $0x141F, v0;
	s17 =	ssub.s32 s20, s8;
	s0 =	sadd.s32 s0, s5;
	s22 =	sshll.u32 s11, $0x2  }
0xf: {  	v12 =	vor.u32 $0x161F, v0;
	v13 =	vor.u32 $0x181F, v0;
	v14 =	vor.u32 $0x1A1F, v0;
	[dreg:$0x7] =	wrdreg s23;
	s8 =	sadd.s32 s9, s15;
	s25 =	sshll.u32 s24, $0x2  }
0x10: {  	v15 =	vor.u32 $0x1C1F, v0;
	v16 =	vor.u32 $0x1E1F, v0;
	v17 =	vor.u32 $0x201F, v0;
	s10 =	sadd.s32 s11, s15;
	s26 =	sshll.u32 s13, $0x2;
	s12 =	sadd.s32 s24, s15  }
0x11: {  	v18 =	vor.u32 $0x221F, v0;
	v19 =	vor.u32 $0x241F, v0;
	v20 =	vor.u32 $0x261F, v0;
	s13 =	sadd.s32 s13, s15;
	s15 =	sadd.s32 $0x7A00, s15;
	s16 =	sadd.s32 s4, s5  }
0x12: {  	v21 =	vor.u32 $0x281F, v0;
	v22 =	vor.u32 $0x2A1F, v0;
	v23 =	vor.u32 $0x2C1F, v0;
	s20 =	simm.s32 $0x2;
	s23 =	simm.s32 $0x5;
	[dreg:$0x6] =	wrdreg s0  }
0x13: {  	v24 =	vor.u32 $0x2E1F, v0;
	v25 =	vor.u32 $0x301F, v0;
	v26 =	vor.u32 $0x321F, v0;
	s0 =	sadd.s32 s3, s22;
	s9 =	sadd.s32 s3, s25;
	s11 =	sadd.s32 s3, s26  }
0x14: {  	v27 =	vor.u32 $0x341F, v0;
	v28 =	vor.u32 $0x361F, v0;
	[tilespmem:$0x1FFE0] =	vst v1;
	v1 =	vor.u32 $0x21F, v0;
	s17 =	smax.u32 s17, $0x1;
	s26 =	simm.s32 $0x3;
	s22 =	simm.s32 $0x4  }
0x15: {  	v29 =	vor.u32 $0x381F, v0;
	v30 =	vor.u32 $0x3A1F, v0;
	v31 =	vor.u32 $0x3C1F, v0;
	[tilespmem:$0x1FFF0] =	vst v1;
	s25 =	simm.s32 $0x0;
	[dreg:$0x8] =	wrdreg s0;
	s0 =	simm.s32 $0x103D8  }
.LBB2_1:
0x16: {  	s1 =	rddreg [dreg:$0x6];
	s4 =	simm.s32 $0xFDD8  }
0x17: {  	[tilespmem:s4], [sflag:$0x1] =	stream.linear.gather [hbm4b:s1+s2], $0x200, $0x38;
	[tilespmem:$0x18D80] =	vst v63  }
0x18: {  	_ =	strace $0x80000048  }
0x19: {  	s7 =	rddreg [dreg:$0x7]  }
0x1a: {  	[tilespmem:s19], [sflag:$0x2] =	stream.linear.gather [hbm4b:s7+s2], $0x3E00, $0x200038;
	[tilespmem:$0x18D80] =	vst v63  }
0x1b: {  	_ =	swait.ge [sflag:s20], $0x3E00  }
0x1c: {  	v1 =	vld [tilespmem:$0x1FFE0];
	_ =	sdelay $0x4  }
0x1d: {  	[sflag:s20] =	ssyncset.done $0x0  }
0x1e: {  	s24 =	rddreg [dreg:$0x8];
	v2 =	vld [tilespmem:$0x1FFF0];
	[sflag:s20] =	ssyncadd.s32 $0xFFFFC200  }
0x1f: {  	[tilespmem:s21], [sflag:$0x2] =	stream.linear.gather [hbm4b:s24+s2], $0x3E00, $0x200038;
	[tilespmem:$0x18D80] =	vst v63  }
0x20: {  	v34 =	vld.idx.msk [tilespmem:v1+s19+$0x0], $0xffff;
	_ =	sdelay $0x4  }
0x21: {  	[tilespmem:$0xF618] =	vst v34  }
0x22: {  	v34 =	vld.idx.msk [tilespmem:v2+s19+$0x0], $0xffff;
	_ =	sdelay $0x4  }
0x23: {  	[tilespmem:$0xF628] =	vst v34  }
0x24: {  	v34 =	vld.idx.msk [tilespmem:v3+s19+$0x0], $0xffff;
	_ =	sdelay $0x4  }
0x25: {  	[tilespmem:$0xF638] =	vst v34  }
0x26: {  	v34 =	vld.idx.msk [tilespmem:v4+s19+$0x0], $0xffff;
	_ =	sdelay $0x4  }
0x27: {  	[tilespmem:$0xF648] =	vst v34  }
0x28: {  	v34 =	vld.idx.msk [tilespmem:v5+s19+$0x0], $0xffff;
	_ =	sdelay $0x4  }
0x29: {  	[tilespmem:$0xF658] =	vst v34  }
0x2a: {  	v34 =	vld.idx.msk [tilespmem:v6+s19+$0x0], $0xffff;
	_ =	sdelay $0x4  }
0x2b: {  	[tilespmem:$0xF668] =	vst v34  }
0x2c: {  	v34 =	vld.idx.msk [tilespmem:v7+s19+$0x0], $0xffff;
	_ =	sdelay $0x4  }
0x2d: {  	[tilespmem:$0xF678] =	vst v34  }
0x2e: {  	v34 =	vld.idx.msk [tilespmem:v8+s19+$0x0], $0xffff;
	_ =	sdelay $0x4  }
0x2f: {  	[tilespmem:$0xF688] =	vst v34  }
0x30: {  	v34 =	vld.idx.msk [tilespmem:v9+s19+$0x0], $0xffff;
	_ =	sdelay $0x4  }
0x31: {  	[tilespmem:$0xF698] =	vst v34  }
0x32: {  	v34 =	vld.idx.msk [tilespmem:v10+s19+$0x0], $0xffff;
	_ =	sdelay $0x4  }
0x33: {  	[tilespmem:$0xF6A8] =	vst v34  }
0x34: {  	v34 =	vld.idx.msk [tilespmem:v11+s19+$0x0], $0xffff;
	_ =	sdelay $0x4  }
0x35: {  	[tilespmem:$0xF6B8] =	vst v34  }
0x36: {  	v34 =	vld.idx.msk [tilespmem:v12+s19+$0x0], $0xffff;
	_ =	sdelay $0x4  }
0x37: {  	[tilespmem:$0xF6C8] =	vst v34  }
0x38: {  	v34 =	vld.idx.msk [tilespmem:v13+s19+$0x0], $0xffff;
	_ =	sdelay $0x4  }
0x39: {  	[tilespmem:$0xF6D8] =	vst v34  }
0x3a: {  	v34 =	vld.idx.msk [tilespmem:v14+s19+$0x0], $0xffff;
	_ =	sdelay $0x4  }
0x3b: {  	[tilespmem:$0xF6E8] =	vst v34  }
0x3c: {  	v34 =	vld.idx.msk [tilespmem:v15+s19+$0x0], $0xffff;
	_ =	sdelay $0x4  }
0x3d: {  	[tilespmem:$0xF6F8] =	vst v34  }
0x3e: {  	v34 =	vld.idx.msk [tilespmem:v16+s19+$0x0], $0xffff;
	_ =	sdelay $0x4  }
0x3f: {  	[tilespmem:$0xF708] =	vst v34  }
0x40: {  	v34 =	vld.idx.msk [tilespmem:v17+s19+$0x0], $0xffff;
	_ =	sdelay $0x4  }
0x41: {  	[tilespmem:$0xF718] =	vst v34  }
0x42: {  	v34 =	vld.idx.msk [tilespmem:v18+s19+$0x0], $0xffff;
	_ =	sdelay $0x4  }
0x43: {  	[tilespmem:$0xF728] =	vst v34  }
0x44: {  	v34 =	vld.idx.msk [tilespmem:v19+s19+$0x0], $0xffff;
	_ =	sdelay $0x4  }
0x45: {  	[tilespmem:$0xF738] =	vst v34  }
0x46: {  	v34 =	vld.idx.msk [tilespmem:v20+s19+$0x0], $0xffff;
	_ =	sdelay $0x4  }
0x47: {  	[tilespmem:$0xF748] =	vst v34  }
0x48: {  	v34 =	vld.idx.msk [tilespmem:v21+s19+$0x0], $0xffff;
	_ =	sdelay $0x4  }
0x49: {  	[tilespmem:$0xF758] =	vst v34  }
0x4a: {  	v34 =	vld.idx.msk [tilespmem:v22+s19+$0x0], $0xffff;
	_ =	sdelay $0x4  }
0x4b: {  	[tilespmem:$0xF768] =	vst v34  }
0x4c: {  	v34 =	vld.idx.msk [tilespmem:v23+s19+$0x0], $0xffff;
	_ =	sdelay $0x4  }
0x4d: {  	[tilespmem:$0xF778] =	vst v34  }
0x4e: {  	v34 =	vld.idx.msk [tilespmem:v24+s19+$0x0], $0xffff;
	_ =	sdelay $0x4  }
0x4f: {  	[tilespmem:$0xF788] =	vst v34  }
0x50: {  	v34 =	vld.idx.msk [tilespmem:v25+s19+$0x0], $0xffff;
	_ =	sdelay $0x4  }
0x51: {  	[tilespmem:$0xF798] =	vst v34  }
0x52: {  	v34 =	vld.idx.msk [tilespmem:v26+s19+$0x0], $0xffff;
	_ =	sdelay $0x4  }
0x53: {  	[tilespmem:$0xF7A8] =	vst v34  }
0x54: {  	v34 =	vld.idx.msk [tilespmem:v27+s19+$0x0], $0xffff;
	_ =	sdelay $0x4  }
0x55: {  	[tilespmem:$0xF7B8] =	vst v34  }
0x56: {  	v34 =	vld.idx.msk [tilespmem:v28+s19+$0x0], $0xffff;
	_ =	sdelay $0x4  }
0x57: {  	[tilespmem:$0xF7C8] =	vst v34  }
0x58: {  	v34 =	vld.idx.msk [tilespmem:v29+s19+$0x0], $0xffff;
	_ =	sdelay $0x4  }
0x59: {  	[tilespmem:$0xF7D8] =	vst v34  }
0x5a: {  	v34 =	vld.idx.msk [tilespmem:v30+s19+$0x0], $0xffff;
	_ =	sdelay $0x4  }
0x5b: {  	[tilespmem:$0xF7E8] =	vst v34  }
0x5c: {  	v34 =	vld.idx.msk [tilespmem:v31+s19+$0x0], $0xffff;
	_ =	sdelay $0x4  }
0x5d: {  	s4 =	simm.s32 $0xF618;
	[tilespmem:$0xF7F8] =	vst v34  }
0x5e: {  	[spmem:s8] =	stream.linear.scatter [tilespmem:s4], [sflag:$0x3], $0x1F0, $0x200038;
	[tilespmem:$0x18D80] =	vst v63  }
0x5f: {  	_ =	swait.ge [sflag:s20], $0x3E00  }
0x60: {  	[sflag:s20] =	ssyncset.done $0x0  }
0x61: {  	[sflag:s20] =	ssyncadd.s32 $0xFFFFC200  }
0x62: {  	[tilespmem:s19], [sflag:$0x2] =	stream.linear.gather [hbm4b:s9+s2], $0x3E00, $0x200038;
	[tilespmem:$0x18D80] =	vst v63  }
0x63: {  	v61 =	vld.idx.msk [tilespmem:v1+s21+$0x0], $0xffff;
	_ =	sdelay $0x4  }
0x64: {  	[tilespmem:$0xF808] =	vst v61  }
0x65: {  	v34 =	vld.idx.msk [tilespmem:v2+s21+$0x0], $0xffff;
	_ =	sdelay $0x4  }
0x66: {  	[tilespmem:$0xF818] =	vst v34  }
0x67: {  	v34 =	vld.idx.msk [tilespmem:v3+s21+$0x0], $0xffff;
	_ =	sdelay $0x4  }
0x68: {  	[tilespmem:$0xF828] =	vst v34  }
0x69: {  	v34 =	vld.idx.msk [tilespmem:v4+s21+$0x0], $0xffff;
	_ =	sdelay $0x4  }
0x6a: {  	[tilespmem:$0xF838] =	vst v34  }
0x6b: {  	v34 =	vld.idx.msk [tilespmem:v5+s21+$0x0], $0xffff;
	_ =	sdelay $0x4  }
0x6c: {  	[tilespmem:$0xF848] =	vst v34  }
0x6d: {  	v34 =	vld.idx.msk [tilespmem:v6+s21+$0x0], $0xffff;
	_ =	sdelay $0x4  }
0x6e: {  	[tilespmem:$0xF858] =	vst v34  }
0x6f: {  	v34 =	vld.idx.msk [tilespmem:v7+s21+$0x0], $0xffff;
	_ =	sdelay $0x4  }
0x70: {  	[tilespmem:$0xF868] =	vst v34  }
0x71: {  	v34 =	vld.idx.msk [tilespmem:v8+s21+$0x0], $0xffff;
	_ =	sdelay $0x4  }
0x72: {  	[tilespmem:$0xF878] =	vst v34  }
0x73: {  	v34 =	vld.idx.msk [tilespmem:v9+s21+$0x0], $0xffff;
	_ =	sdelay $0x4  }
0x74: {  	[tilespmem:$0xF888] =	vst v34  }
0x75: {  	v34 =	vld.idx.msk [tilespmem:v10+s21+$0x0], $0xffff;
	_ =	sdelay $0x4  }
0x76: {  	[tilespmem:$0xF898] =	vst v34  }
0x77: {  	v34 =	vld.idx.msk [tilespmem:v11+s21+$0x0], $0xffff;
	_ =	sdelay $0x4  }
0x78: {  	[tilespmem:$0xF8A8] =	vst v34  }
0x79: {  	v34 =	vld.idx.msk [tilespmem:v12+s21+$0x0], $0xffff;
	_ =	sdelay $0x4  }
0x7a: {  	[tilespmem:$0xF8B8] =	vst v34  }
0x7b: {  	v34 =	vld.idx.msk [tilespmem:v13+s21+$0x0], $0xffff;
	_ =	sdelay $0x4  }
0x7c: {  	[tilespmem:$0xF8C8] =	vst v34  }
0x7d: {  	v34 =	vld.idx.msk [tilespmem:v14+s21+$0x0], $0xffff;
	_ =	sdelay $0x4  }
0x7e: {  	[tilespmem:$0xF8D8] =	vst v34  }
0x7f: {  	v34 =	vld.idx.msk [tilespmem:v15+s21+$0x0], $0xffff;
	_ =	sdelay $0x4  }
0x80: {  	[tilespmem:$0xF8E8] =	vst v34  }
0x81: {  	v34 =	vld.idx.msk [tilespmem:v16+s21+$0x0], $0xffff;
	_ =	sdelay $0x4  }
0x82: {  	[tilespmem:$0xF8F8] =	vst v34  }
0x83: {  	v34 =	vld.idx.msk [tilespmem:v17+s21+$0x0], $0xffff;
	_ =	sdelay $0x4  }
0x84: {  	[tilespmem:$0xF908] =	vst v34  }
0x85: {  	v34 =	vld.idx.msk [tilespmem:v18+s21+$0x0], $0xffff;
	_ =	sdelay $0x4  }
0x86: {  	[tilespmem:$0xF918] =	vst v34  }
0x87: {  	v34 =	vld.idx.msk [tilespmem:v19+s21+$0x0], $0xffff;
	_ =	sdelay $0x4  }
0x88: {  	[tilespmem:$0xF928] =	vst v34  }
0x89: {  	v34 =	vld.idx.msk [tilespmem:v20+s21+$0x0], $0xffff;
	_ =	sdelay $0x4  }
0x8a: {  	[tilespmem:$0xF938] =	vst v34  }
0x8b: {  	v34 =	vld.idx.msk [tilespmem:v21+s21+$0x0], $0xffff;
	_ =	sdelay $0x4  }
0x8c: {  	[tilespmem:$0xF948] =	vst v34  }
0x8d: {  	v34 =	vld.idx.msk [tilespmem:v22+s21+$0x0], $0xffff;
	_ =	sdelay $0x4  }
0x8e: {  	[tilespmem:$0xF958] =	vst v34  }
0x8f: {  	v34 =	vld.idx.msk [tilespmem:v23+s21+$0x0], $0xffff;
	_ =	sdelay $0x4  }
0x90: {  	[tilespmem:$0xF968] =	vst v34  }
0x91: {  	v34 =	vld.idx.msk [tilespmem:v24+s21+$0x0], $0xffff;
	_ =	sdelay $0x4  }
0x92: {  	[tilespmem:$0xF978] =	vst v34  }
0x93: {  	v34 =	vld.idx.msk [tilespmem:v25+s21+$0x0], $0xffff;
	_ =	sdelay $0x4  }
0x94: {  	[tilespmem:$0xF988] =	vst v34  }
0x95: {  	v34 =	vld.idx.msk [tilespmem:v26+s21+$0x0], $0xffff;
	_ =	sdelay $0x4  }
0x96: {  	[tilespmem:$0xF998] =	vst v34  }
0x97: {  	v34 =	vld.idx.msk [tilespmem:v27+s21+$0x0], $0xffff;
	_ =	sdelay $0x4  }
0x98: {  	[tilespmem:$0xF9A8] =	vst v34  }
0x99: {  	v34 =	vld.idx.msk [tilespmem:v28+s21+$0x0], $0xffff;
	_ =	sdelay $0x4  }
0x9a: {  	[tilespmem:$0xF9B8] =	vst v34  }
0x9b: {  	v34 =	vld.idx.msk [tilespmem:v29+s21+$0x0], $0xffff;
	_ =	sdelay $0x4  }
0x9c: {  	[tilespmem:$0xF9C8] =	vst v34  }
0x9d: {  	v34 =	vld.idx.msk [tilespmem:v30+s21+$0x0], $0xffff;
	_ =	sdelay $0x4  }
0x9e: {  	[tilespmem:$0xF9D8] =	vst v34  }
0x9f: {  	v34 =	vld.idx.msk [tilespmem:v31+s21+$0x0], $0xffff;
	_ =	sdelay $0x4  }
0xa0: {  	s5 =	simm.s32 $0xF808;
	[tilespmem:$0xF9E8] =	vst v34  }
0xa1: {  	[spmem:s10] =	stream.linear.scatter [tilespmem:s5], [sflag:$0x3], $0x1F0, $0x200038;
	[tilespmem:$0x18D80] =	vst v63  }
0xa2: {  	_ =	swait.ge [sflag:s20], $0x3E00  }
0xa3: {  	[sflag:s20] =	ssyncset.done $0x0  }
0xa4: {  	[sflag:s20] =	ssyncadd.s32 $0xFFFFC200  }
0xa5: {  	[tilespmem:s21], [sflag:$0x2] =	stream.linear.gather [hbm4b:s11+s2], $0x3E00, $0x200038;
	[tilespmem:$0x18D80] =	vst v63  }
0xa6: {  	v62 =	vld.idx.msk [tilespmem:v1+s19+$0x0], $0xffff;
	_ =	sdelay $0x4  }
0xa7: {  	[tilespmem:$0xF9F8] =	vst v62  }
0xa8: {  	v34 =	vld.idx.msk [tilespmem:v2+s19+$0x0], $0xffff;
	_ =	sdelay $0x4  }
0xa9: {  	[tilespmem:$0xFA08] =	vst v34  }
0xaa: {  	v34 =	vld.idx.msk [tilespmem:v3+s19+$0x0], $0xffff;
	_ =	sdelay $0x4  }
0xab: {  	[tilespmem:$0xFA18] =	vst v34  }
0xac: {  	v34 =	vld.idx.msk [tilespmem:v4+s19+$0x0], $0xffff;
	_ =	sdelay $0x4  }
0xad: {  	[tilespmem:$0xFA28] =	vst v34  }
0xae: {  	v34 =	vld.idx.msk [tilespmem:v5+s19+$0x0], $0xffff;
	_ =	sdelay $0x4  }
0xaf: {  	[tilespmem:$0xFA38] =	vst v34  }
0xb0: {  	v34 =	vld.idx.msk [tilespmem:v6+s19+$0x0], $0xffff;
	_ =	sdelay $0x4  }
0xb1: {  	[tilespmem:$0xFA48] =	vst v34  }
0xb2: {  	v34 =	vld.idx.msk [tilespmem:v7+s19+$0x0], $0xffff;
	_ =	sdelay $0x4  }
0xb3: {  	[tilespmem:$0xFA58] =	vst v34  }
0xb4: {  	v34 =	vld.idx.msk [tilespmem:v8+s19+$0x0], $0xffff;
	_ =	sdelay $0x4  }
0xb5: {  	[tilespmem:$0xFA68] =	vst v34  }
0xb6: {  	v34 =	vld.idx.msk [tilespmem:v9+s19+$0x0], $0xffff;
	_ =	sdelay $0x4  }
0xb7: {  	[tilespmem:$0xFA78] =	vst v34  }
0xb8: {  	v34 =	vld.idx.msk [tilespmem:v10+s19+$0x0], $0xffff;
	_ =	sdelay $0x4  }
0xb9: {  	[tilespmem:$0xFA88] =	vst v34  }
0xba: {  	v34 =	vld.idx.msk [tilespmem:v11+s19+$0x0], $0xffff;
	_ =	sdelay $0x4  }
0xbb: {  	[tilespmem:$0xFA98] =	vst v34  }
0xbc: {  	v34 =	vld.idx.msk [tilespmem:v12+s19+$0x0], $0xffff;
	_ =	sdelay $0x4  }
0xbd: {  	[tilespmem:$0xFAA8] =	vst v34  }
0xbe: {  	v34 =	vld.idx.msk [tilespmem:v13+s19+$0x0], $0xffff;
	_ =	sdelay $0x4  }
0xbf: {  	[tilespmem:$0xFAB8] =	vst v34  }
0xc0: {  	v34 =	vld.idx.msk [tilespmem:v14+s19+$0x0], $0xffff;
	_ =	sdelay $0x4  }
0xc1: {  	[tilespmem:$0xFAC8] =	vst v34  }
0xc2: {  	v34 =	vld.idx.msk [tilespmem:v15+s19+$0x0], $0xffff;
	_ =	sdelay $0x4  }
0xc3: {  	[tilespmem:$0xFAD8] =	vst v34  }
0xc4: {  	v34 =	vld.idx.msk [tilespmem:v16+s19+$0x0], $0xffff;
	_ =	sdelay $0x4  }
0xc5: {  	[tilespmem:$0xFAE8] =	vst v34  }
0xc6: {  	v34 =	vld.idx.msk [tilespmem:v17+s19+$0x0], $0xffff;
	_ =	sdelay $0x4  }
0xc7: {  	[tilespmem:$0xFAF8] =	vst v34  }
0xc8: {  	v34 =	vld.idx.msk [tilespmem:v18+s19+$0x0], $0xffff;
	_ =	sdelay $0x4  }
0xc9: {  	[tilespmem:$0xFB08] =	vst v34  }
0xca: {  	v34 =	vld.idx.msk [tilespmem:v19+s19+$0x0], $0xffff;
	_ =	sdelay $0x4  }
0xcb: {  	[tilespmem:$0xFB18] =	vst v34  }
0xcc: {  	v34 =	vld.idx.msk [tilespmem:v20+s19+$0x0], $0xffff;
	_ =	sdelay $0x4  }
0xcd: {  	[tilespmem:$0xFB28] =	vst v34  }
0xce: {  	v34 =	vld.idx.msk [tilespmem:v21+s19+$0x0], $0xffff;
	_ =	sdelay $0x4  }
0xcf: {  	[tilespmem:$0xFB38] =	vst v34  }
0xd0: {  	v34 =	vld.idx.msk [tilespmem:v22+s19+$0x0], $0xffff;
	_ =	sdelay $0x4  }
0xd1: {  	[tilespmem:$0xFB48] =	vst v34  }
0xd2: {  	v34 =	vld.idx.msk [tilespmem:v23+s19+$0x0], $0xffff;
	_ =	sdelay $0x4  }
0xd3: {  	[tilespmem:$0xFB58] =	vst v34  }
0xd4: {  	v34 =	vld.idx.msk [tilespmem:v24+s19+$0x0], $0xffff;
	_ =	sdelay $0x4  }
0xd5: {  	[tilespmem:$0xFB68] =	vst v34  }
0xd6: {  	v34 =	vld.idx.msk [tilespmem:v25+s19+$0x0], $0xffff;
	_ =	sdelay $0x4  }
0xd7: {  	[tilespmem:$0xFB78] =	vst v34  }
0xd8: {  	v34 =	vld.idx.msk [tilespmem:v26+s19+$0x0], $0xffff;
	_ =	sdelay $0x4  }
0xd9: {  	[tilespmem:$0xFB88] =	vst v34  }
0xda: {  	v34 =	vld.idx.msk [tilespmem:v27+s19+$0x0], $0xffff;
	_ =	sdelay $0x4  }
0xdb: {  	[tilespmem:$0xFB98] =	vst v34  }
0xdc: {  	v34 =	vld.idx.msk [tilespmem:v28+s19+$0x0], $0xffff;
	_ =	sdelay $0x4  }
0xdd: {  	[tilespmem:$0xFBA8] =	vst v34  }
0xde: {  	v34 =	vld.idx.msk [tilespmem:v29+s19+$0x0], $0xffff;
	_ =	sdelay $0x4  }
0xdf: {  	[tilespmem:$0xFBB8] =	vst v34  }
0xe0: {  	v34 =	vld.idx.msk [tilespmem:v30+s19+$0x0], $0xffff;
	_ =	sdelay $0x4  }
0xe1: {  	[tilespmem:$0xFBC8] =	vst v34  }
0xe2: {  	v34 =	vld.idx.msk [tilespmem:v31+s19+$0x0], $0xffff;
	_ =	sdelay $0x4  }
0xe3: {  	s6 =	simm.s32 $0xF9F8;
	[tilespmem:$0xFBD8] =	vst v34  }
0xe4: {  	[spmem:s12] =	stream.linear.scatter [tilespmem:s6], [sflag:$0x3], $0x1F0, $0x200038;
	[tilespmem:$0x18D80] =	vst v63  }
0xe5: {  	_ =	swait.ge [sflag:s20], $0x3E00  }
0xe6: {  	[sflag:s20] =	ssyncset.done $0x0  }
0xe7: {  	[sflag:s20] =	ssyncadd.s32 $0xFFFFC200  }
0xe8: {  	v63 =	vld.idx.msk [tilespmem:v1+s21+$0x0], $0xffff;
	_ =	sdelay $0x4  }
0xe9: {  	[tilespmem:$0xFBE8] =	vst v63  }
0xea: {  	v34 =	vld.idx.msk [tilespmem:v2+s21+$0x0], $0xffff;
	_ =	sdelay $0x4  }
0xeb: {  	[tilespmem:$0xFBF8] =	vst v34  }
0xec: {  	v34 =	vld.idx.msk [tilespmem:v3+s21+$0x0], $0xffff;
	_ =	sdelay $0x4  }
0xed: {  	[tilespmem:$0xFC08] =	vst v34  }
0xee: {  	v34 =	vld.idx.msk [tilespmem:v4+s21+$0x0], $0xffff;
	_ =	sdelay $0x4  }
0xef: {  	[tilespmem:$0xFC18] =	vst v34  }
0xf0: {  	v34 =	vld.idx.msk [tilespmem:v5+s21+$0x0], $0xffff;
	_ =	sdelay $0x4  }
0xf1: {  	[tilespmem:$0xFC28] =	vst v34  }
0xf2: {  	v34 =	vld.idx.msk [tilespmem:v6+s21+$0x0], $0xffff;
	_ =	sdelay $0x4  }
0xf3: {  	[tilespmem:$0xFC38] =	vst v34  }
0xf4: {  	v34 =	vld.idx.msk [tilespmem:v7+s21+$0x0], $0xffff;
	_ =	sdelay $0x4  }
0xf5: {  	[tilespmem:$0xFC48] =	vst v34  }
0xf6: {  	v34 =	vld.idx.msk [tilespmem:v8+s21+$0x0], $0xffff;
	_ =	sdelay $0x4  }
0xf7: {  	[tilespmem:$0xFC58] =	vst v34  }
0xf8: {  	v34 =	vld.idx.msk [tilespmem:v9+s21+$0x0], $0xffff;
	_ =	sdelay $0x4  }
0xf9: {  	[tilespmem:$0xFC68] =	vst v34  }
0xfa: {  	v34 =	vld.idx.msk [tilespmem:v10+s21+$0x0], $0xffff;
	_ =	sdelay $0x4  }
0xfb: {  	[tilespmem:$0xFC78] =	vst v34  }
0xfc: {  	v34 =	vld.idx.msk [tilespmem:v11+s21+$0x0], $0xffff;
	_ =	sdelay $0x4  }
0xfd: {  	[tilespmem:$0xFC88] =	vst v34  }
0xfe: {  	v34 =	vld.idx.msk [tilespmem:v12+s21+$0x0], $0xffff;
	_ =	sdelay $0x4  }
0xff: {  	[tilespmem:$0xFC98] =	vst v34  }
0x100: {  	v34 =	vld.idx.msk [tilespmem:v13+s21+$0x0], $0xffff;
	_ =	sdelay $0x4  }
0x101: {  	[tilespmem:$0xFCA8] =	vst v34  }
0x102: {  	v34 =	vld.idx.msk [tilespmem:v14+s21+$0x0], $0xffff;
	_ =	sdelay $0x4  }
0x103: {  	[tilespmem:$0xFCB8] =	vst v34  }
0x104: {  	v34 =	vld.idx.msk [tilespmem:v15+s21+$0x0], $0xffff;
	_ =	sdelay $0x4  }
0x105: {  	[tilespmem:$0xFCC8] =	vst v34  }
0x106: {  	v34 =	vld.idx.msk [tilespmem:v16+s21+$0x0], $0xffff;
	_ =	sdelay $0x4  }
0x107: {  	[tilespmem:$0xFCD8] =	vst v34  }
0x108: {  	v34 =	vld.idx.msk [tilespmem:v17+s21+$0x0], $0xffff;
	_ =	sdelay $0x4  }
0x109: {  	[tilespmem:$0xFCE8] =	vst v34  }
0x10a: {  	v34 =	vld.idx.msk [tilespmem:v18+s21+$0x0], $0xffff;
	_ =	sdelay $0x4  }
0x10b: {  	[tilespmem:$0xFCF8] =	vst v34  }
0x10c: {  	v34 =	vld.idx.msk [tilespmem:v19+s21+$0x0], $0xffff;
	_ =	sdelay $0x4  }
0x10d: {  	[tilespmem:$0xFD08] =	vst v34  }
0x10e: {  	v34 =	vld.idx.msk [tilespmem:v20+s21+$0x0], $0xffff;
	_ =	sdelay $0x4  }
0x10f: {  	[tilespmem:$0xFD18] =	vst v34  }
0x110: {  	v34 =	vld.idx.msk [tilespmem:v21+s21+$0x0], $0xffff;
	_ =	sdelay $0x4  }
0x111: {  	[tilespmem:$0xFD28] =	vst v34  }
0x112: {  	v34 =	vld.idx.msk [tilespmem:v22+s21+$0x0], $0xffff;
	_ =	sdelay $0x4  }
0x113: {  	[tilespmem:$0xFD38] =	vst v34  }
0x114: {  	v34 =	vld.idx.msk [tilespmem:v23+s21+$0x0], $0xffff;
	_ =	sdelay $0x4  }
0x115: {  	[tilespmem:$0xFD48] =	vst v34  }
0x116: {  	v34 =	vld.idx.msk [tilespmem:v24+s21+$0x0], $0xffff;
	_ =	sdelay $0x4  }
0x117: {  	[tilespmem:$0xFD58] =	vst v34  }
0x118: {  	v34 =	vld.idx.msk [tilespmem:v25+s21+$0x0], $0xffff;
	_ =	sdelay $0x4  }
0x119: {  	[tilespmem:$0xFD68] =	vst v34  }
0x11a: {  	v34 =	vld.idx.msk [tilespmem:v26+s21+$0x0], $0xffff;
	_ =	sdelay $0x4  }
0x11b: {  	[tilespmem:$0xFD78] =	vst v34  }
0x11c: {  	v34 =	vld.idx.msk [tilespmem:v27+s21+$0x0], $0xffff;
	_ =	sdelay $0x4  }
0x11d: {  	[tilespmem:$0xFD88] =	vst v34  }
0x11e: {  	v34 =	vld.idx.msk [tilespmem:v28+s21+$0x0], $0xffff;
	_ =	sdelay $0x4  }
0x11f: {  	[tilespmem:$0xFD98] =	vst v34  }
0x120: {  	v34 =	vld.idx.msk [tilespmem:v29+s21+$0x0], $0xffff;
	_ =	sdelay $0x4  }
0x121: {  	[tilespmem:$0xFDA8] =	vst v34  }
0x122: {  	v34 =	vld.idx.msk [tilespmem:v30+s21+$0x0], $0xffff;
	_ =	sdelay $0x4  }
0x123: {  	[tilespmem:$0xFDB8] =	vst v34  }
0x124: {  	v34 =	vld.idx.msk [tilespmem:v31+s21+$0x0], $0xffff;
	_ =	sdelay $0x4  }
0x125: {  	s7 =	simm.s32 $0xFBE8;
	[tilespmem:$0xFDC8] =	vst v34  }
0x126: {  	[spmem:s13] =	stream.linear.scatter [tilespmem:s7], [sflag:$0x3], $0x1F0, $0x200038;
	[tilespmem:$0x18D80] =	vst v63  }
0x127: {  	_ =	swait.ge [sflag:s26], $0x1F0  }
0x128: {  	[sflag:s26] =	ssyncset.done $0x0  }
0x129: {  	[sflag:s26] =	ssyncadd.s32 $0xFFFFFE10  }
0x12a: {  	_ =	swait.ge [sflag:s26], $0x1F0  }
0x12b: {  	[sflag:s26] =	ssyncset.done $0x0  }
0x12c: {  	[sflag:s26] =	ssyncadd.s32 $0xFFFFFE10  }
0x12d: {  	_ =	swait.ge [sflag:s26], $0x1F0  }
0x12e: {  	[sflag:s26] =	ssyncset.done $0x0  }
0x12f: {  	[sflag:s26] =	ssyncadd.s32 $0xFFFFFE10  }
0x130: {  	_ =	swait.ge [sflag:s26], $0x1F0  }
0x131: {  	v34 =	vlaneseq.u32 @!p0;
	[sflag:s26] =	ssyncset.done $0x0  }
0x132: {  	v34 =	vmul.u32 @!p0 $0x20, v34;
	[sflag:s26] =	ssyncadd.s32 $0xFFFFFE10  }
0x133: {  	s1 =	simm.s32 @!p0 $0x0;
	s4 =	simm.s32 @!p0 $0x7A18;
	_ =	strace $0x90000048  }
0x134: {  	v34 =	vor.u32 @!p0 $0x1F, v34;
	[tilespmem:s4], [sflag:$0x6] =	stream.linear.gather @!p0 [hbm4b:s14+s1], $0x240, $0x38;
	[tilespmem:$0x18D80] =	vst v63  }
0x135: {  	s1 =	simm.s32 @!p0 $0x6  }
0x136: {  	_ =	swait.ge @!p0 [sflag:s1], $0x240  }
0x137: {  	[sflag:s1] =	ssyncset.done @!p0 $0x0  }
0x138: {  	[sflag:s1] =	ssyncadd.s32 @!p0 $0xFFFFFDC0  }
0x139: {  	v35 =	vimm.s32 @!p0 $0x23F;
	v34 =	vld.idx.msk @!p0 [tilespmem:v34+s4+$0x0], $0xffff  }
0x13a: {  	v35 =	vsel @!p0 vm0, $0x21F, v35;
	_ =	sdelay $0x3  }
0x13b: {  	[tilespmem:$0xF618] =	vst @!p0 v34  }
0x13c: {  	v34 =	vld.idx.msk @!p0 [tilespmem:v35+s4+$0x0], $0xffff;
	_ =	sdelay $0x4  }
0x13d: {  	s4 =	simm.s32 @!p0 $0xF618;
	[tilespmem:$0xF628] =	vst @!p0 v34  }
0x13e: {  	[spmem:s15] =	stream.linear.scatter @!p0 [tilespmem:s4], [sflag:$0x6], $0x12, $0x38;
	[tilespmem:$0x18D80] =	vst v63  }
0x13f: {  	_ =	swait.ge @!p0 [sflag:s1], $0x12  }
0x140: {  	[sflag:s1] =	ssyncset.done @!p0 $0x0  }
0x141: {  	[sflag:s1] =	ssyncadd.s32 @!p0 $0xFFFFFFEE  }
0x142: {  	_ =	strace $0x80000049  }
0x143: {  	[bflag:$0x0] =	sbarrier.arrive $0xFFFF  }
0x144: {  	_ =	strace $0x90000049  }
0x145: {  	_ =	strace $0x8000004A  }
0x146: {  	s24 =	rddreg [dreg:$0x3]  }
0x147: {  	[tilespmem:s2], [sflag:$0x6] =	stream.linear.gather [spmem:s24], $0x7A18, $0x200038;
	[tilespmem:$0x18D80] =	vst v63  }
0x148: {  	_ =	swait.ge [sflag:s28], $0x7A18  }
0x149: {  	[sflag:s28] =	ssyncset.done $0x0  }
0x14a: {  	[sflag:s28] =	ssyncadd.s32 $0xFFFF85E8  }
0x14b: {  	_ =	strace $0x9000004A  }
0x14c: {  	_ =	swait.ge [sflag:s29], $0x200  }
0x14d: {  	[sflag:s29] =	ssyncset.done $0x0  }
0x14e: {  	[sflag:s29] =	ssyncadd.s32 $0xFFFFFE00  }
0x14f: {  	s24 =	simm.s32 $0x0;
	_ =	strace $0x8000004B  }
.LBB2_2:
0x150: {  	s1 =	sshra.s32 s24, $0x2;
	v42 =	vld.idx.msk [tilespmem:v32+s2+$0x0], $0xffff  }
0x151: {  	v41 =	vld [tilespmem:s1+$0xFDD8]  }
0x152: {  	v40 =	vld [tilespmem:s1+$0xFE18]  }
0x153: {  	v39 =	vld [tilespmem:s1+$0xFE58]  }
0x154: {  	v38 =	vld [tilespmem:s1+$0xFE98];
	_ =	sdelay $0x1  }
0x155: {  	v37 =	vld [tilespmem:s1+$0xFED8];
	vm1 =	vlt.s32 v42, v41  }
0x156: {  	v43 =	vsel vm1, $0x4000, v33;
	vm1 =	vlt.s32 v42, v40  }
0x157: {  	v36 =	vld [tilespmem:s1+$0xFF18];
	v44 =	vsel vm1, $0x4000, v33;
	vm1 =	vlt.s32 v42, v39;
	v45 =	vor.u32 $0x1FFF, v43  }
0x158: {  	v35 =	vld [tilespmem:s1+$0xFF58];
	v46 =	vsel vm1, $0x4000, v33;
	vm1 =	vlt.s32 v42, v38;
	v47 =	vor.u32 $0x1FFF, v44  }
0x159: {  	v34 =	vld [tilespmem:s1+$0xFF98];
	v48 =	vsel vm1, $0x4000, v33;
	v49 =	vor.u32 $0x1FFF, v46  }
0x15a: {  	vm1 =	vlt.s32 v42, v37;
	v50 =	vor.u32 $0x1FFF, v48  }
0x15b: {  	v51 =	vsel vm1, $0x4000, v33  }
0x15c: {  	vm1 =	vlt.s32 v42, v36;
	v52 =	vor.u32 $0x1FFF, v51;
	v45 =	vld.idx.msk [tilespmem:v45+s2+$0x0], $0xffff  }
0x15d: {  	v53 =	vsel vm1, $0x4000, v33;
	vm1 =	vlt.s32 v42, v35;
	v47 =	vld.idx.msk [tilespmem:v47+s2+$0x0], $0xffff  }
0x15e: {  	v54 =	vsel vm1, $0x4000, v33;
	vm1 =	vlt.s32 v42, v34;
	v42 =	vld.idx.msk [tilespmem:v49+s2+$0x0], $0xffff;
	v49 =	vor.u32 $0x1FFF, v53  }
0x15f: {  	v56 =	vor.u32 $0x1FFF, v54;
	v50 =	vld.idx.msk [tilespmem:v50+s2+$0x0], $0xffff  }
0x160: {  	v57 =	vor.u32 $0x2000, v43;
	v59 =	vor.u32 $0x2000, v44;
	v55 =	vsel vm1, $0x4000, v33  }
0x161: {  	v60 =	vor.u32 $0x2000, v46;
	v58 =	vor.u32 $0x1FFF, v55;
	v52 =	vld.idx.msk [tilespmem:v52+s2+$0x0], $0xffff;
	vm1 =	vlt.s32 v45, v41  }
0x162: {  	v61 =	vor.u32 $0x2000, v48;
	v43 =	vsel vm1, v57, v43;
	vm1 =	vlt.s32 v47, v40  }
0x163: {  	v47 =	vld.idx.msk [tilespmem:v49+s2+$0x0], $0xffff;
	v44 =	vsel vm1, v59, v44;
	vm1 =	vlt.s32 v42, v39;
	v42 =	vor.u32 $0xFFF, v43  }
0x164: {  	v49 =	vld.idx.msk [tilespmem:v56+s2+$0x0], $0xffff;
	v46 =	vsel vm1, v60, v46;
	vm1 =	vlt.s32 v50, v38;
	v50 =	vor.u32 $0xFFF, v44  }
0x165: {  	v45 =	vsel vm1, v61, v48;
	v48 =	vor.u32 $0xFFF, v46  }
0x166: {  	v62 =	vor.u32 $0x2000, v51;
	v56 =	vld.idx.msk [tilespmem:v58+s2+$0x0], $0xffff;
	vm1 =	vlt.s32 v52, v37;
	v63 =	vor.u32 $0xFFF, v45  }
0x167: {  	v51 =	vsel vm1, v62, v51  }
0x168: {  	v60 =	vor.u32 $0x2000, v53;
	vm1 =	vlt.s32 v47, v36;
	v42 =	vld.idx.msk [tilespmem:v42+s2+$0x0], $0xffff;
	v47 =	vor.u32 $0xFFF, v51  }
0x169: {  	v53 =	vsel vm1, v60, v53;
	vm1 =	vlt.s32 v49, v35;
	v49 =	vld.idx.msk [tilespmem:v50+s2+$0x0], $0xffff  }
0x16a: {  	v57 =	vor.u32 $0x1000, v43;
	v61 =	vor.u32 $0x2000, v54;
	v62 =	vor.u32 $0x2000, v55;
	v48 =	vld.idx.msk [tilespmem:v48+s2+$0x0], $0xffff  }
0x16b: {  	v50 =	vsel vm1, v61, v54;
	vm1 =	vlt.s32 v56, v34;
	v54 =	vor.u32 $0xFFF, v53;
	v52 =	vld.idx.msk [tilespmem:v63+s2+$0x0], $0xffff  }
0x16c: {  	v59 =	vor.u32 $0x1000, v44;
	v55 =	vsel vm1, v62, v55;
	v56 =	vor.u32 $0xFFF, v50  }
0x16d: {  	v60 =	vor.u32 $0x1000, v46;
	v58 =	vor.u32 $0xFFF, v55;
	v47 =	vld.idx.msk [tilespmem:v47+s2+$0x0], $0xffff;
	vm1 =	vlt.s32 v42, v41  }
0x16e: {  	v63 =	vor.u32 $0x1000, v45;
	v43 =	vsel vm1, v57, v43;
	vm1 =	vlt.s32 v49, v40  }
0x16f: {  	v44 =	vsel vm1, v59, v44;
	vm1 =	vlt.s32 v48, v39;
	v61 =	vor.u32 $0x7FF, v43  }
0x170: {  	v49 =	vld.idx.msk [tilespmem:v54+s2+$0x0], $0xffff;
	v46 =	vsel vm1, v60, v46;
	vm1 =	vlt.s32 v52, v38;
	v52 =	vor.u32 $0x7FF, v44  }
0x171: {  	v54 =	vld.idx.msk [tilespmem:v56+s2+$0x0], $0xffff;
	v42 =	vsel vm1, v63, v45;
	v45 =	vor.u32 $0x7FF, v46  }
0x172: {  	v56 =	vld.idx.msk [tilespmem:v58+s2+$0x0], $0xffff;
	vm1 =	vlt.s32 v47, v37;
	v47 =	vor.u32 $0x7FF, v42  }
0x173: {  	v62 =	vor.u32 $0x1000, v51  }
0x174: {  	v59 =	vor.u32 $0x1000, v50;
	v51 =	vsel vm1, v62, v51;
	v48 =	vld.idx.msk [tilespmem:v61+s2+$0x0], $0xffff  }
0x175: {  	v58 =	vor.u32 $0x1000, v53;
	v57 =	vor.u32 $0x7FF, v51;
	vm1 =	vlt.s32 v49, v36;
	v52 =	vld.idx.msk [tilespmem:v52+s2+$0x0], $0xffff  }
0x176: {  	v60 =	vor.u32 $0x1000, v55;
	vm2 =	vlt.s32 v54, v35;
	v49 =	vsel vm1, v58, v53;
	v45 =	vld.idx.msk [tilespmem:v45+s2+$0x0], $0xffff  }
0x177: {  	v54 =	vor.u32 $0x800, v43;
	v58 =	vor.u32 $0x800, v42;
	vm3 =	vlt.s32 v56, v34;
	v47 =	vld.idx.msk [tilespmem:v47+s2+$0x0], $0xffff  }
0x178: {  	v50 =	vsel vm2, v59, v50;
	v56 =	vor.u32 $0x800, v46;
	v59 =	vor.u32 $0x800, v51  }
0x179: {  	v53 =	vsel vm3, v60, v55;
	v55 =	vor.u32 $0x800, v44;
	v60 =	vor.u32 $0x7FF, v49  }
0x17a: {  	v61 =	vor.u32 $0x7FF, v50;
	v57 =	vld.idx.msk [tilespmem:v57+s2+$0x0], $0xffff;
	vm1 =	vlt.s32 v48, v41;
	vm2 =	vlt.s32 v52, v40  }
0x17b: {  	v63 =	vor.u32 $0x7FF, v53;
	v43 =	vsel vm1, v54, v43;
	v44 =	vsel vm2, v55, v44  }
0x17c: {  	vm1 =	vlt.s32 v45, v39;
	v45 =	vadd.s32 $0x400, v43;
	vm2 =	vlt.s32 v47, v38  }
0x17d: {  	v46 =	vsel vm1, v56, v46;
	v42 =	vsel vm2, v58, v42;
	v58 =	vmin.u32 v45, $0x7A12  }
0x17e: {  	v52 =	vld.idx.msk [tilespmem:v60+s2+$0x0], $0xffff;
	v54 =	vadd.s32 $0x400, v44;
	v56 =	vadd.s32 $0x400, v46;
	v47 =	vadd.s32 $0xFFFFFFFF, v58  }
0x17f: {  	v55 =	vld.idx.msk [tilespmem:v61+s2+$0x0], $0xffff;
	v62 =	vmin.u32 v54, $0x7A12;
	vm1 =	vlt.s32 v57, v37;
	v58 =	vadd.s32 $0x400, v42  }
0x180: {  	v48 =	vld.idx.msk [tilespmem:v63+s2+$0x0], $0xffff;
	v57 =	vadd.s32 $0xFFFFFFFF, v62;
	v51 =	vsel vm1, v59, v51;
	v59 =	vmin.u32 v56, $0x7A12  }
0x181: {  	v61 =	vmin.u32 v58, $0x7A12;
	v60 =	vadd.s32 $0x400, v51;
	v59 =	vadd.s32 $0xFFFFFFFF, v59  }
0x182: {  	v1 =	vor.u32 $0x800, v50;
	v61 =	vadd.s32 $0xFFFFFFFF, v61;
	v63 =	vmin.u32 v60, $0x7A12  }
0x183: {  	v62 =	vor.u32 $0x800, v49;
	vm1 =	vlt.s32 v52, v36;
	v52 =	vadd.s32 $0xFFFFFFFF, v63;
	v47 =	vld.idx.msk [tilespmem:v47+s2+$0x0], $0xffff  }
0x184: {  	vm4 =	vlt.u32 v51, $0x7613;
	v49 =	vsel vm1, v62, v49;
	vm1 =	vlt.s32 v55, v35  }
0x185: {  	v63 =	vor.u32 $0x800, v53;
	v1 =	vsel vm1, v1, v50;
	vm1 =	vlt.s32 v48, v34;
	v50 =	vld.idx.msk [tilespmem:v57+s2+$0x0], $0xffff  }
0x186: {  	v48 =	vadd.s32 $0x400, v49;
	v53 =	vsel vm1, v63, v53;
	v55 =	vadd.s32 $0x400, v1;
	v57 =	vld.idx.msk [tilespmem:v59+s2+$0x0], $0xffff  }
0x187: {  	vm1 =	vlt.u32 v43, $0x7613;
	v59 =	vmin.u32 v48, $0x7A12;
	v62 =	vadd.s32 $0x400, v53;
	v61 =	vld.idx.msk [tilespmem:v61+s2+$0x0], $0xffff  }
0x188: {  	v63 =	vmin.u32 v55, $0x7A12;
	v59 =	vadd.s32 $0xFFFFFFFF, v59;
	v52 =	vld.idx.msk [tilespmem:v52+s2+$0x0], $0xffff;
	vm2 =	vlt.s32 v47, v41  }
0x189: {  	v2 =	vmin.u32 v62, $0x7A12;
	v63 =	vadd.s32 $0xFFFFFFFF, v63;
	vm1 =	vmand vm1, vm2  }
0x18a: {  	vm2 =	vlt.s32 v50, v40;
	v43 =	vsel vm1, v45, v43;
	vm1 =	vlt.u32 v44, $0x7613  }
0x18b: {  	vm3 =	vlt.s32 v57, v39;
	vm1 =	vmand vm1, vm2;
	vm2 =	vlt.u32 v46, $0x7613  }
0x18c: {  	v2 =	vadd.s32 $0xFFFFFFFF, v2;
	v44 =	vsel vm1, v54, v44;
	vm1 =	vmand vm2, vm3  }
0x18d: {  	v59 =	vld.idx.msk [tilespmem:v59+s2+$0x0], $0xffff;
	vm2 =	vlt.u32 v42, $0x7613;
	vm3 =	vlt.s32 v61, v38;
	vm5 =	vlt.s32 v52, v37  }
0x18e: {  	v46 =	vsel vm1, v56, v46;
	vm1 =	vmand vm2, vm3;
	vm2 =	vmand vm4, vm5  }
0x18f: {  	v47 =	vld.idx.msk [tilespmem:v63+s2+$0x0], $0xffff;
	v52 =	vadd.s32 $0x200, v44;
	v42 =	vsel vm1, v58, v42;
	v50 =	vsel vm2, v60, v51  }
0x190: {  	v51 =	vadd.s32 $0x200, v43;
	vm1 =	vlt.u32 v49, $0x7613;
	v61 =	vmin.u32 v52, $0x7A12  }
0x191: {  	v56 =	vadd.s32 $0x200, v46;
	v60 =	vmin.u32 v51, $0x7A12;
	v54 =	vadd.s32 $0xFFFFFFFF, v61  }
0x192: {  	v57 =	vadd.s32 $0x200, v42;
	v63 =	vmin.u32 v56, $0x7A12;
	vm2 =	vlt.s32 v59, v36  }
0x193: {  	v2 =	vld.idx.msk [tilespmem:v2+s2+$0x0], $0xffff;
	v45 =	vadd.s32 $0xFFFFFFFF, v60;
	v59 =	vadd.s32 $0x200, v50;
	v58 =	vadd.s32 $0xFFFFFFFF, v63  }
0x194: {  	v60 =	vmin.u32 v57, $0x7A12;
	vm3 =	vlt.s32 v47, v35;
	vm1 =	vmand vm1, vm2  }
0x195: {  	vm2 =	vlt.u32 v1, $0x7613;
	v47 =	vadd.s32 $0xFFFFFFFF, v60;
	v60 =	vmin.u32 v59, $0x7A12  }
0x196: {  	v48 =	vsel vm1, v48, v49;
	vm1 =	vmand vm2, vm3;
	v49 =	vadd.s32 $0xFFFFFFFF, v60  }
0x197: {  	v1 =	vsel vm1, v55, v1;
	v55 =	vadd.s32 $0x200, v48;
	v54 =	vld.idx.msk [tilespmem:v54+s2+$0x0], $0xffff  }
0x198: {  	vm2 =	vlt.s32 v2, v34;
	vm1 =	vlt.u32 v53, $0x7613;
	v2 =	vmin.u32 v55, $0x7A12;
	v45 =	vld.idx.msk [tilespmem:v45+s2+$0x0], $0xffff  }
0x199: {  	vm1 =	vmand vm1, vm2;
	v58 =	vld.idx.msk [tilespmem:v58+s2+$0x0], $0xffff;
	v2 =	vadd.s32 $0xFFFFFFFF, v2  }
0x19a: {  	vm15 =	vlt.u32 v50, $0x7813;
	v60 =	vadd.s32 $0x200, v1;
	v53 =	vsel vm1, v62, v53;
	v47 =	vld.idx.msk [tilespmem:v47+s2+$0x0], $0xffff  }
0x19b: {  	vm3 =	vlt.u32 v44, $0x7813;
	v61 =	vmin.u32 v60, $0x7A12;
	v62 =	vadd.s32 $0x200, v53;
	v49 =	vld.idx.msk [tilespmem:v49+s2+$0x0], $0xffff  }
0x19c: {  	vm1 =	vlt.u32 v43, $0x7813;
	vm13 =	vlt.s32 v54, v40;
	v54 =	vmin.u32 v62, $0x7A12  }
0x19d: {  	v61 =	vadd.s32 $0xFFFFFFFF, v61;
	vm2 =	vlt.s32 v45, v41;
	v45 =	vadd.s32 $0xFFFFFFFF, v54  }
0x19e: {  	v2 =	vld.idx.msk [tilespmem:v2+s2+$0x0], $0xffff;
	vm1 =	vmand vm1, vm2;
	vm2 =	vmand vm3, vm13;
	vm3 =	vlt.u32 v42, $0x7813  }
0x19f: {  	vm14 =	vlt.s32 v47, v38;
	v43 =	vsel vm1, v51, v43;
	v44 =	vsel vm2, v52, v44  }
0x1a0: {  	vm1 =	vlt.u32 v46, $0x7813;
	vm2 =	vlt.s32 v58, v39;
	vm6 =	vlt.s32 v49, v37  }
0x1a1: {  	vm1 =	vmand vm1, vm2;
	vm2 =	vmand vm3, vm14;
	vm3 =	vmand vm15, vm6  }
0x1a2: {  	v46 =	vsel vm1, v56, v46;
	v42 =	vsel vm2, v57, v42;
	v47 =	vsel vm3, v59, v50  }
0x1a3: {  	v49 =	vld.idx.msk [tilespmem:v61+s2+$0x0], $0xffff;
	vm1 =	vlt.u32 v48, $0x7813;
	vm2 =	vlt.s32 v2, v36;
	v2 =	vadd.s32 $0x100, v43  }
0x1a4: {  	v50 =	vadd.s32 $0x100, v44;
	v52 =	vadd.s32 $0x100, v46;
	v59 =	vmin.u32 v2, $0x7A12  }
0x1a5: {  	v45 =	vld.idx.msk [tilespmem:v45+s2+$0x0], $0xffff;
	v61 =	vmin.u32 v50, $0x7A12;
	v56 =	vadd.s32 $0x100, v42;
	v51 =	vadd.s32 $0xFFFFFFFF, v59  }
0x1a6: {  	vm1 =	vmand vm1, vm2;
	v54 =	vadd.s32 $0xFFFFFFFF, v61;
	v63 =	vmin.u32 v52, $0x7A12  }
0x1a7: {  	v61 =	vmin.u32 v56, $0x7A12;
	v48 =	vsel vm1, v55, v48;
	v55 =	vadd.s32 $0xFFFFFFFF, v63  }
0x1a8: {  	vm1 =	vlt.u32 v1, $0x7813;
	vm2 =	vlt.s32 v49, v35;
	v49 =	vadd.s32 $0x100, v47  }
0x1a9: {  	v57 =	vadd.s32 $0xFFFFFFFF, v61;
	vm1 =	vmand vm1, vm2;
	v63 =	vmin.u32 v49, $0x7A12  }
0x1aa: {  	vm2 =	vlt.u32 v53, $0x7813;
	v58 =	vadd.s32 $0x100, v48;
	vm3 =	vlt.s32 v45, v34;
	v45 =	vld.idx.msk [tilespmem:v51+s2+$0x0], $0xffff  }
0x1ab: {  	v1 =	vsel vm1, v60, v1;
	vm1 =	vmand vm2, vm3;
	v54 =	vld.idx.msk [tilespmem:v54+s2+$0x0], $0xffff;
	v51 =	vadd.s32 $0xFFFFFFFF, v63  }
0x1ac: {  	v60 =	vmin.u32 v58, $0x7A12;
	v53 =	vsel vm1, v62, v53;
	v55 =	vld.idx.msk [tilespmem:v55+s2+$0x0], $0xffff  }
0x1ad: {  	v59 =	vadd.s32 $0x100, v1;
	v60 =	vadd.s32 $0xFFFFFFFF, v60;
	v61 =	vadd.s32 $0x100, v53  }
0x1ae: {  	v62 =	vmin.u32 v59, $0x7A12;
	v57 =	vld.idx.msk [tilespmem:v57+s2+$0x0], $0xffff;
	vm1 =	vlt.u32 v43, $0x7913;
	v63 =	vmin.u32 v61, $0x7A12  }
0x1af: {  	v62 =	vadd.s32 $0xFFFFFFFF, v62;
	v63 =	vadd.s32 $0xFFFFFFFF, v63;
	vm2 =	vlt.s32 v45, v41  }
0x1b0: {  	vm3 =	vlt.s32 v54, v40;
	v51 =	vld.idx.msk [tilespmem:v51+s2+$0x0], $0xffff;
	vm1 =	vmand vm1, vm2;
	vm2 =	vlt.u32 v44, $0x7913  }
0x1b1: {  	vm9 =	vlt.s32 v55, v39;
	vm2 =	vmand vm2, vm3;
	vm3 =	vlt.u32 v46, $0x7913  }
0x1b2: {  	v55 =	vld.idx.msk [tilespmem:v60+s2+$0x0], $0xffff;
	v2 =	vsel vm1, v2, v43;
	v43 =	vsel vm2, v50, v44;
	vm1 =	vmand vm3, vm9  }
0x1b3: {  	vm2 =	vlt.s32 v57, v38;
	v44 =	vsel vm1, v52, v46;
	vm1 =	vlt.u32 v42, $0x7913  }
0x1b4: {  	v46 =	vadd.s32 $0x80, v2;
	v45 =	vadd.s32 $0x80, v43;
	vm1 =	vmand vm1, vm2  }
0x1b5: {  	vm2 =	vlt.u32 v47, $0x7913;
	vm3 =	vlt.s32 v51, v37;
	v60 =	vmin.u32 v46, $0x7A12  }
0x1b6: {  	v50 =	vld.idx.msk [tilespmem:v62+s2+$0x0], $0xffff;
	v52 =	vadd.s32 $0x80, v44;
	v62 =	vmin.u32 v45, $0x7A12;
	v42 =	vsel vm1, v56, v42  }
0x1b7: {  	vm1 =	vmand vm2, vm3;
	vm2 =	vlt.s32 v55, v36;
	v54 =	vadd.s32 $0xFFFFFFFF, v62  }
0x1b8: {  	v51 =	vld.idx.msk [tilespmem:v63+s2+$0x0], $0xffff;
	v63 =	vmin.u32 v52, $0x7A12;
	v47 =	vsel vm1, v49, v47;
	v49 =	vadd.s32 $0xFFFFFFFF, v60  }
0x1b9: {  	vm1 =	vlt.u32 v48, $0x7913;
	v55 =	vadd.s32 $0x80, v42;
	v56 =	vadd.s32 $0xFFFFFFFF, v63  }
0x1ba: {  	vm1 =	vmand vm1, vm2;
	v57 =	vadd.s32 $0x80, v47;
	v60 =	vmin.u32 v55, $0x7A12  }
0x1bb: {  	v48 =	vsel vm1, v58, v48;
	v58 =	vadd.s32 $0xFFFFFFFF, v60;
	v60 =	vmin.u32 v57, $0x7A12  }
0x1bc: {  	vm2 =	vlt.s32 v50, v35;
	v50 =	vadd.s32 $0xFFFFFFFF, v60  }
0x1bd: {  	vm1 =	vlt.u32 v1, $0x7913;
	v49 =	vld.idx.msk [tilespmem:v49+s2+$0x0], $0xffff  }
0x1be: {  	vm1 =	vmand vm1, vm2;
	vm2 =	vlt.u32 v53, $0x7913;
	vm3 =	vlt.s32 v51, v34  }
0x1bf: {  	v51 =	vadd.s32 $0x80, v48;
	v1 =	vsel vm1, v59, v1;
	vm1 =	vmand vm2, vm3;
	v54 =	vld.idx.msk [tilespmem:v54+s2+$0x0], $0xffff  }
0x1c0: {  	vm10 =	vlt.u32 v47, $0x7993;
	v60 =	vmin.u32 v51, $0x7A12;
	v53 =	vsel vm1, v61, v53;
	v56 =	vld.idx.msk [tilespmem:v56+s2+$0x0], $0xffff  }
0x1c1: {  	v59 =	vadd.s32 $0x80, v1;
	v60 =	vadd.s32 $0xFFFFFFFF, v60;
	vm1 =	vlt.u32 v2, $0x7993;
	v50 =	vld.idx.msk [tilespmem:v50+s2+$0x0], $0xffff  }
0x1c2: {  	v61 =	vadd.s32 $0x80, v53;
	v62 =	vmin.u32 v59, $0x7A12;
	v58 =	vld.idx.msk [tilespmem:v58+s2+$0x0], $0xffff;
	vm2 =	vlt.s32 v49, v41  }
0x1c3: {  	v63 =	vmin.u32 v61, $0x7A12;
	v49 =	vadd.s32 $0xFFFFFFFF, v62;
	vm1 =	vmand vm1, vm2  }
0x1c4: {  	vm2 =	vlt.s32 v54, v40;
	v2 =	vsel vm1, v46, v2;
	vm1 =	vlt.u32 v43, $0x7993  }
0x1c5: {  	v62 =	vadd.s32 $0xFFFFFFFF, v63;
	vm3 =	vlt.s32 v56, v39;
	vm1 =	vmand vm1, vm2  }
0x1c6: {  	v56 =	vld.idx.msk [tilespmem:v60+s2+$0x0], $0xffff;
	vm2 =	vlt.u32 v44, $0x7993;
	vm11 =	vlt.s32 v50, v37;
	v43 =	vsel vm1, v45, v43  }
0x1c7: {  	vm1 =	vmand vm2, vm3;
	vm2 =	vlt.u32 v42, $0x7993;
	vm3 =	vlt.s32 v58, v38  }
0x1c8: {  	v44 =	vsel vm1, v52, v44;
	vm1 =	vmand vm2, vm3;
	vm2 =	vmand vm10, vm11  }
0x1c9: {  	v50 =	vadd.s32 $0x40, v43;
	v42 =	vsel vm1, v55, v42;
	v45 =	vsel vm2, v57, v47  }
0x1ca: {  	v49 =	vld.idx.msk [tilespmem:v49+s2+$0x0], $0xffff;
	v47 =	vadd.s32 $0x40, v2;
	vm1 =	vlt.u32 v48, $0x7993;
	v60 =	vmin.u32 v50, $0x7A12  }
0x1cb: {  	vm2 =	vlt.s32 v56, v36;
	v58 =	vmin.u32 v47, $0x7A12;
	v52 =	vadd.s32 $0xFFFFFFFF, v60  }
0x1cc: {  	v54 =	vadd.s32 $0x40, v44;
	v55 =	vld.idx.msk [tilespmem:v62+s2+$0x0], $0xffff;
	vm1 =	vmand vm1, vm2;
	v46 =	vadd.s32 $0xFFFFFFFF, v58  }
0x1cd: {  	vm2 =	vlt.u32 v1, $0x7993;
	v56 =	vadd.s32 $0x40, v42;
	v62 =	vmin.u32 v54, $0x7A12  }
0x1ce: {  	v58 =	vadd.s32 $0x40, v45;
	v57 =	vadd.s32 $0xFFFFFFFF, v62;
	v60 =	vmin.u32 v56, $0x7A12  }
0x1cf: {  	vm3 =	vlt.s32 v49, v35;
	v49 =	vadd.s32 $0xFFFFFFFF, v60;
	v60 =	vmin.u32 v58, $0x7A12  }
0x1d0: {  	vm14 =	vlt.u32 v45, $0x79D3;
	v48 =	vsel vm1, v51, v48;
	v51 =	vadd.s32 $0xFFFFFFFF, v60;
	v52 =	vld.idx.msk [tilespmem:v52+s2+$0x0], $0xffff  }
0x1d1: {  	vm1 =	vmand vm2, vm3;
	vm2 =	vlt.s32 v55, v34;
	vm3 =	vlt.u32 v43, $0x79D3;
	v46 =	vld.idx.msk [tilespmem:v46+s2+$0x0], $0xffff  }
0x1d2: {  	v1 =	vsel vm1, v59, v1;
	v59 =	vadd.s32 $0x40, v48;
	vm1 =	vlt.u32 v53, $0x7993  }
0x1d3: {  	v55 =	vmin.u32 v59, $0x7A12;
	vm1 =	vmand vm1, vm2;
	v60 =	vadd.s32 $0x40, v1;
	v57 =	vld.idx.msk [tilespmem:v57+s2+$0x0], $0xffff  }
0x1d4: {  	v55 =	vadd.s32 $0xFFFFFFFF, v55;
	v53 =	vsel vm1, v61, v53;
	v61 =	vmin.u32 v60, $0x7A12;
	v49 =	vld.idx.msk [tilespmem:v49+s2+$0x0], $0xffff  }
0x1d5: {  	vm1 =	vlt.u32 v2, $0x79D3;
	v62 =	vadd.s32 $0x40, v53;
	v61 =	vadd.s32 $0xFFFFFFFF, v61;
	v51 =	vld.idx.msk [tilespmem:v51+s2+$0x0], $0xffff  }
0x1d6: {  	vm12 =	vlt.s32 v52, v40;
	vm2 =	vlt.s32 v46, v41;
	v46 =	vmin.u32 v62, $0x7A12  }
0x1d7: {  	vm1 =	vmand vm1, vm2;
	vm2 =	vmand vm3, vm12;
	v46 =	vadd.s32 $0xFFFFFFFF, v46  }
0x1d8: {  	vm3 =	vlt.u32 v42, $0x79D3;
	v2 =	vsel vm1, v47, v2;
	v43 =	vsel vm2, v50, v43  }
0x1d9: {  	vm1 =	vlt.u32 v44, $0x79D3;
	vm2 =	vlt.s32 v57, v39;
	vm13 =	vlt.s32 v49, v38  }
0x1da: {  	v63 =	vld.idx.msk [tilespmem:v55+s2+$0x0], $0xffff;
	vm15 =	vlt.s32 v51, v37;
	vm1 =	vmand vm1, vm2;
	vm2 =	vmand vm3, vm13  }
0x1db: {  	v49 =	vadd.s32 $0x20, v2;
	v50 =	vadd.s32 $0x20, v43;
	vm3 =	vmand vm14, vm15  }
0x1dc: {  	v47 =	vld.idx.msk [tilespmem:v61+s2+$0x0], $0xffff;
	v44 =	vsel vm1, v54, v44;
	v42 =	vsel vm2, v56, v42;
	v61 =	vmin.u32 v50, $0x7A12  }
0x1dd: {  	v45 =	vsel vm3, v58, v45;
	v58 =	vmin.u32 v49, $0x7A12;
	v54 =	vadd.s32 $0xFFFFFFFF, v61  }
0x1de: {  	vm1 =	vlt.u32 v48, $0x79D3;
	v52 =	vadd.s32 $0x20, v44;
	v46 =	vld.idx.msk [tilespmem:v46+s2+$0x0], $0xffff;
	v51 =	vadd.s32 $0xFFFFFFFF, v58  }
0x1df: {  	v56 =	vadd.s32 $0x20, v42;
	vm2 =	vlt.s32 v63, v36;
	v63 =	vmin.u32 v52, $0x7A12  }
0x1e0: {  	v61 =	vmin.u32 v56, $0x7A12;
	vm1 =	vmand vm1, vm2;
	v55 =	vadd.s32 $0xFFFFFFFF, v63  }
0x1e1: {  	vm2 =	vlt.s32 v47, v35;
	v47 =	vadd.s32 $0x20, v45;
	v57 =	vadd.s32 $0xFFFFFFFF, v61  }
0x1e2: {  	v48 =	vsel vm1, v59, v48;
	vm1 =	vlt.u32 v1, $0x79D3;
	v63 =	vmin.u32 v47, $0x7A12;
	v54 =	vld.idx.msk [tilespmem:v54+s2+$0x0], $0xffff  }
0x1e3: {  	vm1 =	vmand vm1, vm2;
	vm2 =	vlt.u32 v53, $0x79D3;
	vm3 =	vlt.s32 v46, v34;
	v46 =	vld.idx.msk [tilespmem:v51+s2+$0x0], $0xffff  }
0x1e4: {  	v58 =	vadd.s32 $0x20, v48;
	v1 =	vsel vm1, v60, v1;
	v51 =	vadd.s32 $0xFFFFFFFF, v63  }
0x1e5: {  	v60 =	vmin.u32 v58, $0x7A12;
	v59 =	vadd.s32 $0x20, v1;
	vm1 =	vmand vm2, vm3;
	v55 =	vld.idx.msk [tilespmem:v55+s2+$0x0], $0xffff  }
0x1e6: {  	v60 =	vadd.s32 $0xFFFFFFFF, v60;
	v53 =	vsel vm1, v62, v53;
	v62 =	vmin.u32 v59, $0x7A12  }
0x1e7: {  	v57 =	vld.idx.msk [tilespmem:v57+s2+$0x0], $0xffff;
	vm1 =	vlt.u32 v2, $0x79F3;
	v61 =	vadd.s32 $0x20, v53;
	v62 =	vadd.s32 $0xFFFFFFFF, v62  }
0x1e8: {  	v63 =	vmin.u32 v61, $0x7A12;
	vm3 =	vlt.s32 v54, v40;
	vm2 =	vlt.s32 v46, v41  }
0x1e9: {  	v51 =	vld.idx.msk [tilespmem:v51+s2+$0x0], $0xffff;
	v63 =	vadd.s32 $0xFFFFFFFF, v63;
	vm1 =	vmand vm1, vm2;
	vm2 =	vlt.u32 v43, $0x79F3  }
0x1ea: {  	vm9 =	vlt.s32 v55, v39;
	vm2 =	vmand vm2, vm3;
	vm3 =	vlt.u32 v44, $0x79F3  }
0x1eb: {  	v55 =	vld.idx.msk [tilespmem:v60+s2+$0x0], $0xffff;
	v2 =	vsel vm1, v49, v2;
	v43 =	vsel vm2, v50, v43;
	vm1 =	vmand vm3, vm9  }
0x1ec: {  	vm2 =	vlt.s32 v57, v38;
	v49 =	vadd.s32 $0x10, v2;
	v44 =	vsel vm1, v52, v44  }
0x1ed: {  	vm1 =	vlt.u32 v42, $0x79F3;
	v60 =	vmin.u32 v49, $0x7A12;
	v46 =	vadd.s32 $0x10, v43  }
0x1ee: {  	vm1 =	vmand vm1, vm2;
	vm2 =	vlt.u32 v45, $0x79F3;
	vm3 =	vlt.s32 v51, v37  }
0x1ef: {  	v50 =	vld.idx.msk [tilespmem:v62+s2+$0x0], $0xffff;
	v52 =	vadd.s32 $0x10, v44;
	v62 =	vmin.u32 v46, $0x7A12;
	v42 =	vsel vm1, v56, v42  }
0x1f0: {  	vm1 =	vmand vm2, vm3;
	vm2 =	vlt.s32 v55, v36;
	v54 =	vadd.s32 $0xFFFFFFFF, v62  }
0x1f1: {  	v51 =	vld.idx.msk [tilespmem:v63+s2+$0x0], $0xffff;
	v63 =	vmin.u32 v52, $0x7A12;
	v45 =	vsel vm1, v47, v45;
	v47 =	vadd.s32 $0xFFFFFFFF, v60  }
0x1f2: {  	vm1 =	vlt.u32 v48, $0x79F3;
	v55 =	vadd.s32 $0x10, v42;
	v56 =	vadd.s32 $0xFFFFFFFF, v63  }
0x1f3: {  	vm1 =	vmand vm1, vm2;
	v57 =	vadd.s32 $0x10, v45;
	v60 =	vmin.u32 v55, $0x7A12  }
0x1f4: {  	v48 =	vsel vm1, v58, v48;
	v58 =	vadd.s32 $0xFFFFFFFF, v60;
	v60 =	vmin.u32 v57, $0x7A12  }
0x1f5: {  	vm2 =	vlt.s32 v50, v35;
	vm1 =	vlt.u32 v1, $0x79F3;
	v50 =	vadd.s32 $0xFFFFFFFF, v60  }
0x1f6: {  	vm1 =	vmand vm1, vm2;
	v47 =	vld.idx.msk [tilespmem:v47+s2+$0x0], $0xffff  }
0x1f7: {  	vm2 =	vlt.u32 v53, $0x79F3;
	vm3 =	vlt.s32 v51, v34;
	v51 =	vadd.s32 $0x10, v48  }
0x1f8: {  	v1 =	vsel vm1, v59, v1;
	vm1 =	vmand vm2, vm3;
	v54 =	vld.idx.msk [tilespmem:v54+s2+$0x0], $0xffff;
	v60 =	vmin.u32 v51, $0x7A12  }
0x1f9: {  	vm10 =	vlt.u32 v45, $0x7A03;
	v53 =	vsel vm1, v61, v53;
	v56 =	vld.idx.msk [tilespmem:v56+s2+$0x0], $0xffff;
	v60 =	vadd.s32 $0xFFFFFFFF, v60  }
0x1fa: {  	v59 =	vadd.s32 $0x10, v1;
	vm1 =	vlt.u32 v2, $0x7A03;
	v61 =	vadd.s32 $0x10, v53;
	v50 =	vld.idx.msk [tilespmem:v50+s2+$0x0], $0xffff  }
0x1fb: {  	v62 =	vmin.u32 v59, $0x7A12;
	v58 =	vld.idx.msk [tilespmem:v58+s2+$0x0], $0xffff;
	v63 =	vmin.u32 v61, $0x7A12;
	vm2 =	vlt.s32 v47, v41  }
0x1fc: {  	v47 =	vadd.s32 $0xFFFFFFFF, v62;
	v62 =	vadd.s32 $0xFFFFFFFF, v63;
	vm1 =	vmand vm1, vm2  }
0x1fd: {  	vm2 =	vlt.s32 v54, v40;
	v2 =	vsel vm1, v49, v2;
	vm1 =	vlt.u32 v43, $0x7A03  }
0x1fe: {  	vm3 =	vlt.s32 v56, v39;
	v56 =	vld.idx.msk [tilespmem:v60+s2+$0x0], $0xffff;
	vm1 =	vmand vm1, vm2;
	vm2 =	vlt.u32 v44, $0x7A03  }
0x1ff: {  	vm11 =	vlt.s32 v50, v37;
	v43 =	vsel vm1, v46, v43;
	vm1 =	vmand vm2, vm3  }
0x200: {  	vm2 =	vlt.u32 v42, $0x7A03;
	vm3 =	vlt.s32 v58, v38;
	v46 =	vadd.s32 $0x8, v2  }
0x201: {  	v44 =	vsel vm1, v52, v44;
	vm1 =	vmand vm2, vm3;
	vm2 =	vmand vm10, vm11  }
0x202: {  	v50 =	vadd.s32 $0x8, v43;
	v58 =	vmin.u32 v46, $0x7A12;
	v42 =	vsel vm1, v55, v42  }
0x203: {  	v47 =	vld.idx.msk [tilespmem:v47+s2+$0x0], $0xffff;
	v45 =	vsel vm2, v57, v45;
	vm1 =	vlt.u32 v48, $0x7A03;
	vm2 =	vlt.s32 v56, v36  }
0x204: {  	v49 =	vadd.s32 $0xFFFFFFFF, v58;
	v60 =	vmin.u32 v50, $0x7A12;
	v54 =	vadd.s32 $0x8, v44  }
0x205: {  	v55 =	vld.idx.msk [tilespmem:v62+s2+$0x0], $0xffff;
	vm1 =	vmand vm1, vm2;
	v52 =	vadd.s32 $0xFFFFFFFF, v60;
	vm2 =	vlt.u32 v1, $0x7A03  }
0x206: {  	v56 =	vadd.s32 $0x8, v42;
	v62 =	vmin.u32 v54, $0x7A12;
	v58 =	vadd.s32 $0x8, v45  }
0x207: {  	vm14 =	vlt.u32 v45, $0x7A0B;
	v57 =	vadd.s32 $0xFFFFFFFF, v62;
	v60 =	vmin.u32 v56, $0x7A12  }
0x208: {  	vm3 =	vlt.s32 v47, v35;
	v47 =	vadd.s32 $0xFFFFFFFF, v60;
	v60 =	vmin.u32 v58, $0x7A12  }
0x209: {  	v48 =	vsel vm1, v51, v48;
	vm1 =	vmand vm2, vm3;
	v49 =	vld.idx.msk [tilespmem:v49+s2+$0x0], $0xffff;
	v51 =	vadd.s32 $0xFFFFFFFF, v60  }
0x20a: {  	vm2 =	vlt.s32 v55, v34;
	v1 =	vsel vm1, v59, v1;
	v59 =	vadd.s32 $0x8, v48;
	v52 =	vld.idx.msk [tilespmem:v52+s2+$0x0], $0xffff  }
0x20b: {  	vm3 =	vlt.u32 v43, $0x7A0B;
	vm1 =	vlt.u32 v53, $0x7A03;
	v55 =	vmin.u32 v59, $0x7A12  }
0x20c: {  	vm1 =	vmand vm1, vm2;
	v60 =	vadd.s32 $0x8, v1;
	v57 =	vld.idx.msk [tilespmem:v57+s2+$0x0], $0xffff;
	v55 =	vadd.s32 $0xFFFFFFFF, v55  }
0x20d: {  	v53 =	vsel vm1, v61, v53;
	v61 =	vmin.u32 v60, $0x7A12;
	vm1 =	vlt.u32 v2, $0x7A0B;
	v47 =	vld.idx.msk [tilespmem:v47+s2+$0x0], $0xffff  }
0x20e: {  	v62 =	vadd.s32 $0x8, v53;
	v61 =	vadd.s32 $0xFFFFFFFF, v61;
	v51 =	vld.idx.msk [tilespmem:v51+s2+$0x0], $0xffff;
	vm2 =	vlt.s32 v49, v41  }
0x20f: {  	v49 =	vmin.u32 v62, $0x7A12;
	vm12 =	vlt.s32 v52, v40;
	vm1 =	vmand vm1, vm2  }
0x210: {  	v49 =	vadd.s32 $0xFFFFFFFF, v49;
	vm2 =	vmand vm3, vm12;
	v2 =	vsel vm1, v46, v2  }
0x211: {  	vm1 =	vlt.u32 v44, $0x7A0B;
	v43 =	vsel vm2, v50, v43;
	vm2 =	vlt.s32 v57, v39  }
0x212: {  	vm3 =	vlt.u32 v42, $0x7A0B;
	vm13 =	vlt.s32 v47, v38;
	vm1 =	vmand vm1, vm2  }
0x213: {  	v63 =	vld.idx.msk [tilespmem:v55+s2+$0x0], $0xffff;
	v47 =	vadd.s32 $0x4, v2;
	v50 =	vadd.s32 $0x4, v43;
	vm15 =	vlt.s32 v51, v37  }
0x214: {  	v46 =	vld.idx.msk [tilespmem:v61+s2+$0x0], $0xffff;
	vm2 =	vmand vm3, vm13;
	v44 =	vsel vm1, v54, v44;
	vm1 =	vlt.u32 v48, $0x7A0B  }
0x215: {  	v61 =	vmin.u32 v50, $0x7A12;
	vm3 =	vmand vm14, vm15;
	v42 =	vsel vm2, v56, v42  }
0x216: {  	v52 =	vadd.s32 $0x4, v44;
	v45 =	vsel vm3, v58, v45;
	v58 =	vmin.u32 v47, $0x7A12  }
0x217: {  	v54 =	vadd.s32 $0xFFFFFFFF, v61;
	v56 =	vadd.s32 $0x4, v42;
	v51 =	vadd.s32 $0xFFFFFFFF, v58  }
0x218: {  	vm2 =	vlt.s32 v63, v36;
	v63 =	vmin.u32 v52, $0x7A12;
	v61 =	vmin.u32 v56, $0x7A12  }
0x219: {  	v49 =	vld.idx.msk [tilespmem:v49+s2+$0x0], $0xffff;
	vm1 =	vmand vm1, vm2;
	v55 =	vadd.s32 $0xFFFFFFFF, v63;
	vm2 =	vlt.s32 v46, v35  }
0x21a: {  	v46 =	vadd.s32 $0x4, v45;
	v57 =	vadd.s32 $0xFFFFFFFF, v61;
	v48 =	vsel vm1, v59, v48  }
0x21b: {  	vm1 =	vlt.u32 v1, $0x7A0B;
	v63 =	vmin.u32 v46, $0x7A12;
	v58 =	vadd.s32 $0x4, v48  }
0x21c: {  	vm1 =	vmand vm1, vm2;
	v59 =	vadd.s32 $0xFFFFFFFF, v63;
	v61 =	vmin.u32 v58, $0x7A12;
	v51 =	vld.idx.msk [tilespmem:v51+s2+$0x0], $0xffff  }
0x21d: {  	v54 =	vld.idx.msk [tilespmem:v54+s2+$0x0], $0xffff;
	v1 =	vsel vm1, v60, v1;
	v60 =	vadd.s32 $0xFFFFFFFF, v61  }
0x21e: {  	vm9 =	vlt.u32 v44, $0x7A0F;
	vm2 =	vlt.s32 v49, v34;
	vm1 =	vlt.u32 v53, $0x7A0B;
	v55 =	vld.idx.msk [tilespmem:v55+s2+$0x0], $0xffff  }
0x21f: {  	vm12 =	vlt.u32 v48, $0x7A0F;
	v49 =	vadd.s32 $0x4, v1;
	vm1 =	vmand vm1, vm2  }
0x220: {  	v61 =	vmin.u32 v49, $0x7A12;
	v53 =	vsel vm1, v62, v53;
	v57 =	vld.idx.msk [tilespmem:v57+s2+$0x0], $0xffff;
	vm1 =	vlt.u32 v2, $0x7A0F  }
0x221: {  	v61 =	vadd.s32 $0xFFFFFFFF, v61;
	v62 =	vadd.s32 $0x4, v53;
	v59 =	vld.idx.msk [tilespmem:v59+s2+$0x0], $0xffff;
	vm2 =	vlt.s32 v51, v41  }
0x222: {  	vm3 =	vlt.s32 v54, v40;
	v51 =	vld.idx.msk [tilespmem:v60+s2+$0x0], $0xffff;
	v60 =	vmin.u32 v62, $0x7A12;
	vm1 =	vmand vm1, vm2  }
0x223: {  	vm2 =	vlt.u32 v43, $0x7A0F;
	vm10 =	vlt.s32 v55, v39;
	v60 =	vadd.s32 $0xFFFFFFFF, v60  }
0x224: {  	vm2 =	vmand vm2, vm3;
	vm3 =	vmand vm9, vm10;
	v2 =	vsel vm1, v47, v2  }
0x225: {  	vm1 =	vlt.u32 v42, $0x7A0F;
	v43 =	vsel vm2, v50, v43;
	v44 =	vsel vm3, v52, v44  }
0x226: {  	v63 =	vld.idx.msk [tilespmem:v61+s2+$0x0], $0xffff;
	vm2 =	vlt.s32 v57, v38;
	vm3 =	vlt.u32 v45, $0x7A0F;
	vm11 =	vlt.s32 v59, v37  }
0x227: {  	vm1 =	vmand vm1, vm2;
	vm2 =	vmand vm3, vm11;
	v50 =	vadd.s32 $0x2, v43  }
0x228: {  	v52 =	vadd.s32 $0x2, v44;
	vm13 =	vlt.s32 v51, v36;
	v42 =	vsel vm1, v56, v42  }
0x229: {  	v45 =	vsel vm2, v46, v45;
	vm1 =	vlt.u32 v1, $0x7A0F;
	vm3 =	vmand vm12, vm13  }
0x22a: {  	v59 =	vmin.u32 v50, $0x7A12;
	v57 =	vld.idx.msk [tilespmem:v60+s2+$0x0], $0xffff;
	v46 =	vsel vm3, v58, v48;
	v48 =	vadd.s32 $0x2, v2  }
0x22b: {  	v60 =	vmin.u32 v52, $0x7A12;
	vm2 =	vlt.s32 v63, v35;
	v58 =	vmin.u32 v48, $0x7A12  }
0x22c: {  	v55 =	vadd.s32 $0x2, v42;
	vm1 =	vmand vm1, vm2;
	v51 =	vadd.s32 $0xFFFFFFFF, v58  }
0x22d: {  	v47 =	vadd.s32 $0x2, v45;
	v1 =	vsel vm1, v49, v1;
	v49 =	vadd.s32 $0xFFFFFFFF, v59  }
0x22e: {  	v54 =	vadd.s32 $0xFFFFFFFF, v60;
	v61 =	vmin.u32 v55, $0x7A12;
	v63 =	vmin.u32 v47, $0x7A12  }
0x22f: {  	v56 =	vadd.s32 $0xFFFFFFFF, v61;
	vm2 =	vlt.s32 v57, v34;
	v57 =	vadd.s32 $0x2, v46  }
0x230: {  	vm1 =	vlt.u32 v53, $0x7A0F;
	v58 =	vadd.s32 $0xFFFFFFFF, v63;
	v59 =	vmin.u32 v57, $0x7A12  }
0x231: {  	vm1 =	vmand vm1, vm2;
	v59 =	vadd.s32 $0xFFFFFFFF, v59;
	v51 =	vld.idx.msk [tilespmem:v51+s2+$0x0], $0xffff  }
0x232: {  	v60 =	vadd.s32 $0x2, v1;
	v53 =	vsel vm1, v62, v53;
	v49 =	vld.idx.msk [tilespmem:v49+s2+$0x0], $0xffff  }
0x233: {  	v54 =	vld.idx.msk [tilespmem:v54+s2+$0x0], $0xffff;
	v62 =	vmin.u32 v60, $0x7A12;
	v61 =	vadd.s32 $0x2, v53  }
0x234: {  	v56 =	vld.idx.msk [tilespmem:v56+s2+$0x0], $0xffff;
	v62 =	vadd.s32 $0xFFFFFFFF, v62;
	v63 =	vmin.u32 v61, $0x7A12  }
0x235: {  	v58 =	vld.idx.msk [tilespmem:v58+s2+$0x0], $0xffff;
	v63 =	vadd.s32 $0xFFFFFFFF, v63  }
0x236: {  	vm1 =	vlt.u32 v2, $0x7A11;
	v59 =	vld.idx.msk [tilespmem:v59+s2+$0x0], $0xffff;
	vm2 =	vlt.s32 v51, v41  }
0x237: {  	vm3 =	vlt.s32 v49, v40;
	vm1 =	vmand vm1, vm2;
	vm2 =	vlt.u32 v43, $0x7A11  }
0x238: {  	vm14 =	vlt.s32 v54, v39;
	vm2 =	vmand vm2, vm3;
	vm3 =	vlt.u32 v44, $0x7A11  }
0x239: {  	v62 =	vld.idx.msk [tilespmem:v62+s2+$0x0], $0xffff;
	v2 =	vsel vm1, v48, v2;
	v43 =	vsel vm2, v50, v43;
	vm1 =	vmand vm3, vm14  }
0x23a: {  	v54 =	vld.idx.msk [tilespmem:v63+s2+$0x0], $0xffff;
	vm2 =	vlt.s32 v56, v38;
	vm3 =	vlt.s32 v58, v37;
	v44 =	vsel vm1, v52, v44  }
0x23b: {  	vm1 =	vlt.u32 v42, $0x7A11;
	vm15 =	vlt.s32 v59, v36;
	v49 =	vadd.s32 $0x1, v43  }
0x23c: {  	vm1 =	vmand vm1, vm2;
	vm2 =	vlt.u32 v45, $0x7A11;
	v51 =	vadd.s32 $0x1, v44  }
0x23d: {  	vm2 =	vmand vm2, vm3;
	vm3 =	vlt.u32 v46, $0x7A11;
	v42 =	vsel vm1, v55, v42  }
0x23e: {  	v45 =	vsel vm2, v47, v45;
	vm1 =	vmand vm3, vm15;
	vm2 =	vlt.s32 v62, v35  }
0x23f: {  	vm3 =	vlt.s32 v54, v34;
	v47 =	vadd.s32 $0x1, v2;
	v46 =	vsel vm1, v57, v46  }
0x240: {  	vm1 =	vlt.u32 v1, $0x7A11;
	v59 =	vmin.u32 v47, $0x7A12;
	v55 =	vadd.s32 $0x1, v45  }
0x241: {  	vm1 =	vmand vm1, vm2;
	vm2 =	vlt.u32 v53, $0x7A11;
	v50 =	vadd.s32 $0xFFFFFFFF, v59  }
0x242: {  	v57 =	vadd.s32 $0x1, v46;
	v1 =	vsel vm1, v60, v1;
	v60 =	vmin.u32 v49, $0x7A12  }
0x243: {  	v63 =	vmin.u32 v55, $0x7A12;
	vm1 =	vmand vm2, vm3;
	v52 =	vadd.s32 $0xFFFFFFFF, v60  }
0x244: {  	v58 =	vadd.s32 $0xFFFFFFFF, v63;
	v48 =	vsel vm1, v61, v53;
	v61 =	vmin.u32 v51, $0x7A12  }
0x245: {  	v53 =	vadd.s32 $0x1, v42;
	v60 =	vmin.u32 v57, $0x7A12;
	v54 =	vadd.s32 $0xFFFFFFFF, v61  }
0x246: {  	v59 =	vadd.s32 $0x1, v1;
	v62 =	vmin.u32 v53, $0x7A12;
	v60 =	vadd.s32 $0xFFFFFFFF, v60;
	v50 =	vld.idx.msk [tilespmem:v50+s2+$0x0], $0xffff  }
0x247: {  	v61 =	vadd.s32 $0x1, v48;
	v56 =	vadd.s32 $0xFFFFFFFF, v62;
	v62 =	vmin.u32 v59, $0x7A12  }
0x248: {  	v63 =	vmin.u32 v61, $0x7A12;
	v62 =	vadd.s32 $0xFFFFFFFF, v62;
	v52 =	vld.idx.msk [tilespmem:v52+s2+$0x0], $0xffff  }
0x249: {  	v63 =	vadd.s32 $0xFFFFFFFF, v63;
	v58 =	vld.idx.msk [tilespmem:v58+s2+$0x0], $0xffff  }
0x24a: {  	v54 =	vld.idx.msk [tilespmem:v54+s2+$0x0], $0xffff  }
0x24b: {  	vm1 =	vlt.u32 v2, $0x7A12;
	v60 =	vld.idx.msk [tilespmem:v60+s2+$0x0], $0xffff;
	vm2 =	vlt.s32 v50, v41  }
0x24c: {  	v56 =	vld.idx.msk [tilespmem:v56+s2+$0x0], $0xffff;
	vm1 =	vmand vm1, vm2  }
0x24d: {  	v41 =	vld.idx.msk [tilespmem:v62+s2+$0x0], $0xffff;
	v2 =	vsel vm1, v47, v2;
	vm1 =	vlt.u32 v43, $0x7A12;
	vm2 =	vlt.s32 v52, v40  }
0x24e: {  	v50 =	vld.idx.msk [tilespmem:v63+s2+$0x0], $0xffff;
	vm1 =	vmand vm1, vm2;
	[tilespmem:s1+$0xFFD8] =	vst v2;
	v2 =	vmin.u32 v2, $0x7A11  }
0x24f: {  	vm2 =	vlt.s32 v54, v39;
	v52 =	vsel vm1, v49, v43;
	vm1 =	vlt.u32 v44, $0x7A12;
	[tilespmem:s1+$0x101D8] =	vst v2  }
0x250: {  	vm1 =	vmand vm1, vm2;
	[tilespmem:s1+$0x10018] =	vst v52;
	v2 =	vmin.u32 v52, $0x7A11  }
0x251: {  	vm2 =	vlt.s32 v56, v38;
	v54 =	vsel vm1, v51, v44;
	vm1 =	vlt.u32 v42, $0x7A12;
	[tilespmem:s1+$0x10218] =	vst v2  }
0x252: {  	vm1 =	vmand vm1, vm2;
	[tilespmem:s1+$0x10058] =	vst v54;
	v2 =	vmin.u32 v54, $0x7A11  }
0x253: {  	vm2 =	vlt.s32 v58, v37;
	v56 =	vsel vm1, v53, v42;
	vm1 =	vlt.u32 v45, $0x7A12;
	[tilespmem:s1+$0x10258] =	vst v2  }
0x254: {  	vm1 =	vmand vm1, vm2;
	[tilespmem:s1+$0x10098] =	vst v56;
	v2 =	vmin.u32 v56, $0x7A11  }
0x255: {  	vm2 =	vlt.s32 v60, v36;
	v62 =	vsel vm1, v55, v45;
	vm1 =	vlt.u32 v46, $0x7A12;
	[tilespmem:s1+$0x10298] =	vst v2  }
0x256: {  	vm1 =	vmand vm1, vm2;
	[tilespmem:s1+$0x100D8] =	vst v62;
	v2 =	vmin.u32 v62, $0x7A11  }
0x257: {  	vm2 =	vlt.s32 v41, v35;
	v63 =	vsel vm1, v57, v46;
	vm1 =	vlt.u32 v1, $0x7A12;
	[tilespmem:s1+$0x102D8] =	vst v2  }
0x258: {  	p1 =	sne.s32 s24, $0xC0;
	vm1 =	vmand vm1, vm2;
	[tilespmem:s1+$0x10118] =	vst v63;
	v2 =	vmin.u32 v63, $0x7A11  }
.Ltmp0:
0x259: {  	vm2 =	vlt.s32 v50, v34;
	v1 =	vsel vm1, v59, v1;
	vm1 =	vlt.u32 v48, $0x7A12;
	[tilespmem:s1+$0x10318] =	vst v2;
	(pc) =	sbr.rel @p1 .LBB2_2-.Ltmp0, $4  }
0x25a: {  	vm1 =	vmand vm1, vm2;
	[tilespmem:s1+$0x10158] =	vst v1;
	v1 =	vmin.u32 v1, $0x7A11  }
0x25b: {  	v2 =	vsel vm1, v61, v48;
	[tilespmem:s1+$0x10358] =	vst v1  }
0x25c: {  	[tilespmem:s1+$0x10198] =	vst v2;
	v1 =	vmin.u32 v2, $0x7A11  }
0x25d: {  	s24 =	sadd.s32 $0x40, s24;
	[tilespmem:s1+$0x10398] =	vst v1  }
0x25e: {  	_ =	strace $0x9000004B  }
0x25f: {  	[tilespmem:s0], [sflag:$0x4] =	stream.indirect.gather [hbm4b:s3+s30], $0x20, s31, s30, $0xb8;
	[tilespmem:$0x18D80] =	vst v63  }
0x260: {  	s1 =	rddreg [dreg:$0x5]  }
0x261: {  	[tilespmem:s18], [sflag:$0x5] =	stream.indirect.gather [hbm4b:s1+s30], $0x20, s31, s30, $0xb8;
	[tilespmem:$0x18D80] =	vst v63  }
0x262: {  	_ =	strace $0x8000004C  }
0x263: {  	_ =	swait.ge [sflag:s22], $0x4000  }
0x264: {  	[sflag:s22] =	ssyncset.done $0x0  }
0x265: {  	[sflag:s22] =	ssyncadd.s32 $0xFFFFC000  }
0x266: {  	_ =	swait.ge [sflag:s23], $0x4000  }
0x267: {  	[sflag:s23] =	ssyncset.done $0x0  }
0x268: {  	s24 =	simm.s32 $0x100D8;
	[sflag:s23] =	ssyncadd.s32 $0xFFFFC000  }
0x269: {  	s4 =	simm.s32 $0x102D8;
	s5 =	simm.s32 $0x184D8;
	_ =	strace $0x9000004C  }
0x26a: {  	s6 =	simm.s32 $0xFED8;
	s1 =	simm.s32 $0x0;
	_ =	strace $0x8000004D  }
.LBB2_4:
0x26b: {  	v1 =	vld [tilespmem:s24+$0xFFFFFF00]  }
0x26c: {  	v2 =	vld [tilespmem:s4+$0xFFFFFF00];
	_ =	sdelay $0x4  }
0x26d: {  	vm1 =	vgt.s32 v1, v2  }
0x26e: {  	v34 =	vmov s1;
	v35 =	vsel vm1, $0x20, v33  }
0x26f: {  	v34 =	vshll.u32 v34, $0x5;
	v36 =	vor.u32 $0x10, v35  }
0x270: {  	v34 =	vor.u32 v0, v34;
	v37 =	vmin.u32 v36, $0x20  }
0x271: {  	v37 =	vadd.s32 v37, v34  }
0x272: {  	v37 =	vadd.s32 $0xFFFFFFFF, v37;
	_ =	sdelay $0x3  }
0x273: {  	v38 =	vld [tilespmem:s6+$0xFFFFFF00]  }
0x274: {  	v37 =	vld.idx.msk [tilespmem:v37+s0+$0x0], $0xffff;
	_ =	sdelay $0x4  }
0x275: {  	vm1 =	vlt.u32 v36, $0x21;
	vm2 =	vlt.s32 v37, v38  }
0x276: {  	vm1 =	vmand vm2, vm1  }
0x277: {  	v35 =	vsel vm1, v36, v35  }
0x278: {  	v36 =	vor.u32 $0x8, v35  }
0x279: {  	v44 =	vmin.u32 v36, $0x20  }
0x27a: {  	v37 =	vadd.s32 $0xFFFFFFFF, v44  }
0x27b: {  	v39 =	vand.u32 $0xFFFFFFF8, v37  }
0x27c: {  	v37 =	vand.u32 $0x7, v37;
	v39 =	vadd.s32 v34, v39  }
0x27d: {  	v37 =	vor.u32 v37, v39;
	_ =	sdelay $0x4  }
0x27e: {  	v37 =	vld.idx.msk [tilespmem:v37+s0+$0x0], $0xffff;
	_ =	sdelay $0x4  }
0x27f: {  	vm1 =	vlt.u32 v36, $0x21;
	vm2 =	vlt.s32 v37, v38  }
0x280: {  	vm1 =	vmand vm2, vm1  }
0x281: {  	v35 =	vsel vm1, v36, v35  }
0x282: {  	v36 =	vor.u32 $0x4, v35  }
0x283: {  	v45 =	vmin.u32 v36, $0x20  }
0x284: {  	v37 =	vadd.s32 $0xFFFFFFFF, v45  }
0x285: {  	v46 =	vand.u32 $0xFFFFFFF8, v37  }
0x286: {  	v37 =	vand.u32 $0x7, v37;
	v39 =	vadd.s32 v34, v46  }
0x287: {  	v37 =	vor.u32 v37, v39;
	_ =	sdelay $0x4  }
0x288: {  	v37 =	vld.idx.msk [tilespmem:v37+s0+$0x0], $0xffff;
	_ =	sdelay $0x4  }
0x289: {  	vm1 =	vlt.u32 v36, $0x21;
	vm2 =	vlt.s32 v37, v38  }
0x28a: {  	vm1 =	vmand vm2, vm1  }
0x28b: {  	v35 =	vsel vm1, v36, v35  }
0x28c: {  	v36 =	vadd.s32 $0x2, v35  }
0x28d: {  	v47 =	vmin.u32 v36, $0x20  }
0x28e: {  	v37 =	vadd.s32 $0xFFFFFFFF, v47  }
0x28f: {  	v48 =	vand.u32 $0xFFFFFFF8, v37  }
0x290: {  	v37 =	vand.u32 $0x7, v37;
	v39 =	vadd.s32 v34, v48  }
0x291: {  	v37 =	vor.u32 v37, v39;
	_ =	sdelay $0x4  }
0x292: {  	v37 =	vld.idx.msk [tilespmem:v37+s0+$0x0], $0xffff;
	_ =	sdelay $0x4  }
0x293: {  	vm1 =	vlt.u32 v35, $0x1F;
	vm2 =	vlt.s32 v37, v38  }
0x294: {  	vm1 =	vmand vm2, vm1  }
0x295: {  	v35 =	vsel vm1, v36, v35  }
0x296: {  	v36 =	vadd.s32 $0x1, v35  }
0x297: {  	v49 =	vmin.u32 v36, $0x20  }
0x298: {  	v37 =	vadd.s32 $0xFFFFFFFF, v49  }
0x299: {  	v50 =	vand.u32 $0xFFFFFFF8, v37  }
0x29a: {  	v37 =	vand.u32 $0x7, v37;
	v39 =	vadd.s32 v34, v50  }
0x29b: {  	v37 =	vor.u32 v37, v39;
	_ =	sdelay $0x4  }
0x29c: {  	v37 =	vld.idx.msk [tilespmem:v37+s0+$0x0], $0xffff;
	_ =	sdelay $0x4  }
0x29d: {  	vm1 =	vlt.u32 v35, $0x20;
	vm2 =	vlt.s32 v37, v38  }
0x29e: {  	vm1 =	vmand vm2, vm1  }
0x29f: {  	v1 =	vshll.u32 v1, $0x5;
	v35 =	vsel vm1, v36, v35  }
0x2a0: {  	v1 =	vadd.s32 v1, v35  }
0x2a1: {  	vm1 =	vlt.s32 v1, $0xF423F  }
0x2a2: {  	v2 =	vshll.u32 v2, $0x5;
	v1 =	vnsel vm1, $0xF423F, v1  }
0x2a3: {  	v2 =	vsub.s32 v1, v2  }
0x2a4: {  	v2 =	vand.u32 $0xFFFFFFF8, v2  }
0x2a5: {  	v1 =	vand.u32 $0x7, v1;
	v2 =	vadd.s32 v34, v2  }
0x2a6: {  	v1 =	vor.u32 v1, v2;
	_ =	sdelay $0x4  }
0x2a7: {  	v1 =	vld.idx.msk [tilespmem:v1+s18+$0x0], $0xffff;
	_ =	sdelay $0x4  }
0x2a8: {  	[tilespmem:s5+$0xFFFFFF00] =	vst v1  }
0x2a9: {  	v1 =	vld [tilespmem:s24+$0x0]  }
0x2aa: {  	v2 =	vld [tilespmem:s4+$0x0];
	_ =	sdelay $0x4  }
0x2ab: {  	s7 =	sadd.s32 $0x100, s1;
	vm1 =	vgt.s32 v1, v2  }
0x2ac: {  	v51 =	vmov s7;
	v52 =	vsel vm1, $0x20, v33  }
0x2ad: {  	v34 =	vshll.u32 v51, $0x5;
	v53 =	vor.u32 $0x10, v52  }
0x2ae: {  	v34 =	vor.u32 v0, v34;
	v54 =	vmin.u32 v53, $0x20  }
0x2af: {  	v37 =	vadd.s32 v54, v34  }
0x2b0: {  	v37 =	vadd.s32 $0xFFFFFFFF, v37;
	_ =	sdelay $0x3  }
0x2b1: {  	v55 =	vld [tilespmem:s6+$0x0]  }
0x2b2: {  	v37 =	vld.idx.msk [tilespmem:v37+s0+$0x0], $0xffff;
	_ =	sdelay $0x4  }
0x2b3: {  	vm1 =	vlt.u32 v53, $0x21;
	vm2 =	vlt.s32 v37, v55  }
0x2b4: {  	vm1 =	vmand vm2, vm1  }
0x2b5: {  	v35 =	vsel vm1, v53, v52  }
0x2b6: {  	v36 =	vor.u32 $0x8, v35  }
0x2b7: {  	v56 =	vmin.u32 v36, $0x20  }
0x2b8: {  	v37 =	vadd.s32 $0xFFFFFFFF, v56  }
0x2b9: {  	v57 =	vand.u32 $0xFFFFFFF8, v37  }
0x2ba: {  	v37 =	vand.u32 $0x7, v37;
	v39 =	vadd.s32 v34, v57  }
0x2bb: {  	v37 =	vor.u32 v37, v39;
	_ =	sdelay $0x4  }
0x2bc: {  	v37 =	vld.idx.msk [tilespmem:v37+s0+$0x0], $0xffff;
	_ =	sdelay $0x4  }
0x2bd: {  	vm1 =	vlt.u32 v36, $0x21;
	vm2 =	vlt.s32 v37, v55  }
0x2be: {  	vm1 =	vmand vm2, vm1  }
0x2bf: {  	v35 =	vsel vm1, v36, v35  }
0x2c0: {  	v36 =	vor.u32 $0x4, v35  }
0x2c1: {  	v58 =	vmin.u32 v36, $0x20  }
0x2c2: {  	v37 =	vadd.s32 $0xFFFFFFFF, v58  }
0x2c3: {  	v59 =	vand.u32 $0xFFFFFFF8, v37  }
0x2c4: {  	v37 =	vand.u32 $0x7, v37;
	v39 =	vadd.s32 v34, v59  }
0x2c5: {  	v37 =	vor.u32 v37, v39;
	_ =	sdelay $0x4  }
0x2c6: {  	v37 =	vld.idx.msk [tilespmem:v37+s0+$0x0], $0xffff;
	_ =	sdelay $0x4  }
0x2c7: {  	vm1 =	vlt.u32 v36, $0x21;
	vm2 =	vlt.s32 v37, v55  }
0x2c8: {  	vm1 =	vmand vm2, vm1  }
0x2c9: {  	v35 =	vsel vm1, v36, v35  }
0x2ca: {  	v36 =	vadd.s32 $0x2, v35  }
0x2cb: {  	v60 =	vmin.u32 v36, $0x20  }
0x2cc: {  	v37 =	vadd.s32 $0xFFFFFFFF, v60  }
0x2cd: {  	v61 =	vand.u32 $0xFFFFFFF8, v37  }
0x2ce: {  	v37 =	vand.u32 $0x7, v37;
	v39 =	vadd.s32 v34, v61  }
0x2cf: {  	v37 =	vor.u32 v37, v39;
	_ =	sdelay $0x4  }
0x2d0: {  	v37 =	vld.idx.msk [tilespmem:v37+s0+$0x0], $0xffff;
	_ =	sdelay $0x4  }
0x2d1: {  	vm1 =	vlt.u32 v35, $0x1F;
	vm2 =	vlt.s32 v37, v55  }
0x2d2: {  	vm1 =	vmand vm2, vm1  }
0x2d3: {  	v35 =	vsel vm1, v36, v35  }
0x2d4: {  	v36 =	vadd.s32 $0x1, v35  }
0x2d5: {  	v62 =	vmin.u32 v36, $0x20  }
0x2d6: {  	v37 =	vadd.s32 $0xFFFFFFFF, v62  }
0x2d7: {  	v63 =	vand.u32 $0xFFFFFFF8, v37  }
0x2d8: {  	v37 =	vand.u32 $0x7, v37;
	v39 =	vadd.s32 v34, v63  }
0x2d9: {  	v37 =	vor.u32 v37, v39;
	_ =	sdelay $0x4  }
0x2da: {  	v37 =	vld.idx.msk [tilespmem:v37+s0+$0x0], $0xffff;
	_ =	sdelay $0x4  }
0x2db: {  	vm1 =	vlt.u32 v35, $0x20;
	vm2 =	vlt.s32 v37, v55  }
0x2dc: {  	vm1 =	vmand vm2, vm1  }
0x2dd: {  	v1 =	vshll.u32 v1, $0x5;
	v35 =	vsel vm1, v36, v35  }
0x2de: {  	v1 =	vadd.s32 v1, v35  }
0x2df: {  	vm1 =	vlt.s32 v1, $0xF423F  }
0x2e0: {  	v2 =	vshll.u32 v2, $0x5;
	v1 =	vnsel vm1, $0xF423F, v1  }
0x2e1: {  	v2 =	vsub.s32 v1, v2  }
0x2e2: {  	v2 =	vand.u32 $0xFFFFFFF8, v2  }
0x2e3: {  	v1 =	vand.u32 $0x7, v1;
	v2 =	vadd.s32 v34, v2  }
0x2e4: {  	v1 =	vor.u32 v1, v2;
	_ =	sdelay $0x4  }
0x2e5: {  	p1 =	sne.s32 s1, $0xF0;
	v1 =	vld.idx.msk [tilespmem:v1+s18+$0x0], $0xffff  }
.Ltmp1:
0x2e6: {  	_ = 	snop;
	(pc) =	sbr.rel @p1 .LBB2_4-.Ltmp1, $3  }
0x2e7: {  	_ =	sdelay $0x1  }
0x2e8: {  	s1 =	sadd.s32 $0x10, s1;
	s24 =	sadd.s32 $0x10, s24  }
0x2e9: {  	s4 =	sadd.s32 $0x10, s4;
	s6 =	sadd.s32 $0x10, s6;
	[tilespmem:s5+$0x0] =	vst v1;
	s5 =	sadd.s32 $0x10, s5  }
0x2ea: {  	s25 =	sadd.s32 $0x1, s25  }
0x2eb: {  	p1 =	sne.s32 s25, s17  }
.Ltmp2:
0x2ec: {  	_ =	strace $0x9000004D;
	s1 =	simm.s32 $0x183D8;
	(pc) =	sbr.rel @p1 .LBB2_1-.Ltmp2, $4  }
0x2ed: {  	[hbm4b:s16+s2] =	stream.linear.scatter [tilespmem:s1], [sflag:$0x6], $0x200, $0x38;
	[tilespmem:$0x18D80] =	vst v63  }
0x2ee: {  	_ =	swait.ge [sflag:s28], $0x200  }
0x2ef: {  	[sflag:s28] =	ssyncset.done $0x0  }
0x2f0: {  	[sflag:s28] =	ssyncadd.s32 $0xFFFFFE00  }
0x2f1: {  	_ =	sfence.sel $0x180000  }
0x2f2: {  	[bflag:$0x0] =	sbarrier.arrive $0xFFFF  }
0x2f3: {  	_ =	strace $0x90000047  }
0x2f4: {  	[bflag:$0x2] =	sbarrier.arrive $0xFFFF  }
0x2f5: {  	s0 =	rddreg [dreg:$0x4]  }
0x2f6: {  	s0 =	sadd.s32 @!p0 $0x100000, s0  }
0x2f7: {  	[sflag:s0] =	ssyncadd.tile.s32 @!p0 $0x1;
	_ =	shalt  }
.Lfunc_end2:
_tile_overlayer_lowered:
.L_overlay_start_2:
0x2f8: {  	(tag) =	ssettag $0x2  }
0x2f9: {  	s0 =	rddreg [dreg:$0x0];
	s2 =	stileid.u32  }
0x2fa: {  	s1 =	rddreg [dreg:$0x1];
	p0 =	sne.s32 s2, $0x0  }
0x2fb: {  	s3 =	rddreg [dreg:$0x2];
	[bflag:$0x3] =	sbarrier.arrive $0xFFFF;
	s2 =	simm.s32 @!p0 $0x1C06  }
0x2fc: {  	[timem:s3], [sflag:s2] =	dma.local @!p0 [hbm:s0], s1  }
0x2fd: {  	s0 =	simm.s32 @!p0 $0x6  }
0x2fe: {  	_ =	swait.ge @!p0 [sflag:s0], s1  }
0x2ff: {  	s1 =	ssub.s32 @!p0 $0x0, s1;
	[sflag:s0] =	ssyncset.done @!p0 $0x0  }
0x300: {  	[sflag:s0] =	ssyncadd.s32 @!p0 s1  }
0x301: {  	[bflag:$0x3] =	sbarrier.arrive $0xFFFF  }
0x302: {  	_ =	shalt  }

</sc_bundles>
